<compile_context>
chip_gen: v7x
topology: tpu7x:2x2x1
jax: 0.10.2.dev20260603
libtpu: 0.0.44.dev20260713+nightly
codegen_flags: <defaults>
</compile_context>

<pallas_src>
import functools

import jax
import jax.numpy as jnp
from jax import lax
from jax.experimental import pallas as pl
from jax.experimental.pallas import tpu as pltpu
from jax.experimental.pallas import tpu_sc as plsc

N = 10000
E = 320000
D = 128
DH = 64
DO = 64
NC = 2
NS = 16
NW = NC * NS
K = 80
EPT = E // NS
EPW = E // NW
NP = 10240
RB = NP // NS
L = 16

_mesh = plsc.VectorSubcoreMesh(
    core_axis_name="c", subcore_axis_name="s", num_cores=NC, num_subcores=NS
)

def _z16():
    return jnp.zeros((L,), jnp.float32)


@functools.partial(
    pl.kernel,
    out_type=jax.ShapeDtypeStruct((NC, NP), jnp.float32),
    mesh=_mesh,
    scratch_types=[
        pltpu.VMEM((K,), jnp.int32),
        pltpu.VMEM((K,), jnp.int32),
        pltpu.VMEM((K,), jnp.int32),
        pltpu.VMEM((K,), jnp.int32),
        pltpu.VMEM((K,), jnp.float32),
        pltpu.VMEM((RB,), jnp.float32),
        pltpu.VMEM_SHARED((NP,), jnp.float32),
        pltpu.SemaphoreType.DMA,
        pltpu.SemaphoreType.DMA,
        pltpu.SemaphoreType.DMA,
        pltpu.SemaphoreType.DMA,
    ],
    compiler_params=pltpu.CompilerParams(use_tc_tiling_on_sc=False),
)
def _sc_degree(
    ei_hbm, out_hbm,
    dst0, dst1, sx0, sx1, ones_v, rb_v, deg_sh, li0, li1, ls0, ls1,
):
    cid = lax.axis_index("c")
    sid = lax.axis_index("s")
    wid = sid * NC + cid
    zb = pl.multiple_of(sid * RB, 8)
    dsti = (dst0, dst1)
    sidx = (sx0, sx1)
    isem = (li0, li1)
    ssem = (ls0, ls1)

    for i in range(K // L):
        ones_v[pl.ds(L * i, L)] = jnp.full((L,), 1.0, jnp.float32)
    for i in range(RB // L):
        rb_v[pl.ds(L * i, L)] = _z16()

    pltpu.sync_copy(rb_v, deg_sh.at[pl.ds(zb, RB)])
    plsc.subcore_barrier()

    ebase = pl.multiple_of(wid * EPW, 8)
    NCH = EPW // K
    NPAIR = (NCH - 1) // 2

    def coff(c):
        return pl.multiple_of(ebase + c * K, 8)

    for b in range(2):
        pltpu.async_copy(ei_hbm.at[1, pl.ds(coff(b), K)], dsti[b], isem[b])

    def body(i2, carry):
        for b in range(2):
            c = i2 * 2 + b
            pltpu.make_async_copy(
                ei_hbm.at[1, pl.ds(coff(c), K)], dsti[b], isem[b]
            ).wait()

            @pl.when(i2 > 0)
            def _():
                pltpu.make_async_copy(
                    ones_v, deg_sh.at[sidx[b]], ssem[b]
                ).wait()

            for j in range(K // L):
                sl = pl.ds(j * L, L)
                sidx[b][sl] = dsti[b][sl]

            if b == 0:
                pltpu.async_copy(
                    ei_hbm.at[1, pl.ds(coff(c + 2), K)], dsti[b], isem[b]
                )
            else:
                @pl.when(i2 < NPAIR - 1)
                def _():
                    pltpu.async_copy(
                        ei_hbm.at[1, pl.ds(coff(c + 2), K)], dsti[b], isem[b]
                    )
            pltpu.async_copy(ones_v, deg_sh.at[sidx[b]], ssem[b], add=True)
        return carry

    lax.fori_loop(0, NPAIR, body, 0)
    pltpu.make_async_copy(
        ei_hbm.at[1, pl.ds(coff(NCH - 1), K)], dsti[0], isem[0]
    ).wait()
    pltpu.make_async_copy(ones_v, deg_sh.at[sidx[0]], ssem[0]).wait()
    for j in range(K // L):
        sl = pl.ds(j * L, L)
        sx0[sl] = dst0[sl]
    pltpu.async_copy(ones_v, deg_sh.at[sidx[0]], ssem[0], add=True)
    pltpu.make_async_copy(ones_v, deg_sh.at[sidx[0]], ssem[0]).wait()
    pltpu.make_async_copy(ones_v, deg_sh.at[sidx[1]], ssem[1]).wait()
    plsc.subcore_barrier()

    pltpu.sync_copy(deg_sh.at[pl.ds(zb, RB)], rb_v)
    pltpu.sync_copy(rb_v, out_hbm.at[cid, pl.ds(zb, RB)])


@functools.partial(
    pl.kernel,
    out_type=(
        jax.ShapeDtypeStruct((NC, NP, DH), jnp.float32),
        jax.ShapeDtypeStruct((NC, NP), jnp.float32),
    ),
    mesh=_mesh,
    scratch_types=(
        [pltpu.VMEM((K,), jnp.int32)] * 2
        + [pltpu.VMEM((K,), jnp.int32)] * 2
        + [pltpu.VMEM((K,), jnp.int32)] * 2
        + [pltpu.VMEM((K,), jnp.int32)] * 2
        + [pltpu.VMEM((K,), jnp.int32)] * 2
        + [pltpu.VMEM((K, DH), jnp.float32)] * 2
        + [pltpu.VMEM((K,), jnp.float32)] * 2
        + [
            pltpu.VMEM((RB, DH), jnp.float32),
            pltpu.VMEM((RB,), jnp.float32),
            pltpu.VMEM_SHARED((NP, DH), jnp.float32),
            pltpu.VMEM_SHARED((NP,), jnp.float32),
        ]
        + [pltpu.SemaphoreType.DMA] * 12
    ),
    compiler_params=pltpu.CompilerParams(use_tc_tiling_on_sc=False),
)
def _sc_edges(
    ei_hbm, sflat_hbm, dis_hbm,
    acc_out, csum_out,
    sr0, sr1, dsl0, dsl1, gx0, gx1, sd0, sd1, cs0, cs1, rw0, rw1, dv0, dv1,
    rbr_v, rbv_v, acc_sh, csum_sh,
    lis0, lis1, lid0, lid1, lg0, lg1, ld0, ld1, lr0, lr1, lc0, lc1,
):
    cid = lax.axis_index("c")
    sid = lax.axis_index("s")
    zb = pl.multiple_of(sid * RB, 8)
    goff = cid * NP

    srci = (sr0, sr1)
    dsti = (dsl0, dsl1)
    gidx = (gx0, gx1)
    sdst = (sd0, sd1)
    csrc = (cs0, cs1)
    rows = (rw0, rw1)
    disv = (dv0, dv1)
    isems = (lis0, lis1)
    isemd = (lid0, lid1)
    gsem = (lg0, lg1)
    dsem = (ld0, ld1)
    ssem = (lr0, lr1)
    csem = (lc0, lc1)

    def zfill(r, carry):
        for j in range(DH // L):
            rbr_v[r, pl.ds(j * L, L)] = _z16()
        return carry

    lax.fori_loop(0, RB, zfill, 0)
    for i in range(RB // L):
        rbv_v[pl.ds(L * i, L)] = _z16()
    pltpu.sync_copy(rbr_v, acc_sh.at[pl.ds(zb, RB)])
    pltpu.sync_copy(rbv_v, csum_sh.at[pl.ds(zb, RB)])
    plsc.subcore_barrier()

    rbase = pl.multiple_of(sid * EPT, 8)
    NCH = EPT // K
    NPAIR = NCH // 2

    def coff(c):
        return pl.multiple_of(rbase + c * K, 8)

    for b in range(2):
        pltpu.async_copy(ei_hbm.at[0, pl.ds(coff(b), K)], srci[b], isems[b])
        pltpu.async_copy(ei_hbm.at[1, pl.ds(coff(b), K)], dsti[b], isemd[b])

    def body(i2, carry):
        for b in range(2):
            c = i2 * 2 + b
            pltpu.make_async_copy(
                ei_hbm.at[0, pl.ds(coff(c), K)], srci[b], isems[b]
            ).wait()
            pltpu.make_async_copy(
                ei_hbm.at[1, pl.ds(coff(c), K)], dsti[b], isemd[b]
            ).wait()

            @pl.when(i2 > 0)
            def _():
                pltpu.make_async_copy(
                    rows[b], acc_sh.at[sdst[b]], ssem[b]
                ).wait()
                pltpu.make_async_copy(
                    disv[b], csum_sh.at[csrc[b]], csem[b]
                ).wait()

            for j in range(K // L):
                sl = pl.ds(j * L, L)
                sv = srci[b][sl]
                gidx[b][sl] = sv + goff
                csrc[b][sl] = sv
                sdst[b][sl] = dsti[b][sl]

            @pl.when(i2 < NPAIR - 1)
            def _():
                pltpu.async_copy(
                    ei_hbm.at[0, pl.ds(coff(c + 2), K)], srci[b], isems[b]
                )
                pltpu.async_copy(
                    ei_hbm.at[1, pl.ds(coff(c + 2), K)], dsti[b], isemd[b]
                )

            pltpu.async_copy(sflat_hbm.at[gidx[b]], rows[b], gsem[b])
            pltpu.async_copy(dis_hbm.at[sdst[b]], disv[b], dsem[b])

        for b in range(2):
            pltpu.make_async_copy(sflat_hbm.at[gidx[b]], rows[b], gsem[b]).wait()
            pltpu.async_copy(rows[b], acc_sh.at[sdst[b]], ssem[b], add=True)
            pltpu.make_async_copy(dis_hbm.at[sdst[b]], disv[b], dsem[b]).wait()
            pltpu.async_copy(disv[b], csum_sh.at[csrc[b]], csem[b], add=True)
        return carry

    lax.fori_loop(0, NPAIR, body, 0)
    for b in range(2):
        pltpu.make_async_copy(rows[b], acc_sh.at[sdst[b]], ssem[b]).wait()
        pltpu.make_async_copy(disv[b], csum_sh.at[csrc[b]], csem[b]).wait()
    plsc.subcore_barrier()

    pltpu.sync_copy(acc_sh.at[pl.ds(zb, RB)], rbr_v)
    pltpu.sync_copy(rbr_v, acc_out.at[cid, pl.ds(zb, RB)])
    pltpu.sync_copy(csum_sh.at[pl.ds(zb, RB)], rbv_v)
    pltpu.sync_copy(rbv_v, csum_out.at[cid, pl.ds(zb, RB)])


@functools.partial(
    pl.kernel,
    out_type=jax.ShapeDtypeStruct((NC, NS, DH), jnp.float32),
    mesh=_mesh,
    scratch_types=[
        pltpu.VMEM((RB, DH), jnp.float32),
        pltpu.VMEM((RB, DH), jnp.float32),
        pltpu.VMEM((RB,), jnp.float32),
        pltpu.VMEM((RB,), jnp.float32),
        pltpu.VMEM((DH,), jnp.float32),
        pltpu.VMEM((DH,), jnp.float32),
        pltpu.SemaphoreType.DMA,
        pltpu.SemaphoreType.DMA,
        pltpu.SemaphoreType.DMA,
        pltpu.SemaphoreType.DMA,
    ],
    compiler_params=pltpu.CompilerParams(use_tc_tiling_on_sc=False),
)
def _sc_reduce(
    acc_hbm, csum_hbm, sflat_hbm, dis_hbm, b1_hbm,
    gp_out,
    av_v, sv_v, cv_v, dv_v, b1h_v, gv_v, la, lb, lc, ld,
):
    cid = lax.axis_index("c")
    sid = lax.axis_index("s")
    zb = pl.multiple_of(sid * RB, 8)
    spos = pl.multiple_of(cid * NP + zb, 8)
    bpos = pl.multiple_of(cid * DH, 8)

    pltpu.async_copy(acc_hbm.at[cid, pl.ds(zb, RB)], av_v, la)
    pltpu.async_copy(sflat_hbm.at[pl.ds(spos, RB)], sv_v, lb)
    pltpu.async_copy(csum_hbm.at[cid, pl.ds(zb, RB)], cv_v, lc)
    pltpu.async_copy(dis_hbm.at[pl.ds(zb, RB)], dv_v, ld)
    pltpu.sync_copy(b1_hbm.at[pl.ds(bpos, DH)], b1h_v)
    pltpu.make_async_copy(acc_hbm.at[cid, pl.ds(zb, RB)], av_v, la).wait()
    pltpu.make_async_copy(sflat_hbm.at[pl.ds(spos, RB)], sv_v, lb).wait()
    pltpu.make_async_copy(csum_hbm.at[cid, pl.ds(zb, RB)], cv_v, lc).wait()
    pltpu.make_async_copy(dis_hbm.at[pl.ds(zb, RB)], dv_v, ld).wait()

    limit = jnp.where(sid == NS - 1, RB - (NP - N), RB)

    def _splat(vec, lane):
        return lax.gather(
            vec,
            jnp.full((L, 1), lane, jnp.int32),
            lax.GatherDimensionNumbers(
                offset_dims=(),
                collapsed_slice_dims=(0,),
                start_index_map=(0,),
            ),
            (1,),
            mode=lax.GatherScatterMode.PROMISE_IN_BOUNDS,
        )

    def red_body(gi, g):
        base = gi * L
        dis16 = dv_v[pl.ds(base, L)]
        cs16 = cv_v[pl.ds(base, L)]
        rowid = lax.iota(jnp.int32, L) + jnp.full((L,), base, jnp.int32)
        mask = jnp.where(
            rowid < jnp.full((L,), limit, jnp.int32),
            jnp.full((L,), 1.0, jnp.float32),
            _z16(),
        )
        c16 = dis16 * (dis16 + cs16) * mask
        out = list(g)
        for rr in range(L):
            dsp = _splat(dis16, rr)
            csp = _splat(c16, rr)
            r = base + rr
            for j in range(DH // L):
                sl = pl.ds(j * L, L)
                hv = jnp.maximum(
                    dsp * (av_v[r, sl] + sv_v[r, sl]) + b1h_v[sl], 0.0
                )
                out[j] = out[j] + csp * hv
        return tuple(out)

    g = lax.fori_loop(
        0, RB // L, red_body, tuple(_z16() for _ in range(DH // L))
    )
    for j in range(DH // L):
        gv_v[pl.ds(j * L, L)] = g[j]
    pltpu.sync_copy(gv_v, gp_out.at[cid, sid])


BLK = 1000


def _tc_scale_body(x_ref, w_ref, d0_ref, d1_ref, sp_ref, dis_ref):
    xw = jnp.dot(x_ref[...], w_ref[...], preferred_element_type=jnp.float32)
    deg = d0_ref[0] + d1_ref[0] + 1.0
    dis = lax.rsqrt(deg)
    s = xw * dis
    sp_ref[0] = s[:, :DH]
    sp_ref[1] = s[:, DH:]
    dis_ref[...] = dis


def _tc_scale(x, W1, degp):
    degp3 = degp.reshape(NC, NP, 1)
    return pl.pallas_call(
        _tc_scale_body,
        grid=(N // BLK,),
        in_specs=[
            pl.BlockSpec((BLK, D), lambda i: (i, 0)),
            pl.BlockSpec((D, D), lambda i: (0, 0)),
            pl.BlockSpec((1, BLK, 1), lambda i: (0, i, 0)),
            pl.BlockSpec((1, BLK, 1), lambda i: (1, i, 0)),
        ],
        out_specs=[
            pl.BlockSpec((NC, BLK, DH), lambda i: (0, i, 0)),
            pl.BlockSpec((BLK, 1), lambda i: (i, 0)),
        ],
        out_shape=[
            jax.ShapeDtypeStruct((NC, NP, DH), jnp.float32),
            jax.ShapeDtypeStruct((NP, 1), jnp.float32),
        ],
        compiler_params=pltpu.CompilerParams(
            dimension_semantics=("arbitrary",),
        ),
    )(x, W1, degp3, degp3)


def _tc_final_body(gp_ref, wmu_ref, bmu_ref, wlv_ref, blv_ref, mu_ref, lv_ref):
    g = jnp.concatenate(
        [
            jnp.sum(gp_ref[0], axis=0, keepdims=True),
            jnp.sum(gp_ref[1], axis=0, keepdims=True),
        ],
        axis=1,
    )
    fn = jnp.float32(N)
    mu_ref[...] = (
        jnp.dot(g, wmu_ref[...], preferred_element_type=jnp.float32)
        + fn * bmu_ref[...]
    )
    lv_ref[...] = (
        jnp.dot(g, wlv_ref[...], preferred_element_type=jnp.float32)
        + fn * blv_ref[...]
    )


def _tc_final(gp, W_mu, b_mu, W_lv, b_lv):
    return pl.pallas_call(
        _tc_final_body,
        out_shape=[
            jax.ShapeDtypeStruct((1, DO), jnp.float32),
            jax.ShapeDtypeStruct((1, DO), jnp.float32),
        ],
    )(gp, W_mu, b_mu.reshape(1, DO), W_lv, b_lv.reshape(1, DO))


def kernel(x, edge_index, W1, b1, W_mu, b_mu, W_lv, b_lv):
    ei = edge_index.astype(jnp.int32)
    degp = _sc_degree(ei)
    s_pair, dis = _tc_scale(x, W1, degp)
    sflat = s_pair.reshape(NC * NP, DH)
    disf = dis.reshape(NP)
    accp, csump = _sc_edges(ei, sflat, disf)
    gp = _sc_reduce(accp, csump, sflat, disf, b1)
    mu, lv = _tc_final(gp, W_mu, b_mu, W_lv, b_lv)
    return (mu, lv)

# --- scband reference (transcript-rebuilt; emitter-appended) ---
"""Pipeline reference for scband-gcnencoder-85538568667513 (READ-ONLY COPY).

The authoritative reference and input builder live on the scoring server;
editing this copy changes nothing except your own understanding.
"""

import jax, jax.numpy as jnp
import numpy as np

N_NODES = 10000
N_EDGES = 320000
D_IN = 128
D_HID = 128
D_OUT = 64


def gcn_conv(x, edge_index, W, b):
    # Faithful to PyG GCNConv with normalize=True, add_self_loops=True,
    # edge_weight = ones, flow='source_to_target'.
    n = x.shape[0]
    src = edge_index[0]
    dst = edge_index[1]
    ew = jnp.ones(src.shape[0], dtype=x.dtype)
    loop = jnp.arange(n, dtype=edge_index.dtype)
    row = jnp.concatenate([src, loop])
    col = jnp.concatenate([dst, loop])
    w = jnp.concatenate([ew, jnp.ones(n, dtype=x.dtype)])
    deg = jax.ops.segment_sum(w, col, num_segments=n)
    deg_inv_sqrt = jnp.where(deg > 0, deg ** -0.5, 0.0)
    norm = deg_inv_sqrt[row] * w * deg_inv_sqrt[col]
    h = x @ W
    msg = h[row] * norm[:, None]
    out = jax.ops.segment_sum(msg, col, num_segments=n)
    return out + b


def setup_inputs(seed: int = 0) -> dict:
    key = jax.random.key(seed)
    ks = jax.random.split(key, 8)
    x = jax.random.normal(ks[0], (N_NODES, D_IN), dtype=jnp.float32)
    edge_index = jax.random.randint(ks[1], (2, N_EDGES), 0, N_NODES, dtype=jnp.int64)
    s1 = 1.0 / np.sqrt(D_IN)
    s2 = 1.0 / np.sqrt(D_HID)
    W1 = jax.random.uniform(ks[2], (D_IN, D_HID), jnp.float32, -s1, s1)
    b1 = jnp.zeros((D_HID,), jnp.float32)
    W_mu = jax.random.uniform(ks[3], (D_HID, D_OUT), jnp.float32, -s2, s2)
    b_mu = jnp.zeros((D_OUT,), jnp.float32)
    W_lv = jax.random.uniform(ks[4], (D_HID, D_OUT), jnp.float32, -s2, s2)
    b_lv = jnp.zeros((D_OUT,), jnp.float32)
    return {"x": x, "edge_index": edge_index, "W1": W1, "b1": b1,
            "W_mu": W_mu, "b_mu": b_mu, "W_lv": W_lv, "b_lv": b_lv}


def reference(x, edge_index, W1, b1, W_mu, b_mu, W_lv, b_lv):
    h = jax.nn.relu(gcn_conv(x, edge_index, W1, b1))
    mu_nodes = gcn_conv(h, edge_index, W_mu, b_mu)
    lv_nodes = gcn_conv(h, edge_index, W_lv, b_lv)
    # SumAggregation with no index: reduce over node dim -> [1, D_OUT]
    mu = jnp.sum(mu_nodes, axis=0, keepdims=True)
    logvar = jnp.sum(lv_nodes, axis=0, keepdims=True)
    return (mu, logvar)

if __name__ == "__main__":
    import jax
    _d = setup_inputs()
    print(jax.jit(kernel)(*tuple(_d.values())))

</pallas_src>

<mosaic_0001>
#map = affine_map<(d0, d1) -> (0, 0)>
#map1 = affine_map<(d0, d1) -> (0)>
#map2 = affine_map<(d0, d1) -> (0, 0, 0)>
module attributes {stable_mosaic.version = 14 : i64} {
  func.func @_sc_edges(%arg0: i32, %arg1: i32, %arg2: memref<2x320000xi32, #tpu.memory_space<hbm>>, %arg3: memref<20480x64xf32, #tpu.memory_space<hbm>>, %arg4: memref<10240xf32, #tpu.memory_space<hbm>>, %arg5: memref<2x10240x64xf32, #tpu.memory_space<hbm>>, %arg6: memref<2x10240xf32, #tpu.memory_space<hbm>>, %arg7: memref<80xi32, #tpu.memory_space<vmem>>, %arg8: memref<80xi32, #tpu.memory_space<vmem>>, %arg9: memref<80xi32, #tpu.memory_space<vmem>>, %arg10: memref<80xi32, #tpu.memory_space<vmem>>, %arg11: memref<80xi32, #tpu.memory_space<vmem>>, %arg12: memref<80xi32, #tpu.memory_space<vmem>>, %arg13: memref<80xi32, #tpu.memory_space<vmem>>, %arg14: memref<80xi32, #tpu.memory_space<vmem>>, %arg15: memref<80xi32, #tpu.memory_space<vmem>>, %arg16: memref<80xi32, #tpu.memory_space<vmem>>, %arg17: memref<80x64xf32, #tpu.memory_space<vmem>>, %arg18: memref<80x64xf32, #tpu.memory_space<vmem>>, %arg19: memref<80xf32, #tpu.memory_space<vmem>>, %arg20: memref<80xf32, #tpu.memory_space<vmem>>, %arg21: memref<640x64xf32, #tpu.memory_space<vmem>>, %arg22: memref<640xf32, #tpu.memory_space<vmem>>, %arg23: memref<10240x64xf32, #tpu.memory_space<vmem_shared>>, %arg24: memref<10240xf32, #tpu.memory_space<vmem_shared>>, %arg25: memref<!tpu.dma_semaphore, #tpu.memory_space<semaphore_mem>>, %arg26: memref<!tpu.dma_semaphore, #tpu.memory_space<semaphore_mem>>, %arg27: memref<!tpu.dma_semaphore, #tpu.memory_space<semaphore_mem>>, %arg28: memref<!tpu.dma_semaphore, #tpu.memory_space<semaphore_mem>>, %arg29: memref<!tpu.dma_semaphore, #tpu.memory_space<semaphore_mem>>, %arg30: memref<!tpu.dma_semaphore, #tpu.memory_space<semaphore_mem>>, %arg31: memref<!tpu.dma_semaphore, #tpu.memory_space<semaphore_mem>>, %arg32: memref<!tpu.dma_semaphore, #tpu.memory_space<semaphore_mem>>, %arg33: memref<!tpu.dma_semaphore, #tpu.memory_space<semaphore_mem>>, %arg34: memref<!tpu.dma_semaphore, #tpu.memory_space<semaphore_mem>>, %arg35: memref<!tpu.dma_semaphore, #tpu.memory_space<semaphore_mem>>, %arg36: memref<!tpu.dma_semaphore, #tpu.memory_space<semaphore_mem>>) attributes {dimension_semantics = [#tpu.dimension_semantics<core_parallel>, #tpu.dimension_semantics<subcore_parallel>], iteration_bounds = array<i64: 2, 16>, scalar_prefetch = 0 : i64, scratch_operands = 30 : i64, tpu.core_type = #tpu.core_type<sc_vector_subcore>, window_params = [{transform_indices = #map}, {transform_indices = #map}, {transform_indices = #map1}, {transform_indices = #map2}, {transform_indices = #map}]} {
    %mul3A = arith.constant 640 : i32
    %mul3A_0 = arith.muli %arg1, %mul3A : i32
    %multiple_of3A = tpu.assume_multiple %mul3A_0, 8 : i32
    %mul3A_1 = arith.constant 10240 : i32
    %mul3A_2 = arith.muli %arg0, %mul3A_1 : i32
    %scan3A = arith.constant 0 : i32
    %scan3A_3 = arith.constant 0 : i32
    %scan3A_4 = arith.constant 640 : i32
    %scan3A_5 = arith.addi %scan3A_3, %scan3A_4 : i32
    %scan3A_6 = arith.constant 1 : i32
    scf.for %scan3A_295 = %scan3A_3 to %scan3A_5 step %scan3A_6  : i32 {
      %broadcast_in_dim3A_296 = arith.constant 0.000000e+00 : f32
      %broadcast_in_dim3A_297 = vector.broadcast %broadcast_in_dim3A_296 : f32 to vector<16xf32>
      %swap3A_298 = arith.index_cast %scan3A_295 : i32 to index
      %swap3A_299 = arith.constant 0 : index
      %swap3A_300 = tpu.vector_load %arg21[%swap3A_298, %swap3A_299] {strides = array<i32>} : memref<640x64xf32, #tpu.memory_space<vmem>>, vector<1x16xf32>,
      %swap3A_301 = vector.shape_cast %swap3A_300 : vector<1x16xf32> to vector<16xf32>
      %swap3A_302 = vector.shape_cast %broadcast_in_dim3A_297 : vector<16xf32> to vector<1x16xf32>
      tpu.vector_store %arg21[%swap3A_298, %swap3A_299], %swap3A_302 {strides = array<i32>} : memref<640x64xf32, #tpu.memory_space<vmem>>, vector<1x16xf32>,
      %broadcast_in_dim3A_303 = arith.constant 0.000000e+00 : f32
      %broadcast_in_dim3A_304 = vector.broadcast %broadcast_in_dim3A_303 : f32 to vector<16xf32>
      %swap3A_305 = arith.index_cast %scan3A_295 : i32 to index
      %swap3A_306 = arith.constant 16 : index
      %swap3A_307 = tpu.vector_load %arg21[%swap3A_305, %swap3A_306] {strides = array<i32>} : memref<640x64xf32, #tpu.memory_space<vmem>>, vector<1x16xf32>,
      %swap3A_308 = vector.shape_cast %swap3A_307 : vector<1x16xf32> to vector<16xf32>
      %swap3A_309 = vector.shape_cast %broadcast_in_dim3A_304 : vector<16xf32> to vector<1x16xf32>
      tpu.vector_store %arg21[%swap3A_305, %swap3A_306], %swap3A_309 {strides = array<i32>} : memref<640x64xf32, #tpu.memory_space<vmem>>, vector<1x16xf32>,
      %broadcast_in_dim3A_310 = arith.constant 0.000000e+00 : f32
      %broadcast_in_dim3A_311 = vector.broadcast %broadcast_in_dim3A_310 : f32 to vector<16xf32>
      %swap3A_312 = arith.index_cast %scan3A_295 : i32 to index
      %swap3A_313 = arith.constant 32 : index
      %swap3A_314 = tpu.vector_load %arg21[%swap3A_312, %swap3A_313] {strides = array<i32>} : memref<640x64xf32, #tpu.memory_space<vmem>>, vector<1x16xf32>,
      %swap3A_315 = vector.shape_cast %swap3A_314 : vector<1x16xf32> to vector<16xf32>
      %swap3A_316 = vector.shape_cast %broadcast_in_dim3A_311 : vector<16xf32> to vector<1x16xf32>
      tpu.vector_store %arg21[%swap3A_312, %swap3A_313], %swap3A_316 {strides = array<i32>} : memref<640x64xf32, #tpu.memory_space<vmem>>, vector<1x16xf32>,
      %broadcast_in_dim3A_317 = arith.constant 0.000000e+00 : f32
      %broadcast_in_dim3A_318 = vector.broadcast %broadcast_in_dim3A_317 : f32 to vector<16xf32>
      %swap3A_319 = arith.index_cast %scan3A_295 : i32 to index
      %swap3A_320 = arith.constant 48 : index
      %swap3A_321 = tpu.vector_load %arg21[%swap3A_319, %swap3A_320] {strides = array<i32>} : memref<640x64xf32, #tpu.memory_space<vmem>>, vector<1x16xf32>,
      %swap3A_322 = vector.shape_cast %swap3A_321 : vector<1x16xf32> to vector<16xf32>
      %swap3A_323 = vector.shape_cast %broadcast_in_dim3A_318 : vector<16xf32> to vector<1x16xf32>
      tpu.vector_store %arg21[%swap3A_319, %swap3A_320], %swap3A_323 {strides = array<i32>} : memref<640x64xf32, #tpu.memory_space<vmem>>, vector<1x16xf32>,
    }
    %scan3A_7 = arith.constant 640 : i32
    %broadcast_in_dim3A = arith.constant 0.000000e+00 : f32
    %broadcast_in_dim3A_8 = vector.broadcast %broadcast_in_dim3A : f32 to vector<16xf32>
    %swap3A = arith.constant 0 : index
    %swap3A_9 = tpu.vector_load %arg22[%swap3A] {strides = array<i32>} : memref<640xf32, #tpu.memory_space<vmem>>, vector<16xf32>,
    %swap3A_10 = vector.shape_cast %swap3A_9 : vector<16xf32> to vector<16xf32>
    %swap3A_11 = vector.shape_cast %broadcast_in_dim3A_8 : vector<16xf32> to vector<16xf32>
    tpu.vector_store %arg22[%swap3A], %swap3A_11 {strides = array<i32>} : memref<640xf32, #tpu.memory_space<vmem>>, vector<16xf32>,
    %broadcast_in_dim3A_12 = arith.constant 0.000000e+00 : f32
    %broadcast_in_dim3A_13 = vector.broadcast %broadcast_in_dim3A_12 : f32 to vector<16xf32>
    %swap3A_14 = arith.constant 16 : index
    %swap3A_15 = tpu.vector_load %arg22[%swap3A_14] {strides = array<i32>} : memref<640xf32, #tpu.memory_space<vmem>>, vector<16xf32>,
    %swap3A_16 = vector.shape_cast %swap3A_15 : vector<16xf32> to vector<16xf32>
    %swap3A_17 = vector.shape_cast %broadcast_in_dim3A_13 : vector<16xf32> to vector<16xf32>
    tpu.vector_store %arg22[%swap3A_14], %swap3A_17 {strides = array<i32>} : memref<640xf32, #tpu.memory_space<vmem>>, vector<16xf32>,
    %broadcast_in_dim3A_18 = arith.constant 0.000000e+00 : f32
    %broadcast_in_dim3A_19 = vector.broadcast %broadcast_in_dim3A_18 : f32 to vector<16xf32>
    %swap3A_20 = arith.constant 32 : index
    %swap3A_21 = tpu.vector_load %arg22[%swap3A_20] {strides = array<i32>} : memref<640xf32, #tpu.memory_space<vmem>>, vector<16xf32>,
    %swap3A_22 = vector.shape_cast %swap3A_21 : vector<16xf32> to vector<16xf32>
    %swap3A_23 = vector.shape_cast %broadcast_in_dim3A_19 : vector<16xf32> to vector<16xf32>
    tpu.vector_store %arg22[%swap3A_20], %swap3A_23 {strides = array<i32>} : memref<640xf32, #tpu.memory_space<vmem>>, vector<16xf32>,
    %broadcast_in_dim3A_24 = arith.constant 0.000000e+00 : f32
    %broadcast_in_dim3A_25 = vector.broadcast %broadcast_in_dim3A_24 : f32 to vector<16xf32>
    %swap3A_26 = arith.constant 48 : index
    %swap3A_27 = tpu.vector_load %arg22[%swap3A_26] {strides = array<i32>} : memref<640xf32, #tpu.memory_space<vmem>>, vector<16xf32>,
    %swap3A_28 = vector.shape_cast %swap3A_27 : vector<16xf32> to vector<16xf32>
    %swap3A_29 = vector.shape_cast %broadcast_in_dim3A_25 : vector<16xf32> to vector<16xf32>
    tpu.vector_store %arg22[%swap3A_26], %swap3A_29 {strides = array<i32>} : memref<640xf32, #tpu.memory_space<vmem>>, vector<16xf32>,
    %broadcast_in_dim3A_30 = arith.constant 0.000000e+00 : f32
    %broadcast_in_dim3A_31 = vector.broadcast %broadcast_in_dim3A_30 : f32 to vector<16xf32>
    %swap3A_32 = arith.constant 64 : index
    %swap3A_33 = tpu.vector_load %arg22[%swap3A_32] {strides = array<i32>} : memref<640xf32, #tpu.memory_space<vmem>>, vector<16xf32>,
    %swap3A_34 = vector.shape_cast %swap3A_33 : vector<16xf32> to vector<16xf32>
    %swap3A_35 = vector.shape_cast %broadcast_in_dim3A_31 : vector<16xf32> to vector<16xf32>
    tpu.vector_store %arg22[%swap3A_32], %swap3A_35 {strides = array<i32>} : memref<640xf32, #tpu.memory_space<vmem>>, vector<16xf32>,
    %broadcast_in_dim3A_36 = arith.constant 0.000000e+00 : f32
    %broadcast_in_dim3A_37 = vector.broadcast %broadcast_in_dim3A_36 : f32 to vector<16xf32>
    %swap3A_38 = arith.constant 80 : index
    %swap3A_39 = tpu.vector_load %arg22[%swap3A_38] {strides = array<i32>} : memref<640xf32, #tpu.memory_space<vmem>>, vector<16xf32>,
    %swap3A_40 = vector.shape_cast %swap3A_39 : vector<16xf32> to vector<16xf32>
    %swap3A_41 = vector.shape_cast %broadcast_in_dim3A_37 : vector<16xf32> to vector<16xf32>
    tpu.vector_store %arg22[%swap3A_38], %swap3A_41 {strides = array<i32>} : memref<640xf32, #tpu.memory_space<vmem>>, vector<16xf32>,
    %broadcast_in_dim3A_42 = arith.constant 0.000000e+00 : f32
    %broadcast_in_dim3A_43 = vector.broadcast %broadcast_in_dim3A_42 : f32 to vector<16xf32>
    %swap3A_44 = arith.constant 96 : index
    %swap3A_45 = tpu.vector_load %arg22[%swap3A_44] {strides = array<i32>} : memref<640xf32, #tpu.memory_space<vmem>>, vector<16xf32>,
    %swap3A_46 = vector.shape_cast %swap3A_45 : vector<16xf32> to vector<16xf32>
    %swap3A_47 = vector.shape_cast %broadcast_in_dim3A_43 : vector<16xf32> to vector<16xf32>
    tpu.vector_store %arg22[%swap3A_44], %swap3A_47 {strides = array<i32>} : memref<640xf32, #tpu.memory_space<vmem>>, vector<16xf32>,
    %broadcast_in_dim3A_48 = arith.constant 0.000000e+00 : f32
    %broadcast_in_dim3A_49 = vector.broadcast %broadcast_in_dim3A_48 : f32 to vector<16xf32>
    %swap3A_50 = arith.constant 112 : index
    %swap3A_51 = tpu.vector_load %arg22[%swap3A_50] {strides = array<i32>} : memref<640xf32, #tpu.memory_space<vmem>>, vector<16xf32>,
    %swap3A_52 = vector.shape_cast %swap3A_51 : vector<16xf32> to vector<16xf32>
    %swap3A_53 = vector.shape_cast %broadcast_in_dim3A_49 : vector<16xf32> to vector<16xf32>
    tpu.vector_store %arg22[%swap3A_50], %swap3A_53 {strides = array<i32>} : memref<640xf32, #tpu.memory_space<vmem>>, vector<16xf32>,
    %broadcast_in_dim3A_54 = arith.constant 0.000000e+00 : f32
    %broadcast_in_dim3A_55 = vector.broadcast %broadcast_in_dim3A_54 : f32 to vector<16xf32>
    %swap3A_56 = arith.constant 128 : index
    %swap3A_57 = tpu.vector_load %arg22[%swap3A_56] {strides = array<i32>} : memref<640xf32, #tpu.memory_space<vmem>>, vector<16xf32>,
    %swap3A_58 = vector.shape_cast %swap3A_57 : vector<16xf32> to vector<16xf32>
    %swap3A_59 = vector.shape_cast %broadcast_in_dim3A_55 : vector<16xf32> to vector<16xf32>
    tpu.vector_store %arg22[%swap3A_56], %swap3A_59 {strides = array<i32>} : memref<640xf32, #tpu.memory_space<vmem>>, vector<16xf32>,
    %broadcast_in_dim3A_60 = arith.constant 0.000000e+00 : f32
    %broadcast_in_dim3A_61 = vector.broadcast %broadcast_in_dim3A_60 : f32 to vector<16xf32>
    %swap3A_62 = arith.constant 144 : index
    %swap3A_63 = tpu.vector_load %arg22[%swap3A_62] {strides = array<i32>} : memref<640xf32, #tpu.memory_space<vmem>>, vector<16xf32>,
    %swap3A_64 = vector.shape_cast %swap3A_63 : vector<16xf32> to vector<16xf32>
    %swap3A_65 = vector.shape_cast %broadcast_in_dim3A_61 : vector<16xf32> to vector<16xf32>
    tpu.vector_store %arg22[%swap3A_62], %swap3A_65 {strides = array<i32>} : memref<640xf32, #tpu.memory_space<vmem>>, vector<16xf32>,
    %broadcast_in_dim3A_66 = arith.constant 0.000000e+00 : f32
    %broadcast_in_dim3A_67 = vector.broadcast %broadcast_in_dim3A_66 : f32 to vector<16xf32>
    %swap3A_68 = arith.constant 160 : index
    %swap3A_69 = tpu.vector_load %arg22[%swap3A_68] {strides = array<i32>} : memref<640xf32, #tpu.memory_space<vmem>>, vector<16xf32>,
    %swap3A_70 = vector.shape_cast %swap3A_69 : vector<16xf32> to vector<16xf32>
    %swap3A_71 = vector.shape_cast %broadcast_in_dim3A_67 : vector<16xf32> to vector<16xf32>
    tpu.vector_store %arg22[%swap3A_68], %swap3A_71 {strides = array<i32>} : memref<640xf32, #tpu.memory_space<vmem>>, vector<16xf32>,
    %broadcast_in_dim3A_72 = arith.constant 0.000000e+00 : f32
    %broadcast_in_dim3A_73 = vector.broadcast %broadcast_in_dim3A_72 : f32 to vector<16xf32>
    %swap3A_74 = arith.constant 176 : index
    %swap3A_75 = tpu.vector_load %arg22[%swap3A_74] {strides = array<i32>} : memref<640xf32, #tpu.memory_space<vmem>>, vector<16xf32>,
    %swap3A_76 = vector.shape_cast %swap3A_75 : vector<16xf32> to vector<16xf32>
    %swap3A_77 = vector.shape_cast %broadcast_in_dim3A_73 : vector<16xf32> to vector<16xf32>
    tpu.vector_store %arg22[%swap3A_74], %swap3A_77 {strides = array<i32>} : memref<640xf32, #tpu.memory_space<vmem>>, vector<16xf32>,
    %broadcast_in_dim3A_78 = arith.constant 0.000000e+00 : f32
    %broadcast_in_dim3A_79 = vector.broadcast %broadcast_in_dim3A_78 : f32 to vector<16xf32>
    %swap3A_80 = arith.constant 192 : index
    %swap3A_81 = tpu.vector_load %arg22[%swap3A_80] {strides = array<i32>} : memref<640xf32, #tpu.memory_space<vmem>>, vector<16xf32>,
    %swap3A_82 = vector.shape_cast %swap3A_81 : vector<16xf32> to vector<16xf32>
    %swap3A_83 = vector.shape_cast %broadcast_in_dim3A_79 : vector<16xf32> to vector<16xf32>
    tpu.vector_store %arg22[%swap3A_80], %swap3A_83 {strides = array<i32>} : memref<640xf32, #tpu.memory_space<vmem>>, vector<16xf32>,
    %broadcast_in_dim3A_84 = arith.constant 0.000000e+00 : f32
    %broadcast_in_dim3A_85 = vector.broadcast %broadcast_in_dim3A_84 : f32 to vector<16xf32>
    %swap3A_86 = arith.constant 208 : index
    %swap3A_87 = tpu.vector_load %arg22[%swap3A_86] {strides = array<i32>} : memref<640xf32, #tpu.memory_space<vmem>>, vector<16xf32>,
    %swap3A_88 = vector.shape_cast %swap3A_87 : vector<16xf32> to vector<16xf32>
    %swap3A_89 = vector.shape_cast %broadcast_in_dim3A_85 : vector<16xf32> to vector<16xf32>
    tpu.vector_store %arg22[%swap3A_86], %swap3A_89 {strides = array<i32>} : memref<640xf32, #tpu.memory_space<vmem>>, vector<16xf32>,
    %broadcast_in_dim3A_90 = arith.constant 0.000000e+00 : f32
    %broadcast_in_dim3A_91 = vector.broadcast %broadcast_in_dim3A_90 : f32 to vector<16xf32>
    %swap3A_92 = arith.constant 224 : index
    %swap3A_93 = tpu.vector_load %arg22[%swap3A_92] {strides = array<i32>} : memref<640xf32, #tpu.memory_space<vmem>>, vector<16xf32>,
    %swap3A_94 = vector.shape_cast %swap3A_93 : vector<16xf32> to vector<16xf32>
    %swap3A_95 = vector.shape_cast %broadcast_in_dim3A_91 : vector<16xf32> to vector<16xf32>
    tpu.vector_store %arg22[%swap3A_92], %swap3A_95 {strides = array<i32>} : memref<640xf32, #tpu.memory_space<vmem>>, vector<16xf32>,
    %broadcast_in_dim3A_96 = arith.constant 0.000000e+00 : f32
    %broadcast_in_dim3A_97 = vector.broadcast %broadcast_in_dim3A_96 : f32 to vector<16xf32>
    %swap3A_98 = arith.constant 240 : index
    %swap3A_99 = tpu.vector_load %arg22[%swap3A_98] {strides = array<i32>} : memref<640xf32, #tpu.memory_space<vmem>>, vector<16xf32>,
    %swap3A_100 = vector.shape_cast %swap3A_99 : vector<16xf32> to vector<16xf32>
    %swap3A_101 = vector.shape_cast %broadcast_in_dim3A_97 : vector<16xf32> to vector<16xf32>
    tpu.vector_store %arg22[%swap3A_98], %swap3A_101 {strides = array<i32>} : memref<640xf32, #tpu.memory_space<vmem>>, vector<16xf32>,
    %broadcast_in_dim3A_102 = arith.constant 0.000000e+00 : f32
    %broadcast_in_dim3A_103 = vector.broadcast %broadcast_in_dim3A_102 : f32 to vector<16xf32>
    %swap3A_104 = arith.constant 256 : index
    %swap3A_105 = tpu.vector_load %arg22[%swap3A_104] {strides = array<i32>} : memref<640xf32, #tpu.memory_space<vmem>>, vector<16xf32>,
    %swap3A_106 = vector.shape_cast %swap3A_105 : vector<16xf32> to vector<16xf32>
    %swap3A_107 = vector.shape_cast %broadcast_in_dim3A_103 : vector<16xf32> to vector<16xf32>
    tpu.vector_store %arg22[%swap3A_104], %swap3A_107 {strides = array<i32>} : memref<640xf32, #tpu.memory_space<vmem>>, vector<16xf32>,
    %broadcast_in_dim3A_108 = arith.constant 0.000000e+00 : f32
    %broadcast_in_dim3A_109 = vector.broadcast %broadcast_in_dim3A_108 : f32 to vector<16xf32>
    %swap3A_110 = arith.constant 272 : index
    %swap3A_111 = tpu.vector_load %arg22[%swap3A_110] {strides = array<i32>} : memref<640xf32, #tpu.memory_space<vmem>>, vector<16xf32>,
    %swap3A_112 = vector.shape_cast %swap3A_111 : vector<16xf32> to vector<16xf32>
    %swap3A_113 = vector.shape_cast %broadcast_in_dim3A_109 : vector<16xf32> to vector<16xf32>
    tpu.vector_store %arg22[%swap3A_110], %swap3A_113 {strides = array<i32>} : memref<640xf32, #tpu.memory_space<vmem>>, vector<16xf32>,
    %broadcast_in_dim3A_114 = arith.constant 0.000000e+00 : f32
    %broadcast_in_dim3A_115 = vector.broadcast %broadcast_in_dim3A_114 : f32 to vector<16xf32>
    %swap3A_116 = arith.constant 288 : index
    %swap3A_117 = tpu.vector_load %arg22[%swap3A_116] {strides = array<i32>} : memref<640xf32, #tpu.memory_space<vmem>>, vector<16xf32>,
    %swap3A_118 = vector.shape_cast %swap3A_117 : vector<16xf32> to vector<16xf32>
    %swap3A_119 = vector.shape_cast %broadcast_in_dim3A_115 : vector<16xf32> to vector<16xf32>
    tpu.vector_store %arg22[%swap3A_116], %swap3A_119 {strides = array<i32>} : memref<640xf32, #tpu.memory_space<vmem>>, vector<16xf32>,
    %broadcast_in_dim3A_120 = arith.constant 0.000000e+00 : f32
    %broadcast_in_dim3A_121 = vector.broadcast %broadcast_in_dim3A_120 : f32 to vector<16xf32>
    %swap3A_122 = arith.constant 304 : index
    %swap3A_123 = tpu.vector_load %arg22[%swap3A_122] {strides = array<i32>} : memref<640xf32, #tpu.memory_space<vmem>>, vector<16xf32>,
    %swap3A_124 = vector.shape_cast %swap3A_123 : vector<16xf32> to vector<16xf32>
    %swap3A_125 = vector.shape_cast %broadcast_in_dim3A_121 : vector<16xf32> to vector<16xf32>
    tpu.vector_store %arg22[%swap3A_122], %swap3A_125 {strides = array<i32>} : memref<640xf32, #tpu.memory_space<vmem>>, vector<16xf32>,
    %broadcast_in_dim3A_126 = arith.constant 0.000000e+00 : f32
    %broadcast_in_dim3A_127 = vector.broadcast %broadcast_in_dim3A_126 : f32 to vector<16xf32>
    %swap3A_128 = arith.constant 320 : index
    %swap3A_129 = tpu.vector_load %arg22[%swap3A_128] {strides = array<i32>} : memref<640xf32, #tpu.memory_space<vmem>>, vector<16xf32>,
    %swap3A_130 = vector.shape_cast %swap3A_129 : vector<16xf32> to vector<16xf32>
    %swap3A_131 = vector.shape_cast %broadcast_in_dim3A_127 : vector<16xf32> to vector<16xf32>
    tpu.vector_store %arg22[%swap3A_128], %swap3A_131 {strides = array<i32>} : memref<640xf32, #tpu.memory_space<vmem>>, vector<16xf32>,
    %broadcast_in_dim3A_132 = arith.constant 0.000000e+00 : f32
    %broadcast_in_dim3A_133 = vector.broadcast %broadcast_in_dim3A_132 : f32 to vector<16xf32>
    %swap3A_134 = arith.constant 336 : index
    %swap3A_135 = tpu.vector_load %arg22[%swap3A_134] {strides = array<i32>} : memref<640xf32, #tpu.memory_space<vmem>>, vector<16xf32>,
    %swap3A_136 = vector.shape_cast %swap3A_135 : vector<16xf32> to vector<16xf32>
    %swap3A_137 = vector.shape_cast %broadcast_in_dim3A_133 : vector<16xf32> to vector<16xf32>
    tpu.vector_store %arg22[%swap3A_134], %swap3A_137 {strides = array<i32>} : memref<640xf32, #tpu.memory_space<vmem>>, vector<16xf32>,
    %broadcast_in_dim3A_138 = arith.constant 0.000000e+00 : f32
    %broadcast_in_dim3A_139 = vector.broadcast %broadcast_in_dim3A_138 : f32 to vector<16xf32>
    %swap3A_140 = arith.constant 352 : index
    %swap3A_141 = tpu.vector_load %arg22[%swap3A_140] {strides = array<i32>} : memref<640xf32, #tpu.memory_space<vmem>>, vector<16xf32>,
    %swap3A_142 = vector.shape_cast %swap3A_141 : vector<16xf32> to vector<16xf32>
    %swap3A_143 = vector.shape_cast %broadcast_in_dim3A_139 : vector<16xf32> to vector<16xf32>
    tpu.vector_store %arg22[%swap3A_140], %swap3A_143 {strides = array<i32>} : memref<640xf32, #tpu.memory_space<vmem>>, vector<16xf32>,
    %broadcast_in_dim3A_144 = arith.constant 0.000000e+00 : f32
    %broadcast_in_dim3A_145 = vector.broadcast %broadcast_in_dim3A_144 : f32 to vector<16xf32>
    %swap3A_146 = arith.constant 368 : index
    %swap3A_147 = tpu.vector_load %arg22[%swap3A_146] {strides = array<i32>} : memref<640xf32, #tpu.memory_space<vmem>>, vector<16xf32>,
    %swap3A_148 = vector.shape_cast %swap3A_147 : vector<16xf32> to vector<16xf32>
    %swap3A_149 = vector.shape_cast %broadcast_in_dim3A_145 : vector<16xf32> to vector<16xf32>
    tpu.vector_store %arg22[%swap3A_146], %swap3A_149 {strides = array<i32>} : memref<640xf32, #tpu.memory_space<vmem>>, vector<16xf32>,
    %broadcast_in_dim3A_150 = arith.constant 0.000000e+00 : f32
    %broadcast_in_dim3A_151 = vector.broadcast %broadcast_in_dim3A_150 : f32 to vector<16xf32>
    %swap3A_152 = arith.constant 384 : index
    %swap3A_153 = tpu.vector_load %arg22[%swap3A_152] {strides = array<i32>} : memref<640xf32, #tpu.memory_space<vmem>>, vector<16xf32>,
    %swap3A_154 = vector.shape_cast %swap3A_153 : vector<16xf32> to vector<16xf32>
    %swap3A_155 = vector.shape_cast %broadcast_in_dim3A_151 : vector<16xf32> to vector<16xf32>
    tpu.vector_store %arg22[%swap3A_152], %swap3A_155 {strides = array<i32>} : memref<640xf32, #tpu.memory_space<vmem>>, vector<16xf32>,
    %broadcast_in_dim3A_156 = arith.constant 0.000000e+00 : f32
    %broadcast_in_dim3A_157 = vector.broadcast %broadcast_in_dim3A_156 : f32 to vector<16xf32>
    %swap3A_158 = arith.constant 400 : index
    %swap3A_159 = tpu.vector_load %arg22[%swap3A_158] {strides = array<i32>} : memref<640xf32, #tpu.memory_space<vmem>>, vector<16xf32>,
    %swap3A_160 = vector.shape_cast %swap3A_159 : vector<16xf32> to vector<16xf32>
    %swap3A_161 = vector.shape_cast %broadcast_in_dim3A_157 : vector<16xf32> to vector<16xf32>
    tpu.vector_store %arg22[%swap3A_158], %swap3A_161 {strides = array<i32>} : memref<640xf32, #tpu.memory_space<vmem>>, vector<16xf32>,
    %broadcast_in_dim3A_162 = arith.constant 0.000000e+00 : f32
    %broadcast_in_dim3A_163 = vector.broadcast %broadcast_in_dim3A_162 : f32 to vector<16xf32>
    %swap3A_164 = arith.constant 416 : index
    %swap3A_165 = tpu.vector_load %arg22[%swap3A_164] {strides = array<i32>} : memref<640xf32, #tpu.memory_space<vmem>>, vector<16xf32>,
    %swap3A_166 = vector.shape_cast %swap3A_165 : vector<16xf32> to vector<16xf32>
    %swap3A_167 = vector.shape_cast %broadcast_in_dim3A_163 : vector<16xf32> to vector<16xf32>
    tpu.vector_store %arg22[%swap3A_164], %swap3A_167 {strides = array<i32>} : memref<640xf32, #tpu.memory_space<vmem>>, vector<16xf32>,
    %broadcast_in_dim3A_168 = arith.constant 0.000000e+00 : f32
    %broadcast_in_dim3A_169 = vector.broadcast %broadcast_in_dim3A_168 : f32 to vector<16xf32>
    %swap3A_170 = arith.constant 432 : index
    %swap3A_171 = tpu.vector_load %arg22[%swap3A_170] {strides = array<i32>} : memref<640xf32, #tpu.memory_space<vmem>>, vector<16xf32>,
    %swap3A_172 = vector.shape_cast %swap3A_171 : vector<16xf32> to vector<16xf32>
    %swap3A_173 = vector.shape_cast %broadcast_in_dim3A_169 : vector<16xf32> to vector<16xf32>
    tpu.vector_store %arg22[%swap3A_170], %swap3A_173 {strides = array<i32>} : memref<640xf32, #tpu.memory_space<vmem>>, vector<16xf32>,
    %broadcast_in_dim3A_174 = arith.constant 0.000000e+00 : f32
    %broadcast_in_dim3A_175 = vector.broadcast %broadcast_in_dim3A_174 : f32 to vector<16xf32>
    %swap3A_176 = arith.constant 448 : index
    %swap3A_177 = tpu.vector_load %arg22[%swap3A_176] {strides = array<i32>} : memref<640xf32, #tpu.memory_space<vmem>>, vector<16xf32>,
    %swap3A_178 = vector.shape_cast %swap3A_177 : vector<16xf32> to vector<16xf32>
    %swap3A_179 = vector.shape_cast %broadcast_in_dim3A_175 : vector<16xf32> to vector<16xf32>
    tpu.vector_store %arg22[%swap3A_176], %swap3A_179 {strides = array<i32>} : memref<640xf32, #tpu.memory_space<vmem>>, vector<16xf32>,
    %broadcast_in_dim3A_180 = arith.constant 0.000000e+00 : f32
    %broadcast_in_dim3A_181 = vector.broadcast %broadcast_in_dim3A_180 : f32 to vector<16xf32>
    %swap3A_182 = arith.constant 464 : index
    %swap3A_183 = tpu.vector_load %arg22[%swap3A_182] {strides = array<i32>} : memref<640xf32, #tpu.memory_space<vmem>>, vector<16xf32>,
    %swap3A_184 = vector.shape_cast %swap3A_183 : vector<16xf32> to vector<16xf32>
    %swap3A_185 = vector.shape_cast %broadcast_in_dim3A_181 : vector<16xf32> to vector<16xf32>
    tpu.vector_store %arg22[%swap3A_182], %swap3A_185 {strides = array<i32>} : memref<640xf32, #tpu.memory_space<vmem>>, vector<16xf32>,
    %broadcast_in_dim3A_186 = arith.constant 0.000000e+00 : f32
    %broadcast_in_dim3A_187 = vector.broadcast %broadcast_in_dim3A_186 : f32 to vector<16xf32>
    %swap3A_188 = arith.constant 480 : index
    %swap3A_189 = tpu.vector_load %arg22[%swap3A_188] {strides = array<i32>} : memref<640xf32, #tpu.memory_space<vmem>>, vector<16xf32>,
    %swap3A_190 = vector.shape_cast %swap3A_189 : vector<16xf32> to vector<16xf32>
    %swap3A_191 = vector.shape_cast %broadcast_in_dim3A_187 : vector<16xf32> to vector<16xf32>
    tpu.vector_store %arg22[%swap3A_188], %swap3A_191 {strides = array<i32>} : memref<640xf32, #tpu.memory_space<vmem>>, vector<16xf32>,
    %broadcast_in_dim3A_192 = arith.constant 0.000000e+00 : f32
    %broadcast_in_dim3A_193 = vector.broadcast %broadcast_in_dim3A_192 : f32 to vector<16xf32>
    %swap3A_194 = arith.constant 496 : index
    %swap3A_195 = tpu.vector_load %arg22[%swap3A_194] {strides = array<i32>} : memref<640xf32, #tpu.memory_space<vmem>>, vector<16xf32>,
    %swap3A_196 = vector.shape_cast %swap3A_195 : vector<16xf32> to vector<16xf32>
    %swap3A_197 = vector.shape_cast %broadcast_in_dim3A_193 : vector<16xf32> to vector<16xf32>
    tpu.vector_store %arg22[%swap3A_194], %swap3A_197 {strides = array<i32>} : memref<640xf32, #tpu.memory_space<vmem>>, vector<16xf32>,
    %broadcast_in_dim3A_198 = arith.constant 0.000000e+00 : f32
    %broadcast_in_dim3A_199 = vector.broadcast %broadcast_in_dim3A_198 : f32 to vector<16xf32>
    %swap3A_200 = arith.constant 512 : index
    %swap3A_201 = tpu.vector_load %arg22[%swap3A_200] {strides = array<i32>} : memref<640xf32, #tpu.memory_space<vmem>>, vector<16xf32>,
    %swap3A_202 = vector.shape_cast %swap3A_201 : vector<16xf32> to vector<16xf32>
    %swap3A_203 = vector.shape_cast %broadcast_in_dim3A_199 : vector<16xf32> to vector<16xf32>
    tpu.vector_store %arg22[%swap3A_200], %swap3A_203 {strides = array<i32>} : memref<640xf32, #tpu.memory_space<vmem>>, vector<16xf32>,
    %broadcast_in_dim3A_204 = arith.constant 0.000000e+00 : f32
    %broadcast_in_dim3A_205 = vector.broadcast %broadcast_in_dim3A_204 : f32 to vector<16xf32>
    %swap3A_206 = arith.constant 528 : index
    %swap3A_207 = tpu.vector_load %arg22[%swap3A_206] {strides = array<i32>} : memref<640xf32, #tpu.memory_space<vmem>>, vector<16xf32>,
    %swap3A_208 = vector.shape_cast %swap3A_207 : vector<16xf32> to vector<16xf32>
    %swap3A_209 = vector.shape_cast %broadcast_in_dim3A_205 : vector<16xf32> to vector<16xf32>
    tpu.vector_store %arg22[%swap3A_206], %swap3A_209 {strides = array<i32>} : memref<640xf32, #tpu.memory_space<vmem>>, vector<16xf32>,
    %broadcast_in_dim3A_210 = arith.constant 0.000000e+00 : f32
    %broadcast_in_dim3A_211 = vector.broadcast %broadcast_in_dim3A_210 : f32 to vector<16xf32>
    %swap3A_212 = arith.constant 544 : index
    %swap3A_213 = tpu.vector_load %arg22[%swap3A_212] {strides = array<i32>} : memref<640xf32, #tpu.memory_space<vmem>>, vector<16xf32>,
    %swap3A_214 = vector.shape_cast %swap3A_213 : vector<16xf32> to vector<16xf32>
    %swap3A_215 = vector.shape_cast %broadcast_in_dim3A_211 : vector<16xf32> to vector<16xf32>
    tpu.vector_store %arg22[%swap3A_212], %swap3A_215 {strides = array<i32>} : memref<640xf32, #tpu.memory_space<vmem>>, vector<16xf32>,
    %broadcast_in_dim3A_216 = arith.constant 0.000000e+00 : f32
    %broadcast_in_dim3A_217 = vector.broadcast %broadcast_in_dim3A_216 : f32 to vector<16xf32>
    %swap3A_218 = arith.constant 560 : index
    %swap3A_219 = tpu.vector_load %arg22[%swap3A_218] {strides = array<i32>} : memref<640xf32, #tpu.memory_space<vmem>>, vector<16xf32>,
    %swap3A_220 = vector.shape_cast %swap3A_219 : vector<16xf32> to vector<16xf32>
    %swap3A_221 = vector.shape_cast %broadcast_in_dim3A_217 : vector<16xf32> to vector<16xf32>
    tpu.vector_store %arg22[%swap3A_218], %swap3A_221 {strides = array<i32>} : memref<640xf32, #tpu.memory_space<vmem>>, vector<16xf32>,
    %broadcast_in_dim3A_222 = arith.constant 0.000000e+00 : f32
    %broadcast_in_dim3A_223 = vector.broadcast %broadcast_in_dim3A_222 : f32 to vector<16xf32>
    %swap3A_224 = arith.constant 576 : index
    %swap3A_225 = tpu.vector_load %arg22[%swap3A_224] {strides = array<i32>} : memref<640xf32, #tpu.memory_space<vmem>>, vector<16xf32>,
    %swap3A_226 = vector.shape_cast %swap3A_225 : vector<16xf32> to vector<16xf32>
    %swap3A_227 = vector.shape_cast %broadcast_in_dim3A_223 : vector<16xf32> to vector<16xf32>
    tpu.vector_store %arg22[%swap3A_224], %swap3A_227 {strides = array<i32>} : memref<640xf32, #tpu.memory_space<vmem>>, vector<16xf32>,
    %broadcast_in_dim3A_228 = arith.constant 0.000000e+00 : f32
    %broadcast_in_dim3A_229 = vector.broadcast %broadcast_in_dim3A_228 : f32 to vector<16xf32>
    %swap3A_230 = arith.constant 592 : index
    %swap3A_231 = tpu.vector_load %arg22[%swap3A_230] {strides = array<i32>} : memref<640xf32, #tpu.memory_space<vmem>>, vector<16xf32>,
    %swap3A_232 = vector.shape_cast %swap3A_231 : vector<16xf32> to vector<16xf32>
    %swap3A_233 = vector.shape_cast %broadcast_in_dim3A_229 : vector<16xf32> to vector<16xf32>
    tpu.vector_store %arg22[%swap3A_230], %swap3A_233 {strides = array<i32>} : memref<640xf32, #tpu.memory_space<vmem>>, vector<16xf32>,
    %broadcast_in_dim3A_234 = arith.constant 0.000000e+00 : f32
    %broadcast_in_dim3A_235 = vector.broadcast %broadcast_in_dim3A_234 : f32 to vector<16xf32>
    %swap3A_236 = arith.constant 608 : index
    %swap3A_237 = tpu.vector_load %arg22[%swap3A_236] {strides = array<i32>} : memref<640xf32, #tpu.memory_space<vmem>>, vector<16xf32>,
    %swap3A_238 = vector.shape_cast %swap3A_237 : vector<16xf32> to vector<16xf32>
    %swap3A_239 = vector.shape_cast %broadcast_in_dim3A_235 : vector<16xf32> to vector<16xf32>
    tpu.vector_store %arg22[%swap3A_236], %swap3A_239 {strides = array<i32>} : memref<640xf32, #tpu.memory_space<vmem>>, vector<16xf32>,
    %broadcast_in_dim3A_240 = arith.constant 0.000000e+00 : f32
    %broadcast_in_dim3A_241 = vector.broadcast %broadcast_in_dim3A_240 : f32 to vector<16xf32>
    %swap3A_242 = arith.constant 624 : index
    %swap3A_243 = tpu.vector_load %arg22[%swap3A_242] {strides = array<i32>} : memref<640xf32, #tpu.memory_space<vmem>>, vector<16xf32>,
    %swap3A_244 = vector.shape_cast %swap3A_243 : vector<16xf32> to vector<16xf32>
    %swap3A_245 = vector.shape_cast %broadcast_in_dim3A_241 : vector<16xf32> to vector<16xf32>
    tpu.vector_store %arg22[%swap3A_242], %swap3A_245 {strides = array<i32>} : memref<640xf32, #tpu.memory_space<vmem>>, vector<16xf32>,
    "tpu.region"() ({
      %run_scoped3A = tpu.sem_alloc : memref<!tpu.dma_semaphore, #tpu.memory_space<semaphore_mem>>
      %dma_start3A_295 = arith.constant 0 : i32
      %dma_start3A_296 = tpu.memref_slice %arg23[%multiple_of3A, %dma_start3A_295] : memref<10240x64xf32, #tpu.memory_space<vmem_shared>> -> memref<640x64xf32, #tpu.memory_space<vmem_shared>>
      %dma_start3A_297 = arith.constant 0 : i32
      %dma_start3A_298 = tpu.memref_slice %arg23[%multiple_of3A, %dma_start3A_297] : memref<10240x64xf32, #tpu.memory_space<vmem_shared>> -> memref<640x64xf32, #tpu.memory_space<vmem_shared>>
      tpu.enqueue_dma source(%arg21 : memref<640x64xf32, #tpu.memory_space<vmem>>) target(%dma_start3A_298 : memref<640x64xf32, #tpu.memory_space<vmem_shared>>) target_semaphore(%run_scoped3A : memref<!tpu.dma_semaphore, #tpu.memory_space<semaphore_mem>>)
      %dma_wait3A_299 = arith.constant 0 : i32
      %dma_wait3A_300 = tpu.memref_slice %arg23[%multiple_of3A, %dma_wait3A_299] : memref<10240x64xf32, #tpu.memory_space<vmem_shared>> -> memref<640x64xf32, #tpu.memory_space<vmem_shared>>
      %dma_wait3A_301 = arith.constant 0 : i32
      %dma_wait3A_302 = tpu.memref_slice %arg23[%multiple_of3A, %dma_wait3A_301] : memref<10240x64xf32, #tpu.memory_space<vmem_shared>> -> memref<640x64xf32, #tpu.memory_space<vmem_shared>>
      tpu.wait_dma2 semaphore(%run_scoped3A : memref<!tpu.dma_semaphore, #tpu.memory_space<semaphore_mem>>) src(%arg21 : memref<640x64xf32, #tpu.memory_space<vmem>>) dst(%dma_wait3A_302 : memref<640x64xf32, #tpu.memory_space<vmem_shared>>)
      tpu.yield
    }) : () -> ()
    "tpu.region"() ({
      %run_scoped3A = tpu.sem_alloc : memref<!tpu.dma_semaphore, #tpu.memory_space<semaphore_mem>>
      %dma_start3A_295 = tpu.memref_slice %arg24[%multiple_of3A] : memref<10240xf32, #tpu.memory_space<vmem_shared>> -> memref<640xf32, #tpu.memory_space<vmem_shared>>
      %dma_start3A_296 = tpu.memref_slice %arg24[%multiple_of3A] : memref<10240xf32, #tpu.memory_space<vmem_shared>> -> memref<640xf32, #tpu.memory_space<vmem_shared>>
      tpu.enqueue_dma source(%arg22 : memref<640xf32, #tpu.memory_space<vmem>>) target(%dma_start3A_296 : memref<640xf32, #tpu.memory_space<vmem_shared>>) target_semaphore(%run_scoped3A : memref<!tpu.dma_semaphore, #tpu.memory_space<semaphore_mem>>)
      %dma_wait3A_297 = tpu.memref_slice %arg24[%multiple_of3A] : memref<10240xf32, #tpu.memory_space<vmem_shared>> -> memref<640xf32, #tpu.memory_space<vmem_shared>>
      %dma_wait3A_298 = tpu.memref_slice %arg24[%multiple_of3A] : memref<10240xf32, #tpu.memory_space<vmem_shared>> -> memref<640xf32, #tpu.memory_space<vmem_shared>>
      tpu.wait_dma2 semaphore(%run_scoped3A : memref<!tpu.dma_semaphore, #tpu.memory_space<semaphore_mem>>) src(%arg22 : memref<640xf32, #tpu.memory_space<vmem>>) dst(%dma_wait3A_298 : memref<640xf32, #tpu.memory_space<vmem_shared>>)
      tpu.yield
    }) : () -> ()
    %barrier3A = arith.constant 0 : index
    tpu.barrier barrier_id(%barrier3A)
    %mul3A_246 = arith.constant 20000 : i32
    %mul3A_247 = arith.muli %arg1, %mul3A_246 : i32
    %multiple_of3A_248 = tpu.assume_multiple %mul3A_247, 8 : i32
    %add3A = arith.constant 0 : i32
    %add3A_249 = arith.addi %multiple_of3A_248, %add3A : i32
    %multiple_of3A_250 = tpu.assume_multiple %add3A_249, 8 : i32
    %dma_start3A = arith.constant 0 : i32
    %dma_start3A_251 = tpu.memref_slice %arg2[%dma_start3A, %multiple_of3A_250] : memref<2x320000xi32, #tpu.memory_space<hbm>> -> memref<1x80xi32, #tpu.memory_space<hbm>>
    %dma_start3A_252 = tpu.memref_squeeze %dma_start3A_251 : memref<1x80xi32, #tpu.memory_space<hbm>> -> memref<80xi32, #tpu.memory_space<hbm>>
    %dma_start3A_253 = tpu.memref_slice %arg2[%dma_start3A, %multiple_of3A_250] : memref<2x320000xi32, #tpu.memory_space<hbm>> -> memref<1x80xi32, #tpu.memory_space<hbm>>
    %dma_start3A_254 = tpu.memref_squeeze %dma_start3A_253 : memref<1x80xi32, #tpu.memory_space<hbm>> -> memref<80xi32, #tpu.memory_space<hbm>>
    tpu.enqueue_dma source(%dma_start3A_254 : memref<80xi32, #tpu.memory_space<hbm>>) target(%arg7 : memref<80xi32, #tpu.memory_space<vmem>>) target_semaphore(%arg25 : memref<!tpu.dma_semaphore, #tpu.memory_space<semaphore_mem>>)
    %add3A_255 = arith.constant 0 : i32
    %add3A_256 = arith.addi %multiple_of3A_248, %add3A_255 : i32
    %multiple_of3A_257 = tpu.assume_multiple %add3A_256, 8 : i32
    %dma_start3A_258 = arith.constant 1 : i32
    %dma_start3A_259 = tpu.memref_slice %arg2[%dma_start3A_258, %multiple_of3A_257] : memref<2x320000xi32, #tpu.memory_space<hbm>> -> memref<1x80xi32, #tpu.memory_space<hbm>>
    %dma_start3A_260 = tpu.memref_squeeze %dma_start3A_259 : memref<1x80xi32, #tpu.memory_space<hbm>> -> memref<80xi32, #tpu.memory_space<hbm>>
    %dma_start3A_261 = tpu.memref_slice %arg2[%dma_start3A_258, %multiple_of3A_257] : memref<2x320000xi32, #tpu.memory_space<hbm>> -> memref<1x80xi32, #tpu.memory_space<hbm>>
    %dma_start3A_262 = tpu.memref_squeeze %dma_start3A_261 : memref<1x80xi32, #tpu.memory_space<hbm>> -> memref<80xi32, #tpu.memory_space<hbm>>
    tpu.enqueue_dma source(%dma_start3A_262 : memref<80xi32, #tpu.memory_space<hbm>>) target(%arg9 : memref<80xi32, #tpu.memory_space<vmem>>) target_semaphore(%arg27 : memref<!tpu.dma_semaphore, #tpu.memory_space<semaphore_mem>>)
    %add3A_263 = arith.constant 80 : i32
    %add3A_264 = arith.addi %multiple_of3A_248, %add3A_263 : i32
    %multiple_of3A_265 = tpu.assume_multiple %add3A_264, 8 : i32
    %dma_start3A_266 = arith.constant 0 : i32
    %dma_start3A_267 = tpu.memref_slice %arg2[%dma_start3A_266, %multiple_of3A_265] : memref<2x320000xi32, #tpu.memory_space<hbm>> -> memref<1x80xi32, #tpu.memory_space<hbm>>
    %dma_start3A_268 = tpu.memref_squeeze %dma_start3A_267 : memref<1x80xi32, #tpu.memory_space<hbm>> -> memref<80xi32, #tpu.memory_space<hbm>>
    %dma_start3A_269 = tpu.memref_slice %arg2[%dma_start3A_266, %multiple_of3A_265] : memref<2x320000xi32, #tpu.memory_space<hbm>> -> memref<1x80xi32, #tpu.memory_space<hbm>>
    %dma_start3A_270 = tpu.memref_squeeze %dma_start3A_269 : memref<1x80xi32, #tpu.memory_space<hbm>> -> memref<80xi32, #tpu.memory_space<hbm>>
    tpu.enqueue_dma source(%dma_start3A_270 : memref<80xi32, #tpu.memory_space<hbm>>) target(%arg8 : memref<80xi32, #tpu.memory_space<vmem>>) target_semaphore(%arg26 : memref<!tpu.dma_semaphore, #tpu.memory_space<semaphore_mem>>)
    %add3A_271 = arith.constant 80 : i32
    %add3A_272 = arith.addi %multiple_of3A_248, %add3A_271 : i32
    %multiple_of3A_273 = tpu.assume_multiple %add3A_272, 8 : i32
    %dma_start3A_274 = arith.constant 1 : i32
    %dma_start3A_275 = tpu.memref_slice %arg2[%dma_start3A_274, %multiple_of3A_273] : memref<2x320000xi32, #tpu.memory_space<hbm>> -> memref<1x80xi32, #tpu.memory_space<hbm>>
    %dma_start3A_276 = tpu.memref_squeeze %dma_start3A_275 : memref<1x80xi32, #tpu.memory_space<hbm>> -> memref<80xi32, #tpu.memory_space<hbm>>
    %dma_start3A_277 = tpu.memref_slice %arg2[%dma_start3A_274, %multiple_of3A_273] : memref<2x320000xi32, #tpu.memory_space<hbm>> -> memref<1x80xi32, #tpu.memory_space<hbm>>
    %dma_start3A_278 = tpu.memref_squeeze %dma_start3A_277 : memref<1x80xi32, #tpu.memory_space<hbm>> -> memref<80xi32, #tpu.memory_space<hbm>>
    tpu.enqueue_dma source(%dma_start3A_278 : memref<80xi32, #tpu.memory_space<hbm>>) target(%arg10 : memref<80xi32, #tpu.memory_space<vmem>>) target_semaphore(%arg28 : memref<!tpu.dma_semaphore, #tpu.memory_space<semaphore_mem>>)
    %scan3A_279 = arith.constant 0 : i32
    %scan3A_280 = arith.constant 0 : i32
    %scan3A_281 = arith.constant 125 : i32
    %scan3A_282 = arith.addi %scan3A_280, %scan3A_281 : i32
    %scan3A_283 = arith.constant 1 : i32
    scf.for %scan3A_295 = %scan3A_280 to %scan3A_282 step %scan3A_283  : i32 {
      %mul3A_296 = arith.constant 2 : i32
      %mul3A_297 = arith.muli %scan3A_295, %mul3A_296 : i32
      %add3A_298 = arith.constant 0 : i32
      %add3A_299 = arith.addi %mul3A_297, %add3A_298 : i32
      %mul3A_300 = arith.constant 80 : i32
      %mul3A_301 = arith.muli %add3A_299, %mul3A_300 : i32
      %add3A_302 = arith.addi %multiple_of3A_248, %mul3A_301 : i32
      %multiple_of3A_303 = tpu.assume_multiple %add3A_302, 8 : i32
      %dma_wait3A_304 = arith.constant 0 : i32
      %dma_wait3A_305 = tpu.memref_slice %arg2[%dma_wait3A_304, %multiple_of3A_303] : memref<2x320000xi32, #tpu.memory_space<hbm>> -> memref<1x80xi32, #tpu.memory_space<hbm>>
      %dma_wait3A_306 = tpu.memref_squeeze %dma_wait3A_305 : memref<1x80xi32, #tpu.memory_space<hbm>> -> memref<80xi32, #tpu.memory_space<hbm>>
      %dma_wait3A_307 = tpu.memref_slice %arg2[%dma_wait3A_304, %multiple_of3A_303] : memref<2x320000xi32, #tpu.memory_space<hbm>> -> memref<1x80xi32, #tpu.memory_space<hbm>>
      %dma_wait3A_308 = tpu.memref_squeeze %dma_wait3A_307 : memref<1x80xi32, #tpu.memory_space<hbm>> -> memref<80xi32, #tpu.memory_space<hbm>>
      tpu.wait_dma2 semaphore(%arg25 : memref<!tpu.dma_semaphore, #tpu.memory_space<semaphore_mem>>) src(%dma_wait3A_308 : memref<80xi32, #tpu.memory_space<hbm>>) dst(%arg7 : memref<80xi32, #tpu.memory_space<vmem>>)
      %mul3A_309 = arith.constant 80 : i32
      %mul3A_310 = arith.muli %add3A_299, %mul3A_309 : i32
      %add3A_311 = arith.addi %multiple_of3A_248, %mul3A_310 : i32
      %multiple_of3A_312 = tpu.assume_multiple %add3A_311, 8 : i32
      %dma_wait3A_313 = arith.constant 1 : i32
      %dma_wait3A_314 = tpu.memref_slice %arg2[%dma_wait3A_313, %multiple_of3A_312] : memref<2x320000xi32, #tpu.memory_space<hbm>> -> memref<1x80xi32, #tpu.memory_space<hbm>>
      %dma_wait3A_315 = tpu.memref_squeeze %dma_wait3A_314 : memref<1x80xi32, #tpu.memory_space<hbm>> -> memref<80xi32, #tpu.memory_space<hbm>>
      %dma_wait3A_316 = tpu.memref_slice %arg2[%dma_wait3A_313, %multiple_of3A_312] : memref<2x320000xi32, #tpu.memory_space<hbm>> -> memref<1x80xi32, #tpu.memory_space<hbm>>
      %dma_wait3A_317 = tpu.memref_squeeze %dma_wait3A_316 : memref<1x80xi32, #tpu.memory_space<hbm>> -> memref<80xi32, #tpu.memory_space<hbm>>
      tpu.wait_dma2 semaphore(%arg27 : memref<!tpu.dma_semaphore, #tpu.memory_space<semaphore_mem>>) src(%dma_wait3A_317 : memref<80xi32, #tpu.memory_space<hbm>>) dst(%arg9 : memref<80xi32, #tpu.memory_space<vmem>>)
      %gt3A = arith.constant 0 : i32
      %gt3A_318 = arith.cmpi sgt, %scan3A_295, %gt3A : i32
      %convert_element_type3A = arith.extui %gt3A_318 : i1 to i32
      %cond3A = arith.constant 0 : i32
      %cond3A_319 = arith.cmpi ne, %convert_element_type3A, %cond3A : i32
      scf.if %cond3A_319 {
        %dma_wait3A_585 = arith.constant 0 : i32
        %dma_wait3A_586 = arith.constant 0 : i32
        %dma_wait3A_587 = tpu.memref_slice %arg23[%dma_wait3A_585, %dma_wait3A_586] : memref<10240x64xf32, #tpu.memory_space<vmem_shared>> -> memref<10240x64xf32, #tpu.memory_space<vmem_shared>>
        tpu.wait_indirect_dma semaphore(%arg33 : memref<!tpu.dma_semaphore, #tpu.memory_space<semaphore_mem>>) src(%arg17 : memref<80x64xf32, #tpu.memory_space<vmem>>) dst(%dma_wait3A_587 : memref<10240x64xf32, #tpu.memory_space<vmem_shared>>)
        %dma_wait3A_588 = arith.constant 0 : i32
        %dma_wait3A_589 = tpu.memref_slice %arg24[%dma_wait3A_588] : memref<10240xf32, #tpu.memory_space<vmem_shared>> -> memref<10240xf32, #tpu.memory_space<vmem_shared>>
        tpu.wait_indirect_dma semaphore(%arg35 : memref<!tpu.dma_semaphore, #tpu.memory_space<semaphore_mem>>) src(%arg19 : memref<80xf32, #tpu.memory_space<vmem>>) dst(%dma_wait3A_589 : memref<10240xf32, #tpu.memory_space<vmem_shared>>)
      } else {
      }
      %get3A = arith.constant 0 : index
      %get3A_320 = tpu.vector_load %arg7[%get3A] {strides = array<i32>} : memref<80xi32, #tpu.memory_space<vmem>>, vector<16xi32>,
      %get3A_321 = vector.shape_cast %get3A_320 : vector<16xi32> to vector<16xi32>
      %add3A_322 = vector.broadcast %mul3A_2 : i32 to vector<16xi32>
      %add3A_323 = arith.addi %get3A_321, %add3A_322 : vector<16xi32>
      %swap3A_324 = arith.constant 0 : index
      %swap3A_325 = tpu.vector_load %arg11[%swap3A_324] {strides = array<i32>} : memref<80xi32, #tpu.memory_space<vmem>>, vector<16xi32>,
      %swap3A_326 = vector.shape_cast %swap3A_325 : vector<16xi32> to vector<16xi32>
      %swap3A_327 = vector.shape_cast %add3A_323 : vector<16xi32> to vector<16xi32>
      tpu.vector_store %arg11[%swap3A_324], %swap3A_327 {strides = array<i32>} : memref<80xi32, #tpu.memory_space<vmem>>, vector<16xi32>,
      %swap3A_328 = arith.constant 0 : index
      %swap3A_329 = tpu.vector_load %arg15[%swap3A_328] {strides = array<i32>} : memref<80xi32, #tpu.memory_space<vmem>>, vector<16xi32>,
      %swap3A_330 = vector.shape_cast %swap3A_329 : vector<16xi32> to vector<16xi32>
      %swap3A_331 = vector.shape_cast %get3A_321 : vector<16xi32> to vector<16xi32>
      tpu.vector_store %arg15[%swap3A_328], %swap3A_331 {strides = array<i32>} : memref<80xi32, #tpu.memory_space<vmem>>, vector<16xi32>,
      %get3A_332 = arith.constant 0 : index
      %get3A_333 = tpu.vector_load %arg9[%get3A_332] {strides = array<i32>} : memref<80xi32, #tpu.memory_space<vmem>>, vector<16xi32>,
      %get3A_334 = vector.shape_cast %get3A_333 : vector<16xi32> to vector<16xi32>
      %swap3A_335 = arith.constant 0 : index
      %swap3A_336 = tpu.vector_load %arg13[%swap3A_335] {strides = array<i32>} : memref<80xi32, #tpu.memory_space<vmem>>, vector<16xi32>,
      %swap3A_337 = vector.shape_cast %swap3A_336 : vector<16xi32> to vector<16xi32>
      %swap3A_338 = vector.shape_cast %get3A_334 : vector<16xi32> to vector<16xi32>
      tpu.vector_store %arg13[%swap3A_335], %swap3A_338 {strides = array<i32>} : memref<80xi32, #tpu.memory_space<vmem>>, vector<16xi32>,
      %get3A_339 = arith.constant 16 : index
      %get3A_340 = tpu.vector_load %arg7[%get3A_339] {strides = array<i32>} : memref<80xi32, #tpu.memory_space<vmem>>, vector<16xi32>,
      %get3A_341 = vector.shape_cast %get3A_340 : vector<16xi32> to vector<16xi32>
      %add3A_342 = vector.broadcast %mul3A_2 : i32 to vector<16xi32>
      %add3A_343 = arith.addi %get3A_341, %add3A_342 : vector<16xi32>
      %swap3A_344 = arith.constant 16 : index
      %swap3A_345 = tpu.vector_load %arg11[%swap3A_344] {strides = array<i32>} : memref<80xi32, #tpu.memory_space<vmem>>, vector<16xi32>,
      %swap3A_346 = vector.shape_cast %swap3A_345 : vector<16xi32> to vector<16xi32>
      %swap3A_347 = vector.shape_cast %add3A_343 : vector<16xi32> to vector<16xi32>
      tpu.vector_store %arg11[%swap3A_344], %swap3A_347 {strides = array<i32>} : memref<80xi32, #tpu.memory_space<vmem>>, vector<16xi32>,
      %swap3A_348 = arith.constant 16 : index
      %swap3A_349 = tpu.vector_load %arg15[%swap3A_348] {strides = array<i32>} : memref<80xi32, #tpu.memory_space<vmem>>, vector<16xi32>,
      %swap3A_350 = vector.shape_cast %swap3A_349 : vector<16xi32> to vector<16xi32>
      %swap3A_351 = vector.shape_cast %get3A_341 : vector<16xi32> to vector<16xi32>
      tpu.vector_store %arg15[%swap3A_348], %swap3A_351 {strides = array<i32>} : memref<80xi32, #tpu.memory_space<vmem>>, vector<16xi32>,
      %get3A_352 = arith.constant 16 : index
      %get3A_353 = tpu.vector_load %arg9[%get3A_352] {strides = array<i32>} : memref<80xi32, #tpu.memory_space<vmem>>, vector<16xi32>,
      %get3A_354 = vector.shape_cast %get3A_353 : vector<16xi32> to vector<16xi32>
      %swap3A_355 = arith.constant 16 : index
      %swap3A_356 = tpu.vector_load %arg13[%swap3A_355] {strides = array<i32>} : memref<80xi32, #tpu.memory_space<vmem>>, vector<16xi32>,
      %swap3A_357 = vector.shape_cast %swap3A_356 : vector<16xi32> to vector<16xi32>
      %swap3A_358 = vector.shape_cast %get3A_354 : vector<16xi32> to vector<16xi32>
      tpu.vector_store %arg13[%swap3A_355], %swap3A_358 {strides = array<i32>} : memref<80xi32, #tpu.memory_space<vmem>>, vector<16xi32>,
      %get3A_359 = arith.constant 32 : index
      %get3A_360 = tpu.vector_load %arg7[%get3A_359] {strides = array<i32>} : memref<80xi32, #tpu.memory_space<vmem>>, vector<16xi32>,
      %get3A_361 = vector.shape_cast %get3A_360 : vector<16xi32> to vector<16xi32>
      %add3A_362 = vector.broadcast %mul3A_2 : i32 to vector<16xi32>
      %add3A_363 = arith.addi %get3A_361, %add3A_362 : vector<16xi32>
      %swap3A_364 = arith.constant 32 : index
      %swap3A_365 = tpu.vector_load %arg11[%swap3A_364] {strides = array<i32>} : memref<80xi32, #tpu.memory_space<vmem>>, vector<16xi32>,
      %swap3A_366 = vector.shape_cast %swap3A_365 : vector<16xi32> to vector<16xi32>
      %swap3A_367 = vector.shape_cast %add3A_363 : vector<16xi32> to vector<16xi32>
      tpu.vector_store %arg11[%swap3A_364], %swap3A_367 {strides = array<i32>} : memref<80xi32, #tpu.memory_space<vmem>>, vector<16xi32>,
      %swap3A_368 = arith.constant 32 : index
      %swap3A_369 = tpu.vector_load %arg15[%swap3A_368] {strides = array<i32>} : memref<80xi32, #tpu.memory_space<vmem>>, vector<16xi32>,
      %swap3A_370 = vector.shape_cast %swap3A_369 : vector<16xi32> to vector<16xi32>
      %swap3A_371 = vector.shape_cast %get3A_361 : vector<16xi32> to vector<16xi32>
      tpu.vector_store %arg15[%swap3A_368], %swap3A_371 {strides = array<i32>} : memref<80xi32, #tpu.memory_space<vmem>>, vector<16xi32>,
      %get3A_372 = arith.constant 32 : index
      %get3A_373 = tpu.vector_load %arg9[%get3A_372] {strides = array<i32>} : memref<80xi32, #tpu.memory_space<vmem>>, vector<16xi32>,
      %get3A_374 = vector.shape_cast %get3A_373 : vector<16xi32> to vector<16xi32>
      %swap3A_375 = arith.constant 32 : index
      %swap3A_376 = tpu.vector_load %arg13[%swap3A_375] {strides = array<i32>} : memref<80xi32, #tpu.memory_space<vmem>>, vector<16xi32>,
      %swap3A_377 = vector.shape_cast %swap3A_376 : vector<16xi32> to vector<16xi32>
      %swap3A_378 = vector.shape_cast %get3A_374 : vector<16xi32> to vector<16xi32>
      tpu.vector_store %arg13[%swap3A_375], %swap3A_378 {strides = array<i32>} : memref<80xi32, #tpu.memory_space<vmem>>, vector<16xi32>,
      %get3A_379 = arith.constant 48 : index
      %get3A_380 = tpu.vector_load %arg7[%get3A_379] {strides = array<i32>} : memref<80xi32, #tpu.memory_space<vmem>>, vector<16xi32>,
      %get3A_381 = vector.shape_cast %get3A_380 : vector<16xi32> to vector<16xi32>
      %add3A_382 = vector.broadcast %mul3A_2 : i32 to vector<16xi32>
      %add3A_383 = arith.addi %get3A_381, %add3A_382 : vector<16xi32>
      %swap3A_384 = arith.constant 48 : index
      %swap3A_385 = tpu.vector_load %arg11[%swap3A_384] {strides = array<i32>} : memref<80xi32, #tpu.memory_space<vmem>>, vector<16xi32>,
      %swap3A_386 = vector.shape_cast %swap3A_385 : vector<16xi32> to vector<16xi32>
      %swap3A_387 = vector.shape_cast %add3A_383 : vector<16xi32> to vector<16xi32>
      tpu.vector_store %arg11[%swap3A_384], %swap3A_387 {strides = array<i32>} : memref<80xi32, #tpu.memory_space<vmem>>, vector<16xi32>,
      %swap3A_388 = arith.constant 48 : index
      %swap3A_389 = tpu.vector_load %arg15[%swap3A_388] {strides = array<i32>} : memref<80xi32, #tpu.memory_space<vmem>>, vector<16xi32>,
      %swap3A_390 = vector.shape_cast %swap3A_389 : vector<16xi32> to vector<16xi32>
      %swap3A_391 = vector.shape_cast %get3A_381 : vector<16xi32> to vector<16xi32>
      tpu.vector_store %arg15[%swap3A_388], %swap3A_391 {strides = array<i32>} : memref<80xi32, #tpu.memory_space<vmem>>, vector<16xi32>,
      %get3A_392 = arith.constant 48 : index
      %get3A_393 = tpu.vector_load %arg9[%get3A_392] {strides = array<i32>} : memref<80xi32, #tpu.memory_space<vmem>>, vector<16xi32>,
      %get3A_394 = vector.shape_cast %get3A_393 : vector<16xi32> to vector<16xi32>
      %swap3A_395 = arith.constant 48 : index
      %swap3A_396 = tpu.vector_load %arg13[%swap3A_395] {strides = array<i32>} : memref<80xi32, #tpu.memory_space<vmem>>, vector<16xi32>,
      %swap3A_397 = vector.shape_cast %swap3A_396 : vector<16xi32> to vector<16xi32>
      %swap3A_398 = vector.shape_cast %get3A_394 : vector<16xi32> to vector<16xi32>
      tpu.vector_store %arg13[%swap3A_395], %swap3A_398 {strides = array<i32>} : memref<80xi32, #tpu.memory_space<vmem>>, vector<16xi32>,
      %get3A_399 = arith.constant 64 : index
      %get3A_400 = tpu.vector_load %arg7[%get3A_399] {strides = array<i32>} : memref<80xi32, #tpu.memory_space<vmem>>, vector<16xi32>,
      %get3A_401 = vector.shape_cast %get3A_400 : vector<16xi32> to vector<16xi32>
      %add3A_402 = vector.broadcast %mul3A_2 : i32 to vector<16xi32>
      %add3A_403 = arith.addi %get3A_401, %add3A_402 : vector<16xi32>
      %swap3A_404 = arith.constant 64 : index
      %swap3A_405 = tpu.vector_load %arg11[%swap3A_404] {strides = array<i32>} : memref<80xi32, #tpu.memory_space<vmem>>, vector<16xi32>,
      %swap3A_406 = vector.shape_cast %swap3A_405 : vector<16xi32> to vector<16xi32>
      %swap3A_407 = vector.shape_cast %add3A_403 : vector<16xi32> to vector<16xi32>
      tpu.vector_store %arg11[%swap3A_404], %swap3A_407 {strides = array<i32>} : memref<80xi32, #tpu.memory_space<vmem>>, vector<16xi32>,
      %swap3A_408 = arith.constant 64 : index
      %swap3A_409 = tpu.vector_load %arg15[%swap3A_408] {strides = array<i32>} : memref<80xi32, #tpu.memory_space<vmem>>, vector<16xi32>,
      %swap3A_410 = vector.shape_cast %swap3A_409 : vector<16xi32> to vector<16xi32>
      %swap3A_411 = vector.shape_cast %get3A_401 : vector<16xi32> to vector<16xi32>
      tpu.vector_store %arg15[%swap3A_408], %swap3A_411 {strides = array<i32>} : memref<80xi32, #tpu.memory_space<vmem>>, vector<16xi32>,
      %get3A_412 = arith.constant 64 : index
      %get3A_413 = tpu.vector_load %arg9[%get3A_412] {strides = array<i32>} : memref<80xi32, #tpu.memory_space<vmem>>, vector<16xi32>,
      %get3A_414 = vector.shape_cast %get3A_413 : vector<16xi32> to vector<16xi32>
      %swap3A_415 = arith.constant 64 : index
      %swap3A_416 = tpu.vector_load %arg13[%swap3A_415] {strides = array<i32>} : memref<80xi32, #tpu.memory_space<vmem>>, vector<16xi32>,
      %swap3A_417 = vector.shape_cast %swap3A_416 : vector<16xi32> to vector<16xi32>
      %swap3A_418 = vector.shape_cast %get3A_414 : vector<16xi32> to vector<16xi32>
      tpu.vector_store %arg13[%swap3A_415], %swap3A_418 {strides = array<i32>} : memref<80xi32, #tpu.memory_space<vmem>>, vector<16xi32>,
      %lt3A = arith.constant 124 : i32
      %lt3A_419 = arith.cmpi slt, %scan3A_295, %lt3A : i32
      %convert_element_type3A_420 = arith.extui %lt3A_419 : i1 to i32
      %cond3A_421 = arith.constant 0 : i32
      %cond3A_422 = arith.cmpi ne, %convert_element_type3A_420, %cond3A_421 : i32
      scf.if %cond3A_422 {
        %add3A_585 = arith.constant 2 : i32
        %add3A_586 = arith.addi %add3A_299, %add3A_585 : i32
        %mul3A_587 = arith.constant 80 : i32
        %mul3A_588 = arith.muli %add3A_586, %mul3A_587 : i32
        %add3A_589 = arith.addi %multiple_of3A_248, %mul3A_588 : i32
        %multiple_of3A_590 = tpu.assume_multiple %add3A_589, 8 : i32
        %dma_start3A_591 = arith.constant 0 : i32
        %dma_start3A_592 = tpu.memref_slice %arg2[%dma_start3A_591, %multiple_of3A_590] : memref<2x320000xi32, #tpu.memory_space<hbm>> -> memref<1x80xi32, #tpu.memory_space<hbm>>
        %dma_start3A_593 = tpu.memref_squeeze %dma_start3A_592 : memref<1x80xi32, #tpu.memory_space<hbm>> -> memref<80xi32, #tpu.memory_space<hbm>>
        %dma_start3A_594 = tpu.memref_slice %arg2[%dma_start3A_591, %multiple_of3A_590] : memref<2x320000xi32, #tpu.memory_space<hbm>> -> memref<1x80xi32, #tpu.memory_space<hbm>>
        %dma_start3A_595 = tpu.memref_squeeze %dma_start3A_594 : memref<1x80xi32, #tpu.memory_space<hbm>> -> memref<80xi32, #tpu.memory_space<hbm>>
        tpu.enqueue_dma source(%dma_start3A_595 : memref<80xi32, #tpu.memory_space<hbm>>) target(%arg7 : memref<80xi32, #tpu.memory_space<vmem>>) target_semaphore(%arg25 : memref<!tpu.dma_semaphore, #tpu.memory_space<semaphore_mem>>)
        %add3A_596 = arith.constant 2 : i32
        %add3A_597 = arith.addi %add3A_299, %add3A_596 : i32
        %mul3A_598 = arith.constant 80 : i32
        %mul3A_599 = arith.muli %add3A_597, %mul3A_598 : i32
        %add3A_600 = arith.addi %multiple_of3A_248, %mul3A_599 : i32
        %multiple_of3A_601 = tpu.assume_multiple %add3A_600, 8 : i32
        %dma_start3A_602 = arith.constant 1 : i32
        %dma_start3A_603 = tpu.memref_slice %arg2[%dma_start3A_602, %multiple_of3A_601] : memref<2x320000xi32, #tpu.memory_space<hbm>> -> memref<1x80xi32, #tpu.memory_space<hbm>>
        %dma_start3A_604 = tpu.memref_squeeze %dma_start3A_603 : memref<1x80xi32, #tpu.memory_space<hbm>> -> memref<80xi32, #tpu.memory_space<hbm>>
        %dma_start3A_605 = tpu.memref_slice %arg2[%dma_start3A_602, %multiple_of3A_601] : memref<2x320000xi32, #tpu.memory_space<hbm>> -> memref<1x80xi32, #tpu.memory_space<hbm>>
        %dma_start3A_606 = tpu.memref_squeeze %dma_start3A_605 : memref<1x80xi32, #tpu.memory_space<hbm>> -> memref<80xi32, #tpu.memory_space<hbm>>
        tpu.enqueue_dma source(%dma_start3A_606 : memref<80xi32, #tpu.memory_space<hbm>>) target(%arg9 : memref<80xi32, #tpu.memory_space<vmem>>) target_semaphore(%arg27 : memref<!tpu.dma_semaphore, #tpu.memory_space<semaphore_mem>>)
      } else {
      }
      %dma_start3A_423 = arith.constant 0 : i32
      %dma_start3A_424 = arith.constant 0 : i32
      %dma_start3A_425 = tpu.memref_slice %arg3[%dma_start3A_423, %dma_start3A_424] : memref<20480x64xf32, #tpu.memory_space<hbm>> -> memref<20480x64xf32, #tpu.memory_space<hbm>>
      tpu.enqueue_indirect_dma source(%dma_start3A_425 : memref<20480x64xf32, #tpu.memory_space<hbm>>) target(%arg17 : memref<80x64xf32, #tpu.memory_space<vmem>>) offsets(%arg11 : memref<80xi32, #tpu.memory_space<vmem>>) semaphore(%arg29 : memref<!tpu.dma_semaphore, #tpu.memory_space<semaphore_mem>>)
      %dma_start3A_426 = arith.constant 0 : i32
      %dma_start3A_427 = tpu.memref_slice %arg4[%dma_start3A_426] : memref<10240xf32, #tpu.memory_space<hbm>> -> memref<10240xf32, #tpu.memory_space<hbm>>
      tpu.enqueue_indirect_dma source(%dma_start3A_427 : memref<10240xf32, #tpu.memory_space<hbm>>) target(%arg19 : memref<80xf32, #tpu.memory_space<vmem>>) offsets(%arg13 : memref<80xi32, #tpu.memory_space<vmem>>) semaphore(%arg31 : memref<!tpu.dma_semaphore, #tpu.memory_space<semaphore_mem>>)
      %mul3A_428 = arith.constant 2 : i32
      %mul3A_429 = arith.muli %scan3A_295, %mul3A_428 : i32
      %add3A_430 = arith.constant 1 : i32
      %add3A_431 = arith.addi %mul3A_429, %add3A_430 : i32
      %mul3A_432 = arith.constant 80 : i32
      %mul3A_433 = arith.muli %add3A_431, %mul3A_432 : i32
      %add3A_434 = arith.addi %multiple_of3A_248, %mul3A_433 : i32
      %multiple_of3A_435 = tpu.assume_multiple %add3A_434, 8 : i32
      %dma_wait3A_436 = arith.constant 0 : i32
      %dma_wait3A_437 = tpu.memref_slice %arg2[%dma_wait3A_436, %multiple_of3A_435] : memref<2x320000xi32, #tpu.memory_space<hbm>> -> memref<1x80xi32, #tpu.memory_space<hbm>>
      %dma_wait3A_438 = tpu.memref_squeeze %dma_wait3A_437 : memref<1x80xi32, #tpu.memory_space<hbm>> -> memref<80xi32, #tpu.memory_space<hbm>>
      %dma_wait3A_439 = tpu.memref_slice %arg2[%dma_wait3A_436, %multiple_of3A_435] : memref<2x320000xi32, #tpu.memory_space<hbm>> -> memref<1x80xi32, #tpu.memory_space<hbm>>
      %dma_wait3A_440 = tpu.memref_squeeze %dma_wait3A_439 : memref<1x80xi32, #tpu.memory_space<hbm>> -> memref<80xi32, #tpu.memory_space<hbm>>
      tpu.wait_dma2 semaphore(%arg26 : memref<!tpu.dma_semaphore, #tpu.memory_space<semaphore_mem>>) src(%dma_wait3A_440 : memref<80xi32, #tpu.memory_space<hbm>>) dst(%arg8 : memref<80xi32, #tpu.memory_space<vmem>>)
      %mul3A_441 = arith.constant 80 : i32
      %mul3A_442 = arith.muli %add3A_431, %mul3A_441 : i32
      %add3A_443 = arith.addi %multiple_of3A_248, %mul3A_442 : i32
      %multiple_of3A_444 = tpu.assume_multiple %add3A_443, 8 : i32
      %dma_wait3A_445 = arith.constant 1 : i32
      %dma_wait3A_446 = tpu.memref_slice %arg2[%dma_wait3A_445, %multiple_of3A_444] : memref<2x320000xi32, #tpu.memory_space<hbm>> -> memref<1x80xi32, #tpu.memory_space<hbm>>
      %dma_wait3A_447 = tpu.memref_squeeze %dma_wait3A_446 : memref<1x80xi32, #tpu.memory_space<hbm>> -> memref<80xi32, #tpu.memory_space<hbm>>
      %dma_wait3A_448 = tpu.memref_slice %arg2[%dma_wait3A_445, %multiple_of3A_444] : memref<2x320000xi32, #tpu.memory_space<hbm>> -> memref<1x80xi32, #tpu.memory_space<hbm>>
      %dma_wait3A_449 = tpu.memref_squeeze %dma_wait3A_448 : memref<1x80xi32, #tpu.memory_space<hbm>> -> memref<80xi32, #tpu.memory_space<hbm>>
      tpu.wait_dma2 semaphore(%arg28 : memref<!tpu.dma_semaphore, #tpu.memory_space<semaphore_mem>>) src(%dma_wait3A_449 : memref<80xi32, #tpu.memory_space<hbm>>) dst(%arg10 : memref<80xi32, #tpu.memory_space<vmem>>)
      %gt3A_450 = arith.constant 0 : i32
      %gt3A_451 = arith.cmpi sgt, %scan3A_295, %gt3A_450 : i32
      %convert_element_type3A_452 = arith.extui %gt3A_451 : i1 to i32
      %cond3A_453 = arith.constant 0 : i32
      %cond3A_454 = arith.cmpi ne, %convert_element_type3A_452, %cond3A_453 : i32
      scf.if %cond3A_454 {
        %dma_wait3A_585 = arith.constant 0 : i32
        %dma_wait3A_586 = arith.constant 0 : i32
        %dma_wait3A_587 = tpu.memref_slice %arg23[%dma_wait3A_585, %dma_wait3A_586] : memref<10240x64xf32, #tpu.memory_space<vmem_shared>> -> memref<10240x64xf32, #tpu.memory_space<vmem_shared>>
        tpu.wait_indirect_dma semaphore(%arg34 : memref<!tpu.dma_semaphore, #tpu.memory_space<semaphore_mem>>) src(%arg18 : memref<80x64xf32, #tpu.memory_space<vmem>>) dst(%dma_wait3A_587 : memref<10240x64xf32, #tpu.memory_space<vmem_shared>>)
        %dma_wait3A_588 = arith.constant 0 : i32
        %dma_wait3A_589 = tpu.memref_slice %arg24[%dma_wait3A_588] : memref<10240xf32, #tpu.memory_space<vmem_shared>> -> memref<10240xf32, #tpu.memory_space<vmem_shared>>
        tpu.wait_indirect_dma semaphore(%arg36 : memref<!tpu.dma_semaphore, #tpu.memory_space<semaphore_mem>>) src(%arg20 : memref<80xf32, #tpu.memory_space<vmem>>) dst(%dma_wait3A_589 : memref<10240xf32, #tpu.memory_space<vmem_shared>>)
      } else {
      }
      %get3A_455 = arith.constant 0 : index
      %get3A_456 = tpu.vector_load %arg8[%get3A_455] {strides = array<i32>} : memref<80xi32, #tpu.memory_space<vmem>>, vector<16xi32>,
      %get3A_457 = vector.shape_cast %get3A_456 : vector<16xi32> to vector<16xi32>
      %add3A_458 = vector.broadcast %mul3A_2 : i32 to vector<16xi32>
      %add3A_459 = arith.addi %get3A_457, %add3A_458 : vector<16xi32>
      %swap3A_460 = arith.constant 0 : index
      %swap3A_461 = tpu.vector_load %arg12[%swap3A_460] {strides = array<i32>} : memref<80xi32, #tpu.memory_space<vmem>>, vector<16xi32>,
      %swap3A_462 = vector.shape_cast %swap3A_461 : vector<16xi32> to vector<16xi32>
      %swap3A_463 = vector.shape_cast %add3A_459 : vector<16xi32> to vector<16xi32>
      tpu.vector_store %arg12[%swap3A_460], %swap3A_463 {strides = array<i32>} : memref<80xi32, #tpu.memory_space<vmem>>, vector<16xi32>,
      %swap3A_464 = arith.constant 0 : index
      %swap3A_465 = tpu.vector_load %arg16[%swap3A_464] {strides = array<i32>} : memref<80xi32, #tpu.memory_space<vmem>>, vector<16xi32>,
      %swap3A_466 = vector.shape_cast %swap3A_465 : vector<16xi32> to vector<16xi32>
      %swap3A_467 = vector.shape_cast %get3A_457 : vector<16xi32> to vector<16xi32>
      tpu.vector_store %arg16[%swap3A_464], %swap3A_467 {strides = array<i32>} : memref<80xi32, #tpu.memory_space<vmem>>, vector<16xi32>,
      %get3A_468 = arith.constant 0 : index
      %get3A_469 = tpu.vector_load %arg10[%get3A_468] {strides = array<i32>} : memref<80xi32, #tpu.memory_space<vmem>>, vector<16xi32>,
      %get3A_470 = vector.shape_cast %get3A_469 : vector<16xi32> to vector<16xi32>
      %swap3A_471 = arith.constant 0 : index
      %swap3A_472 = tpu.vector_load %arg14[%swap3A_471] {strides = array<i32>} : memref<80xi32, #tpu.memory_space<vmem>>, vector<16xi32>,
      %swap3A_473 = vector.shape_cast %swap3A_472 : vector<16xi32> to vector<16xi32>
      %swap3A_474 = vector.shape_cast %get3A_470 : vector<16xi32> to vector<16xi32>
      tpu.vector_store %arg14[%swap3A_471], %swap3A_474 {strides = array<i32>} : memref<80xi32, #tpu.memory_space<vmem>>, vector<16xi32>,
      %get3A_475 = arith.constant 16 : index
      %get3A_476 = tpu.vector_load %arg8[%get3A_475] {strides = array<i32>} : memref<80xi32, #tpu.memory_space<vmem>>, vector<16xi32>,
      %get3A_477 = vector.shape_cast %get3A_476 : vector<16xi32> to vector<16xi32>
      %add3A_478 = vector.broadcast %mul3A_2 : i32 to vector<16xi32>
      %add3A_479 = arith.addi %get3A_477, %add3A_478 : vector<16xi32>
      %swap3A_480 = arith.constant 16 : index
      %swap3A_481 = tpu.vector_load %arg12[%swap3A_480] {strides = array<i32>} : memref<80xi32, #tpu.memory_space<vmem>>, vector<16xi32>,
      %swap3A_482 = vector.shape_cast %swap3A_481 : vector<16xi32> to vector<16xi32>
      %swap3A_483 = vector.shape_cast %add3A_479 : vector<16xi32> to vector<16xi32>
      tpu.vector_store %arg12[%swap3A_480], %swap3A_483 {strides = array<i32>} : memref<80xi32, #tpu.memory_space<vmem>>, vector<16xi32>,
      %swap3A_484 = arith.constant 16 : index
      %swap3A_485 = tpu.vector_load %arg16[%swap3A_484] {strides = array<i32>} : memref<80xi32, #tpu.memory_space<vmem>>, vector<16xi32>,
      %swap3A_486 = vector.shape_cast %swap3A_485 : vector<16xi32> to vector<16xi32>
      %swap3A_487 = vector.shape_cast %get3A_477 : vector<16xi32> to vector<16xi32>
      tpu.vector_store %arg16[%swap3A_484], %swap3A_487 {strides = array<i32>} : memref<80xi32, #tpu.memory_space<vmem>>, vector<16xi32>,
      %get3A_488 = arith.constant 16 : index
      %get3A_489 = tpu.vector_load %arg10[%get3A_488] {strides = array<i32>} : memref<80xi32, #tpu.memory_space<vmem>>, vector<16xi32>,
      %get3A_490 = vector.shape_cast %get3A_489 : vector<16xi32> to vector<16xi32>
      %swap3A_491 = arith.constant 16 : index
      %swap3A_492 = tpu.vector_load %arg14[%swap3A_491] {strides = array<i32>} : memref<80xi32, #tpu.memory_space<vmem>>, vector<16xi32>,
      %swap3A_493 = vector.shape_cast %swap3A_492 : vector<16xi32> to vector<16xi32>
      %swap3A_494 = vector.shape_cast %get3A_490 : vector<16xi32> to vector<16xi32>
      tpu.vector_store %arg14[%swap3A_491], %swap3A_494 {strides = array<i32>} : memref<80xi32, #tpu.memory_space<vmem>>, vector<16xi32>,
      %get3A_495 = arith.constant 32 : index
      %get3A_496 = tpu.vector_load %arg8[%get3A_495] {strides = array<i32>} : memref<80xi32, #tpu.memory_space<vmem>>, vector<16xi32>,
      %get3A_497 = vector.shape_cast %get3A_496 : vector<16xi32> to vector<16xi32>
      %add3A_498 = vector.broadcast %mul3A_2 : i32 to vector<16xi32>
      %add3A_499 = arith.addi %get3A_497, %add3A_498 : vector<16xi32>
      %swap3A_500 = arith.constant 32 : index
      %swap3A_501 = tpu.vector_load %arg12[%swap3A_500] {strides = array<i32>} : memref<80xi32, #tpu.memory_space<vmem>>, vector<16xi32>,
      %swap3A_502 = vector.shape_cast %swap3A_501 : vector<16xi32> to vector<16xi32>
      %swap3A_503 = vector.shape_cast %add3A_499 : vector<16xi32> to vector<16xi32>
      tpu.vector_store %arg12[%swap3A_500], %swap3A_503 {strides = array<i32>} : memref<80xi32, #tpu.memory_space<vmem>>, vector<16xi32>,
      %swap3A_504 = arith.constant 32 : index
      %swap3A_505 = tpu.vector_load %arg16[%swap3A_504] {strides = array<i32>} : memref<80xi32, #tpu.memory_space<vmem>>, vector<16xi32>,
      %swap3A_506 = vector.shape_cast %swap3A_505 : vector<16xi32> to vector<16xi32>
      %swap3A_507 = vector.shape_cast %get3A_497 : vector<16xi32> to vector<16xi32>
      tpu.vector_store %arg16[%swap3A_504], %swap3A_507 {strides = array<i32>} : memref<80xi32, #tpu.memory_space<vmem>>, vector<16xi32>,
      %get3A_508 = arith.constant 32 : index
      %get3A_509 = tpu.vector_load %arg10[%get3A_508] {strides = array<i32>} : memref<80xi32, #tpu.memory_space<vmem>>, vector<16xi32>,
      %get3A_510 = vector.shape_cast %get3A_509 : vector<16xi32> to vector<16xi32>
      %swap3A_511 = arith.constant 32 : index
      %swap3A_512 = tpu.vector_load %arg14[%swap3A_511] {strides = array<i32>} : memref<80xi32, #tpu.memory_space<vmem>>, vector<16xi32>,
      %swap3A_513 = vector.shape_cast %swap3A_512 : vector<16xi32> to vector<16xi32>
      %swap3A_514 = vector.shape_cast %get3A_510 : vector<16xi32> to vector<16xi32>
      tpu.vector_store %arg14[%swap3A_511], %swap3A_514 {strides = array<i32>} : memref<80xi32, #tpu.memory_space<vmem>>, vector<16xi32>,
      %get3A_515 = arith.constant 48 : index
      %get3A_516 = tpu.vector_load %arg8[%get3A_515] {strides = array<i32>} : memref<80xi32, #tpu.memory_space<vmem>>, vector<16xi32>,
      %get3A_517 = vector.shape_cast %get3A_516 : vector<16xi32> to vector<16xi32>
      %add3A_518 = vector.broadcast %mul3A_2 : i32 to vector<16xi32>
      %add3A_519 = arith.addi %get3A_517, %add3A_518 : vector<16xi32>
      %swap3A_520 = arith.constant 48 : index
      %swap3A_521 = tpu.vector_load %arg12[%swap3A_520] {strides = array<i32>} : memref<80xi32, #tpu.memory_space<vmem>>, vector<16xi32>,
      %swap3A_522 = vector.shape_cast %swap3A_521 : vector<16xi32> to vector<16xi32>
      %swap3A_523 = vector.shape_cast %add3A_519 : vector<16xi32> to vector<16xi32>
      tpu.vector_store %arg12[%swap3A_520], %swap3A_523 {strides = array<i32>} : memref<80xi32, #tpu.memory_space<vmem>>, vector<16xi32>,
      %swap3A_524 = arith.constant 48 : index
      %swap3A_525 = tpu.vector_load %arg16[%swap3A_524] {strides = array<i32>} : memref<80xi32, #tpu.memory_space<vmem>>, vector<16xi32>,
      %swap3A_526 = vector.shape_cast %swap3A_525 : vector<16xi32> to vector<16xi32>
      %swap3A_527 = vector.shape_cast %get3A_517 : vector<16xi32> to vector<16xi32>
      tpu.vector_store %arg16[%swap3A_524], %swap3A_527 {strides = array<i32>} : memref<80xi32, #tpu.memory_space<vmem>>, vector<16xi32>,
      %get3A_528 = arith.constant 48 : index
      %get3A_529 = tpu.vector_load %arg10[%get3A_528] {strides = array<i32>} : memref<80xi32, #tpu.memory_space<vmem>>, vector<16xi32>,
      %get3A_530 = vector.shape_cast %get3A_529 : vector<16xi32> to vector<16xi32>
      %swap3A_531 = arith.constant 48 : index
      %swap3A_532 = tpu.vector_load %arg14[%swap3A_531] {strides = array<i32>} : memref<80xi32, #tpu.memory_space<vmem>>, vector<16xi32>,
      %swap3A_533 = vector.shape_cast %swap3A_532 : vector<16xi32> to vector<16xi32>
      %swap3A_534 = vector.shape_cast %get3A_530 : vector<16xi32> to vector<16xi32>
      tpu.vector_store %arg14[%swap3A_531], %swap3A_534 {strides = array<i32>} : memref<80xi32, #tpu.memory_space<vmem>>, vector<16xi32>,
      %get3A_535 = arith.constant 64 : index
      %get3A_536 = tpu.vector_load %arg8[%get3A_535] {strides = array<i32>} : memref<80xi32, #tpu.memory_space<vmem>>, vector<16xi32>,
      %get3A_537 = vector.shape_cast %get3A_536 : vector<16xi32> to vector<16xi32>
      %add3A_538 = vector.broadcast %mul3A_2 : i32 to vector<16xi32>
      %add3A_539 = arith.addi %get3A_537, %add3A_538 : vector<16xi32>
      %swap3A_540 = arith.constant 64 : index
      %swap3A_541 = tpu.vector_load %arg12[%swap3A_540] {strides = array<i32>} : memref<80xi32, #tpu.memory_space<vmem>>, vector<16xi32>,
      %swap3A_542 = vector.shape_cast %swap3A_541 : vector<16xi32> to vector<16xi32>
      %swap3A_543 = vector.shape_cast %add3A_539 : vector<16xi32> to vector<16xi32>
      tpu.vector_store %arg12[%swap3A_540], %swap3A_543 {strides = array<i32>} : memref<80xi32, #tpu.memory_space<vmem>>, vector<16xi32>,
      %swap3A_544 = arith.constant 64 : index
      %swap3A_545 = tpu.vector_load %arg16[%swap3A_544] {strides = array<i32>} : memref<80xi32, #tpu.memory_space<vmem>>, vector<16xi32>,
      %swap3A_546 = vector.shape_cast %swap3A_545 : vector<16xi32> to vector<16xi32>
      %swap3A_547 = vector.shape_cast %get3A_537 : vector<16xi32> to vector<16xi32>
      tpu.vector_store %arg16[%swap3A_544], %swap3A_547 {strides = array<i32>} : memref<80xi32, #tpu.memory_space<vmem>>, vector<16xi32>,
      %get3A_548 = arith.constant 64 : index
      %get3A_549 = tpu.vector_load %arg10[%get3A_548] {strides = array<i32>} : memref<80xi32, #tpu.memory_space<vmem>>, vector<16xi32>,
      %get3A_550 = vector.shape_cast %get3A_549 : vector<16xi32> to vector<16xi32>
      %swap3A_551 = arith.constant 64 : index
      %swap3A_552 = tpu.vector_load %arg14[%swap3A_551] {strides = array<i32>} : memref<80xi32, #tpu.memory_space<vmem>>, vector<16xi32>,
      %swap3A_553 = vector.shape_cast %swap3A_552 : vector<16xi32> to vector<16xi32>
      %swap3A_554 = vector.shape_cast %get3A_550 : vector<16xi32> to vector<16xi32>
      tpu.vector_store %arg14[%swap3A_551], %swap3A_554 {strides = array<i32>} : memref<80xi32, #tpu.memory_space<vmem>>, vector<16xi32>,
      %lt3A_555 = arith.constant 124 : i32
      %lt3A_556 = arith.cmpi slt, %scan3A_295, %lt3A_555 : i32
      %convert_element_type3A_557 = arith.extui %lt3A_556 : i1 to i32
      %cond3A_558 = arith.constant 0 : i32
      %cond3A_559 = arith.cmpi ne, %convert_element_type3A_557, %cond3A_558 : i32
      scf.if %cond3A_559 {
        %add3A_585 = arith.constant 2 : i32
        %add3A_586 = arith.addi %add3A_431, %add3A_585 : i32
        %mul3A_587 = arith.constant 80 : i32
        %mul3A_588 = arith.muli %add3A_586, %mul3A_587 : i32
        %add3A_589 = arith.addi %multiple_of3A_248, %mul3A_588 : i32
        %multiple_of3A_590 = tpu.assume_multiple %add3A_589, 8 : i32
        %dma_start3A_591 = arith.constant 0 : i32
        %dma_start3A_592 = tpu.memref_slice %arg2[%dma_start3A_591, %multiple_of3A_590] : memref<2x320000xi32, #tpu.memory_space<hbm>> -> memref<1x80xi32, #tpu.memory_space<hbm>>
        %dma_start3A_593 = tpu.memref_squeeze %dma_start3A_592 : memref<1x80xi32, #tpu.memory_space<hbm>> -> memref<80xi32, #tpu.memory_space<hbm>>
        %dma_start3A_594 = tpu.memref_slice %arg2[%dma_start3A_591, %multiple_of3A_590] : memref<2x320000xi32, #tpu.memory_space<hbm>> -> memref<1x80xi32, #tpu.memory_space<hbm>>
        %dma_start3A_595 = tpu.memref_squeeze %dma_start3A_594 : memref<1x80xi32, #tpu.memory_space<hbm>> -> memref<80xi32, #tpu.memory_space<hbm>>
        tpu.enqueue_dma source(%dma_start3A_595 : memref<80xi32, #tpu.memory_space<hbm>>) target(%arg8 : memref<80xi32, #tpu.memory_space<vmem>>) target_semaphore(%arg26 : memref<!tpu.dma_semaphore, #tpu.memory_space<semaphore_mem>>)
        %add3A_596 = arith.constant 2 : i32
        %add3A_597 = arith.addi %add3A_431, %add3A_596 : i32
        %mul3A_598 = arith.constant 80 : i32
        %mul3A_599 = arith.muli %add3A_597, %mul3A_598 : i32
        %add3A_600 = arith.addi %multiple_of3A_248, %mul3A_599 : i32
        %multiple_of3A_601 = tpu.assume_multiple %add3A_600, 8 : i32
        %dma_start3A_602 = arith.constant 1 : i32
        %dma_start3A_603 = tpu.memref_slice %arg2[%dma_start3A_602, %multiple_of3A_601] : memref<2x320000xi32, #tpu.memory_space<hbm>> -> memref<1x80xi32, #tpu.memory_space<hbm>>
        %dma_start3A_604 = tpu.memref_squeeze %dma_start3A_603 : memref<1x80xi32, #tpu.memory_space<hbm>> -> memref<80xi32, #tpu.memory_space<hbm>>
        %dma_start3A_605 = tpu.memref_slice %arg2[%dma_start3A_602, %multiple_of3A_601] : memref<2x320000xi32, #tpu.memory_space<hbm>> -> memref<1x80xi32, #tpu.memory_space<hbm>>
        %dma_start3A_606 = tpu.memref_squeeze %dma_start3A_605 : memref<1x80xi32, #tpu.memory_space<hbm>> -> memref<80xi32, #tpu.memory_space<hbm>>
        tpu.enqueue_dma source(%dma_start3A_606 : memref<80xi32, #tpu.memory_space<hbm>>) target(%arg10 : memref<80xi32, #tpu.memory_space<vmem>>) target_semaphore(%arg28 : memref<!tpu.dma_semaphore, #tpu.memory_space<semaphore_mem>>)
      } else {
      }
      %dma_start3A_560 = arith.constant 0 : i32
      %dma_start3A_561 = arith.constant 0 : i32
      %dma_start3A_562 = tpu.memref_slice %arg3[%dma_start3A_560, %dma_start3A_561] : memref<20480x64xf32, #tpu.memory_space<hbm>> -> memref<20480x64xf32, #tpu.memory_space<hbm>>
      tpu.enqueue_indirect_dma source(%dma_start3A_562 : memref<20480x64xf32, #tpu.memory_space<hbm>>) target(%arg18 : memref<80x64xf32, #tpu.memory_space<vmem>>) offsets(%arg12 : memref<80xi32, #tpu.memory_space<vmem>>) semaphore(%arg30 : memref<!tpu.dma_semaphore, #tpu.memory_space<semaphore_mem>>)
      %dma_start3A_563 = arith.constant 0 : i32
      %dma_start3A_564 = tpu.memref_slice %arg4[%dma_start3A_563] : memref<10240xf32, #tpu.memory_space<hbm>> -> memref<10240xf32, #tpu.memory_space<hbm>>
      tpu.enqueue_indirect_dma source(%dma_start3A_564 : memref<10240xf32, #tpu.memory_space<hbm>>) target(%arg20 : memref<80xf32, #tpu.memory_space<vmem>>) offsets(%arg14 : memref<80xi32, #tpu.memory_space<vmem>>) semaphore(%arg32 : memref<!tpu.dma_semaphore, #tpu.memory_space<semaphore_mem>>)
      %dma_wait3A_565 = arith.constant 0 : i32
      %dma_wait3A_566 = arith.constant 0 : i32
      %dma_wait3A_567 = tpu.memref_slice %arg3[%dma_wait3A_565, %dma_wait3A_566] : memref<20480x64xf32, #tpu.memory_space<hbm>> -> memref<20480x64xf32, #tpu.memory_space<hbm>>
      tpu.wait_indirect_dma semaphore(%arg29 : memref<!tpu.dma_semaphore, #tpu.memory_space<semaphore_mem>>) src(%dma_wait3A_567 : memref<20480x64xf32, #tpu.memory_space<hbm>>) dst(%arg17 : memref<80x64xf32, #tpu.memory_space<vmem>>)
      %dma_start3A_568 = arith.constant 0 : i32
      %dma_start3A_569 = arith.constant 0 : i32
      %dma_start3A_570 = tpu.memref_slice %arg23[%dma_start3A_568, %dma_start3A_569] : memref<10240x64xf32, #tpu.memory_space<vmem_shared>> -> memref<10240x64xf32, #tpu.memory_space<vmem_shared>>
      tpu.enqueue_indirect_dma source(%arg17 : memref<80x64xf32, #tpu.memory_space<vmem>>) target(%dma_start3A_570 : memref<10240x64xf32, #tpu.memory_space<vmem_shared>>) offsets(%arg13 : memref<80xi32, #tpu.memory_space<vmem>>) semaphore(%arg33 : memref<!tpu.dma_semaphore, #tpu.memory_space<semaphore_mem>>) {add = true}
      %dma_wait3A_571 = arith.constant 0 : i32
      %dma_wait3A_572 = tpu.memref_slice %arg4[%dma_wait3A_571] : memref<10240xf32, #tpu.memory_space<hbm>> -> memref<10240xf32, #tpu.memory_space<hbm>>
      tpu.wait_indirect_dma semaphore(%arg31 : memref<!tpu.dma_semaphore, #tpu.memory_space<semaphore_mem>>) src(%dma_wait3A_572 : memref<10240xf32, #tpu.memory_space<hbm>>) dst(%arg19 : memref<80xf32, #tpu.memory_space<vmem>>)
      %dma_start3A_573 = arith.constant 0 : i32
      %dma_start3A_574 = tpu.memref_slice %arg24[%dma_start3A_573] : memref<10240xf32, #tpu.memory_space<vmem_shared>> -> memref<10240xf32, #tpu.memory_space<vmem_shared>>
      tpu.enqueue_indirect_dma source(%arg19 : memref<80xf32, #tpu.memory_space<vmem>>) target(%dma_start3A_574 : memref<10240xf32, #tpu.memory_space<vmem_shared>>) offsets(%arg15 : memref<80xi32, #tpu.memory_space<vmem>>) semaphore(%arg35 : memref<!tpu.dma_semaphore, #tpu.memory_space<semaphore_mem>>) {add = true}
      %dma_wait3A_575 = arith.constant 0 : i32
      %dma_wait3A_576 = arith.constant 0 : i32
      %dma_wait3A_577 = tpu.memref_slice %arg3[%dma_wait3A_575, %dma_wait3A_576] : memref<20480x64xf32, #tpu.memory_space<hbm>> -> memref<20480x64xf32, #tpu.memory_space<hbm>>
      tpu.wait_indirect_dma semaphore(%arg30 : memref<!tpu.dma_semaphore, #tpu.memory_space<semaphore_mem>>) src(%dma_wait3A_577 : memref<20480x64xf32, #tpu.memory_space<hbm>>) dst(%arg18 : memref<80x64xf32, #tpu.memory_space<vmem>>)
      %dma_start3A_578 = arith.constant 0 : i32
      %dma_start3A_579 = arith.constant 0 : i32
      %dma_start3A_580 = tpu.memref_slice %arg23[%dma_start3A_578, %dma_start3A_579] : memref<10240x64xf32, #tpu.memory_space<vmem_shared>> -> memref<10240x64xf32, #tpu.memory_space<vmem_shared>>
      tpu.enqueue_indirect_dma source(%arg18 : memref<80x64xf32, #tpu.memory_space<vmem>>) target(%dma_start3A_580 : memref<10240x64xf32, #tpu.memory_space<vmem_shared>>) offsets(%arg14 : memref<80xi32, #tpu.memory_space<vmem>>) semaphore(%arg34 : memref<!tpu.dma_semaphore, #tpu.memory_space<semaphore_mem>>) {add = true}
      %dma_wait3A_581 = arith.constant 0 : i32
      %dma_wait3A_582 = tpu.memref_slice %arg4[%dma_wait3A_581] : memref<10240xf32, #tpu.memory_space<hbm>> -> memref<10240xf32, #tpu.memory_space<hbm>>
      tpu.wait_indirect_dma semaphore(%arg32 : memref<!tpu.dma_semaphore, #tpu.memory_space<semaphore_mem>>) src(%dma_wait3A_582 : memref<10240xf32, #tpu.memory_space<hbm>>) dst(%arg20 : memref<80xf32, #tpu.memory_space<vmem>>)
      %dma_start3A_583 = arith.constant 0 : i32
      %dma_start3A_584 = tpu.memref_slice %arg24[%dma_start3A_583] : memref<10240xf32, #tpu.memory_space<vmem_shared>> -> memref<10240xf32, #tpu.memory_space<vmem_shared>>
      tpu.enqueue_indirect_dma source(%arg20 : memref<80xf32, #tpu.memory_space<vmem>>) target(%dma_start3A_584 : memref<10240xf32, #tpu.memory_space<vmem_shared>>) offsets(%arg16 : memref<80xi32, #tpu.memory_space<vmem>>) semaphore(%arg36 : memref<!tpu.dma_semaphore, #tpu.memory_space<semaphore_mem>>) {add = true}
    }
    %scan3A_284 = arith.constant 125 : i32
    %dma_wait3A = arith.constant 0 : i32
    %dma_wait3A_285 = arith.constant 0 : i32
    %dma_wait3A_286 = tpu.memref_slice %arg23[%dma_wait3A, %dma_wait3A_285] : memref<10240x64xf32, #tpu.memory_space<vmem_shared>> -> memref<10240x64xf32, #tpu.memory_space<vmem_shared>>
    tpu.wait_indirect_dma semaphore(%arg33 : memref<!tpu.dma_semaphore, #tpu.memory_space<semaphore_mem>>) src(%arg17 : memref<80x64xf32, #tpu.memory_space<vmem>>) dst(%dma_wait3A_286 : memref<10240x64xf32, #tpu.memory_space<vmem_shared>>)
    %dma_wait3A_287 = arith.constant 0 : i32
    %dma_wait3A_288 = tpu.memref_slice %arg24[%dma_wait3A_287] : memref<10240xf32, #tpu.memory_space<vmem_shared>> -> memref<10240xf32, #tpu.memory_space<vmem_shared>>
    tpu.wait_indirect_dma semaphore(%arg35 : memref<!tpu.dma_semaphore, #tpu.memory_space<semaphore_mem>>) src(%arg19 : memref<80xf32, #tpu.memory_space<vmem>>) dst(%dma_wait3A_288 : memref<10240xf32, #tpu.memory_space<vmem_shared>>)
    %dma_wait3A_289 = arith.constant 0 : i32
    %dma_wait3A_290 = arith.constant 0 : i32
    %dma_wait3A_291 = tpu.memref_slice %arg23[%dma_wait3A_289, %dma_wait3A_290] : memref<10240x64xf32, #tpu.memory_space<vmem_shared>> -> memref<10240x64xf32, #tpu.memory_space<vmem_shared>>
    tpu.wait_indirect_dma semaphore(%arg34 : memref<!tpu.dma_semaphore, #tpu.memory_space<semaphore_mem>>) src(%arg18 : memref<80x64xf32, #tpu.memory_space<vmem>>) dst(%dma_wait3A_291 : memref<10240x64xf32, #tpu.memory_space<vmem_shared>>)
    %dma_wait3A_292 = arith.constant 0 : i32
    %dma_wait3A_293 = tpu.memref_slice %arg24[%dma_wait3A_292] : memref<10240xf32, #tpu.memory_space<vmem_shared>> -> memref<10240xf32, #tpu.memory_space<vmem_shared>>
    tpu.wait_indirect_dma semaphore(%arg36 : memref<!tpu.dma_semaphore, #tpu.memory_space<semaphore_mem>>) src(%arg20 : memref<80xf32, #tpu.memory_space<vmem>>) dst(%dma_wait3A_293 : memref<10240xf32, #tpu.memory_space<vmem_shared>>)
    %barrier3A_294 = arith.constant 0 : index
    tpu.barrier barrier_id(%barrier3A_294)
    "tpu.region"() ({
      %run_scoped3A = tpu.sem_alloc : memref<!tpu.dma_semaphore, #tpu.memory_space<semaphore_mem>>
      %dma_start3A_295 = arith.constant 0 : i32
      %dma_start3A_296 = tpu.memref_slice %arg23[%multiple_of3A, %dma_start3A_295] : memref<10240x64xf32, #tpu.memory_space<vmem_shared>> -> memref<640x64xf32, #tpu.memory_space<vmem_shared>>
      %dma_start3A_297 = arith.constant 0 : i32
      %dma_start3A_298 = tpu.memref_slice %arg23[%multiple_of3A, %dma_start3A_297] : memref<10240x64xf32, #tpu.memory_space<vmem_shared>> -> memref<640x64xf32, #tpu.memory_space<vmem_shared>>
      tpu.enqueue_dma source(%dma_start3A_298 : memref<640x64xf32, #tpu.memory_space<vmem_shared>>) target(%arg21 : memref<640x64xf32, #tpu.memory_space<vmem>>) target_semaphore(%run_scoped3A : memref<!tpu.dma_semaphore, #tpu.memory_space<semaphore_mem>>)
      %dma_wait3A_299 = arith.constant 0 : i32
      %dma_wait3A_300 = tpu.memref_slice %arg23[%multiple_of3A, %dma_wait3A_299] : memref<10240x64xf32, #tpu.memory_space<vmem_shared>> -> memref<640x64xf32, #tpu.memory_space<vmem_shared>>
      %dma_wait3A_301 = arith.constant 0 : i32
      %dma_wait3A_302 = tpu.memref_slice %arg23[%multiple_of3A, %dma_wait3A_301] : memref<10240x64xf32, #tpu.memory_space<vmem_shared>> -> memref<640x64xf32, #tpu.memory_space<vmem_shared>>
      tpu.wait_dma2 semaphore(%run_scoped3A : memref<!tpu.dma_semaphore, #tpu.memory_space<semaphore_mem>>) src(%dma_wait3A_302 : memref<640x64xf32, #tpu.memory_space<vmem_shared>>) dst(%arg21 : memref<640x64xf32, #tpu.memory_space<vmem>>)
      tpu.yield
    }) : () -> ()
    "tpu.region"() ({
      %run_scoped3A = tpu.sem_alloc : memref<!tpu.dma_semaphore, #tpu.memory_space<semaphore_mem>>
      %dma_start3A_295 = arith.constant 0 : i32
      %dma_start3A_296 = tpu.memref_slice %arg5[%arg0, %multiple_of3A, %dma_start3A_295] : memref<2x10240x64xf32, #tpu.memory_space<hbm>> -> memref<1x640x64xf32, #tpu.memory_space<hbm>>
      %dma_start3A_297 = tpu.memref_squeeze %dma_start3A_296 : memref<1x640x64xf32, #tpu.memory_space<hbm>> -> memref<640x64xf32, #tpu.memory_space<hbm>>
      %dma_start3A_298 = arith.constant 0 : i32
      %dma_start3A_299 = tpu.memref_slice %arg5[%arg0, %multiple_of3A, %dma_start3A_298] : memref<2x10240x64xf32, #tpu.memory_space<hbm>> -> memref<1x640x64xf32, #tpu.memory_space<hbm>>
      %dma_start3A_300 = tpu.memref_squeeze %dma_start3A_299 : memref<1x640x64xf32, #tpu.memory_space<hbm>> -> memref<640x64xf32, #tpu.memory_space<hbm>>
      tpu.enqueue_dma source(%arg21 : memref<640x64xf32, #tpu.memory_space<vmem>>) target(%dma_start3A_300 : memref<640x64xf32, #tpu.memory_space<hbm>>) target_semaphore(%run_scoped3A : memref<!tpu.dma_semaphore, #tpu.memory_space<semaphore_mem>>)
      %dma_wait3A_301 = arith.constant 0 : i32
      %dma_wait3A_302 = tpu.memref_slice %arg5[%arg0, %multiple_of3A, %dma_wait3A_301] : memref<2x10240x64xf32, #tpu.memory_space<hbm>> -> memref<1x640x64xf32, #tpu.memory_space<hbm>>
      %dma_wait3A_303 = tpu.memref_squeeze %dma_wait3A_302 : memref<1x640x64xf32, #tpu.memory_space<hbm>> -> memref<640x64xf32, #tpu.memory_space<hbm>>
      %dma_wait3A_304 = arith.constant 0 : i32
      %dma_wait3A_305 = tpu.memref_slice %arg5[%arg0, %multiple_of3A, %dma_wait3A_304] : memref<2x10240x64xf32, #tpu.memory_space<hbm>> -> memref<1x640x64xf32, #tpu.memory_space<hbm>>
      %dma_wait3A_306 = tpu.memref_squeeze %dma_wait3A_305 : memref<1x640x64xf32, #tpu.memory_space<hbm>> -> memref<640x64xf32, #tpu.memory_space<hbm>>
      tpu.wait_dma2 semaphore(%run_scoped3A : memref<!tpu.dma_semaphore, #tpu.memory_space<semaphore_mem>>) src(%arg21 : memref<640x64xf32, #tpu.memory_space<vmem>>) dst(%dma_wait3A_306 : memref<640x64xf32, #tpu.memory_space<hbm>>)
      tpu.yield
    }) : () -> ()
    "tpu.region"() ({
      %run_scoped3A = tpu.sem_alloc : memref<!tpu.dma_semaphore, #tpu.memory_space<semaphore_mem>>
      %dma_start3A_295 = tpu.memref_slice %arg24[%multiple_of3A] : memref<10240xf32, #tpu.memory_space<vmem_shared>> -> memref<640xf32, #tpu.memory_space<vmem_shared>>
      %dma_start3A_296 = tpu.memref_slice %arg24[%multiple_of3A] : memref<10240xf32, #tpu.memory_space<vmem_shared>> -> memref<640xf32, #tpu.memory_space<vmem_shared>>
      tpu.enqueue_dma source(%dma_start3A_296 : memref<640xf32, #tpu.memory_space<vmem_shared>>) target(%arg22 : memref<640xf32, #tpu.memory_space<vmem>>) target_semaphore(%run_scoped3A : memref<!tpu.dma_semaphore, #tpu.memory_space<semaphore_mem>>)
      %dma_wait3A_297 = tpu.memref_slice %arg24[%multiple_of3A] : memref<10240xf32, #tpu.memory_space<vmem_shared>> -> memref<640xf32, #tpu.memory_space<vmem_shared>>
      %dma_wait3A_298 = tpu.memref_slice %arg24[%multiple_of3A] : memref<10240xf32, #tpu.memory_space<vmem_shared>> -> memref<640xf32, #tpu.memory_space<vmem_shared>>
      tpu.wait_dma2 semaphore(%run_scoped3A : memref<!tpu.dma_semaphore, #tpu.memory_space<semaphore_mem>>) src(%dma_wait3A_298 : memref<640xf32, #tpu.memory_space<vmem_shared>>) dst(%arg22 : memref<640xf32, #tpu.memory_space<vmem>>)
      tpu.yield
    }) : () -> ()
    "tpu.region"() ({
      %run_scoped3A = tpu.sem_alloc : memref<!tpu.dma_semaphore, #tpu.memory_space<semaphore_mem>>
      %dma_start3A_295 = tpu.memref_slice %arg6[%arg0, %multiple_of3A] : memref<2x10240xf32, #tpu.memory_space<hbm>> -> memref<1x640xf32, #tpu.memory_space<hbm>>
      %dma_start3A_296 = tpu.memref_squeeze %dma_start3A_295 : memref<1x640xf32, #tpu.memory_space<hbm>> -> memref<640xf32, #tpu.memory_space<hbm>>
      %dma_start3A_297 = tpu.memref_slice %arg6[%arg0, %multiple_of3A] : memref<2x10240xf32, #tpu.memory_space<hbm>> -> memref<1x640xf32, #tpu.memory_space<hbm>>
      %dma_start3A_298 = tpu.memref_squeeze %dma_start3A_297 : memref<1x640xf32, #tpu.memory_space<hbm>> -> memref<640xf32, #tpu.memory_space<hbm>>
      tpu.enqueue_dma source(%arg22 : memref<640xf32, #tpu.memory_space<vmem>>) target(%dma_start3A_298 : memref<640xf32, #tpu.memory_space<hbm>>) target_semaphore(%run_scoped3A : memref<!tpu.dma_semaphore, #tpu.memory_space<semaphore_mem>>)
      %dma_wait3A_299 = tpu.memref_slice %arg6[%arg0, %multiple_of3A] : memref<2x10240xf32, #tpu.memory_space<hbm>> -> memref<1x640xf32, #tpu.memory_space<hbm>>
      %dma_wait3A_300 = tpu.memref_squeeze %dma_wait3A_299 : memref<1x640xf32, #tpu.memory_space<hbm>> -> memref<640xf32, #tpu.memory_space<hbm>>
      %dma_wait3A_301 = tpu.memref_slice %arg6[%arg0, %multiple_of3A] : memref<2x10240xf32, #tpu.memory_space<hbm>> -> memref<1x640xf32, #tpu.memory_space<hbm>>
      %dma_wait3A_302 = tpu.memref_squeeze %dma_wait3A_301 : memref<1x640xf32, #tpu.memory_space<hbm>> -> memref<640xf32, #tpu.memory_space<hbm>>
      tpu.wait_dma2 semaphore(%run_scoped3A : memref<!tpu.dma_semaphore, #tpu.memory_space<semaphore_mem>>) src(%arg22 : memref<640xf32, #tpu.memory_space<vmem>>) dst(%dma_wait3A_302 : memref<640xf32, #tpu.memory_space<hbm>>)
      tpu.yield
    }) : () -> ()
    return
  }
}

#map = affine_map<(d0, d1) -> (0, 0, 0)>
#map1 = affine_map<(d0, d1) -> (0, 0)>
#map2 = affine_map<(d0, d1) -> (0)>
module attributes {stable_mosaic.version = 14 : i64} {
  func.func @_sc_reduce(%arg0: i32, %arg1: i32, %arg2: memref<2x10240x64xf32, #tpu.memory_space<hbm>>, %arg3: memref<2x10240xf32, #tpu.memory_space<hbm>>, %arg4: memref<20480x64xf32, #tpu.memory_space<hbm>>, %arg5: memref<10240xf32, #tpu.memory_space<hbm>>, %arg6: memref<128xf32, #tpu.memory_space<hbm>>, %arg7: memref<2x16x64xf32, #tpu.memory_space<hbm>>, %arg8: memref<640x64xf32, #tpu.memory_space<vmem>>, %arg9: memref<640x64xf32, #tpu.memory_space<vmem>>, %arg10: memref<640xf32, #tpu.memory_space<vmem>>, %arg11: memref<640xf32, #tpu.memory_space<vmem>>, %arg12: memref<64xf32, #tpu.memory_space<vmem>>, %arg13: memref<64xf32, #tpu.memory_space<vmem>>, %arg14: memref<!tpu.dma_semaphore, #tpu.memory_space<semaphore_mem>>, %arg15: memref<!tpu.dma_semaphore, #tpu.memory_space<semaphore_mem>>, %arg16: memref<!tpu.dma_semaphore, #tpu.memory_space<semaphore_mem>>, %arg17: memref<!tpu.dma_semaphore, #tpu.memory_space<semaphore_mem>>) attributes {dimension_semantics = [#tpu.dimension_semantics<core_parallel>, #tpu.dimension_semantics<subcore_parallel>], iteration_bounds = array<i64: 2, 16>, scalar_prefetch = 0 : i64, scratch_operands = 10 : i64, tpu.core_type = #tpu.core_type<sc_vector_subcore>, window_params = [{transform_indices = #map}, {transform_indices = #map1}, {transform_indices = #map1}, {transform_indices = #map2}, {transform_indices = #map2}, {transform_indices = #map}]} {
    %mul3A = arith.constant 640 : i32
    %mul3A_0 = arith.muli %arg1, %mul3A : i32
    %multiple_of3A = tpu.assume_multiple %mul3A_0, 8 : i32
    %mul3A_1 = arith.constant 10240 : i32
    %mul3A_2 = arith.muli %arg0, %mul3A_1 : i32
    %add3A = arith.addi %mul3A_2, %multiple_of3A : i32
    %multiple_of3A_3 = tpu.assume_multiple %add3A, 8 : i32
    %mul3A_4 = arith.constant 64 : i32
    %mul3A_5 = arith.muli %arg0, %mul3A_4 : i32
    %multiple_of3A_6 = tpu.assume_multiple %mul3A_5, 8 : i32
    %dma_start3A = arith.constant 0 : i32
    %dma_start3A_7 = tpu.memref_slice %arg2[%arg0, %multiple_of3A, %dma_start3A] : memref<2x10240x64xf32, #tpu.memory_space<hbm>> -> memref<1x640x64xf32, #tpu.memory_space<hbm>>
    %dma_start3A_8 = tpu.memref_squeeze %dma_start3A_7 : memref<1x640x64xf32, #tpu.memory_space<hbm>> -> memref<640x64xf32, #tpu.memory_space<hbm>>
    %dma_start3A_9 = arith.constant 0 : i32
    %dma_start3A_10 = tpu.memref_slice %arg2[%arg0, %multiple_of3A, %dma_start3A_9] : memref<2x10240x64xf32, #tpu.memory_space<hbm>> -> memref<1x640x64xf32, #tpu.memory_space<hbm>>
    %dma_start3A_11 = tpu.memref_squeeze %dma_start3A_10 : memref<1x640x64xf32, #tpu.memory_space<hbm>> -> memref<640x64xf32, #tpu.memory_space<hbm>>
    tpu.enqueue_dma source(%dma_start3A_11 : memref<640x64xf32, #tpu.memory_space<hbm>>) target(%arg8 : memref<640x64xf32, #tpu.memory_space<vmem>>) target_semaphore(%arg14 : memref<!tpu.dma_semaphore, #tpu.memory_space<semaphore_mem>>)
    %dma_start3A_12 = arith.constant 0 : i32
    %dma_start3A_13 = tpu.memref_slice %arg4[%multiple_of3A_3, %dma_start3A_12] : memref<20480x64xf32, #tpu.memory_space<hbm>> -> memref<640x64xf32, #tpu.memory_space<hbm>>
    %dma_start3A_14 = arith.constant 0 : i32
    %dma_start3A_15 = tpu.memref_slice %arg4[%multiple_of3A_3, %dma_start3A_14] : memref<20480x64xf32, #tpu.memory_space<hbm>> -> memref<640x64xf32, #tpu.memory_space<hbm>>
    tpu.enqueue_dma source(%dma_start3A_15 : memref<640x64xf32, #tpu.memory_space<hbm>>) target(%arg9 : memref<640x64xf32, #tpu.memory_space<vmem>>) target_semaphore(%arg15 : memref<!tpu.dma_semaphore, #tpu.memory_space<semaphore_mem>>)
    %dma_start3A_16 = tpu.memref_slice %arg3[%arg0, %multiple_of3A] : memref<2x10240xf32, #tpu.memory_space<hbm>> -> memref<1x640xf32, #tpu.memory_space<hbm>>
    %dma_start3A_17 = tpu.memref_squeeze %dma_start3A_16 : memref<1x640xf32, #tpu.memory_space<hbm>> -> memref<640xf32, #tpu.memory_space<hbm>>
    %dma_start3A_18 = tpu.memref_slice %arg3[%arg0, %multiple_of3A] : memref<2x10240xf32, #tpu.memory_space<hbm>> -> memref<1x640xf32, #tpu.memory_space<hbm>>
    %dma_start3A_19 = tpu.memref_squeeze %dma_start3A_18 : memref<1x640xf32, #tpu.memory_space<hbm>> -> memref<640xf32, #tpu.memory_space<hbm>>
    tpu.enqueue_dma source(%dma_start3A_19 : memref<640xf32, #tpu.memory_space<hbm>>) target(%arg10 : memref<640xf32, #tpu.memory_space<vmem>>) target_semaphore(%arg16 : memref<!tpu.dma_semaphore, #tpu.memory_space<semaphore_mem>>)
    %dma_start3A_20 = tpu.memref_slice %arg5[%multiple_of3A] : memref<10240xf32, #tpu.memory_space<hbm>> -> memref<640xf32, #tpu.memory_space<hbm>>
    %dma_start3A_21 = tpu.memref_slice %arg5[%multiple_of3A] : memref<10240xf32, #tpu.memory_space<hbm>> -> memref<640xf32, #tpu.memory_space<hbm>>
    tpu.enqueue_dma source(%dma_start3A_21 : memref<640xf32, #tpu.memory_space<hbm>>) target(%arg11 : memref<640xf32, #tpu.memory_space<vmem>>) target_semaphore(%arg17 : memref<!tpu.dma_semaphore, #tpu.memory_space<semaphore_mem>>)
    "tpu.region"() ({
      %run_scoped3A = tpu.sem_alloc : memref<!tpu.dma_semaphore, #tpu.memory_space<semaphore_mem>>
      %dma_start3A_66 = tpu.memref_slice %arg6[%multiple_of3A_6] : memref<128xf32, #tpu.memory_space<hbm>> -> memref<64xf32, #tpu.memory_space<hbm>>
      %dma_start3A_67 = tpu.memref_slice %arg6[%multiple_of3A_6] : memref<128xf32, #tpu.memory_space<hbm>> -> memref<64xf32, #tpu.memory_space<hbm>>
      tpu.enqueue_dma source(%dma_start3A_67 : memref<64xf32, #tpu.memory_space<hbm>>) target(%arg12 : memref<64xf32, #tpu.memory_space<vmem>>) target_semaphore(%run_scoped3A : memref<!tpu.dma_semaphore, #tpu.memory_space<semaphore_mem>>)
      %dma_wait3A_68 = tpu.memref_slice %arg6[%multiple_of3A_6] : memref<128xf32, #tpu.memory_space<hbm>> -> memref<64xf32, #tpu.memory_space<hbm>>
      %dma_wait3A_69 = tpu.memref_slice %arg6[%multiple_of3A_6] : memref<128xf32, #tpu.memory_space<hbm>> -> memref<64xf32, #tpu.memory_space<hbm>>
      tpu.wait_dma2 semaphore(%run_scoped3A : memref<!tpu.dma_semaphore, #tpu.memory_space<semaphore_mem>>) src(%dma_wait3A_69 : memref<64xf32, #tpu.memory_space<hbm>>) dst(%arg12 : memref<64xf32, #tpu.memory_space<vmem>>)
      tpu.yield
    }) : () -> ()
    %dma_wait3A = arith.constant 0 : i32
    %dma_wait3A_22 = tpu.memref_slice %arg2[%arg0, %multiple_of3A, %dma_wait3A] : memref<2x10240x64xf32, #tpu.memory_space<hbm>> -> memref<1x640x64xf32, #tpu.memory_space<hbm>>
    %dma_wait3A_23 = tpu.memref_squeeze %dma_wait3A_22 : memref<1x640x64xf32, #tpu.memory_space<hbm>> -> memref<640x64xf32, #tpu.memory_space<hbm>>
    %dma_wait3A_24 = arith.constant 0 : i32
    %dma_wait3A_25 = tpu.memref_slice %arg2[%arg0, %multiple_of3A, %dma_wait3A_24] : memref<2x10240x64xf32, #tpu.memory_space<hbm>> -> memref<1x640x64xf32, #tpu.memory_space<hbm>>
    %dma_wait3A_26 = tpu.memref_squeeze %dma_wait3A_25 : memref<1x640x64xf32, #tpu.memory_space<hbm>> -> memref<640x64xf32, #tpu.memory_space<hbm>>
    tpu.wait_dma2 semaphore(%arg14 : memref<!tpu.dma_semaphore, #tpu.memory_space<semaphore_mem>>) src(%dma_wait3A_26 : memref<640x64xf32, #tpu.memory_space<hbm>>) dst(%arg8 : memref<640x64xf32, #tpu.memory_space<vmem>>)
    %dma_wait3A_27 = arith.constant 0 : i32
    %dma_wait3A_28 = tpu.memref_slice %arg4[%multiple_of3A_3, %dma_wait3A_27] : memref<20480x64xf32, #tpu.memory_space<hbm>> -> memref<640x64xf32, #tpu.memory_space<hbm>>
    %dma_wait3A_29 = arith.constant 0 : i32
    %dma_wait3A_30 = tpu.memref_slice %arg4[%multiple_of3A_3, %dma_wait3A_29] : memref<20480x64xf32, #tpu.memory_space<hbm>> -> memref<640x64xf32, #tpu.memory_space<hbm>>
    tpu.wait_dma2 semaphore(%arg15 : memref<!tpu.dma_semaphore, #tpu.memory_space<semaphore_mem>>) src(%dma_wait3A_30 : memref<640x64xf32, #tpu.memory_space<hbm>>) dst(%arg9 : memref<640x64xf32, #tpu.memory_space<vmem>>)
    %dma_wait3A_31 = tpu.memref_slice %arg3[%arg0, %multiple_of3A] : memref<2x10240xf32, #tpu.memory_space<hbm>> -> memref<1x640xf32, #tpu.memory_space<hbm>>
    %dma_wait3A_32 = tpu.memref_squeeze %dma_wait3A_31 : memref<1x640xf32, #tpu.memory_space<hbm>> -> memref<640xf32, #tpu.memory_space<hbm>>
    %dma_wait3A_33 = tpu.memref_slice %arg3[%arg0, %multiple_of3A] : memref<2x10240xf32, #tpu.memory_space<hbm>> -> memref<1x640xf32, #tpu.memory_space<hbm>>
    %dma_wait3A_34 = tpu.memref_squeeze %dma_wait3A_33 : memref<1x640xf32, #tpu.memory_space<hbm>> -> memref<640xf32, #tpu.memory_space<hbm>>
    tpu.wait_dma2 semaphore(%arg16 : memref<!tpu.dma_semaphore, #tpu.memory_space<semaphore_mem>>) src(%dma_wait3A_34 : memref<640xf32, #tpu.memory_space<hbm>>) dst(%arg10 : memref<640xf32, #tpu.memory_space<vmem>>)
    %dma_wait3A_35 = tpu.memref_slice %arg5[%multiple_of3A] : memref<10240xf32, #tpu.memory_space<hbm>> -> memref<640xf32, #tpu.memory_space<hbm>>
    %dma_wait3A_36 = tpu.memref_slice %arg5[%multiple_of3A] : memref<10240xf32, #tpu.memory_space<hbm>> -> memref<640xf32, #tpu.memory_space<hbm>>
    tpu.wait_dma2 semaphore(%arg17 : memref<!tpu.dma_semaphore, #tpu.memory_space<semaphore_mem>>) src(%dma_wait3A_36 : memref<640xf32, #tpu.memory_space<hbm>>) dst(%arg11 : memref<640xf32, #tpu.memory_space<vmem>>)
    %eq3A = arith.constant 15 : i32
    %eq3A_37 = arith.cmpi eq, %arg1, %eq3A : i32
    %jit3A = arith.constant 400 : i32
    %jit3A_38 = arith.constant 640 : i32
    %select_n3A = arith.select %eq3A_37, %jit3A, %jit3A_38 : i32
    %broadcast_in_dim3A = arith.constant 0.000000e+00 : f32
    %broadcast_in_dim3A_39 = vector.broadcast %broadcast_in_dim3A : f32 to vector<16xf32>
    %broadcast_in_dim3A_40 = arith.constant 0.000000e+00 : f32
    %broadcast_in_dim3A_41 = vector.broadcast %broadcast_in_dim3A_40 : f32 to vector<16xf32>
    %broadcast_in_dim3A_42 = arith.constant 0.000000e+00 : f32
    %broadcast_in_dim3A_43 = vector.broadcast %broadcast_in_dim3A_42 : f32 to vector<16xf32>
    %broadcast_in_dim3A_44 = arith.constant 0.000000e+00 : f32
    %broadcast_in_dim3A_45 = vector.broadcast %broadcast_in_dim3A_44 : f32 to vector<16xf32>
    %scan3A = arith.constant 0 : i32
    %scan3A_46 = arith.constant 40 : i32
    %scan3A_47 = arith.addi %scan3A, %scan3A_46 : i32
    %scan3A_48 = arith.constant 1 : i32
    %scan3A_49:4 = scf.for %scan3A_66 = %scan3A to %scan3A_47 step %scan3A_48 iter_args(%scan3A_67 = %broadcast_in_dim3A_39, %scan3A_68 = %broadcast_in_dim3A_41, %scan3A_69 = %broadcast_in_dim3A_43, %scan3A_70 = %broadcast_in_dim3A_45) -> (vector<16xf32>, vector<16xf32>, vector<16xf32>, vector<16xf32>)  : i32 {
      %mul3A_71 = arith.constant 16 : i32
      %mul3A_72 = arith.muli %scan3A_66, %mul3A_71 : i32
      %get3A = arith.index_cast %mul3A_72 : i32 to index
      %get3A_73 = tpu.vector_load %arg11[%get3A] {strides = array<i32>} : memref<640xf32, #tpu.memory_space<vmem>>, vector<16xf32>,
      %get3A_74 = vector.shape_cast %get3A_73 : vector<16xf32> to vector<16xf32>
      %get3A_75 = arith.index_cast %mul3A_72 : i32 to index
      %get3A_76 = tpu.vector_load %arg10[%get3A_75] {strides = array<i32>} : memref<640xf32, #tpu.memory_space<vmem>>, vector<16xf32>,
      %get3A_77 = vector.shape_cast %get3A_76 : vector<16xf32> to vector<16xf32>
      %iota3A = tpu.iota {dimensions = array<i32: 0>} : vector<16xi32>
      %broadcast_in_dim3A_78 = vector.broadcast %mul3A_72 : i32 to vector<16xi32>
      %add3A_79 = arith.addi %iota3A, %broadcast_in_dim3A_78 : vector<16xi32>
      %broadcast_in_dim3A_80 = vector.broadcast %select_n3A : i32 to vector<16xi32>
      %lt3A = arith.cmpi slt, %add3A_79, %broadcast_in_dim3A_80 : vector<16xi32>
      %broadcast_in_dim3A_81 = arith.constant 1.000000e+00 : f32
      %broadcast_in_dim3A_82 = vector.broadcast %broadcast_in_dim3A_81 : f32 to vector<16xf32>
      %broadcast_in_dim3A_83 = arith.constant 0.000000e+00 : f32
      %broadcast_in_dim3A_84 = vector.broadcast %broadcast_in_dim3A_83 : f32 to vector<16xf32>
      %select_n3A_85 = arith.select %lt3A, %broadcast_in_dim3A_82, %broadcast_in_dim3A_84 : vector<16xi1>, vector<16xf32>
      %add3A_86 = arith.addf %get3A_74, %get3A_77 : vector<16xf32>
      %mul3A_87 = arith.mulf %get3A_74, %add3A_86 : vector<16xf32>
      %mul3A_88 = arith.mulf %mul3A_87, %select_n3A_85 : vector<16xf32>
      %broadcast_in_dim3A_89 = arith.constant 0 : i32
      %broadcast_in_dim3A_90 = vector.broadcast %broadcast_in_dim3A_89 : i32 to vector<16x1xi32>
      %gather3A = vector.shape_cast %broadcast_in_dim3A_90 : vector<16x1xi32> to vector<16xi32>
      %gather3A_91 = tpu.dynamic_gather %get3A_74[%gather3A] in [0] : vector<16xf32>, vector<16xi32> -> vector<16xf32>
      %broadcast_in_dim3A_92 = arith.constant 0 : i32
      %broadcast_in_dim3A_93 = vector.broadcast %broadcast_in_dim3A_92 : i32 to vector<16x1xi32>
      %gather3A_94 = vector.shape_cast %broadcast_in_dim3A_93 : vector<16x1xi32> to vector<16xi32>
      %gather3A_95 = tpu.dynamic_gather %mul3A_88[%gather3A_94] in [0] : vector<16xf32>, vector<16xi32> -> vector<16xf32>
      %add3A_96 = arith.constant 0 : i32
      %add3A_97 = arith.addi %mul3A_72, %add3A_96 : i32
      %get3A_98 = arith.index_cast %add3A_97 : i32 to index
      %get3A_99 = arith.constant 0 : index
      %get3A_100 = tpu.vector_load %arg8[%get3A_98, %get3A_99] {strides = array<i32>} : memref<640x64xf32, #tpu.memory_space<vmem>>, vector<1x16xf32>,
      %get3A_101 = vector.shape_cast %get3A_100 : vector<1x16xf32> to vector<16xf32>
      %get3A_102 = arith.index_cast %add3A_97 : i32 to index
      %get3A_103 = arith.constant 0 : index
      %get3A_104 = tpu.vector_load %arg9[%get3A_102, %get3A_103] {strides = array<i32>} : memref<640x64xf32, #tpu.memory_space<vmem>>, vector<1x16xf32>,
      %get3A_105 = vector.shape_cast %get3A_104 : vector<1x16xf32> to vector<16xf32>
      %add3A_106 = arith.addf %get3A_101, %get3A_105 : vector<16xf32>
      %mul3A_107 = arith.mulf %gather3A_91, %add3A_106 : vector<16xf32>
      %get3A_108 = arith.constant 0 : index
      %get3A_109 = tpu.vector_load %arg12[%get3A_108] {strides = array<i32>} : memref<64xf32, #tpu.memory_space<vmem>>, vector<16xf32>,
      %get3A_110 = vector.shape_cast %get3A_109 : vector<16xf32> to vector<16xf32>
      %add3A_111 = arith.addf %mul3A_107, %get3A_110 : vector<16xf32>
      %max3A = arith.constant 0.000000e+00 : f32
      %max3A_112 = vector.broadcast %max3A : f32 to vector<16xf32>
      %max3A_113 = arith.maximumf %add3A_111, %max3A_112 : vector<16xf32>
      %mul3A_114 = arith.mulf %gather3A_95, %max3A_113 : vector<16xf32>
      %add3A_115 = arith.addf %scan3A_67, %mul3A_114 : vector<16xf32>
      %get3A_116 = arith.index_cast %add3A_97 : i32 to index
      %get3A_117 = arith.constant 16 : index
      %get3A_118 = tpu.vector_load %arg8[%get3A_116, %get3A_117] {strides = array<i32>} : memref<640x64xf32, #tpu.memory_space<vmem>>, vector<1x16xf32>,
      %get3A_119 = vector.shape_cast %get3A_118 : vector<1x16xf32> to vector<16xf32>
      %get3A_120 = arith.index_cast %add3A_97 : i32 to index
      %get3A_121 = arith.constant 16 : index
      %get3A_122 = tpu.vector_load %arg9[%get3A_120, %get3A_121] {strides = array<i32>} : memref<640x64xf32, #tpu.memory_space<vmem>>, vector<1x16xf32>,
      %get3A_123 = vector.shape_cast %get3A_122 : vector<1x16xf32> to vector<16xf32>
      %add3A_124 = arith.addf %get3A_119, %get3A_123 : vector<16xf32>
      %mul3A_125 = arith.mulf %gather3A_91, %add3A_124 : vector<16xf32>
      %get3A_126 = arith.constant 16 : index
      %get3A_127 = tpu.vector_load %arg12[%get3A_126] {strides = array<i32>} : memref<64xf32, #tpu.memory_space<vmem>>, vector<16xf32>,
      %get3A_128 = vector.shape_cast %get3A_127 : vector<16xf32> to vector<16xf32>
      %add3A_129 = arith.addf %mul3A_125, %get3A_128 : vector<16xf32>
      %max3A_130 = arith.constant 0.000000e+00 : f32
      %max3A_131 = vector.broadcast %max3A_130 : f32 to vector<16xf32>
      %max3A_132 = arith.maximumf %add3A_129, %max3A_131 : vector<16xf32>
      %mul3A_133 = arith.mulf %gather3A_95, %max3A_132 : vector<16xf32>
      %add3A_134 = arith.addf %scan3A_68, %mul3A_133 : vector<16xf32>
      %get3A_135 = arith.index_cast %add3A_97 : i32 to index
      %get3A_136 = arith.constant 32 : index
      %get3A_137 = tpu.vector_load %arg8[%get3A_135, %get3A_136] {strides = array<i32>} : memref<640x64xf32, #tpu.memory_space<vmem>>, vector<1x16xf32>,
      %get3A_138 = vector.shape_cast %get3A_137 : vector<1x16xf32> to vector<16xf32>
      %get3A_139 = arith.index_cast %add3A_97 : i32 to index
      %get3A_140 = arith.constant 32 : index
      %get3A_141 = tpu.vector_load %arg9[%get3A_139, %get3A_140] {strides = array<i32>} : memref<640x64xf32, #tpu.memory_space<vmem>>, vector<1x16xf32>,
      %get3A_142 = vector.shape_cast %get3A_141 : vector<1x16xf32> to vector<16xf32>
      %add3A_143 = arith.addf %get3A_138, %get3A_142 : vector<16xf32>
      %mul3A_144 = arith.mulf %gather3A_91, %add3A_143 : vector<16xf32>
      %get3A_145 = arith.constant 32 : index
      %get3A_146 = tpu.vector_load %arg12[%get3A_145] {strides = array<i32>} : memref<64xf32, #tpu.memory_space<vmem>>, vector<16xf32>,
      %get3A_147 = vector.shape_cast %get3A_146 : vector<16xf32> to vector<16xf32>
      %add3A_148 = arith.addf %mul3A_144, %get3A_147 : vector<16xf32>
      %max3A_149 = arith.constant 0.000000e+00 : f32
      %max3A_150 = vector.broadcast %max3A_149 : f32 to vector<16xf32>
      %max3A_151 = arith.maximumf %add3A_148, %max3A_150 : vector<16xf32>
      %mul3A_152 = arith.mulf %gather3A_95, %max3A_151 : vector<16xf32>
      %add3A_153 = arith.addf %scan3A_69, %mul3A_152 : vector<16xf32>
      %get3A_154 = arith.index_cast %add3A_97 : i32 to index
      %get3A_155 = arith.constant 48 : index
      %get3A_156 = tpu.vector_load %arg8[%get3A_154, %get3A_155] {strides = array<i32>} : memref<640x64xf32, #tpu.memory_space<vmem>>, vector<1x16xf32>,
      %get3A_157 = vector.shape_cast %get3A_156 : vector<1x16xf32> to vector<16xf32>
      %get3A_158 = arith.index_cast %add3A_97 : i32 to index
      %get3A_159 = arith.constant 48 : index
      %get3A_160 = tpu.vector_load %arg9[%get3A_158, %get3A_159] {strides = array<i32>} : memref<640x64xf32, #tpu.memory_space<vmem>>, vector<1x16xf32>,
      %get3A_161 = vector.shape_cast %get3A_160 : vector<1x16xf32> to vector<16xf32>
      %add3A_162 = arith.addf %get3A_157, %get3A_161 : vector<16xf32>
      %mul3A_163 = arith.mulf %gather3A_91, %add3A_162 : vector<16xf32>
      %get3A_164 = arith.constant 48 : index
      %get3A_165 = tpu.vector_load %arg12[%get3A_164] {strides = array<i32>} : memref<64xf32, #tpu.memory_space<vmem>>, vector<16xf32>,
      %get3A_166 = vector.shape_cast %get3A_165 : vector<16xf32> to vector<16xf32>
      %add3A_167 = arith.addf %mul3A_163, %get3A_166 : vector<16xf32>
      %max3A_168 = arith.constant 0.000000e+00 : f32
      %max3A_169 = vector.broadcast %max3A_168 : f32 to vector<16xf32>
      %max3A_170 = arith.maximumf %add3A_167, %max3A_169 : vector<16xf32>
      %mul3A_171 = arith.mulf %gather3A_95, %max3A_170 : vector<16xf32>
      %add3A_172 = arith.addf %scan3A_70, %mul3A_171 : vector<16xf32>
      %broadcast_in_dim3A_173 = arith.constant 1 : i32
      %broadcast_in_dim3A_174 = vector.broadcast %broadcast_in_dim3A_173 : i32 to vector<16x1xi32>
      %gather3A_175 = vector.shape_cast %broadcast_in_dim3A_174 : vector<16x1xi32> to vector<16xi32>
      %gather3A_176 = tpu.dynamic_gather %get3A_74[%gather3A_175] in [0] : vector<16xf32>, vector<16xi32> -> vector<16xf32>
      %broadcast_in_dim3A_177 = arith.constant 1 : i32
      %broadcast_in_dim3A_178 = vector.broadcast %broadcast_in_dim3A_177 : i32 to vector<16x1xi32>
      %gather3A_179 = vector.shape_cast %broadcast_in_dim3A_178 : vector<16x1xi32> to vector<16xi32>
      %gather3A_180 = tpu.dynamic_gather %mul3A_88[%gather3A_179] in [0] : vector<16xf32>, vector<16xi32> -> vector<16xf32>
      %add3A_181 = arith.constant 1 : i32
      %add3A_182 = arith.addi %mul3A_72, %add3A_181 : i32
      %get3A_183 = arith.index_cast %add3A_182 : i32 to index
      %get3A_184 = arith.constant 0 : index
      %get3A_185 = tpu.vector_load %arg8[%get3A_183, %get3A_184] {strides = array<i32>} : memref<640x64xf32, #tpu.memory_space<vmem>>, vector<1x16xf32>,
      %get3A_186 = vector.shape_cast %get3A_185 : vector<1x16xf32> to vector<16xf32>
      %get3A_187 = arith.index_cast %add3A_182 : i32 to index
      %get3A_188 = arith.constant 0 : index
      %get3A_189 = tpu.vector_load %arg9[%get3A_187, %get3A_188] {strides = array<i32>} : memref<640x64xf32, #tpu.memory_space<vmem>>, vector<1x16xf32>,
      %get3A_190 = vector.shape_cast %get3A_189 : vector<1x16xf32> to vector<16xf32>
      %add3A_191 = arith.addf %get3A_186, %get3A_190 : vector<16xf32>
      %mul3A_192 = arith.mulf %gather3A_176, %add3A_191 : vector<16xf32>
      %get3A_193 = arith.constant 0 : index
      %get3A_194 = tpu.vector_load %arg12[%get3A_193] {strides = array<i32>} : memref<64xf32, #tpu.memory_space<vmem>>, vector<16xf32>,
      %get3A_195 = vector.shape_cast %get3A_194 : vector<16xf32> to vector<16xf32>
      %add3A_196 = arith.addf %mul3A_192, %get3A_195 : vector<16xf32>
      %max3A_197 = arith.constant 0.000000e+00 : f32
      %max3A_198 = vector.broadcast %max3A_197 : f32 to vector<16xf32>
      %max3A_199 = arith.maximumf %add3A_196, %max3A_198 : vector<16xf32>
      %mul3A_200 = arith.mulf %gather3A_180, %max3A_199 : vector<16xf32>
      %add3A_201 = arith.addf %add3A_115, %mul3A_200 : vector<16xf32>
      %get3A_202 = arith.index_cast %add3A_182 : i32 to index
      %get3A_203 = arith.constant 16 : index
      %get3A_204 = tpu.vector_load %arg8[%get3A_202, %get3A_203] {strides = array<i32>} : memref<640x64xf32, #tpu.memory_space<vmem>>, vector<1x16xf32>,
      %get3A_205 = vector.shape_cast %get3A_204 : vector<1x16xf32> to vector<16xf32>
      %get3A_206 = arith.index_cast %add3A_182 : i32 to index
      %get3A_207 = arith.constant 16 : index
      %get3A_208 = tpu.vector_load %arg9[%get3A_206, %get3A_207] {strides = array<i32>} : memref<640x64xf32, #tpu.memory_space<vmem>>, vector<1x16xf32>,
      %get3A_209 = vector.shape_cast %get3A_208 : vector<1x16xf32> to vector<16xf32>
      %add3A_210 = arith.addf %get3A_205, %get3A_209 : vector<16xf32>
      %mul3A_211 = arith.mulf %gather3A_176, %add3A_210 : vector<16xf32>
      %get3A_212 = arith.constant 16 : index
      %get3A_213 = tpu.vector_load %arg12[%get3A_212] {strides = array<i32>} : memref<64xf32, #tpu.memory_space<vmem>>, vector<16xf32>,
      %get3A_214 = vector.shape_cast %get3A_213 : vector<16xf32> to vector<16xf32>
      %add3A_215 = arith.addf %mul3A_211, %get3A_214 : vector<16xf32>
      %max3A_216 = arith.constant 0.000000e+00 : f32
      %max3A_217 = vector.broadcast %max3A_216 : f32 to vector<16xf32>
      %max3A_218 = arith.maximumf %add3A_215, %max3A_217 : vector<16xf32>
      %mul3A_219 = arith.mulf %gather3A_180, %max3A_218 : vector<16xf32>
      %add3A_220 = arith.addf %add3A_134, %mul3A_219 : vector<16xf32>
      %get3A_221 = arith.index_cast %add3A_182 : i32 to index
      %get3A_222 = arith.constant 32 : index
      %get3A_223 = tpu.vector_load %arg8[%get3A_221, %get3A_222] {strides = array<i32>} : memref<640x64xf32, #tpu.memory_space<vmem>>, vector<1x16xf32>,
      %get3A_224 = vector.shape_cast %get3A_223 : vector<1x16xf32> to vector<16xf32>
      %get3A_225 = arith.index_cast %add3A_182 : i32 to index
      %get3A_226 = arith.constant 32 : index
      %get3A_227 = tpu.vector_load %arg9[%get3A_225, %get3A_226] {strides = array<i32>} : memref<640x64xf32, #tpu.memory_space<vmem>>, vector<1x16xf32>,
      %get3A_228 = vector.shape_cast %get3A_227 : vector<1x16xf32> to vector<16xf32>
      %add3A_229 = arith.addf %get3A_224, %get3A_228 : vector<16xf32>
      %mul3A_230 = arith.mulf %gather3A_176, %add3A_229 : vector<16xf32>
      %get3A_231 = arith.constant 32 : index
      %get3A_232 = tpu.vector_load %arg12[%get3A_231] {strides = array<i32>} : memref<64xf32, #tpu.memory_space<vmem>>, vector<16xf32>,
      %get3A_233 = vector.shape_cast %get3A_232 : vector<16xf32> to vector<16xf32>
      %add3A_234 = arith.addf %mul3A_230, %get3A_233 : vector<16xf32>
      %max3A_235 = arith.constant 0.000000e+00 : f32
      %max3A_236 = vector.broadcast %max3A_235 : f32 to vector<16xf32>
      %max3A_237 = arith.maximumf %add3A_234, %max3A_236 : vector<16xf32>
      %mul3A_238 = arith.mulf %gather3A_180, %max3A_237 : vector<16xf32>
      %add3A_239 = arith.addf %add3A_153, %mul3A_238 : vector<16xf32>
      %get3A_240 = arith.index_cast %add3A_182 : i32 to index
      %get3A_241 = arith.constant 48 : index
      %get3A_242 = tpu.vector_load %arg8[%get3A_240, %get3A_241] {strides = array<i32>} : memref<640x64xf32, #tpu.memory_space<vmem>>, vector<1x16xf32>,
      %get3A_243 = vector.shape_cast %get3A_242 : vector<1x16xf32> to vector<16xf32>
      %get3A_244 = arith.index_cast %add3A_182 : i32 to index
      %get3A_245 = arith.constant 48 : index
      %get3A_246 = tpu.vector_load %arg9[%get3A_244, %get3A_245] {strides = array<i32>} : memref<640x64xf32, #tpu.memory_space<vmem>>, vector<1x16xf32>,
      %get3A_247 = vector.shape_cast %get3A_246 : vector<1x16xf32> to vector<16xf32>
      %add3A_248 = arith.addf %get3A_243, %get3A_247 : vector<16xf32>
      %mul3A_249 = arith.mulf %gather3A_176, %add3A_248 : vector<16xf32>
      %get3A_250 = arith.constant 48 : index
      %get3A_251 = tpu.vector_load %arg12[%get3A_250] {strides = array<i32>} : memref<64xf32, #tpu.memory_space<vmem>>, vector<16xf32>,
      %get3A_252 = vector.shape_cast %get3A_251 : vector<16xf32> to vector<16xf32>
      %add3A_253 = arith.addf %mul3A_249, %get3A_252 : vector<16xf32>
      %max3A_254 = arith.constant 0.000000e+00 : f32
      %max3A_255 = vector.broadcast %max3A_254 : f32 to vector<16xf32>
      %max3A_256 = arith.maximumf %add3A_253, %max3A_255 : vector<16xf32>
      %mul3A_257 = arith.mulf %gather3A_180, %max3A_256 : vector<16xf32>
      %add3A_258 = arith.addf %add3A_172, %mul3A_257 : vector<16xf32>
      %broadcast_in_dim3A_259 = arith.constant 2 : i32
      %broadcast_in_dim3A_260 = vector.broadcast %broadcast_in_dim3A_259 : i32 to vector<16x1xi32>
      %gather3A_261 = vector.shape_cast %broadcast_in_dim3A_260 : vector<16x1xi32> to vector<16xi32>
      %gather3A_262 = tpu.dynamic_gather %get3A_74[%gather3A_261] in [0] : vector<16xf32>, vector<16xi32> -> vector<16xf32>
      %broadcast_in_dim3A_263 = arith.constant 2 : i32
      %broadcast_in_dim3A_264 = vector.broadcast %broadcast_in_dim3A_263 : i32 to vector<16x1xi32>
      %gather3A_265 = vector.shape_cast %broadcast_in_dim3A_264 : vector<16x1xi32> to vector<16xi32>
      %gather3A_266 = tpu.dynamic_gather %mul3A_88[%gather3A_265] in [0] : vector<16xf32>, vector<16xi32> -> vector<16xf32>
      %add3A_267 = arith.constant 2 : i32
      %add3A_268 = arith.addi %mul3A_72, %add3A_267 : i32
      %get3A_269 = arith.index_cast %add3A_268 : i32 to index
      %get3A_270 = arith.constant 0 : index
      %get3A_271 = tpu.vector_load %arg8[%get3A_269, %get3A_270] {strides = array<i32>} : memref<640x64xf32, #tpu.memory_space<vmem>>, vector<1x16xf32>,
      %get3A_272 = vector.shape_cast %get3A_271 : vector<1x16xf32> to vector<16xf32>
      %get3A_273 = arith.index_cast %add3A_268 : i32 to index
      %get3A_274 = arith.constant 0 : index
      %get3A_275 = tpu.vector_load %arg9[%get3A_273, %get3A_274] {strides = array<i32>} : memref<640x64xf32, #tpu.memory_space<vmem>>, vector<1x16xf32>,
      %get3A_276 = vector.shape_cast %get3A_275 : vector<1x16xf32> to vector<16xf32>
      %add3A_277 = arith.addf %get3A_272, %get3A_276 : vector<16xf32>
      %mul3A_278 = arith.mulf %gather3A_262, %add3A_277 : vector<16xf32>
      %get3A_279 = arith.constant 0 : index
      %get3A_280 = tpu.vector_load %arg12[%get3A_279] {strides = array<i32>} : memref<64xf32, #tpu.memory_space<vmem>>, vector<16xf32>,
      %get3A_281 = vector.shape_cast %get3A_280 : vector<16xf32> to vector<16xf32>
      %add3A_282 = arith.addf %mul3A_278, %get3A_281 : vector<16xf32>
      %max3A_283 = arith.constant 0.000000e+00 : f32
      %max3A_284 = vector.broadcast %max3A_283 : f32 to vector<16xf32>
      %max3A_285 = arith.maximumf %add3A_282, %max3A_284 : vector<16xf32>
      %mul3A_286 = arith.mulf %gather3A_266, %max3A_285 : vector<16xf32>
      %add3A_287 = arith.addf %add3A_201, %mul3A_286 : vector<16xf32>
      %get3A_288 = arith.index_cast %add3A_268 : i32 to index
      %get3A_289 = arith.constant 16 : index
      %get3A_290 = tpu.vector_load %arg8[%get3A_288, %get3A_289] {strides = array<i32>} : memref<640x64xf32, #tpu.memory_space<vmem>>, vector<1x16xf32>,
      %get3A_291 = vector.shape_cast %get3A_290 : vector<1x16xf32> to vector<16xf32>
      %get3A_292 = arith.index_cast %add3A_268 : i32 to index
      %get3A_293 = arith.constant 16 : index
      %get3A_294 = tpu.vector_load %arg9[%get3A_292, %get3A_293] {strides = array<i32>} : memref<640x64xf32, #tpu.memory_space<vmem>>, vector<1x16xf32>,
      %get3A_295 = vector.shape_cast %get3A_294 : vector<1x16xf32> to vector<16xf32>
      %add3A_296 = arith.addf %get3A_291, %get3A_295 : vector<16xf32>
      %mul3A_297 = arith.mulf %gather3A_262, %add3A_296 : vector<16xf32>
      %get3A_298 = arith.constant 16 : index
      %get3A_299 = tpu.vector_load %arg12[%get3A_298] {strides = array<i32>} : memref<64xf32, #tpu.memory_space<vmem>>, vector<16xf32>,
      %get3A_300 = vector.shape_cast %get3A_299 : vector<16xf32> to vector<16xf32>
      %add3A_301 = arith.addf %mul3A_297, %get3A_300 : vector<16xf32>
      %max3A_302 = arith.constant 0.000000e+00 : f32
      %max3A_303 = vector.broadcast %max3A_302 : f32 to vector<16xf32>
      %max3A_304 = arith.maximumf %add3A_301, %max3A_303 : vector<16xf32>
      %mul3A_305 = arith.mulf %gather3A_266, %max3A_304 : vector<16xf32>
      %add3A_306 = arith.addf %add3A_220, %mul3A_305 : vector<16xf32>
      %get3A_307 = arith.index_cast %add3A_268 : i32 to index
      %get3A_308 = arith.constant 32 : index
      %get3A_309 = tpu.vector_load %arg8[%get3A_307, %get3A_308] {strides = array<i32>} : memref<640x64xf32, #tpu.memory_space<vmem>>, vector<1x16xf32>,
      %get3A_310 = vector.shape_cast %get3A_309 : vector<1x16xf32> to vector<16xf32>
      %get3A_311 = arith.index_cast %add3A_268 : i32 to index
      %get3A_312 = arith.constant 32 : index
      %get3A_313 = tpu.vector_load %arg9[%get3A_311, %get3A_312] {strides = array<i32>} : memref<640x64xf32, #tpu.memory_space<vmem>>, vector<1x16xf32>,
      %get3A_314 = vector.shape_cast %get3A_313 : vector<1x16xf32> to vector<16xf32>
      %add3A_315 = arith.addf %get3A_310, %get3A_314 : vector<16xf32>
      %mul3A_316 = arith.mulf %gather3A_262, %add3A_315 : vector<16xf32>
      %get3A_317 = arith.constant 32 : index
      %get3A_318 = tpu.vector_load %arg12[%get3A_317] {strides = array<i32>} : memref<64xf32, #tpu.memory_space<vmem>>, vector<16xf32>,
      %get3A_319 = vector.shape_cast %get3A_318 : vector<16xf32> to vector<16xf32>
      %add3A_320 = arith.addf %mul3A_316, %get3A_319 : vector<16xf32>
      %max3A_321 = arith.constant 0.000000e+00 : f32
      %max3A_322 = vector.broadcast %max3A_321 : f32 to vector<16xf32>
      %max3A_323 = arith.maximumf %add3A_320, %max3A_322 : vector<16xf32>
      %mul3A_324 = arith.mulf %gather3A_266, %max3A_323 : vector<16xf32>
      %add3A_325 = arith.addf %add3A_239, %mul3A_324 : vector<16xf32>
      %get3A_326 = arith.index_cast %add3A_268 : i32 to index
      %get3A_327 = arith.constant 48 : index
      %get3A_328 = tpu.vector_load %arg8[%get3A_326, %get3A_327] {strides = array<i32>} : memref<640x64xf32, #tpu.memory_space<vmem>>, vector<1x16xf32>,
      %get3A_329 = vector.shape_cast %get3A_328 : vector<1x16xf32> to vector<16xf32>
      %get3A_330 = arith.index_cast %add3A_268 : i32 to index
      %get3A_331 = arith.constant 48 : index
      %get3A_332 = tpu.vector_load %arg9[%get3A_330, %get3A_331] {strides = array<i32>} : memref<640x64xf32, #tpu.memory_space<vmem>>, vector<1x16xf32>,
      %get3A_333 = vector.shape_cast %get3A_332 : vector<1x16xf32> to vector<16xf32>
      %add3A_334 = arith.addf %get3A_329, %get3A_333 : vector<16xf32>
      %mul3A_335 = arith.mulf %gather3A_262, %add3A_334 : vector<16xf32>
      %get3A_336 = arith.constant 48 : index
      %get3A_337 = tpu.vector_load %arg12[%get3A_336] {strides = array<i32>} : memref<64xf32, #tpu.memory_space<vmem>>, vector<16xf32>,
      %get3A_338 = vector.shape_cast %get3A_337 : vector<16xf32> to vector<16xf32>
      %add3A_339 = arith.addf %mul3A_335, %get3A_338 : vector<16xf32>
      %max3A_340 = arith.constant 0.000000e+00 : f32
      %max3A_341 = vector.broadcast %max3A_340 : f32 to vector<16xf32>
      %max3A_342 = arith.maximumf %add3A_339, %max3A_341 : vector<16xf32>
      %mul3A_343 = arith.mulf %gather3A_266, %max3A_342 : vector<16xf32>
      %add3A_344 = arith.addf %add3A_258, %mul3A_343 : vector<16xf32>
      %broadcast_in_dim3A_345 = arith.constant 3 : i32
      %broadcast_in_dim3A_346 = vector.broadcast %broadcast_in_dim3A_345 : i32 to vector<16x1xi32>
      %gather3A_347 = vector.shape_cast %broadcast_in_dim3A_346 : vector<16x1xi32> to vector<16xi32>
      %gather3A_348 = tpu.dynamic_gather %get3A_74[%gather3A_347] in [0] : vector<16xf32>, vector<16xi32> -> vector<16xf32>
      %broadcast_in_dim3A_349 = arith.constant 3 : i32
      %broadcast_in_dim3A_350 = vector.broadcast %broadcast_in_dim3A_349 : i32 to vector<16x1xi32>
      %gather3A_351 = vector.shape_cast %broadcast_in_dim3A_350 : vector<16x1xi32> to vector<16xi32>
      %gather3A_352 = tpu.dynamic_gather %mul3A_88[%gather3A_351] in [0] : vector<16xf32>, vector<16xi32> -> vector<16xf32>
      %add3A_353 = arith.constant 3 : i32
      %add3A_354 = arith.addi %mul3A_72, %add3A_353 : i32
      %get3A_355 = arith.index_cast %add3A_354 : i32 to index
      %get3A_356 = arith.constant 0 : index
      %get3A_357 = tpu.vector_load %arg8[%get3A_355, %get3A_356] {strides = array<i32>} : memref<640x64xf32, #tpu.memory_space<vmem>>, vector<1x16xf32>,
      %get3A_358 = vector.shape_cast %get3A_357 : vector<1x16xf32> to vector<16xf32>
      %get3A_359 = arith.index_cast %add3A_354 : i32 to index
      %get3A_360 = arith.constant 0 : index
      %get3A_361 = tpu.vector_load %arg9[%get3A_359, %get3A_360] {strides = array<i32>} : memref<640x64xf32, #tpu.memory_space<vmem>>, vector<1x16xf32>,
      %get3A_362 = vector.shape_cast %get3A_361 : vector<1x16xf32> to vector<16xf32>
      %add3A_363 = arith.addf %get3A_358, %get3A_362 : vector<16xf32>
      %mul3A_364 = arith.mulf %gather3A_348, %add3A_363 : vector<16xf32>
      %get3A_365 = arith.constant 0 : index
      %get3A_366 = tpu.vector_load %arg12[%get3A_365] {strides = array<i32>} : memref<64xf32, #tpu.memory_space<vmem>>, vector<16xf32>,
      %get3A_367 = vector.shape_cast %get3A_366 : vector<16xf32> to vector<16xf32>
      %add3A_368 = arith.addf %mul3A_364, %get3A_367 : vector<16xf32>
      %max3A_369 = arith.constant 0.000000e+00 : f32
      %max3A_370 = vector.broadcast %max3A_369 : f32 to vector<16xf32>
      %max3A_371 = arith.maximumf %add3A_368, %max3A_370 : vector<16xf32>
      %mul3A_372 = arith.mulf %gather3A_352, %max3A_371 : vector<16xf32>
      %add3A_373 = arith.addf %add3A_287, %mul3A_372 : vector<16xf32>
      %get3A_374 = arith.index_cast %add3A_354 : i32 to index
      %get3A_375 = arith.constant 16 : index
      %get3A_376 = tpu.vector_load %arg8[%get3A_374, %get3A_375] {strides = array<i32>} : memref<640x64xf32, #tpu.memory_space<vmem>>, vector<1x16xf32>,
      %get3A_377 = vector.shape_cast %get3A_376 : vector<1x16xf32> to vector<16xf32>
      %get3A_378 = arith.index_cast %add3A_354 : i32 to index
      %get3A_379 = arith.constant 16 : index
      %get3A_380 = tpu.vector_load %arg9[%get3A_378, %get3A_379] {strides = array<i32>} : memref<640x64xf32, #tpu.memory_space<vmem>>, vector<1x16xf32>,
      %get3A_381 = vector.shape_cast %get3A_380 : vector<1x16xf32> to vector<16xf32>
      %add3A_382 = arith.addf %get3A_377, %get3A_381 : vector<16xf32>
      %mul3A_383 = arith.mulf %gather3A_348, %add3A_382 : vector<16xf32>
      %get3A_384 = arith.constant 16 : index
      %get3A_385 = tpu.vector_load %arg12[%get3A_384] {strides = array<i32>} : memref<64xf32, #tpu.memory_space<vmem>>, vector<16xf32>,
      %get3A_386 = vector.shape_cast %get3A_385 : vector<16xf32> to vector<16xf32>
      %add3A_387 = arith.addf %mul3A_383, %get3A_386 : vector<16xf32>
      %max3A_388 = arith.constant 0.000000e+00 : f32
      %max3A_389 = vector.broadcast %max3A_388 : f32 to vector<16xf32>
      %max3A_390 = arith.maximumf %add3A_387, %max3A_389 : vector<16xf32>
      %mul3A_391 = arith.mulf %gather3A_352, %max3A_390 : vector<16xf32>
      %add3A_392 = arith.addf %add3A_306, %mul3A_391 : vector<16xf32>
      %get3A_393 = arith.index_cast %add3A_354 : i32 to index
      %get3A_394 = arith.constant 32 : index
      %get3A_395 = tpu.vector_load %arg8[%get3A_393, %get3A_394] {strides = array<i32>} : memref<640x64xf32, #tpu.memory_space<vmem>>, vector<1x16xf32>,
      %get3A_396 = vector.shape_cast %get3A_395 : vector<1x16xf32> to vector<16xf32>
      %get3A_397 = arith.index_cast %add3A_354 : i32 to index
      %get3A_398 = arith.constant 32 : index
      %get3A_399 = tpu.vector_load %arg9[%get3A_397, %get3A_398] {strides = array<i32>} : memref<640x64xf32, #tpu.memory_space<vmem>>, vector<1x16xf32>,
      %get3A_400 = vector.shape_cast %get3A_399 : vector<1x16xf32> to vector<16xf32>
      %add3A_401 = arith.addf %get3A_396, %get3A_400 : vector<16xf32>
      %mul3A_402 = arith.mulf %gather3A_348, %add3A_401 : vector<16xf32>
      %get3A_403 = arith.constant 32 : index
      %get3A_404 = tpu.vector_load %arg12[%get3A_403] {strides = array<i32>} : memref<64xf32, #tpu.memory_space<vmem>>, vector<16xf32>,
      %get3A_405 = vector.shape_cast %get3A_404 : vector<16xf32> to vector<16xf32>
      %add3A_406 = arith.addf %mul3A_402, %get3A_405 : vector<16xf32>
      %max3A_407 = arith.constant 0.000000e+00 : f32
      %max3A_408 = vector.broadcast %max3A_407 : f32 to vector<16xf32>
      %max3A_409 = arith.maximumf %add3A_406, %max3A_408 : vector<16xf32>
      %mul3A_410 = arith.mulf %gather3A_352, %max3A_409 : vector<16xf32>
      %add3A_411 = arith.addf %add3A_325, %mul3A_410 : vector<16xf32>
      %get3A_412 = arith.index_cast %add3A_354 : i32 to index
      %get3A_413 = arith.constant 48 : index
      %get3A_414 = tpu.vector_load %arg8[%get3A_412, %get3A_413] {strides = array<i32>} : memref<640x64xf32, #tpu.memory_space<vmem>>, vector<1x16xf32>,
      %get3A_415 = vector.shape_cast %get3A_414 : vector<1x16xf32> to vector<16xf32>
      %get3A_416 = arith.index_cast %add3A_354 : i32 to index
      %get3A_417 = arith.constant 48 : index
      %get3A_418 = tpu.vector_load %arg9[%get3A_416, %get3A_417] {strides = array<i32>} : memref<640x64xf32, #tpu.memory_space<vmem>>, vector<1x16xf32>,
      %get3A_419 = vector.shape_cast %get3A_418 : vector<1x16xf32> to vector<16xf32>
      %add3A_420 = arith.addf %get3A_415, %get3A_419 : vector<16xf32>
      %mul3A_421 = arith.mulf %gather3A_348, %add3A_420 : vector<16xf32>
      %get3A_422 = arith.constant 48 : index
      %get3A_423 = tpu.vector_load %arg12[%get3A_422] {strides = array<i32>} : memref<64xf32, #tpu.memory_space<vmem>>, vector<16xf32>,
      %get3A_424 = vector.shape_cast %get3A_423 : vector<16xf32> to vector<16xf32>
      %add3A_425 = arith.addf %mul3A_421, %get3A_424 : vector<16xf32>
      %max3A_426 = arith.constant 0.000000e+00 : f32
      %max3A_427 = vector.broadcast %max3A_426 : f32 to vector<16xf32>
      %max3A_428 = arith.maximumf %add3A_425, %max3A_427 : vector<16xf32>
      %mul3A_429 = arith.mulf %gather3A_352, %max3A_428 : vector<16xf32>
      %add3A_430 = arith.addf %add3A_344, %mul3A_429 : vector<16xf32>
      %broadcast_in_dim3A_431 = arith.constant 4 : i32
      %broadcast_in_dim3A_432 = vector.broadcast %broadcast_in_dim3A_431 : i32 to vector<16x1xi32>
      %gather3A_433 = vector.shape_cast %broadcast_in_dim3A_432 : vector<16x1xi32> to vector<16xi32>
      %gather3A_434 = tpu.dynamic_gather %get3A_74[%gather3A_433] in [0] : vector<16xf32>, vector<16xi32> -> vector<16xf32>
      %broadcast_in_dim3A_435 = arith.constant 4 : i32
      %broadcast_in_dim3A_436 = vector.broadcast %broadcast_in_dim3A_435 : i32 to vector<16x1xi32>
      %gather3A_437 = vector.shape_cast %broadcast_in_dim3A_436 : vector<16x1xi32> to vector<16xi32>
      %gather3A_438 = tpu.dynamic_gather %mul3A_88[%gather3A_437] in [0] : vector<16xf32>, vector<16xi32> -> vector<16xf32>
      %add3A_439 = arith.constant 4 : i32
      %add3A_440 = arith.addi %mul3A_72, %add3A_439 : i32
      %get3A_441 = arith.index_cast %add3A_440 : i32 to index
      %get3A_442 = arith.constant 0 : index
      %get3A_443 = tpu.vector_load %arg8[%get3A_441, %get3A_442] {strides = array<i32>} : memref<640x64xf32, #tpu.memory_space<vmem>>, vector<1x16xf32>,
      %get3A_444 = vector.shape_cast %get3A_443 : vector<1x16xf32> to vector<16xf32>
      %get3A_445 = arith.index_cast %add3A_440 : i32 to index
      %get3A_446 = arith.constant 0 : index
      %get3A_447 = tpu.vector_load %arg9[%get3A_445, %get3A_446] {strides = array<i32>} : memref<640x64xf32, #tpu.memory_space<vmem>>, vector<1x16xf32>,
      %get3A_448 = vector.shape_cast %get3A_447 : vector<1x16xf32> to vector<16xf32>
      %add3A_449 = arith.addf %get3A_444, %get3A_448 : vector<16xf32>
      %mul3A_450 = arith.mulf %gather3A_434, %add3A_449 : vector<16xf32>
      %get3A_451 = arith.constant 0 : index
      %get3A_452 = tpu.vector_load %arg12[%get3A_451] {strides = array<i32>} : memref<64xf32, #tpu.memory_space<vmem>>, vector<16xf32>,
      %get3A_453 = vector.shape_cast %get3A_452 : vector<16xf32> to vector<16xf32>
      %add3A_454 = arith.addf %mul3A_450, %get3A_453 : vector<16xf32>
      %max3A_455 = arith.constant 0.000000e+00 : f32
      %max3A_456 = vector.broadcast %max3A_455 : f32 to vector<16xf32>
      %max3A_457 = arith.maximumf %add3A_454, %max3A_456 : vector<16xf32>
      %mul3A_458 = arith.mulf %gather3A_438, %max3A_457 : vector<16xf32>
      %add3A_459 = arith.addf %add3A_373, %mul3A_458 : vector<16xf32>
      %get3A_460 = arith.index_cast %add3A_440 : i32 to index
      %get3A_461 = arith.constant 16 : index
      %get3A_462 = tpu.vector_load %arg8[%get3A_460, %get3A_461] {strides = array<i32>} : memref<640x64xf32, #tpu.memory_space<vmem>>, vector<1x16xf32>,
      %get3A_463 = vector.shape_cast %get3A_462 : vector<1x16xf32> to vector<16xf32>
      %get3A_464 = arith.index_cast %add3A_440 : i32 to index
      %get3A_465 = arith.constant 16 : index
      %get3A_466 = tpu.vector_load %arg9[%get3A_464, %get3A_465] {strides = array<i32>} : memref<640x64xf32, #tpu.memory_space<vmem>>, vector<1x16xf32>,
      %get3A_467 = vector.shape_cast %get3A_466 : vector<1x16xf32> to vector<16xf32>
      %add3A_468 = arith.addf %get3A_463, %get3A_467 : vector<16xf32>
      %mul3A_469 = arith.mulf %gather3A_434, %add3A_468 : vector<16xf32>
      %get3A_470 = arith.constant 16 : index
      %get3A_471 = tpu.vector_load %arg12[%get3A_470] {strides = array<i32>} : memref<64xf32, #tpu.memory_space<vmem>>, vector<16xf32>,
      %get3A_472 = vector.shape_cast %get3A_471 : vector<16xf32> to vector<16xf32>
      %add3A_473 = arith.addf %mul3A_469, %get3A_472 : vector<16xf32>
      %max3A_474 = arith.constant 0.000000e+00 : f32
      %max3A_475 = vector.broadcast %max3A_474 : f32 to vector<16xf32>
      %max3A_476 = arith.maximumf %add3A_473, %max3A_475 : vector<16xf32>
      %mul3A_477 = arith.mulf %gather3A_438, %max3A_476 : vector<16xf32>
      %add3A_478 = arith.addf %add3A_392, %mul3A_477 : vector<16xf32>
      %get3A_479 = arith.index_cast %add3A_440 : i32 to index
      %get3A_480 = arith.constant 32 : index
      %get3A_481 = tpu.vector_load %arg8[%get3A_479, %get3A_480] {strides = array<i32>} : memref<640x64xf32, #tpu.memory_space<vmem>>, vector<1x16xf32>,
      %get3A_482 = vector.shape_cast %get3A_481 : vector<1x16xf32> to vector<16xf32>
      %get3A_483 = arith.index_cast %add3A_440 : i32 to index
      %get3A_484 = arith.constant 32 : index
      %get3A_485 = tpu.vector_load %arg9[%get3A_483, %get3A_484] {strides = array<i32>} : memref<640x64xf32, #tpu.memory_space<vmem>>, vector<1x16xf32>,
      %get3A_486 = vector.shape_cast %get3A_485 : vector<1x16xf32> to vector<16xf32>
      %add3A_487 = arith.addf %get3A_482, %get3A_486 : vector<16xf32>
      %mul3A_488 = arith.mulf %gather3A_434, %add3A_487 : vector<16xf32>
      %get3A_489 = arith.constant 32 : index
      %get3A_490 = tpu.vector_load %arg12[%get3A_489] {strides = array<i32>} : memref<64xf32, #tpu.memory_space<vmem>>, vector<16xf32>,
      %get3A_491 = vector.shape_cast %get3A_490 : vector<16xf32> to vector<16xf32>
      %add3A_492 = arith.addf %mul3A_488, %get3A_491 : vector<16xf32>
      %max3A_493 = arith.constant 0.000000e+00 : f32
      %max3A_494 = vector.broadcast %max3A_493 : f32 to vector<16xf32>
      %max3A_495 = arith.maximumf %add3A_492, %max3A_494 : vector<16xf32>
      %mul3A_496 = arith.mulf %gather3A_438, %max3A_495 : vector<16xf32>
      %add3A_497 = arith.addf %add3A_411, %mul3A_496 : vector<16xf32>
      %get3A_498 = arith.index_cast %add3A_440 : i32 to index
      %get3A_499 = arith.constant 48 : index
      %get3A_500 = tpu.vector_load %arg8[%get3A_498, %get3A_499] {strides = array<i32>} : memref<640x64xf32, #tpu.memory_space<vmem>>, vector<1x16xf32>,
      %get3A_501 = vector.shape_cast %get3A_500 : vector<1x16xf32> to vector<16xf32>
      %get3A_502 = arith.index_cast %add3A_440 : i32 to index
      %get3A_503 = arith.constant 48 : index
      %get3A_504 = tpu.vector_load %arg9[%get3A_502, %get3A_503] {strides = array<i32>} : memref<640x64xf32, #tpu.memory_space<vmem>>, vector<1x16xf32>,
      %get3A_505 = vector.shape_cast %get3A_504 : vector<1x16xf32> to vector<16xf32>
      %add3A_506 = arith.addf %get3A_501, %get3A_505 : vector<16xf32>
      %mul3A_507 = arith.mulf %gather3A_434, %add3A_506 : vector<16xf32>
      %get3A_508 = arith.constant 48 : index
      %get3A_509 = tpu.vector_load %arg12[%get3A_508] {strides = array<i32>} : memref<64xf32, #tpu.memory_space<vmem>>, vector<16xf32>,
      %get3A_510 = vector.shape_cast %get3A_509 : vector<16xf32> to vector<16xf32>
      %add3A_511 = arith.addf %mul3A_507, %get3A_510 : vector<16xf32>
      %max3A_512 = arith.constant 0.000000e+00 : f32
      %max3A_513 = vector.broadcast %max3A_512 : f32 to vector<16xf32>
      %max3A_514 = arith.maximumf %add3A_511, %max3A_513 : vector<16xf32>
      %mul3A_515 = arith.mulf %gather3A_438, %max3A_514 : vector<16xf32>
      %add3A_516 = arith.addf %add3A_430, %mul3A_515 : vector<16xf32>
      %broadcast_in_dim3A_517 = arith.constant 5 : i32
      %broadcast_in_dim3A_518 = vector.broadcast %broadcast_in_dim3A_517 : i32 to vector<16x1xi32>
      %gather3A_519 = vector.shape_cast %broadcast_in_dim3A_518 : vector<16x1xi32> to vector<16xi32>
      %gather3A_520 = tpu.dynamic_gather %get3A_74[%gather3A_519] in [0] : vector<16xf32>, vector<16xi32> -> vector<16xf32>
      %broadcast_in_dim3A_521 = arith.constant 5 : i32
      %broadcast_in_dim3A_522 = vector.broadcast %broadcast_in_dim3A_521 : i32 to vector<16x1xi32>
      %gather3A_523 = vector.shape_cast %broadcast_in_dim3A_522 : vector<16x1xi32> to vector<16xi32>
      %gather3A_524 = tpu.dynamic_gather %mul3A_88[%gather3A_523] in [0] : vector<16xf32>, vector<16xi32> -> vector<16xf32>
      %add3A_525 = arith.constant 5 : i32
      %add3A_526 = arith.addi %mul3A_72, %add3A_525 : i32
      %get3A_527 = arith.index_cast %add3A_526 : i32 to index
      %get3A_528 = arith.constant 0 : index
      %get3A_529 = tpu.vector_load %arg8[%get3A_527, %get3A_528] {strides = array<i32>} : memref<640x64xf32, #tpu.memory_space<vmem>>, vector<1x16xf32>,
      %get3A_530 = vector.shape_cast %get3A_529 : vector<1x16xf32> to vector<16xf32>
      %get3A_531 = arith.index_cast %add3A_526 : i32 to index
      %get3A_532 = arith.constant 0 : index
      %get3A_533 = tpu.vector_load %arg9[%get3A_531, %get3A_532] {strides = array<i32>} : memref<640x64xf32, #tpu.memory_space<vmem>>, vector<1x16xf32>,
      %get3A_534 = vector.shape_cast %get3A_533 : vector<1x16xf32> to vector<16xf32>
      %add3A_535 = arith.addf %get3A_530, %get3A_534 : vector<16xf32>
      %mul3A_536 = arith.mulf %gather3A_520, %add3A_535 : vector<16xf32>
      %get3A_537 = arith.constant 0 : index
      %get3A_538 = tpu.vector_load %arg12[%get3A_537] {strides = array<i32>} : memref<64xf32, #tpu.memory_space<vmem>>, vector<16xf32>,
      %get3A_539 = vector.shape_cast %get3A_538 : vector<16xf32> to vector<16xf32>
      %add3A_540 = arith.addf %mul3A_536, %get3A_539 : vector<16xf32>
      %max3A_541 = arith.constant 0.000000e+00 : f32
      %max3A_542 = vector.broadcast %max3A_541 : f32 to vector<16xf32>
      %max3A_543 = arith.maximumf %add3A_540, %max3A_542 : vector<16xf32>
      %mul3A_544 = arith.mulf %gather3A_524, %max3A_543 : vector<16xf32>
      %add3A_545 = arith.addf %add3A_459, %mul3A_544 : vector<16xf32>
      %get3A_546 = arith.index_cast %add3A_526 : i32 to index
      %get3A_547 = arith.constant 16 : index
      %get3A_548 = tpu.vector_load %arg8[%get3A_546, %get3A_547] {strides = array<i32>} : memref<640x64xf32, #tpu.memory_space<vmem>>, vector<1x16xf32>,
      %get3A_549 = vector.shape_cast %get3A_548 : vector<1x16xf32> to vector<16xf32>
      %get3A_550 = arith.index_cast %add3A_526 : i32 to index
      %get3A_551 = arith.constant 16 : index
      %get3A_552 = tpu.vector_load %arg9[%get3A_550, %get3A_551] {strides = array<i32>} : memref<640x64xf32, #tpu.memory_space<vmem>>, vector<1x16xf32>,
      %get3A_553 = vector.shape_cast %get3A_552 : vector<1x16xf32> to vector<16xf32>
      %add3A_554 = arith.addf %get3A_549, %get3A_553 : vector<16xf32>
      %mul3A_555 = arith.mulf %gather3A_520, %add3A_554 : vector<16xf32>
      %get3A_556 = arith.constant 16 : index
      %get3A_557 = tpu.vector_load %arg12[%get3A_556] {strides = array<i32>} : memref<64xf32, #tpu.memory_space<vmem>>, vector<16xf32>,
      %get3A_558 = vector.shape_cast %get3A_557 : vector<16xf32> to vector<16xf32>
      %add3A_559 = arith.addf %mul3A_555, %get3A_558 : vector<16xf32>
      %max3A_560 = arith.constant 0.000000e+00 : f32
      %max3A_561 = vector.broadcast %max3A_560 : f32 to vector<16xf32>
      %max3A_562 = arith.maximumf %add3A_559, %max3A_561 : vector<16xf32>
      %mul3A_563 = arith.mulf %gather3A_524, %max3A_562 : vector<16xf32>
      %add3A_564 = arith.addf %add3A_478, %mul3A_563 : vector<16xf32>
      %get3A_565 = arith.index_cast %add3A_526 : i32 to index
      %get3A_566 = arith.constant 32 : index
      %get3A_567 = tpu.vector_load %arg8[%get3A_565, %get3A_566] {strides = array<i32>} : memref<640x64xf32, #tpu.memory_space<vmem>>, vector<1x16xf32>,
      %get3A_568 = vector.shape_cast %get3A_567 : vector<1x16xf32> to vector<16xf32>
      %get3A_569 = arith.index_cast %add3A_526 : i32 to index
      %get3A_570 = arith.constant 32 : index
      %get3A_571 = tpu.vector_load %arg9[%get3A_569, %get3A_570] {strides = array<i32>} : memref<640x64xf32, #tpu.memory_space<vmem>>, vector<1x16xf32>,
      %get3A_572 = vector.shape_cast %get3A_571 : vector<1x16xf32> to vector<16xf32>
      %add3A_573 = arith.addf %get3A_568, %get3A_572 : vector<16xf32>
      %mul3A_574 = arith.mulf %gather3A_520, %add3A_573 : vector<16xf32>
      %get3A_575 = arith.constant 32 : index
      %get3A_576 = tpu.vector_load %arg12[%get3A_575] {strides = array<i32>} : memref<64xf32, #tpu.memory_space<vmem>>, vector<16xf32>,
      %get3A_577 = vector.shape_cast %get3A_576 : vector<16xf32> to vector<16xf32>
      %add3A_578 = arith.addf %mul3A_574, %get3A_577 : vector<16xf32>
      %max3A_579 = arith.constant 0.000000e+00 : f32
      %max3A_580 = vector.broadcast %max3A_579 : f32 to vector<16xf32>
      %max3A_581 = arith.maximumf %add3A_578, %max3A_580 : vector<16xf32>
      %mul3A_582 = arith.mulf %gather3A_524, %max3A_581 : vector<16xf32>
      %add3A_583 = arith.addf %add3A_497, %mul3A_582 : vector<16xf32>
      %get3A_584 = arith.index_cast %add3A_526 : i32 to index
      %get3A_585 = arith.constant 48 : index
      %get3A_586 = tpu.vector_load %arg8[%get3A_584, %get3A_585] {strides = array<i32>} : memref<640x64xf32, #tpu.memory_space<vmem>>, vector<1x16xf32>,
      %get3A_587 = vector.shape_cast %get3A_586 : vector<1x16xf32> to vector<16xf32>
      %get3A_588 = arith.index_cast %add3A_526 : i32 to index
      %get3A_589 = arith.constant 48 : index
      %get3A_590 = tpu.vector_load %arg9[%get3A_588, %get3A_589] {strides = array<i32>} : memref<640x64xf32, #tpu.memory_space<vmem>>, vector<1x16xf32>,
      %get3A_591 = vector.shape_cast %get3A_590 : vector<1x16xf32> to vector<16xf32>
      %add3A_592 = arith.addf %get3A_587, %get3A_591 : vector<16xf32>
      %mul3A_593 = arith.mulf %gather3A_520, %add3A_592 : vector<16xf32>
      %get3A_594 = arith.constant 48 : index
      %get3A_595 = tpu.vector_load %arg12[%get3A_594] {strides = array<i32>} : memref<64xf32, #tpu.memory_space<vmem>>, vector<16xf32>,
      %get3A_596 = vector.shape_cast %get3A_595 : vector<16xf32> to vector<16xf32>
      %add3A_597 = arith.addf %mul3A_593, %get3A_596 : vector<16xf32>
      %max3A_598 = arith.constant 0.000000e+00 : f32
      %max3A_599 = vector.broadcast %max3A_598 : f32 to vector<16xf32>
      %max3A_600 = arith.maximumf %add3A_597, %max3A_599 : vector<16xf32>
      %mul3A_601 = arith.mulf %gather3A_524, %max3A_600 : vector<16xf32>
      %add3A_602 = arith.addf %add3A_516, %mul3A_601 : vector<16xf32>
      %broadcast_in_dim3A_603 = arith.constant 6 : i32
      %broadcast_in_dim3A_604 = vector.broadcast %broadcast_in_dim3A_603 : i32 to vector<16x1xi32>
      %gather3A_605 = vector.shape_cast %broadcast_in_dim3A_604 : vector<16x1xi32> to vector<16xi32>
      %gather3A_606 = tpu.dynamic_gather %get3A_74[%gather3A_605] in [0] : vector<16xf32>, vector<16xi32> -> vector<16xf32>
      %broadcast_in_dim3A_607 = arith.constant 6 : i32
      %broadcast_in_dim3A_608 = vector.broadcast %broadcast_in_dim3A_607 : i32 to vector<16x1xi32>
      %gather3A_609 = vector.shape_cast %broadcast_in_dim3A_608 : vector<16x1xi32> to vector<16xi32>
      %gather3A_610 = tpu.dynamic_gather %mul3A_88[%gather3A_609] in [0] : vector<16xf32>, vector<16xi32> -> vector<16xf32>
      %add3A_611 = arith.constant 6 : i32
      %add3A_612 = arith.addi %mul3A_72, %add3A_611 : i32
      %get3A_613 = arith.index_cast %add3A_612 : i32 to index
      %get3A_614 = arith.constant 0 : index
      %get3A_615 = tpu.vector_load %arg8[%get3A_613, %get3A_614] {strides = array<i32>} : memref<640x64xf32, #tpu.memory_space<vmem>>, vector<1x16xf32>,
      %get3A_616 = vector.shape_cast %get3A_615 : vector<1x16xf32> to vector<16xf32>
      %get3A_617 = arith.index_cast %add3A_612 : i32 to index
      %get3A_618 = arith.constant 0 : index
      %get3A_619 = tpu.vector_load %arg9[%get3A_617, %get3A_618] {strides = array<i32>} : memref<640x64xf32, #tpu.memory_space<vmem>>, vector<1x16xf32>,
      %get3A_620 = vector.shape_cast %get3A_619 : vector<1x16xf32> to vector<16xf32>
      %add3A_621 = arith.addf %get3A_616, %get3A_620 : vector<16xf32>
      %mul3A_622 = arith.mulf %gather3A_606, %add3A_621 : vector<16xf32>
      %get3A_623 = arith.constant 0 : index
      %get3A_624 = tpu.vector_load %arg12[%get3A_623] {strides = array<i32>} : memref<64xf32, #tpu.memory_space<vmem>>, vector<16xf32>,
      %get3A_625 = vector.shape_cast %get3A_624 : vector<16xf32> to vector<16xf32>
      %add3A_626 = arith.addf %mul3A_622, %get3A_625 : vector<16xf32>
      %max3A_627 = arith.constant 0.000000e+00 : f32
      %max3A_628 = vector.broadcast %max3A_627 : f32 to vector<16xf32>
      %max3A_629 = arith.maximumf %add3A_626, %max3A_628 : vector<16xf32>
      %mul3A_630 = arith.mulf %gather3A_610, %max3A_629 : vector<16xf32>
      %add3A_631 = arith.addf %add3A_545, %mul3A_630 : vector<16xf32>
      %get3A_632 = arith.index_cast %add3A_612 : i32 to index
      %get3A_633 = arith.constant 16 : index
      %get3A_634 = tpu.vector_load %arg8[%get3A_632, %get3A_633] {strides = array<i32>} : memref<640x64xf32, #tpu.memory_space<vmem>>, vector<1x16xf32>,
      %get3A_635 = vector.shape_cast %get3A_634 : vector<1x16xf32> to vector<16xf32>
      %get3A_636 = arith.index_cast %add3A_612 : i32 to index
      %get3A_637 = arith.constant 16 : index
      %get3A_638 = tpu.vector_load %arg9[%get3A_636, %get3A_637] {strides = array<i32>} : memref<640x64xf32, #tpu.memory_space<vmem>>, vector<1x16xf32>,
      %get3A_639 = vector.shape_cast %get3A_638 : vector<1x16xf32> to vector<16xf32>
      %add3A_640 = arith.addf %get3A_635, %get3A_639 : vector<16xf32>
      %mul3A_641 = arith.mulf %gather3A_606, %add3A_640 : vector<16xf32>
      %get3A_642 = arith.constant 16 : index
      %get3A_643 = tpu.vector_load %arg12[%get3A_642] {strides = array<i32>} : memref<64xf32, #tpu.memory_space<vmem>>, vector<16xf32>,
      %get3A_644 = vector.shape_cast %get3A_643 : vector<16xf32> to vector<16xf32>
      %add3A_645 = arith.addf %mul3A_641, %get3A_644 : vector<16xf32>
      %max3A_646 = arith.constant 0.000000e+00 : f32
      %max3A_647 = vector.broadcast %max3A_646 : f32 to vector<16xf32>
      %max3A_648 = arith.maximumf %add3A_645, %max3A_647 : vector<16xf32>
      %mul3A_649 = arith.mulf %gather3A_610, %max3A_648 : vector<16xf32>
      %add3A_650 = arith.addf %add3A_564, %mul3A_649 : vector<16xf32>
      %get3A_651 = arith.index_cast %add3A_612 : i32 to index
      %get3A_652 = arith.constant 32 : index
      %get3A_653 = tpu.vector_load %arg8[%get3A_651, %get3A_652] {strides = array<i32>} : memref<640x64xf32, #tpu.memory_space<vmem>>, vector<1x16xf32>,
      %get3A_654 = vector.shape_cast %get3A_653 : vector<1x16xf32> to vector<16xf32>
      %get3A_655 = arith.index_cast %add3A_612 : i32 to index
      %get3A_656 = arith.constant 32 : index
      %get3A_657 = tpu.vector_load %arg9[%get3A_655, %get3A_656] {strides = array<i32>} : memref<640x64xf32, #tpu.memory_space<vmem>>, vector<1x16xf32>,
      %get3A_658 = vector.shape_cast %get3A_657 : vector<1x16xf32> to vector<16xf32>
      %add3A_659 = arith.addf %get3A_654, %get3A_658 : vector<16xf32>
      %mul3A_660 = arith.mulf %gather3A_606, %add3A_659 : vector<16xf32>
      %get3A_661 = arith.constant 32 : index
      %get3A_662 = tpu.vector_load %arg12[%get3A_661] {strides = array<i32>} : memref<64xf32, #tpu.memory_space<vmem>>, vector<16xf32>,
      %get3A_663 = vector.shape_cast %get3A_662 : vector<16xf32> to vector<16xf32>
      %add3A_664 = arith.addf %mul3A_660, %get3A_663 : vector<16xf32>
      %max3A_665 = arith.constant 0.000000e+00 : f32
      %max3A_666 = vector.broadcast %max3A_665 : f32 to vector<16xf32>
      %max3A_667 = arith.maximumf %add3A_664, %max3A_666 : vector<16xf32>
      %mul3A_668 = arith.mulf %gather3A_610, %max3A_667 : vector<16xf32>
      %add3A_669 = arith.addf %add3A_583, %mul3A_668 : vector<16xf32>
      %get3A_670 = arith.index_cast %add3A_612 : i32 to index
      %get3A_671 = arith.constant 48 : index
      %get3A_672 = tpu.vector_load %arg8[%get3A_670, %get3A_671] {strides = array<i32>} : memref<640x64xf32, #tpu.memory_space<vmem>>, vector<1x16xf32>,
      %get3A_673 = vector.shape_cast %get3A_672 : vector<1x16xf32> to vector<16xf32>
      %get3A_674 = arith.index_cast %add3A_612 : i32 to index
      %get3A_675 = arith.constant 48 : index
      %get3A_676 = tpu.vector_load %arg9[%get3A_674, %get3A_675] {strides = array<i32>} : memref<640x64xf32, #tpu.memory_space<vmem>>, vector<1x16xf32>,
      %get3A_677 = vector.shape_cast %get3A_676 : vector<1x16xf32> to vector<16xf32>
      %add3A_678 = arith.addf %get3A_673, %get3A_677 : vector<16xf32>
      %mul3A_679 = arith.mulf %gather3A_606, %add3A_678 : vector<16xf32>
      %get3A_680 = arith.constant 48 : index
      %get3A_681 = tpu.vector_load %arg12[%get3A_680] {strides = array<i32>} : memref<64xf32, #tpu.memory_space<vmem>>, vector<16xf32>,
      %get3A_682 = vector.shape_cast %get3A_681 : vector<16xf32> to vector<16xf32>
      %add3A_683 = arith.addf %mul3A_679, %get3A_682 : vector<16xf32>
      %max3A_684 = arith.constant 0.000000e+00 : f32
      %max3A_685 = vector.broadcast %max3A_684 : f32 to vector<16xf32>
      %max3A_686 = arith.maximumf %add3A_683, %max3A_685 : vector<16xf32>
      %mul3A_687 = arith.mulf %gather3A_610, %max3A_686 : vector<16xf32>
      %add3A_688 = arith.addf %add3A_602, %mul3A_687 : vector<16xf32>
      %broadcast_in_dim3A_689 = arith.constant 7 : i32
      %broadcast_in_dim3A_690 = vector.broadcast %broadcast_in_dim3A_689 : i32 to vector<16x1xi32>
      %gather3A_691 = vector.shape_cast %broadcast_in_dim3A_690 : vector<16x1xi32> to vector<16xi32>
      %gather3A_692 = tpu.dynamic_gather %get3A_74[%gather3A_691] in [0] : vector<16xf32>, vector<16xi32> -> vector<16xf32>
      %broadcast_in_dim3A_693 = arith.constant 7 : i32
      %broadcast_in_dim3A_694 = vector.broadcast %broadcast_in_dim3A_693 : i32 to vector<16x1xi32>
      %gather3A_695 = vector.shape_cast %broadcast_in_dim3A_694 : vector<16x1xi32> to vector<16xi32>
      %gather3A_696 = tpu.dynamic_gather %mul3A_88[%gather3A_695] in [0] : vector<16xf32>, vector<16xi32> -> vector<16xf32>
      %add3A_697 = arith.constant 7 : i32
      %add3A_698 = arith.addi %mul3A_72, %add3A_697 : i32
      %get3A_699 = arith.index_cast %add3A_698 : i32 to index
      %get3A_700 = arith.constant 0 : index
      %get3A_701 = tpu.vector_load %arg8[%get3A_699, %get3A_700] {strides = array<i32>} : memref<640x64xf32, #tpu.memory_space<vmem>>, vector<1x16xf32>,
      %get3A_702 = vector.shape_cast %get3A_701 : vector<1x16xf32> to vector<16xf32>
      %get3A_703 = arith.index_cast %add3A_698 : i32 to index
      %get3A_704 = arith.constant 0 : index
      %get3A_705 = tpu.vector_load %arg9[%get3A_703, %get3A_704] {strides = array<i32>} : memref<640x64xf32, #tpu.memory_space<vmem>>, vector<1x16xf32>,
      %get3A_706 = vector.shape_cast %get3A_705 : vector<1x16xf32> to vector<16xf32>
      %add3A_707 = arith.addf %get3A_702, %get3A_706 : vector<16xf32>
      %mul3A_708 = arith.mulf %gather3A_692, %add3A_707 : vector<16xf32>
      %get3A_709 = arith.constant 0 : index
      %get3A_710 = tpu.vector_load %arg12[%get3A_709] {strides = array<i32>} : memref<64xf32, #tpu.memory_space<vmem>>, vector<16xf32>,
      %get3A_711 = vector.shape_cast %get3A_710 : vector<16xf32> to vector<16xf32>
      %add3A_712 = arith.addf %mul3A_708, %get3A_711 : vector<16xf32>
      %max3A_713 = arith.constant 0.000000e+00 : f32
      %max3A_714 = vector.broadcast %max3A_713 : f32 to vector<16xf32>
      %max3A_715 = arith.maximumf %add3A_712, %max3A_714 : vector<16xf32>
      %mul3A_716 = arith.mulf %gather3A_696, %max3A_715 : vector<16xf32>
      %add3A_717 = arith.addf %add3A_631, %mul3A_716 : vector<16xf32>
      %get3A_718 = arith.index_cast %add3A_698 : i32 to index
      %get3A_719 = arith.constant 16 : index
      %get3A_720 = tpu.vector_load %arg8[%get3A_718, %get3A_719] {strides = array<i32>} : memref<640x64xf32, #tpu.memory_space<vmem>>, vector<1x16xf32>,
      %get3A_721 = vector.shape_cast %get3A_720 : vector<1x16xf32> to vector<16xf32>
      %get3A_722 = arith.index_cast %add3A_698 : i32 to index
      %get3A_723 = arith.constant 16 : index
      %get3A_724 = tpu.vector_load %arg9[%get3A_722, %get3A_723] {strides = array<i32>} : memref<640x64xf32, #tpu.memory_space<vmem>>, vector<1x16xf32>,
      %get3A_725 = vector.shape_cast %get3A_724 : vector<1x16xf32> to vector<16xf32>
      %add3A_726 = arith.addf %get3A_721, %get3A_725 : vector<16xf32>
      %mul3A_727 = arith.mulf %gather3A_692, %add3A_726 : vector<16xf32>
      %get3A_728 = arith.constant 16 : index
      %get3A_729 = tpu.vector_load %arg12[%get3A_728] {strides = array<i32>} : memref<64xf32, #tpu.memory_space<vmem>>, vector<16xf32>,
      %get3A_730 = vector.shape_cast %get3A_729 : vector<16xf32> to vector<16xf32>
      %add3A_731 = arith.addf %mul3A_727, %get3A_730 : vector<16xf32>
      %max3A_732 = arith.constant 0.000000e+00 : f32
      %max3A_733 = vector.broadcast %max3A_732 : f32 to vector<16xf32>
      %max3A_734 = arith.maximumf %add3A_731, %max3A_733 : vector<16xf32>
      %mul3A_735 = arith.mulf %gather3A_696, %max3A_734 : vector<16xf32>
      %add3A_736 = arith.addf %add3A_650, %mul3A_735 : vector<16xf32>
      %get3A_737 = arith.index_cast %add3A_698 : i32 to index
      %get3A_738 = arith.constant 32 : index
      %get3A_739 = tpu.vector_load %arg8[%get3A_737, %get3A_738] {strides = array<i32>} : memref<640x64xf32, #tpu.memory_space<vmem>>, vector<1x16xf32>,
      %get3A_740 = vector.shape_cast %get3A_739 : vector<1x16xf32> to vector<16xf32>
      %get3A_741 = arith.index_cast %add3A_698 : i32 to index
      %get3A_742 = arith.constant 32 : index
      %get3A_743 = tpu.vector_load %arg9[%get3A_741, %get3A_742] {strides = array<i32>} : memref<640x64xf32, #tpu.memory_space<vmem>>, vector<1x16xf32>,
      %get3A_744 = vector.shape_cast %get3A_743 : vector<1x16xf32> to vector<16xf32>
      %add3A_745 = arith.addf %get3A_740, %get3A_744 : vector<16xf32>
      %mul3A_746 = arith.mulf %gather3A_692, %add3A_745 : vector<16xf32>
      %get3A_747 = arith.constant 32 : index
      %get3A_748 = tpu.vector_load %arg12[%get3A_747] {strides = array<i32>} : memref<64xf32, #tpu.memory_space<vmem>>, vector<16xf32>,
      %get3A_749 = vector.shape_cast %get3A_748 : vector<16xf32> to vector<16xf32>
      %add3A_750 = arith.addf %mul3A_746, %get3A_749 : vector<16xf32>
      %max3A_751 = arith.constant 0.000000e+00 : f32
      %max3A_752 = vector.broadcast %max3A_751 : f32 to vector<16xf32>
      %max3A_753 = arith.maximumf %add3A_750, %max3A_752 : vector<16xf32>
      %mul3A_754 = arith.mulf %gather3A_696, %max3A_753 : vector<16xf32>
      %add3A_755 = arith.addf %add3A_669, %mul3A_754 : vector<16xf32>
      %get3A_756 = arith.index_cast %add3A_698 : i32 to index
      %get3A_757 = arith.constant 48 : index
      %get3A_758 = tpu.vector_load %arg8[%get3A_756, %get3A_757] {strides = array<i32>} : memref<640x64xf32, #tpu.memory_space<vmem>>, vector<1x16xf32>,
      %get3A_759 = vector.shape_cast %get3A_758 : vector<1x16xf32> to vector<16xf32>
      %get3A_760 = arith.index_cast %add3A_698 : i32 to index
      %get3A_761 = arith.constant 48 : index
      %get3A_762 = tpu.vector_load %arg9[%get3A_760, %get3A_761] {strides = array<i32>} : memref<640x64xf32, #tpu.memory_space<vmem>>, vector<1x16xf32>,
      %get3A_763 = vector.shape_cast %get3A_762 : vector<1x16xf32> to vector<16xf32>
      %add3A_764 = arith.addf %get3A_759, %get3A_763 : vector<16xf32>
      %mul3A_765 = arith.mulf %gather3A_692, %add3A_764 : vector<16xf32>
      %get3A_766 = arith.constant 48 : index
      %get3A_767 = tpu.vector_load %arg12[%get3A_766] {strides = array<i32>} : memref<64xf32, #tpu.memory_space<vmem>>, vector<16xf32>,
      %get3A_768 = vector.shape_cast %get3A_767 : vector<16xf32> to vector<16xf32>
      %add3A_769 = arith.addf %mul3A_765, %get3A_768 : vector<16xf32>
      %max3A_770 = arith.constant 0.000000e+00 : f32
      %max3A_771 = vector.broadcast %max3A_770 : f32 to vector<16xf32>
      %max3A_772 = arith.maximumf %add3A_769, %max3A_771 : vector<16xf32>
      %mul3A_773 = arith.mulf %gather3A_696, %max3A_772 : vector<16xf32>
      %add3A_774 = arith.addf %add3A_688, %mul3A_773 : vector<16xf32>
      %broadcast_in_dim3A_775 = arith.constant 8 : i32
      %broadcast_in_dim3A_776 = vector.broadcast %broadcast_in_dim3A_775 : i32 to vector<16x1xi32>
      %gather3A_777 = vector.shape_cast %broadcast_in_dim3A_776 : vector<16x1xi32> to vector<16xi32>
      %gather3A_778 = tpu.dynamic_gather %get3A_74[%gather3A_777] in [0] : vector<16xf32>, vector<16xi32> -> vector<16xf32>
      %broadcast_in_dim3A_779 = arith.constant 8 : i32
      %broadcast_in_dim3A_780 = vector.broadcast %broadcast_in_dim3A_779 : i32 to vector<16x1xi32>
      %gather3A_781 = vector.shape_cast %broadcast_in_dim3A_780 : vector<16x1xi32> to vector<16xi32>
      %gather3A_782 = tpu.dynamic_gather %mul3A_88[%gather3A_781] in [0] : vector<16xf32>, vector<16xi32> -> vector<16xf32>
      %add3A_783 = arith.constant 8 : i32
      %add3A_784 = arith.addi %mul3A_72, %add3A_783 : i32
      %get3A_785 = arith.index_cast %add3A_784 : i32 to index
      %get3A_786 = arith.constant 0 : index
      %get3A_787 = tpu.vector_load %arg8[%get3A_785, %get3A_786] {strides = array<i32>} : memref<640x64xf32, #tpu.memory_space<vmem>>, vector<1x16xf32>,
      %get3A_788 = vector.shape_cast %get3A_787 : vector<1x16xf32> to vector<16xf32>
      %get3A_789 = arith.index_cast %add3A_784 : i32 to index
      %get3A_790 = arith.constant 0 : index
      %get3A_791 = tpu.vector_load %arg9[%get3A_789, %get3A_790] {strides = array<i32>} : memref<640x64xf32, #tpu.memory_space<vmem>>, vector<1x16xf32>,
      %get3A_792 = vector.shape_cast %get3A_791 : vector<1x16xf32> to vector<16xf32>
      %add3A_793 = arith.addf %get3A_788, %get3A_792 : vector<16xf32>
      %mul3A_794 = arith.mulf %gather3A_778, %add3A_793 : vector<16xf32>
      %get3A_795 = arith.constant 0 : index
      %get3A_796 = tpu.vector_load %arg12[%get3A_795] {strides = array<i32>} : memref<64xf32, #tpu.memory_space<vmem>>, vector<16xf32>,
      %get3A_797 = vector.shape_cast %get3A_796 : vector<16xf32> to vector<16xf32>
      %add3A_798 = arith.addf %mul3A_794, %get3A_797 : vector<16xf32>
      %max3A_799 = arith.constant 0.000000e+00 : f32
      %max3A_800 = vector.broadcast %max3A_799 : f32 to vector<16xf32>
      %max3A_801 = arith.maximumf %add3A_798, %max3A_800 : vector<16xf32>
      %mul3A_802 = arith.mulf %gather3A_782, %max3A_801 : vector<16xf32>
      %add3A_803 = arith.addf %add3A_717, %mul3A_802 : vector<16xf32>
      %get3A_804 = arith.index_cast %add3A_784 : i32 to index
      %get3A_805 = arith.constant 16 : index
      %get3A_806 = tpu.vector_load %arg8[%get3A_804, %get3A_805] {strides = array<i32>} : memref<640x64xf32, #tpu.memory_space<vmem>>, vector<1x16xf32>,
      %get3A_807 = vector.shape_cast %get3A_806 : vector<1x16xf32> to vector<16xf32>
      %get3A_808 = arith.index_cast %add3A_784 : i32 to index
      %get3A_809 = arith.constant 16 : index
      %get3A_810 = tpu.vector_load %arg9[%get3A_808, %get3A_809] {strides = array<i32>} : memref<640x64xf32, #tpu.memory_space<vmem>>, vector<1x16xf32>,
      %get3A_811 = vector.shape_cast %get3A_810 : vector<1x16xf32> to vector<16xf32>
      %add3A_812 = arith.addf %get3A_807, %get3A_811 : vector<16xf32>
      %mul3A_813 = arith.mulf %gather3A_778, %add3A_812 : vector<16xf32>
      %get3A_814 = arith.constant 16 : index
      %get3A_815 = tpu.vector_load %arg12[%get3A_814] {strides = array<i32>} : memref<64xf32, #tpu.memory_space<vmem>>, vector<16xf32>,
      %get3A_816 = vector.shape_cast %get3A_815 : vector<16xf32> to vector<16xf32>
      %add3A_817 = arith.addf %mul3A_813, %get3A_816 : vector<16xf32>
      %max3A_818 = arith.constant 0.000000e+00 : f32
      %max3A_819 = vector.broadcast %max3A_818 : f32 to vector<16xf32>
      %max3A_820 = arith.maximumf %add3A_817, %max3A_819 : vector<16xf32>
      %mul3A_821 = arith.mulf %gather3A_782, %max3A_820 : vector<16xf32>
      %add3A_822 = arith.addf %add3A_736, %mul3A_821 : vector<16xf32>
      %get3A_823 = arith.index_cast %add3A_784 : i32 to index
      %get3A_824 = arith.constant 32 : index
      %get3A_825 = tpu.vector_load %arg8[%get3A_823, %get3A_824] {strides = array<i32>} : memref<640x64xf32, #tpu.memory_space<vmem>>, vector<1x16xf32>,
      %get3A_826 = vector.shape_cast %get3A_825 : vector<1x16xf32> to vector<16xf32>
      %get3A_827 = arith.index_cast %add3A_784 : i32 to index
      %get3A_828 = arith.constant 32 : index
      %get3A_829 = tpu.vector_load %arg9[%get3A_827, %get3A_828] {strides = array<i32>} : memref<640x64xf32, #tpu.memory_space<vmem>>, vector<1x16xf32>,
      %get3A_830 = vector.shape_cast %get3A_829 : vector<1x16xf32> to vector<16xf32>
      %add3A_831 = arith.addf %get3A_826, %get3A_830 : vector<16xf32>
      %mul3A_832 = arith.mulf %gather3A_778, %add3A_831 : vector<16xf32>
      %get3A_833 = arith.constant 32 : index
      %get3A_834 = tpu.vector_load %arg12[%get3A_833] {strides = array<i32>} : memref<64xf32, #tpu.memory_space<vmem>>, vector<16xf32>,
      %get3A_835 = vector.shape_cast %get3A_834 : vector<16xf32> to vector<16xf32>
      %add3A_836 = arith.addf %mul3A_832, %get3A_835 : vector<16xf32>
      %max3A_837 = arith.constant 0.000000e+00 : f32
      %max3A_838 = vector.broadcast %max3A_837 : f32 to vector<16xf32>
      %max3A_839 = arith.maximumf %add3A_836, %max3A_838 : vector<16xf32>
      %mul3A_840 = arith.mulf %gather3A_782, %max3A_839 : vector<16xf32>
      %add3A_841 = arith.addf %add3A_755, %mul3A_840 : vector<16xf32>
      %get3A_842 = arith.index_cast %add3A_784 : i32 to index
      %get3A_843 = arith.constant 48 : index
      %get3A_844 = tpu.vector_load %arg8[%get3A_842, %get3A_843] {strides = array<i32>} : memref<640x64xf32, #tpu.memory_space<vmem>>, vector<1x16xf32>,
      %get3A_845 = vector.shape_cast %get3A_844 : vector<1x16xf32> to vector<16xf32>
      %get3A_846 = arith.index_cast %add3A_784 : i32 to index
      %get3A_847 = arith.constant 48 : index
      %get3A_848 = tpu.vector_load %arg9[%get3A_846, %get3A_847] {strides = array<i32>} : memref<640x64xf32, #tpu.memory_space<vmem>>, vector<1x16xf32>,
      %get3A_849 = vector.shape_cast %get3A_848 : vector<1x16xf32> to vector<16xf32>
      %add3A_850 = arith.addf %get3A_845, %get3A_849 : vector<16xf32>
      %mul3A_851 = arith.mulf %gather3A_778, %add3A_850 : vector<16xf32>
      %get3A_852 = arith.constant 48 : index
      %get3A_853 = tpu.vector_load %arg12[%get3A_852] {strides = array<i32>} : memref<64xf32, #tpu.memory_space<vmem>>, vector<16xf32>,
      %get3A_854 = vector.shape_cast %get3A_853 : vector<16xf32> to vector<16xf32>
      %add3A_855 = arith.addf %mul3A_851, %get3A_854 : vector<16xf32>
      %max3A_856 = arith.constant 0.000000e+00 : f32
      %max3A_857 = vector.broadcast %max3A_856 : f32 to vector<16xf32>
      %max3A_858 = arith.maximumf %add3A_855, %max3A_857 : vector<16xf32>
      %mul3A_859 = arith.mulf %gather3A_782, %max3A_858 : vector<16xf32>
      %add3A_860 = arith.addf %add3A_774, %mul3A_859 : vector<16xf32>
      %broadcast_in_dim3A_861 = arith.constant 9 : i32
      %broadcast_in_dim3A_862 = vector.broadcast %broadcast_in_dim3A_861 : i32 to vector<16x1xi32>
      %gather3A_863 = vector.shape_cast %broadcast_in_dim3A_862 : vector<16x1xi32> to vector<16xi32>
      %gather3A_864 = tpu.dynamic_gather %get3A_74[%gather3A_863] in [0] : vector<16xf32>, vector<16xi32> -> vector<16xf32>
      %broadcast_in_dim3A_865 = arith.constant 9 : i32
      %broadcast_in_dim3A_866 = vector.broadcast %broadcast_in_dim3A_865 : i32 to vector<16x1xi32>
      %gather3A_867 = vector.shape_cast %broadcast_in_dim3A_866 : vector<16x1xi32> to vector<16xi32>
      %gather3A_868 = tpu.dynamic_gather %mul3A_88[%gather3A_867] in [0] : vector<16xf32>, vector<16xi32> -> vector<16xf32>
      %add3A_869 = arith.constant 9 : i32
      %add3A_870 = arith.addi %mul3A_72, %add3A_869 : i32
      %get3A_871 = arith.index_cast %add3A_870 : i32 to index
      %get3A_872 = arith.constant 0 : index
      %get3A_873 = tpu.vector_load %arg8[%get3A_871, %get3A_872] {strides = array<i32>} : memref<640x64xf32, #tpu.memory_space<vmem>>, vector<1x16xf32>,
      %get3A_874 = vector.shape_cast %get3A_873 : vector<1x16xf32> to vector<16xf32>
      %get3A_875 = arith.index_cast %add3A_870 : i32 to index
      %get3A_876 = arith.constant 0 : index
      %get3A_877 = tpu.vector_load %arg9[%get3A_875, %get3A_876] {strides = array<i32>} : memref<640x64xf32, #tpu.memory_space<vmem>>, vector<1x16xf32>,
      %get3A_878 = vector.shape_cast %get3A_877 : vector<1x16xf32> to vector<16xf32>
      %add3A_879 = arith.addf %get3A_874, %get3A_878 : vector<16xf32>
      %mul3A_880 = arith.mulf %gather3A_864, %add3A_879 : vector<16xf32>
      %get3A_881 = arith.constant 0 : index
      %get3A_882 = tpu.vector_load %arg12[%get3A_881] {strides = array<i32>} : memref<64xf32, #tpu.memory_space<vmem>>, vector<16xf32>,
      %get3A_883 = vector.shape_cast %get3A_882 : vector<16xf32> to vector<16xf32>
      %add3A_884 = arith.addf %mul3A_880, %get3A_883 : vector<16xf32>
      %max3A_885 = arith.constant 0.000000e+00 : f32
      %max3A_886 = vector.broadcast %max3A_885 : f32 to vector<16xf32>
      %max3A_887 = arith.maximumf %add3A_884, %max3A_886 : vector<16xf32>
      %mul3A_888 = arith.mulf %gather3A_868, %max3A_887 : vector<16xf32>
      %add3A_889 = arith.addf %add3A_803, %mul3A_888 : vector<16xf32>
      %get3A_890 = arith.index_cast %add3A_870 : i32 to index
      %get3A_891 = arith.constant 16 : index
      %get3A_892 = tpu.vector_load %arg8[%get3A_890, %get3A_891] {strides = array<i32>} : memref<640x64xf32, #tpu.memory_space<vmem>>, vector<1x16xf32>,
      %get3A_893 = vector.shape_cast %get3A_892 : vector<1x16xf32> to vector<16xf32>
      %get3A_894 = arith.index_cast %add3A_870 : i32 to index
      %get3A_895 = arith.constant 16 : index
      %get3A_896 = tpu.vector_load %arg9[%get3A_894, %get3A_895] {strides = array<i32>} : memref<640x64xf32, #tpu.memory_space<vmem>>, vector<1x16xf32>,
      %get3A_897 = vector.shape_cast %get3A_896 : vector<1x16xf32> to vector<16xf32>
      %add3A_898 = arith.addf %get3A_893, %get3A_897 : vector<16xf32>
      %mul3A_899 = arith.mulf %gather3A_864, %add3A_898 : vector<16xf32>
      %get3A_900 = arith.constant 16 : index
      %get3A_901 = tpu.vector_load %arg12[%get3A_900] {strides = array<i32>} : memref<64xf32, #tpu.memory_space<vmem>>, vector<16xf32>,
      %get3A_902 = vector.shape_cast %get3A_901 : vector<16xf32> to vector<16xf32>
      %add3A_903 = arith.addf %mul3A_899, %get3A_902 : vector<16xf32>
      %max3A_904 = arith.constant 0.000000e+00 : f32
      %max3A_905 = vector.broadcast %max3A_904 : f32 to vector<16xf32>
      %max3A_906 = arith.maximumf %add3A_903, %max3A_905 : vector<16xf32>
      %mul3A_907 = arith.mulf %gather3A_868, %max3A_906 : vector<16xf32>
      %add3A_908 = arith.addf %add3A_822, %mul3A_907 : vector<16xf32>
      %get3A_909 = arith.index_cast %add3A_870 : i32 to index
      %get3A_910 = arith.constant 32 : index
      %get3A_911 = tpu.vector_load %arg8[%get3A_909, %get3A_910] {strides = array<i32>} : memref<640x64xf32, #tpu.memory_space<vmem>>, vector<1x16xf32>,
      %get3A_912 = vector.shape_cast %get3A_911 : vector<1x16xf32> to vector<16xf32>
      %get3A_913 = arith.index_cast %add3A_870 : i32 to index
      %get3A_914 = arith.constant 32 : index
      %get3A_915 = tpu.vector_load %arg9[%get3A_913, %get3A_914] {strides = array<i32>} : memref<640x64xf32, #tpu.memory_space<vmem>>, vector<1x16xf32>,
      %get3A_916 = vector.shape_cast %get3A_915 : vector<1x16xf32> to vector<16xf32>
      %add3A_917 = arith.addf %get3A_912, %get3A_916 : vector<16xf32>
      %mul3A_918 = arith.mulf %gather3A_864, %add3A_917 : vector<16xf32>
      %get3A_919 = arith.constant 32 : index
      %get3A_920 = tpu.vector_load %arg12[%get3A_919] {strides = array<i32>} : memref<64xf32, #tpu.memory_space<vmem>>, vector<16xf32>,
      %get3A_921 = vector.shape_cast %get3A_920 : vector<16xf32> to vector<16xf32>
      %add3A_922 = arith.addf %mul3A_918, %get3A_921 : vector<16xf32>
      %max3A_923 = arith.constant 0.000000e+00 : f32
      %max3A_924 = vector.broadcast %max3A_923 : f32 to vector<16xf32>
      %max3A_925 = arith.maximumf %add3A_922, %max3A_924 : vector<16xf32>
      %mul3A_926 = arith.mulf %gather3A_868, %max3A_925 : vector<16xf32>
      %add3A_927 = arith.addf %add3A_841, %mul3A_926 : vector<16xf32>
      %get3A_928 = arith.index_cast %add3A_870 : i32 to index
      %get3A_929 = arith.constant 48 : index
      %get3A_930 = tpu.vector_load %arg8[%get3A_928, %get3A_929] {strides = array<i32>} : memref<640x64xf32, #tpu.memory_space<vmem>>, vector<1x16xf32>,
      %get3A_931 = vector.shape_cast %get3A_930 : vector<1x16xf32> to vector<16xf32>
      %get3A_932 = arith.index_cast %add3A_870 : i32 to index
      %get3A_933 = arith.constant 48 : index
      %get3A_934 = tpu.vector_load %arg9[%get3A_932, %get3A_933] {strides = array<i32>} : memref<640x64xf32, #tpu.memory_space<vmem>>, vector<1x16xf32>,
      %get3A_935 = vector.shape_cast %get3A_934 : vector<1x16xf32> to vector<16xf32>
      %add3A_936 = arith.addf %get3A_931, %get3A_935 : vector<16xf32>
      %mul3A_937 = arith.mulf %gather3A_864, %add3A_936 : vector<16xf32>
      %get3A_938 = arith.constant 48 : index
      %get3A_939 = tpu.vector_load %arg12[%get3A_938] {strides = array<i32>} : memref<64xf32, #tpu.memory_space<vmem>>, vector<16xf32>,
      %get3A_940 = vector.shape_cast %get3A_939 : vector<16xf32> to vector<16xf32>
      %add3A_941 = arith.addf %mul3A_937, %get3A_940 : vector<16xf32>
      %max3A_942 = arith.constant 0.000000e+00 : f32
      %max3A_943 = vector.broadcast %max3A_942 : f32 to vector<16xf32>
      %max3A_944 = arith.maximumf %add3A_941, %max3A_943 : vector<16xf32>
      %mul3A_945 = arith.mulf %gather3A_868, %max3A_944 : vector<16xf32>
      %add3A_946 = arith.addf %add3A_860, %mul3A_945 : vector<16xf32>
      %broadcast_in_dim3A_947 = arith.constant 10 : i32
      %broadcast_in_dim3A_948 = vector.broadcast %broadcast_in_dim3A_947 : i32 to vector<16x1xi32>
      %gather3A_949 = vector.shape_cast %broadcast_in_dim3A_948 : vector<16x1xi32> to vector<16xi32>
      %gather3A_950 = tpu.dynamic_gather %get3A_74[%gather3A_949] in [0] : vector<16xf32>, vector<16xi32> -> vector<16xf32>
      %broadcast_in_dim3A_951 = arith.constant 10 : i32
      %broadcast_in_dim3A_952 = vector.broadcast %broadcast_in_dim3A_951 : i32 to vector<16x1xi32>
      %gather3A_953 = vector.shape_cast %broadcast_in_dim3A_952 : vector<16x1xi32> to vector<16xi32>
      %gather3A_954 = tpu.dynamic_gather %mul3A_88[%gather3A_953] in [0] : vector<16xf32>, vector<16xi32> -> vector<16xf32>
      %add3A_955 = arith.constant 10 : i32
      %add3A_956 = arith.addi %mul3A_72, %add3A_955 : i32
      %get3A_957 = arith.index_cast %add3A_956 : i32 to index
      %get3A_958 = arith.constant 0 : index
      %get3A_959 = tpu.vector_load %arg8[%get3A_957, %get3A_958] {strides = array<i32>} : memref<640x64xf32, #tpu.memory_space<vmem>>, vector<1x16xf32>,
      %get3A_960 = vector.shape_cast %get3A_959 : vector<1x16xf32> to vector<16xf32>
      %get3A_961 = arith.index_cast %add3A_956 : i32 to index
      %get3A_962 = arith.constant 0 : index
      %get3A_963 = tpu.vector_load %arg9[%get3A_961, %get3A_962] {strides = array<i32>} : memref<640x64xf32, #tpu.memory_space<vmem>>, vector<1x16xf32>,
      %get3A_964 = vector.shape_cast %get3A_963 : vector<1x16xf32> to vector<16xf32>
      %add3A_965 = arith.addf %get3A_960, %get3A_964 : vector<16xf32>
      %mul3A_966 = arith.mulf %gather3A_950, %add3A_965 : vector<16xf32>
      %get3A_967 = arith.constant 0 : index
      %get3A_968 = tpu.vector_load %arg12[%get3A_967] {strides = array<i32>} : memref<64xf32, #tpu.memory_space<vmem>>, vector<16xf32>,
      %get3A_969 = vector.shape_cast %get3A_968 : vector<16xf32> to vector<16xf32>
      %add3A_970 = arith.addf %mul3A_966, %get3A_969 : vector<16xf32>
      %max3A_971 = arith.constant 0.000000e+00 : f32
      %max3A_972 = vector.broadcast %max3A_971 : f32 to vector<16xf32>
      %max3A_973 = arith.maximumf %add3A_970, %max3A_972 : vector<16xf32>
      %mul3A_974 = arith.mulf %gather3A_954, %max3A_973 : vector<16xf32>
      %add3A_975 = arith.addf %add3A_889, %mul3A_974 : vector<16xf32>
      %get3A_976 = arith.index_cast %add3A_956 : i32 to index
      %get3A_977 = arith.constant 16 : index
      %get3A_978 = tpu.vector_load %arg8[%get3A_976, %get3A_977] {strides = array<i32>} : memref<640x64xf32, #tpu.memory_space<vmem>>, vector<1x16xf32>,
      %get3A_979 = vector.shape_cast %get3A_978 : vector<1x16xf32> to vector<16xf32>
      %get3A_980 = arith.index_cast %add3A_956 : i32 to index
      %get3A_981 = arith.constant 16 : index
      %get3A_982 = tpu.vector_load %arg9[%get3A_980, %get3A_981] {strides = array<i32>} : memref<640x64xf32, #tpu.memory_space<vmem>>, vector<1x16xf32>,
      %get3A_983 = vector.shape_cast %get3A_982 : vector<1x16xf32> to vector<16xf32>
      %add3A_984 = arith.addf %get3A_979, %get3A_983 : vector<16xf32>
      %mul3A_985 = arith.mulf %gather3A_950, %add3A_984 : vector<16xf32>
      %get3A_986 = arith.constant 16 : index
      %get3A_987 = tpu.vector_load %arg12[%get3A_986] {strides = array<i32>} : memref<64xf32, #tpu.memory_space<vmem>>, vector<16xf32>,
      %get3A_988 = vector.shape_cast %get3A_987 : vector<16xf32> to vector<16xf32>
      %add3A_989 = arith.addf %mul3A_985, %get3A_988 : vector<16xf32>
      %max3A_990 = arith.constant 0.000000e+00 : f32
      %max3A_991 = vector.broadcast %max3A_990 : f32 to vector<16xf32>
      %max3A_992 = arith.maximumf %add3A_989, %max3A_991 : vector<16xf32>
      %mul3A_993 = arith.mulf %gather3A_954, %max3A_992 : vector<16xf32>
      %add3A_994 = arith.addf %add3A_908, %mul3A_993 : vector<16xf32>
      %get3A_995 = arith.index_cast %add3A_956 : i32 to index
      %get3A_996 = arith.constant 32 : index
      %get3A_997 = tpu.vector_load %arg8[%get3A_995, %get3A_996] {strides = array<i32>} : memref<640x64xf32, #tpu.memory_space<vmem>>, vector<1x16xf32>,
      %get3A_998 = vector.shape_cast %get3A_997 : vector<1x16xf32> to vector<16xf32>
      %get3A_999 = arith.index_cast %add3A_956 : i32 to index
      %get3A_1000 = arith.constant 32 : index
      %get3A_1001 = tpu.vector_load %arg9[%get3A_999, %get3A_1000] {strides = array<i32>} : memref<640x64xf32, #tpu.memory_space<vmem>>, vector<1x16xf32>,
      %get3A_1002 = vector.shape_cast %get3A_1001 : vector<1x16xf32> to vector<16xf32>
      %add3A_1003 = arith.addf %get3A_998, %get3A_1002 : vector<16xf32>
      %mul3A_1004 = arith.mulf %gather3A_950, %add3A_1003 : vector<16xf32>
      %get3A_1005 = arith.constant 32 : index
      %get3A_1006 = tpu.vector_load %arg12[%get3A_1005] {strides = array<i32>} : memref<64xf32, #tpu.memory_space<vmem>>, vector<16xf32>,
      %get3A_1007 = vector.shape_cast %get3A_1006 : vector<16xf32> to vector<16xf32>
      %add3A_1008 = arith.addf %mul3A_1004, %get3A_1007 : vector<16xf32>
      %max3A_1009 = arith.constant 0.000000e+00 : f32
      %max3A_1010 = vector.broadcast %max3A_1009 : f32 to vector<16xf32>
      %max3A_1011 = arith.maximumf %add3A_1008, %max3A_1010 : vector<16xf32>
      %mul3A_1012 = arith.mulf %gather3A_954, %max3A_1011 : vector<16xf32>
      %add3A_1013 = arith.addf %add3A_927, %mul3A_1012 : vector<16xf32>
      %get3A_1014 = arith.index_cast %add3A_956 : i32 to index
      %get3A_1015 = arith.constant 48 : index
      %get3A_1016 = tpu.vector_load %arg8[%get3A_1014, %get3A_1015] {strides = array<i32>} : memref<640x64xf32, #tpu.memory_space<vmem>>, vector<1x16xf32>,
      %get3A_1017 = vector.shape_cast %get3A_1016 : vector<1x16xf32> to vector<16xf32>
      %get3A_1018 = arith.index_cast %add3A_956 : i32 to index
      %get3A_1019 = arith.constant 48 : index
      %get3A_1020 = tpu.vector_load %arg9[%get3A_1018, %get3A_1019] {strides = array<i32>} : memref<640x64xf32, #tpu.memory_space<vmem>>, vector<1x16xf32>,
      %get3A_1021 = vector.shape_cast %get3A_1020 : vector<1x16xf32> to vector<16xf32>
      %add3A_1022 = arith.addf %get3A_1017, %get3A_1021 : vector<16xf32>
      %mul3A_1023 = arith.mulf %gather3A_950, %add3A_1022 : vector<16xf32>
      %get3A_1024 = arith.constant 48 : index
      %get3A_1025 = tpu.vector_load %arg12[%get3A_1024] {strides = array<i32>} : memref<64xf32, #tpu.memory_space<vmem>>, vector<16xf32>,
      %get3A_1026 = vector.shape_cast %get3A_1025 : vector<16xf32> to vector<16xf32>
      %add3A_1027 = arith.addf %mul3A_1023, %get3A_1026 : vector<16xf32>
      %max3A_1028 = arith.constant 0.000000e+00 : f32
      %max3A_1029 = vector.broadcast %max3A_1028 : f32 to vector<16xf32>
      %max3A_1030 = arith.maximumf %add3A_1027, %max3A_1029 : vector<16xf32>
      %mul3A_1031 = arith.mulf %gather3A_954, %max3A_1030 : vector<16xf32>
      %add3A_1032 = arith.addf %add3A_946, %mul3A_1031 : vector<16xf32>
      %broadcast_in_dim3A_1033 = arith.constant 11 : i32
      %broadcast_in_dim3A_1034 = vector.broadcast %broadcast_in_dim3A_1033 : i32 to vector<16x1xi32>
      %gather3A_1035 = vector.shape_cast %broadcast_in_dim3A_1034 : vector<16x1xi32> to vector<16xi32>
      %gather3A_1036 = tpu.dynamic_gather %get3A_74[%gather3A_1035] in [0] : vector<16xf32>, vector<16xi32> -> vector<16xf32>
      %broadcast_in_dim3A_1037 = arith.constant 11 : i32
      %broadcast_in_dim3A_1038 = vector.broadcast %broadcast_in_dim3A_1037 : i32 to vector<16x1xi32>
      %gather3A_1039 = vector.shape_cast %broadcast_in_dim3A_1038 : vector<16x1xi32> to vector<16xi32>
      %gather3A_1040 = tpu.dynamic_gather %mul3A_88[%gather3A_1039] in [0] : vector<16xf32>, vector<16xi32> -> vector<16xf32>
      %add3A_1041 = arith.constant 11 : i32
      %add3A_1042 = arith.addi %mul3A_72, %add3A_1041 : i32
      %get3A_1043 = arith.index_cast %add3A_1042 : i32 to index
      %get3A_1044 = arith.constant 0 : index
      %get3A_1045 = tpu.vector_load %arg8[%get3A_1043, %get3A_1044] {strides = array<i32>} : memref<640x64xf32, #tpu.memory_space<vmem>>, vector<1x16xf32>,
      %get3A_1046 = vector.shape_cast %get3A_1045 : vector<1x16xf32> to vector<16xf32>
      %get3A_1047 = arith.index_cast %add3A_1042 : i32 to index
      %get3A_1048 = arith.constant 0 : index
      %get3A_1049 = tpu.vector_load %arg9[%get3A_1047, %get3A_1048] {strides = array<i32>} : memref<640x64xf32, #tpu.memory_space<vmem>>, vector<1x16xf32>,
      %get3A_1050 = vector.shape_cast %get3A_1049 : vector<1x16xf32> to vector<16xf32>
      %add3A_1051 = arith.addf %get3A_1046, %get3A_1050 : vector<16xf32>
      %mul3A_1052 = arith.mulf %gather3A_1036, %add3A_1051 : vector<16xf32>
      %get3A_1053 = arith.constant 0 : index
      %get3A_1054 = tpu.vector_load %arg12[%get3A_1053] {strides = array<i32>} : memref<64xf32, #tpu.memory_space<vmem>>, vector<16xf32>,
      %get3A_1055 = vector.shape_cast %get3A_1054 : vector<16xf32> to vector<16xf32>
      %add3A_1056 = arith.addf %mul3A_1052, %get3A_1055 : vector<16xf32>
      %max3A_1057 = arith.constant 0.000000e+00 : f32
      %max3A_1058 = vector.broadcast %max3A_1057 : f32 to vector<16xf32>
      %max3A_1059 = arith.maximumf %add3A_1056, %max3A_1058 : vector<16xf32>
      %mul3A_1060 = arith.mulf %gather3A_1040, %max3A_1059 : vector<16xf32>
      %add3A_1061 = arith.addf %add3A_975, %mul3A_1060 : vector<16xf32>
      %get3A_1062 = arith.index_cast %add3A_1042 : i32 to index
      %get3A_1063 = arith.constant 16 : index
      %get3A_1064 = tpu.vector_load %arg8[%get3A_1062, %get3A_1063] {strides = array<i32>} : memref<640x64xf32, #tpu.memory_space<vmem>>, vector<1x16xf32>,
      %get3A_1065 = vector.shape_cast %get3A_1064 : vector<1x16xf32> to vector<16xf32>
      %get3A_1066 = arith.index_cast %add3A_1042 : i32 to index
      %get3A_1067 = arith.constant 16 : index
      %get3A_1068 = tpu.vector_load %arg9[%get3A_1066, %get3A_1067] {strides = array<i32>} : memref<640x64xf32, #tpu.memory_space<vmem>>, vector<1x16xf32>,
      %get3A_1069 = vector.shape_cast %get3A_1068 : vector<1x16xf32> to vector<16xf32>
      %add3A_1070 = arith.addf %get3A_1065, %get3A_1069 : vector<16xf32>
      %mul3A_1071 = arith.mulf %gather3A_1036, %add3A_1070 : vector<16xf32>
      %get3A_1072 = arith.constant 16 : index
      %get3A_1073 = tpu.vector_load %arg12[%get3A_1072] {strides = array<i32>} : memref<64xf32, #tpu.memory_space<vmem>>, vector<16xf32>,
      %get3A_1074 = vector.shape_cast %get3A_1073 : vector<16xf32> to vector<16xf32>
      %add3A_1075 = arith.addf %mul3A_1071, %get3A_1074 : vector<16xf32>
      %max3A_1076 = arith.constant 0.000000e+00 : f32
      %max3A_1077 = vector.broadcast %max3A_1076 : f32 to vector<16xf32>
      %max3A_1078 = arith.maximumf %add3A_1075, %max3A_1077 : vector<16xf32>
      %mul3A_1079 = arith.mulf %gather3A_1040, %max3A_1078 : vector<16xf32>
      %add3A_1080 = arith.addf %add3A_994, %mul3A_1079 : vector<16xf32>
      %get3A_1081 = arith.index_cast %add3A_1042 : i32 to index
      %get3A_1082 = arith.constant 32 : index
      %get3A_1083 = tpu.vector_load %arg8[%get3A_1081, %get3A_1082] {strides = array<i32>} : memref<640x64xf32, #tpu.memory_space<vmem>>, vector<1x16xf32>,
      %get3A_1084 = vector.shape_cast %get3A_1083 : vector<1x16xf32> to vector<16xf32>
      %get3A_1085 = arith.index_cast %add3A_1042 : i32 to index
      %get3A_1086 = arith.constant 32 : index
      %get3A_1087 = tpu.vector_load %arg9[%get3A_1085, %get3A_1086] {strides = array<i32>} : memref<640x64xf32, #tpu.memory_space<vmem>>, vector<1x16xf32>,
      %get3A_1088 = vector.shape_cast %get3A_1087 : vector<1x16xf32> to vector<16xf32>
      %add3A_1089 = arith.addf %get3A_1084, %get3A_1088 : vector<16xf32>
      %mul3A_1090 = arith.mulf %gather3A_1036, %add3A_1089 : vector<16xf32>
      %get3A_1091 = arith.constant 32 : index
      %get3A_1092 = tpu.vector_load %arg12[%get3A_1091] {strides = array<i32>} : memref<64xf32, #tpu.memory_space<vmem>>, vector<16xf32>,
      %get3A_1093 = vector.shape_cast %get3A_1092 : vector<16xf32> to vector<16xf32>
      %add3A_1094 = arith.addf %mul3A_1090, %get3A_1093 : vector<16xf32>
      %max3A_1095 = arith.constant 0.000000e+00 : f32
      %max3A_1096 = vector.broadcast %max3A_1095 : f32 to vector<16xf32>
      %max3A_1097 = arith.maximumf %add3A_1094, %max3A_1096 : vector<16xf32>
      %mul3A_1098 = arith.mulf %gather3A_1040, %max3A_1097 : vector<16xf32>
      %add3A_1099 = arith.addf %add3A_1013, %mul3A_1098 : vector<16xf32>
      %get3A_1100 = arith.index_cast %add3A_1042 : i32 to index
      %get3A_1101 = arith.constant 48 : index
      %get3A_1102 = tpu.vector_load %arg8[%get3A_1100, %get3A_1101] {strides = array<i32>} : memref<640x64xf32, #tpu.memory_space<vmem>>, vector<1x16xf32>,
      %get3A_1103 = vector.shape_cast %get3A_1102 : vector<1x16xf32> to vector<16xf32>
      %get3A_1104 = arith.index_cast %add3A_1042 : i32 to index
      %get3A_1105 = arith.constant 48 : index
      %get3A_1106 = tpu.vector_load %arg9[%get3A_1104, %get3A_1105] {strides = array<i32>} : memref<640x64xf32, #tpu.memory_space<vmem>>, vector<1x16xf32>,
      %get3A_1107 = vector.shape_cast %get3A_1106 : vector<1x16xf32> to vector<16xf32>
      %add3A_1108 = arith.addf %get3A_1103, %get3A_1107 : vector<16xf32>
      %mul3A_1109 = arith.mulf %gather3A_1036, %add3A_1108 : vector<16xf32>
      %get3A_1110 = arith.constant 48 : index
      %get3A_1111 = tpu.vector_load %arg12[%get3A_1110] {strides = array<i32>} : memref<64xf32, #tpu.memory_space<vmem>>, vector<16xf32>,
      %get3A_1112 = vector.shape_cast %get3A_1111 : vector<16xf32> to vector<16xf32>
      %add3A_1113 = arith.addf %mul3A_1109, %get3A_1112 : vector<16xf32>
      %max3A_1114 = arith.constant 0.000000e+00 : f32
      %max3A_1115 = vector.broadcast %max3A_1114 : f32 to vector<16xf32>
      %max3A_1116 = arith.maximumf %add3A_1113, %max3A_1115 : vector<16xf32>
      %mul3A_1117 = arith.mulf %gather3A_1040, %max3A_1116 : vector<16xf32>
      %add3A_1118 = arith.addf %add3A_1032, %mul3A_1117 : vector<16xf32>
      %broadcast_in_dim3A_1119 = arith.constant 12 : i32
      %broadcast_in_dim3A_1120 = vector.broadcast %broadcast_in_dim3A_1119 : i32 to vector<16x1xi32>
      %gather3A_1121 = vector.shape_cast %broadcast_in_dim3A_1120 : vector<16x1xi32> to vector<16xi32>
      %gather3A_1122 = tpu.dynamic_gather %get3A_74[%gather3A_1121] in [0] : vector<16xf32>, vector<16xi32> -> vector<16xf32>
      %broadcast_in_dim3A_1123 = arith.constant 12 : i32
      %broadcast_in_dim3A_1124 = vector.broadcast %broadcast_in_dim3A_1123 : i32 to vector<16x1xi32>
      %gather3A_1125 = vector.shape_cast %broadcast_in_dim3A_1124 : vector<16x1xi32> to vector<16xi32>
      %gather3A_1126 = tpu.dynamic_gather %mul3A_88[%gather3A_1125] in [0] : vector<16xf32>, vector<16xi32> -> vector<16xf32>
      %add3A_1127 = arith.constant 12 : i32
      %add3A_1128 = arith.addi %mul3A_72, %add3A_1127 : i32
      %get3A_1129 = arith.index_cast %add3A_1128 : i32 to index
      %get3A_1130 = arith.constant 0 : index
      %get3A_1131 = tpu.vector_load %arg8[%get3A_1129, %get3A_1130] {strides = array<i32>} : memref<640x64xf32, #tpu.memory_space<vmem>>, vector<1x16xf32>,
      %get3A_1132 = vector.shape_cast %get3A_1131 : vector<1x16xf32> to vector<16xf32>
      %get3A_1133 = arith.index_cast %add3A_1128 : i32 to index
      %get3A_1134 = arith.constant 0 : index
      %get3A_1135 = tpu.vector_load %arg9[%get3A_1133, %get3A_1134] {strides = array<i32>} : memref<640x64xf32, #tpu.memory_space<vmem>>, vector<1x16xf32>,
      %get3A_1136 = vector.shape_cast %get3A_1135 : vector<1x16xf32> to vector<16xf32>
      %add3A_1137 = arith.addf %get3A_1132, %get3A_1136 : vector<16xf32>
      %mul3A_1138 = arith.mulf %gather3A_1122, %add3A_1137 : vector<16xf32>
      %get3A_1139 = arith.constant 0 : index
      %get3A_1140 = tpu.vector_load %arg12[%get3A_1139] {strides = array<i32>} : memref<64xf32, #tpu.memory_space<vmem>>, vector<16xf32>,
      %get3A_1141 = vector.shape_cast %get3A_1140 : vector<16xf32> to vector<16xf32>
      %add3A_1142 = arith.addf %mul3A_1138, %get3A_1141 : vector<16xf32>
      %max3A_1143 = arith.constant 0.000000e+00 : f32
      %max3A_1144 = vector.broadcast %max3A_1143 : f32 to vector<16xf32>
      %max3A_1145 = arith.maximumf %add3A_1142, %max3A_1144 : vector<16xf32>
      %mul3A_1146 = arith.mulf %gather3A_1126, %max3A_1145 : vector<16xf32>
      %add3A_1147 = arith.addf %add3A_1061, %mul3A_1146 : vector<16xf32>
      %get3A_1148 = arith.index_cast %add3A_1128 : i32 to index
      %get3A_1149 = arith.constant 16 : index
      %get3A_1150 = tpu.vector_load %arg8[%get3A_1148, %get3A_1149] {strides = array<i32>} : memref<640x64xf32, #tpu.memory_space<vmem>>, vector<1x16xf32>,
      %get3A_1151 = vector.shape_cast %get3A_1150 : vector<1x16xf32> to vector<16xf32>
      %get3A_1152 = arith.index_cast %add3A_1128 : i32 to index
      %get3A_1153 = arith.constant 16 : index
      %get3A_1154 = tpu.vector_load %arg9[%get3A_1152, %get3A_1153] {strides = array<i32>} : memref<640x64xf32, #tpu.memory_space<vmem>>, vector<1x16xf32>,
      %get3A_1155 = vector.shape_cast %get3A_1154 : vector<1x16xf32> to vector<16xf32>
      %add3A_1156 = arith.addf %get3A_1151, %get3A_1155 : vector<16xf32>
      %mul3A_1157 = arith.mulf %gather3A_1122, %add3A_1156 : vector<16xf32>
      %get3A_1158 = arith.constant 16 : index
      %get3A_1159 = tpu.vector_load %arg12[%get3A_1158] {strides = array<i32>} : memref<64xf32, #tpu.memory_space<vmem>>, vector<16xf32>,
      %get3A_1160 = vector.shape_cast %get3A_1159 : vector<16xf32> to vector<16xf32>
      %add3A_1161 = arith.addf %mul3A_1157, %get3A_1160 : vector<16xf32>
      %max3A_1162 = arith.constant 0.000000e+00 : f32
      %max3A_1163 = vector.broadcast %max3A_1162 : f32 to vector<16xf32>
      %max3A_1164 = arith.maximumf %add3A_1161, %max3A_1163 : vector<16xf32>
      %mul3A_1165 = arith.mulf %gather3A_1126, %max3A_1164 : vector<16xf32>
      %add3A_1166 = arith.addf %add3A_1080, %mul3A_1165 : vector<16xf32>
      %get3A_1167 = arith.index_cast %add3A_1128 : i32 to index
      %get3A_1168 = arith.constant 32 : index
      %get3A_1169 = tpu.vector_load %arg8[%get3A_1167, %get3A_1168] {strides = array<i32>} : memref<640x64xf32, #tpu.memory_space<vmem>>, vector<1x16xf32>,
      %get3A_1170 = vector.shape_cast %get3A_1169 : vector<1x16xf32> to vector<16xf32>
      %get3A_1171 = arith.index_cast %add3A_1128 : i32 to index
      %get3A_1172 = arith.constant 32 : index
      %get3A_1173 = tpu.vector_load %arg9[%get3A_1171, %get3A_1172] {strides = array<i32>} : memref<640x64xf32, #tpu.memory_space<vmem>>, vector<1x16xf32>,
      %get3A_1174 = vector.shape_cast %get3A_1173 : vector<1x16xf32> to vector<16xf32>
      %add3A_1175 = arith.addf %get3A_1170, %get3A_1174 : vector<16xf32>
      %mul3A_1176 = arith.mulf %gather3A_1122, %add3A_1175 : vector<16xf32>
      %get3A_1177 = arith.constant 32 : index
      %get3A_1178 = tpu.vector_load %arg12[%get3A_1177] {strides = array<i32>} : memref<64xf32, #tpu.memory_space<vmem>>, vector<16xf32>,
      %get3A_1179 = vector.shape_cast %get3A_1178 : vector<16xf32> to vector<16xf32>
      %add3A_1180 = arith.addf %mul3A_1176, %get3A_1179 : vector<16xf32>
      %max3A_1181 = arith.constant 0.000000e+00 : f32
      %max3A_1182 = vector.broadcast %max3A_1181 : f32 to vector<16xf32>
      %max3A_1183 = arith.maximumf %add3A_1180, %max3A_1182 : vector<16xf32>
      %mul3A_1184 = arith.mulf %gather3A_1126, %max3A_1183 : vector<16xf32>
      %add3A_1185 = arith.addf %add3A_1099, %mul3A_1184 : vector<16xf32>
      %get3A_1186 = arith.index_cast %add3A_1128 : i32 to index
      %get3A_1187 = arith.constant 48 : index
      %get3A_1188 = tpu.vector_load %arg8[%get3A_1186, %get3A_1187] {strides = array<i32>} : memref<640x64xf32, #tpu.memory_space<vmem>>, vector<1x16xf32>,
      %get3A_1189 = vector.shape_cast %get3A_1188 : vector<1x16xf32> to vector<16xf32>
      %get3A_1190 = arith.index_cast %add3A_1128 : i32 to index
      %get3A_1191 = arith.constant 48 : index
      %get3A_1192 = tpu.vector_load %arg9[%get3A_1190, %get3A_1191] {strides = array<i32>} : memref<640x64xf32, #tpu.memory_space<vmem>>, vector<1x16xf32>,
      %get3A_1193 = vector.shape_cast %get3A_1192 : vector<1x16xf32> to vector<16xf32>
      %add3A_1194 = arith.addf %get3A_1189, %get3A_1193 : vector<16xf32>
      %mul3A_1195 = arith.mulf %gather3A_1122, %add3A_1194 : vector<16xf32>
      %get3A_1196 = arith.constant 48 : index
      %get3A_1197 = tpu.vector_load %arg12[%get3A_1196] {strides = array<i32>} : memref<64xf32, #tpu.memory_space<vmem>>, vector<16xf32>,
      %get3A_1198 = vector.shape_cast %get3A_1197 : vector<16xf32> to vector<16xf32>
      %add3A_1199 = arith.addf %mul3A_1195, %get3A_1198 : vector<16xf32>
      %max3A_1200 = arith.constant 0.000000e+00 : f32
      %max3A_1201 = vector.broadcast %max3A_1200 : f32 to vector<16xf32>
      %max3A_1202 = arith.maximumf %add3A_1199, %max3A_1201 : vector<16xf32>
      %mul3A_1203 = arith.mulf %gather3A_1126, %max3A_1202 : vector<16xf32>
      %add3A_1204 = arith.addf %add3A_1118, %mul3A_1203 : vector<16xf32>
      %broadcast_in_dim3A_1205 = arith.constant 13 : i32
      %broadcast_in_dim3A_1206 = vector.broadcast %broadcast_in_dim3A_1205 : i32 to vector<16x1xi32>
      %gather3A_1207 = vector.shape_cast %broadcast_in_dim3A_1206 : vector<16x1xi32> to vector<16xi32>
      %gather3A_1208 = tpu.dynamic_gather %get3A_74[%gather3A_1207] in [0] : vector<16xf32>, vector<16xi32> -> vector<16xf32>
      %broadcast_in_dim3A_1209 = arith.constant 13 : i32
      %broadcast_in_dim3A_1210 = vector.broadcast %broadcast_in_dim3A_1209 : i32 to vector<16x1xi32>
      %gather3A_1211 = vector.shape_cast %broadcast_in_dim3A_1210 : vector<16x1xi32> to vector<16xi32>
      %gather3A_1212 = tpu.dynamic_gather %mul3A_88[%gather3A_1211] in [0] : vector<16xf32>, vector<16xi32> -> vector<16xf32>
      %add3A_1213 = arith.constant 13 : i32
      %add3A_1214 = arith.addi %mul3A_72, %add3A_1213 : i32
      %get3A_1215 = arith.index_cast %add3A_1214 : i32 to index
      %get3A_1216 = arith.constant 0 : index
      %get3A_1217 = tpu.vector_load %arg8[%get3A_1215, %get3A_1216] {strides = array<i32>} : memref<640x64xf32, #tpu.memory_space<vmem>>, vector<1x16xf32>,
      %get3A_1218 = vector.shape_cast %get3A_1217 : vector<1x16xf32> to vector<16xf32>
      %get3A_1219 = arith.index_cast %add3A_1214 : i32 to index
      %get3A_1220 = arith.constant 0 : index
      %get3A_1221 = tpu.vector_load %arg9[%get3A_1219, %get3A_1220] {strides = array<i32>} : memref<640x64xf32, #tpu.memory_space<vmem>>, vector<1x16xf32>,
      %get3A_1222 = vector.shape_cast %get3A_1221 : vector<1x16xf32> to vector<16xf32>
      %add3A_1223 = arith.addf %get3A_1218, %get3A_1222 : vector<16xf32>
      %mul3A_1224 = arith.mulf %gather3A_1208, %add3A_1223 : vector<16xf32>
      %get3A_1225 = arith.constant 0 : index
      %get3A_1226 = tpu.vector_load %arg12[%get3A_1225] {strides = array<i32>} : memref<64xf32, #tpu.memory_space<vmem>>, vector<16xf32>,
      %get3A_1227 = vector.shape_cast %get3A_1226 : vector<16xf32> to vector<16xf32>
      %add3A_1228 = arith.addf %mul3A_1224, %get3A_1227 : vector<16xf32>
      %max3A_1229 = arith.constant 0.000000e+00 : f32
      %max3A_1230 = vector.broadcast %max3A_1229 : f32 to vector<16xf32>
      %max3A_1231 = arith.maximumf %add3A_1228, %max3A_1230 : vector<16xf32>
      %mul3A_1232 = arith.mulf %gather3A_1212, %max3A_1231 : vector<16xf32>
      %add3A_1233 = arith.addf %add3A_1147, %mul3A_1232 : vector<16xf32>
      %get3A_1234 = arith.index_cast %add3A_1214 : i32 to index
      %get3A_1235 = arith.constant 16 : index
      %get3A_1236 = tpu.vector_load %arg8[%get3A_1234, %get3A_1235] {strides = array<i32>} : memref<640x64xf32, #tpu.memory_space<vmem>>, vector<1x16xf32>,
      %get3A_1237 = vector.shape_cast %get3A_1236 : vector<1x16xf32> to vector<16xf32>
      %get3A_1238 = arith.index_cast %add3A_1214 : i32 to index
      %get3A_1239 = arith.constant 16 : index
      %get3A_1240 = tpu.vector_load %arg9[%get3A_1238, %get3A_1239] {strides = array<i32>} : memref<640x64xf32, #tpu.memory_space<vmem>>, vector<1x16xf32>,
      %get3A_1241 = vector.shape_cast %get3A_1240 : vector<1x16xf32> to vector<16xf32>
      %add3A_1242 = arith.addf %get3A_1237, %get3A_1241 : vector<16xf32>
      %mul3A_1243 = arith.mulf %gather3A_1208, %add3A_1242 : vector<16xf32>
      %get3A_1244 = arith.constant 16 : index
      %get3A_1245 = tpu.vector_load %arg12[%get3A_1244] {strides = array<i32>} : memref<64xf32, #tpu.memory_space<vmem>>, vector<16xf32>,
      %get3A_1246 = vector.shape_cast %get3A_1245 : vector<16xf32> to vector<16xf32>
      %add3A_1247 = arith.addf %mul3A_1243, %get3A_1246 : vector<16xf32>
      %max3A_1248 = arith.constant 0.000000e+00 : f32
      %max3A_1249 = vector.broadcast %max3A_1248 : f32 to vector<16xf32>
      %max3A_1250 = arith.maximumf %add3A_1247, %max3A_1249 : vector<16xf32>
      %mul3A_1251 = arith.mulf %gather3A_1212, %max3A_1250 : vector<16xf32>
      %add3A_1252 = arith.addf %add3A_1166, %mul3A_1251 : vector<16xf32>
      %get3A_1253 = arith.index_cast %add3A_1214 : i32 to index
      %get3A_1254 = arith.constant 32 : index
      %get3A_1255 = tpu.vector_load %arg8[%get3A_1253, %get3A_1254] {strides = array<i32>} : memref<640x64xf32, #tpu.memory_space<vmem>>, vector<1x16xf32>,
      %get3A_1256 = vector.shape_cast %get3A_1255 : vector<1x16xf32> to vector<16xf32>
      %get3A_1257 = arith.index_cast %add3A_1214 : i32 to index
      %get3A_1258 = arith.constant 32 : index
      %get3A_1259 = tpu.vector_load %arg9[%get3A_1257, %get3A_1258] {strides = array<i32>} : memref<640x64xf32, #tpu.memory_space<vmem>>, vector<1x16xf32>,
      %get3A_1260 = vector.shape_cast %get3A_1259 : vector<1x16xf32> to vector<16xf32>
      %add3A_1261 = arith.addf %get3A_1256, %get3A_1260 : vector<16xf32>
      %mul3A_1262 = arith.mulf %gather3A_1208, %add3A_1261 : vector<16xf32>
      %get3A_1263 = arith.constant 32 : index
      %get3A_1264 = tpu.vector_load %arg12[%get3A_1263] {strides = array<i32>} : memref<64xf32, #tpu.memory_space<vmem>>, vector<16xf32>,
      %get3A_1265 = vector.shape_cast %get3A_1264 : vector<16xf32> to vector<16xf32>
      %add3A_1266 = arith.addf %mul3A_1262, %get3A_1265 : vector<16xf32>
      %max3A_1267 = arith.constant 0.000000e+00 : f32
      %max3A_1268 = vector.broadcast %max3A_1267 : f32 to vector<16xf32>
      %max3A_1269 = arith.maximumf %add3A_1266, %max3A_1268 : vector<16xf32>
      %mul3A_1270 = arith.mulf %gather3A_1212, %max3A_1269 : vector<16xf32>
      %add3A_1271 = arith.addf %add3A_1185, %mul3A_1270 : vector<16xf32>
      %get3A_1272 = arith.index_cast %add3A_1214 : i32 to index
      %get3A_1273 = arith.constant 48 : index
      %get3A_1274 = tpu.vector_load %arg8[%get3A_1272, %get3A_1273] {strides = array<i32>} : memref<640x64xf32, #tpu.memory_space<vmem>>, vector<1x16xf32>,
      %get3A_1275 = vector.shape_cast %get3A_1274 : vector<1x16xf32> to vector<16xf32>
      %get3A_1276 = arith.index_cast %add3A_1214 : i32 to index
      %get3A_1277 = arith.constant 48 : index
      %get3A_1278 = tpu.vector_load %arg9[%get3A_1276, %get3A_1277] {strides = array<i32>} : memref<640x64xf32, #tpu.memory_space<vmem>>, vector<1x16xf32>,
      %get3A_1279 = vector.shape_cast %get3A_1278 : vector<1x16xf32> to vector<16xf32>
      %add3A_1280 = arith.addf %get3A_1275, %get3A_1279 : vector<16xf32>
      %mul3A_1281 = arith.mulf %gather3A_1208, %add3A_1280 : vector<16xf32>
      %get3A_1282 = arith.constant 48 : index
      %get3A_1283 = tpu.vector_load %arg12[%get3A_1282] {strides = array<i32>} : memref<64xf32, #tpu.memory_space<vmem>>, vector<16xf32>,
      %get3A_1284 = vector.shape_cast %get3A_1283 : vector<16xf32> to vector<16xf32>
      %add3A_1285 = arith.addf %mul3A_1281, %get3A_1284 : vector<16xf32>
      %max3A_1286 = arith.constant 0.000000e+00 : f32
      %max3A_1287 = vector.broadcast %max3A_1286 : f32 to vector<16xf32>
      %max3A_1288 = arith.maximumf %add3A_1285, %max3A_1287 : vector<16xf32>
      %mul3A_1289 = arith.mulf %gather3A_1212, %max3A_1288 : vector<16xf32>
      %add3A_1290 = arith.addf %add3A_1204, %mul3A_1289 : vector<16xf32>
      %broadcast_in_dim3A_1291 = arith.constant 14 : i32
      %broadcast_in_dim3A_1292 = vector.broadcast %broadcast_in_dim3A_1291 : i32 to vector<16x1xi32>
      %gather3A_1293 = vector.shape_cast %broadcast_in_dim3A_1292 : vector<16x1xi32> to vector<16xi32>
      %gather3A_1294 = tpu.dynamic_gather %get3A_74[%gather3A_1293] in [0] : vector<16xf32>, vector<16xi32> -> vector<16xf32>
      %broadcast_in_dim3A_1295 = arith.constant 14 : i32
      %broadcast_in_dim3A_1296 = vector.broadcast %broadcast_in_dim3A_1295 : i32 to vector<16x1xi32>
      %gather3A_1297 = vector.shape_cast %broadcast_in_dim3A_1296 : vector<16x1xi32> to vector<16xi32>
      %gather3A_1298 = tpu.dynamic_gather %mul3A_88[%gather3A_1297] in [0] : vector<16xf32>, vector<16xi32> -> vector<16xf32>
      %add3A_1299 = arith.constant 14 : i32
      %add3A_1300 = arith.addi %mul3A_72, %add3A_1299 : i32
      %get3A_1301 = arith.index_cast %add3A_1300 : i32 to index
      %get3A_1302 = arith.constant 0 : index
      %get3A_1303 = tpu.vector_load %arg8[%get3A_1301, %get3A_1302] {strides = array<i32>} : memref<640x64xf32, #tpu.memory_space<vmem>>, vector<1x16xf32>,
      %get3A_1304 = vector.shape_cast %get3A_1303 : vector<1x16xf32> to vector<16xf32>
      %get3A_1305 = arith.index_cast %add3A_1300 : i32 to index
      %get3A_1306 = arith.constant 0 : index
      %get3A_1307 = tpu.vector_load %arg9[%get3A_1305, %get3A_1306] {strides = array<i32>} : memref<640x64xf32, #tpu.memory_space<vmem>>, vector<1x16xf32>,
      %get3A_1308 = vector.shape_cast %get3A_1307 : vector<1x16xf32> to vector<16xf32>
      %add3A_1309 = arith.addf %get3A_1304, %get3A_1308 : vector<16xf32>
      %mul3A_1310 = arith.mulf %gather3A_1294, %add3A_1309 : vector<16xf32>
      %get3A_1311 = arith.constant 0 : index
      %get3A_1312 = tpu.vector_load %arg12[%get3A_1311] {strides = array<i32>} : memref<64xf32, #tpu.memory_space<vmem>>, vector<16xf32>,
      %get3A_1313 = vector.shape_cast %get3A_1312 : vector<16xf32> to vector<16xf32>
      %add3A_1314 = arith.addf %mul3A_1310, %get3A_1313 : vector<16xf32>
      %max3A_1315 = arith.constant 0.000000e+00 : f32
      %max3A_1316 = vector.broadcast %max3A_1315 : f32 to vector<16xf32>
      %max3A_1317 = arith.maximumf %add3A_1314, %max3A_1316 : vector<16xf32>
      %mul3A_1318 = arith.mulf %gather3A_1298, %max3A_1317 : vector<16xf32>
      %add3A_1319 = arith.addf %add3A_1233, %mul3A_1318 : vector<16xf32>
      %get3A_1320 = arith.index_cast %add3A_1300 : i32 to index
      %get3A_1321 = arith.constant 16 : index
      %get3A_1322 = tpu.vector_load %arg8[%get3A_1320, %get3A_1321] {strides = array<i32>} : memref<640x64xf32, #tpu.memory_space<vmem>>, vector<1x16xf32>,
      %get3A_1323 = vector.shape_cast %get3A_1322 : vector<1x16xf32> to vector<16xf32>
      %get3A_1324 = arith.index_cast %add3A_1300 : i32 to index
      %get3A_1325 = arith.constant 16 : index
      %get3A_1326 = tpu.vector_load %arg9[%get3A_1324, %get3A_1325] {strides = array<i32>} : memref<640x64xf32, #tpu.memory_space<vmem>>, vector<1x16xf32>,
      %get3A_1327 = vector.shape_cast %get3A_1326 : vector<1x16xf32> to vector<16xf32>
      %add3A_1328 = arith.addf %get3A_1323, %get3A_1327 : vector<16xf32>
      %mul3A_1329 = arith.mulf %gather3A_1294, %add3A_1328 : vector<16xf32>
      %get3A_1330 = arith.constant 16 : index
      %get3A_1331 = tpu.vector_load %arg12[%get3A_1330] {strides = array<i32>} : memref<64xf32, #tpu.memory_space<vmem>>, vector<16xf32>,
      %get3A_1332 = vector.shape_cast %get3A_1331 : vector<16xf32> to vector<16xf32>
      %add3A_1333 = arith.addf %mul3A_1329, %get3A_1332 : vector<16xf32>
      %max3A_1334 = arith.constant 0.000000e+00 : f32
      %max3A_1335 = vector.broadcast %max3A_1334 : f32 to vector<16xf32>
      %max3A_1336 = arith.maximumf %add3A_1333, %max3A_1335 : vector<16xf32>
      %mul3A_1337 = arith.mulf %gather3A_1298, %max3A_1336 : vector<16xf32>
      %add3A_1338 = arith.addf %add3A_1252, %mul3A_1337 : vector<16xf32>
      %get3A_1339 = arith.index_cast %add3A_1300 : i32 to index
      %get3A_1340 = arith.constant 32 : index
      %get3A_1341 = tpu.vector_load %arg8[%get3A_1339, %get3A_1340] {strides = array<i32>} : memref<640x64xf32, #tpu.memory_space<vmem>>, vector<1x16xf32>,
      %get3A_1342 = vector.shape_cast %get3A_1341 : vector<1x16xf32> to vector<16xf32>
      %get3A_1343 = arith.index_cast %add3A_1300 : i32 to index
      %get3A_1344 = arith.constant 32 : index
      %get3A_1345 = tpu.vector_load %arg9[%get3A_1343, %get3A_1344] {strides = array<i32>} : memref<640x64xf32, #tpu.memory_space<vmem>>, vector<1x16xf32>,
      %get3A_1346 = vector.shape_cast %get3A_1345 : vector<1x16xf32> to vector<16xf32>
      %add3A_1347 = arith.addf %get3A_1342, %get3A_1346 : vector<16xf32>
      %mul3A_1348 = arith.mulf %gather3A_1294, %add3A_1347 : vector<16xf32>
      %get3A_1349 = arith.constant 32 : index
      %get3A_1350 = tpu.vector_load %arg12[%get3A_1349] {strides = array<i32>} : memref<64xf32, #tpu.memory_space<vmem>>, vector<16xf32>,
      %get3A_1351 = vector.shape_cast %get3A_1350 : vector<16xf32> to vector<16xf32>
      %add3A_1352 = arith.addf %mul3A_1348, %get3A_1351 : vector<16xf32>
      %max3A_1353 = arith.constant 0.000000e+00 : f32
      %max3A_1354 = vector.broadcast %max3A_1353 : f32 to vector<16xf32>
      %max3A_1355 = arith.maximumf %add3A_1352, %max3A_1354 : vector<16xf32>
      %mul3A_1356 = arith.mulf %gather3A_1298, %max3A_1355 : vector<16xf32>
      %add3A_1357 = arith.addf %add3A_1271, %mul3A_1356 : vector<16xf32>
      %get3A_1358 = arith.index_cast %add3A_1300 : i32 to index
      %get3A_1359 = arith.constant 48 : index
      %get3A_1360 = tpu.vector_load %arg8[%get3A_1358, %get3A_1359] {strides = array<i32>} : memref<640x64xf32, #tpu.memory_space<vmem>>, vector<1x16xf32>,
      %get3A_1361 = vector.shape_cast %get3A_1360 : vector<1x16xf32> to vector<16xf32>
      %get3A_1362 = arith.index_cast %add3A_1300 : i32 to index
      %get3A_1363 = arith.constant 48 : index
      %get3A_1364 = tpu.vector_load %arg9[%get3A_1362, %get3A_1363] {strides = array<i32>} : memref<640x64xf32, #tpu.memory_space<vmem>>, vector<1x16xf32>,
      %get3A_1365 = vector.shape_cast %get3A_1364 : vector<1x16xf32> to vector<16xf32>
      %add3A_1366 = arith.addf %get3A_1361, %get3A_1365 : vector<16xf32>
      %mul3A_1367 = arith.mulf %gather3A_1294, %add3A_1366 : vector<16xf32>
      %get3A_1368 = arith.constant 48 : index
      %get3A_1369 = tpu.vector_load %arg12[%get3A_1368] {strides = array<i32>} : memref<64xf32, #tpu.memory_space<vmem>>, vector<16xf32>,
      %get3A_1370 = vector.shape_cast %get3A_1369 : vector<16xf32> to vector<16xf32>
      %add3A_1371 = arith.addf %mul3A_1367, %get3A_1370 : vector<16xf32>
      %max3A_1372 = arith.constant 0.000000e+00 : f32
      %max3A_1373 = vector.broadcast %max3A_1372 : f32 to vector<16xf32>
      %max3A_1374 = arith.maximumf %add3A_1371, %max3A_1373 : vector<16xf32>
      %mul3A_1375 = arith.mulf %gather3A_1298, %max3A_1374 : vector<16xf32>
      %add3A_1376 = arith.addf %add3A_1290, %mul3A_1375 : vector<16xf32>
      %broadcast_in_dim3A_1377 = arith.constant 15 : i32
      %broadcast_in_dim3A_1378 = vector.broadcast %broadcast_in_dim3A_1377 : i32 to vector<16x1xi32>
      %gather3A_1379 = vector.shape_cast %broadcast_in_dim3A_1378 : vector<16x1xi32> to vector<16xi32>
      %gather3A_1380 = tpu.dynamic_gather %get3A_74[%gather3A_1379] in [0] : vector<16xf32>, vector<16xi32> -> vector<16xf32>
      %broadcast_in_dim3A_1381 = arith.constant 15 : i32
      %broadcast_in_dim3A_1382 = vector.broadcast %broadcast_in_dim3A_1381 : i32 to vector<16x1xi32>
      %gather3A_1383 = vector.shape_cast %broadcast_in_dim3A_1382 : vector<16x1xi32> to vector<16xi32>
      %gather3A_1384 = tpu.dynamic_gather %mul3A_88[%gather3A_1383] in [0] : vector<16xf32>, vector<16xi32> -> vector<16xf32>
      %add3A_1385 = arith.constant 15 : i32
      %add3A_1386 = arith.addi %mul3A_72, %add3A_1385 : i32
      %get3A_1387 = arith.index_cast %add3A_1386 : i32 to index
      %get3A_1388 = arith.constant 0 : index
      %get3A_1389 = tpu.vector_load %arg8[%get3A_1387, %get3A_1388] {strides = array<i32>} : memref<640x64xf32, #tpu.memory_space<vmem>>, vector<1x16xf32>,
      %get3A_1390 = vector.shape_cast %get3A_1389 : vector<1x16xf32> to vector<16xf32>
      %get3A_1391 = arith.index_cast %add3A_1386 : i32 to index
      %get3A_1392 = arith.constant 0 : index
      %get3A_1393 = tpu.vector_load %arg9[%get3A_1391, %get3A_1392] {strides = array<i32>} : memref<640x64xf32, #tpu.memory_space<vmem>>, vector<1x16xf32>,
      %get3A_1394 = vector.shape_cast %get3A_1393 : vector<1x16xf32> to vector<16xf32>
      %add3A_1395 = arith.addf %get3A_1390, %get3A_1394 : vector<16xf32>
      %mul3A_1396 = arith.mulf %gather3A_1380, %add3A_1395 : vector<16xf32>
      %get3A_1397 = arith.constant 0 : index
      %get3A_1398 = tpu.vector_load %arg12[%get3A_1397] {strides = array<i32>} : memref<64xf32, #tpu.memory_space<vmem>>, vector<16xf32>,
      %get3A_1399 = vector.shape_cast %get3A_1398 : vector<16xf32> to vector<16xf32>
      %add3A_1400 = arith.addf %mul3A_1396, %get3A_1399 : vector<16xf32>
      %max3A_1401 = arith.constant 0.000000e+00 : f32
      %max3A_1402 = vector.broadcast %max3A_1401 : f32 to vector<16xf32>
      %max3A_1403 = arith.maximumf %add3A_1400, %max3A_1402 : vector<16xf32>
      %mul3A_1404 = arith.mulf %gather3A_1384, %max3A_1403 : vector<16xf32>
      %add3A_1405 = arith.addf %add3A_1319, %mul3A_1404 : vector<16xf32>
      %get3A_1406 = arith.index_cast %add3A_1386 : i32 to index
      %get3A_1407 = arith.constant 16 : index
      %get3A_1408 = tpu.vector_load %arg8[%get3A_1406, %get3A_1407] {strides = array<i32>} : memref<640x64xf32, #tpu.memory_space<vmem>>, vector<1x16xf32>,
      %get3A_1409 = vector.shape_cast %get3A_1408 : vector<1x16xf32> to vector<16xf32>
      %get3A_1410 = arith.index_cast %add3A_1386 : i32 to index
      %get3A_1411 = arith.constant 16 : index
      %get3A_1412 = tpu.vector_load %arg9[%get3A_1410, %get3A_1411] {strides = array<i32>} : memref<640x64xf32, #tpu.memory_space<vmem>>, vector<1x16xf32>,
      %get3A_1413 = vector.shape_cast %get3A_1412 : vector<1x16xf32> to vector<16xf32>
      %add3A_1414 = arith.addf %get3A_1409, %get3A_1413 : vector<16xf32>
      %mul3A_1415 = arith.mulf %gather3A_1380, %add3A_1414 : vector<16xf32>
      %get3A_1416 = arith.constant 16 : index
      %get3A_1417 = tpu.vector_load %arg12[%get3A_1416] {strides = array<i32>} : memref<64xf32, #tpu.memory_space<vmem>>, vector<16xf32>,
      %get3A_1418 = vector.shape_cast %get3A_1417 : vector<16xf32> to vector<16xf32>
      %add3A_1419 = arith.addf %mul3A_1415, %get3A_1418 : vector<16xf32>
      %max3A_1420 = arith.constant 0.000000e+00 : f32
      %max3A_1421 = vector.broadcast %max3A_1420 : f32 to vector<16xf32>
      %max3A_1422 = arith.maximumf %add3A_1419, %max3A_1421 : vector<16xf32>
      %mul3A_1423 = arith.mulf %gather3A_1384, %max3A_1422 : vector<16xf32>
      %add3A_1424 = arith.addf %add3A_1338, %mul3A_1423 : vector<16xf32>
      %get3A_1425 = arith.index_cast %add3A_1386 : i32 to index
      %get3A_1426 = arith.constant 32 : index
      %get3A_1427 = tpu.vector_load %arg8[%get3A_1425, %get3A_1426] {strides = array<i32>} : memref<640x64xf32, #tpu.memory_space<vmem>>, vector<1x16xf32>,
      %get3A_1428 = vector.shape_cast %get3A_1427 : vector<1x16xf32> to vector<16xf32>
      %get3A_1429 = arith.index_cast %add3A_1386 : i32 to index
      %get3A_1430 = arith.constant 32 : index
      %get3A_1431 = tpu.vector_load %arg9[%get3A_1429, %get3A_1430] {strides = array<i32>} : memref<640x64xf32, #tpu.memory_space<vmem>>, vector<1x16xf32>,
      %get3A_1432 = vector.shape_cast %get3A_1431 : vector<1x16xf32> to vector<16xf32>
      %add3A_1433 = arith.addf %get3A_1428, %get3A_1432 : vector<16xf32>
      %mul3A_1434 = arith.mulf %gather3A_1380, %add3A_1433 : vector<16xf32>
      %get3A_1435 = arith.constant 32 : index
      %get3A_1436 = tpu.vector_load %arg12[%get3A_1435] {strides = array<i32>} : memref<64xf32, #tpu.memory_space<vmem>>, vector<16xf32>,
      %get3A_1437 = vector.shape_cast %get3A_1436 : vector<16xf32> to vector<16xf32>
      %add3A_1438 = arith.addf %mul3A_1434, %get3A_1437 : vector<16xf32>
      %max3A_1439 = arith.constant 0.000000e+00 : f32
      %max3A_1440 = vector.broadcast %max3A_1439 : f32 to vector<16xf32>
      %max3A_1441 = arith.maximumf %add3A_1438, %max3A_1440 : vector<16xf32>
      %mul3A_1442 = arith.mulf %gather3A_1384, %max3A_1441 : vector<16xf32>
      %add3A_1443 = arith.addf %add3A_1357, %mul3A_1442 : vector<16xf32>
      %get3A_1444 = arith.index_cast %add3A_1386 : i32 to index
      %get3A_1445 = arith.constant 48 : index
      %get3A_1446 = tpu.vector_load %arg8[%get3A_1444, %get3A_1445] {strides = array<i32>} : memref<640x64xf32, #tpu.memory_space<vmem>>, vector<1x16xf32>,
      %get3A_1447 = vector.shape_cast %get3A_1446 : vector<1x16xf32> to vector<16xf32>
      %get3A_1448 = arith.index_cast %add3A_1386 : i32 to index
      %get3A_1449 = arith.constant 48 : index
      %get3A_1450 = tpu.vector_load %arg9[%get3A_1448, %get3A_1449] {strides = array<i32>} : memref<640x64xf32, #tpu.memory_space<vmem>>, vector<1x16xf32>,
      %get3A_1451 = vector.shape_cast %get3A_1450 : vector<1x16xf32> to vector<16xf32>
      %add3A_1452 = arith.addf %get3A_1447, %get3A_1451 : vector<16xf32>
      %mul3A_1453 = arith.mulf %gather3A_1380, %add3A_1452 : vector<16xf32>
      %get3A_1454 = arith.constant 48 : index
      %get3A_1455 = tpu.vector_load %arg12[%get3A_1454] {strides = array<i32>} : memref<64xf32, #tpu.memory_space<vmem>>, vector<16xf32>,
      %get3A_1456 = vector.shape_cast %get3A_1455 : vector<16xf32> to vector<16xf32>
      %add3A_1457 = arith.addf %mul3A_1453, %get3A_1456 : vector<16xf32>
      %max3A_1458 = arith.constant 0.000000e+00 : f32
      %max3A_1459 = vector.broadcast %max3A_1458 : f32 to vector<16xf32>
      %max3A_1460 = arith.maximumf %add3A_1457, %max3A_1459 : vector<16xf32>
      %mul3A_1461 = arith.mulf %gather3A_1384, %max3A_1460 : vector<16xf32>
      %add3A_1462 = arith.addf %add3A_1376, %mul3A_1461 : vector<16xf32>
      scf.yield %add3A_1405, %add3A_1424, %add3A_1443, %add3A_1462 : vector<16xf32>, vector<16xf32>, vector<16xf32>, vector<16xf32>
    }
    %scan3A_50 = arith.constant 40 : i32
    %swap3A = arith.constant 0 : index
    %swap3A_51 = tpu.vector_load %arg13[%swap3A] {strides = array<i32>} : memref<64xf32, #tpu.memory_space<vmem>>, vector<16xf32>,
    %swap3A_52 = vector.shape_cast %swap3A_51 : vector<16xf32> to vector<16xf32>
    %swap3A_53 = vector.shape_cast %scan3A_49#0 : vector<16xf32> to vector<16xf32>
    tpu.vector_store %arg13[%swap3A], %swap3A_53 {strides = array<i32>} : memref<64xf32, #tpu.memory_space<vmem>>, vector<16xf32>,
    %swap3A_54 = arith.constant 16 : index
    %swap3A_55 = tpu.vector_load %arg13[%swap3A_54] {strides = array<i32>} : memref<64xf32, #tpu.memory_space<vmem>>, vector<16xf32>,
    %swap3A_56 = vector.shape_cast %swap3A_55 : vector<16xf32> to vector<16xf32>
    %swap3A_57 = vector.shape_cast %scan3A_49#1 : vector<16xf32> to vector<16xf32>
    tpu.vector_store %arg13[%swap3A_54], %swap3A_57 {strides = array<i32>} : memref<64xf32, #tpu.memory_space<vmem>>, vector<16xf32>,
    %swap3A_58 = arith.constant 32 : index
    %swap3A_59 = tpu.vector_load %arg13[%swap3A_58] {strides = array<i32>} : memref<64xf32, #tpu.memory_space<vmem>>, vector<16xf32>,
    %swap3A_60 = vector.shape_cast %swap3A_59 : vector<16xf32> to vector<16xf32>
    %swap3A_61 = vector.shape_cast %scan3A_49#2 : vector<16xf32> to vector<16xf32>
    tpu.vector_store %arg13[%swap3A_58], %swap3A_61 {strides = array<i32>} : memref<64xf32, #tpu.memory_space<vmem>>, vector<16xf32>,
    %swap3A_62 = arith.constant 48 : index
    %swap3A_63 = tpu.vector_load %arg13[%swap3A_62] {strides = array<i32>} : memref<64xf32, #tpu.memory_space<vmem>>, vector<16xf32>,
    %swap3A_64 = vector.shape_cast %swap3A_63 : vector<16xf32> to vector<16xf32>
    %swap3A_65 = vector.shape_cast %scan3A_49#3 : vector<16xf32> to vector<16xf32>
    tpu.vector_store %arg13[%swap3A_62], %swap3A_65 {strides = array<i32>} : memref<64xf32, #tpu.memory_space<vmem>>, vector<16xf32>,
    "tpu.region"() ({
      %run_scoped3A = tpu.sem_alloc : memref<!tpu.dma_semaphore, #tpu.memory_space<semaphore_mem>>
      %dma_start3A_66 = arith.constant 0 : i32
      %dma_start3A_67 = tpu.memref_slice %arg7[%arg0, %arg1, %dma_start3A_66] : memref<2x16x64xf32, #tpu.memory_space<hbm>> -> memref<1x1x64xf32, #tpu.memory_space<hbm>>
      %dma_start3A_68 = tpu.memref_squeeze %dma_start3A_67 : memref<1x1x64xf32, #tpu.memory_space<hbm>> -> memref<64xf32, #tpu.memory_space<hbm>>
      %dma_start3A_69 = arith.constant 0 : i32
      %dma_start3A_70 = tpu.memref_slice %arg7[%arg0, %arg1, %dma_start3A_69] : memref<2x16x64xf32, #tpu.memory_space<hbm>> -> memref<1x1x64xf32, #tpu.memory_space<hbm>>
      %dma_start3A_71 = tpu.memref_squeeze %dma_start3A_70 : memref<1x1x64xf32, #tpu.memory_space<hbm>> -> memref<64xf32, #tpu.memory_space<hbm>>
      tpu.enqueue_dma source(%arg13 : memref<64xf32, #tpu.memory_space<vmem>>) target(%dma_start3A_71 : memref<64xf32, #tpu.memory_space<hbm>>) target_semaphore(%run_scoped3A : memref<!tpu.dma_semaphore, #tpu.memory_space<semaphore_mem>>)
      %dma_wait3A_72 = arith.constant 0 : i32
      %dma_wait3A_73 = tpu.memref_slice %arg7[%arg0, %arg1, %dma_wait3A_72] : memref<2x16x64xf32, #tpu.memory_space<hbm>> -> memref<1x1x64xf32, #tpu.memory_space<hbm>>
      %dma_wait3A_74 = tpu.memref_squeeze %dma_wait3A_73 : memref<1x1x64xf32, #tpu.memory_space<hbm>> -> memref<64xf32, #tpu.memory_space<hbm>>
      %dma_wait3A_75 = arith.constant 0 : i32
      %dma_wait3A_76 = tpu.memref_slice %arg7[%arg0, %arg1, %dma_wait3A_75] : memref<2x16x64xf32, #tpu.memory_space<hbm>> -> memref<1x1x64xf32, #tpu.memory_space<hbm>>
      %dma_wait3A_77 = tpu.memref_squeeze %dma_wait3A_76 : memref<1x1x64xf32, #tpu.memory_space<hbm>> -> memref<64xf32, #tpu.memory_space<hbm>>
      tpu.wait_dma2 semaphore(%run_scoped3A : memref<!tpu.dma_semaphore, #tpu.memory_space<semaphore_mem>>) src(%arg13 : memref<64xf32, #tpu.memory_space<vmem>>) dst(%dma_wait3A_77 : memref<64xf32, #tpu.memory_space<hbm>>)
      tpu.yield
    }) : () -> ()
    return
  }
}

#map = affine_map<(d0, d1) -> (0, 0)>
module attributes {stable_mosaic.version = 14 : i64} {
  func.func @_sc_degree(%arg0: i32, %arg1: i32, %arg2: memref<2x320000xi32, #tpu.memory_space<hbm>>, %arg3: memref<2x10240xf32, #tpu.memory_space<hbm>>, %arg4: memref<80xi32, #tpu.memory_space<vmem>>, %arg5: memref<80xi32, #tpu.memory_space<vmem>>, %arg6: memref<80xi32, #tpu.memory_space<vmem>>, %arg7: memref<80xi32, #tpu.memory_space<vmem>>, %arg8: memref<80xf32, #tpu.memory_space<vmem>>, %arg9: memref<640xf32, #tpu.memory_space<vmem>>, %arg10: memref<10240xf32, #tpu.memory_space<vmem_shared>>, %arg11: memref<!tpu.dma_semaphore, #tpu.memory_space<semaphore_mem>>, %arg12: memref<!tpu.dma_semaphore, #tpu.memory_space<semaphore_mem>>, %arg13: memref<!tpu.dma_semaphore, #tpu.memory_space<semaphore_mem>>, %arg14: memref<!tpu.dma_semaphore, #tpu.memory_space<semaphore_mem>>) attributes {dimension_semantics = [#tpu.dimension_semantics<core_parallel>, #tpu.dimension_semantics<subcore_parallel>], iteration_bounds = array<i64: 2, 16>, scalar_prefetch = 0 : i64, scratch_operands = 11 : i64, tpu.core_type = #tpu.core_type<sc_vector_subcore>, window_params = [{transform_indices = #map}, {transform_indices = #map}]} {
    %mul3A = arith.constant 2 : i32
    %mul3A_0 = arith.muli %arg1, %mul3A : i32
    %add3A = arith.addi %mul3A_0, %arg0 : i32
    %mul3A_1 = arith.constant 640 : i32
    %mul3A_2 = arith.muli %arg1, %mul3A_1 : i32
    %multiple_of3A = tpu.assume_multiple %mul3A_2, 8 : i32
    %broadcast_in_dim3A = arith.constant 1.000000e+00 : f32
    %broadcast_in_dim3A_3 = vector.broadcast %broadcast_in_dim3A : f32 to vector<16xf32>
    %swap3A = arith.constant 0 : index
    %swap3A_4 = tpu.vector_load %arg8[%swap3A] {strides = array<i32>} : memref<80xf32, #tpu.memory_space<vmem>>, vector<16xf32>,
    %swap3A_5 = vector.shape_cast %swap3A_4 : vector<16xf32> to vector<16xf32>
    %swap3A_6 = vector.shape_cast %broadcast_in_dim3A_3 : vector<16xf32> to vector<16xf32>
    tpu.vector_store %arg8[%swap3A], %swap3A_6 {strides = array<i32>} : memref<80xf32, #tpu.memory_space<vmem>>, vector<16xf32>,
    %broadcast_in_dim3A_7 = arith.constant 1.000000e+00 : f32
    %broadcast_in_dim3A_8 = vector.broadcast %broadcast_in_dim3A_7 : f32 to vector<16xf32>
    %swap3A_9 = arith.constant 16 : index
    %swap3A_10 = tpu.vector_load %arg8[%swap3A_9] {strides = array<i32>} : memref<80xf32, #tpu.memory_space<vmem>>, vector<16xf32>,
    %swap3A_11 = vector.shape_cast %swap3A_10 : vector<16xf32> to vector<16xf32>
    %swap3A_12 = vector.shape_cast %broadcast_in_dim3A_8 : vector<16xf32> to vector<16xf32>
    tpu.vector_store %arg8[%swap3A_9], %swap3A_12 {strides = array<i32>} : memref<80xf32, #tpu.memory_space<vmem>>, vector<16xf32>,
    %broadcast_in_dim3A_13 = arith.constant 1.000000e+00 : f32
    %broadcast_in_dim3A_14 = vector.broadcast %broadcast_in_dim3A_13 : f32 to vector<16xf32>
    %swap3A_15 = arith.constant 32 : index
    %swap3A_16 = tpu.vector_load %arg8[%swap3A_15] {strides = array<i32>} : memref<80xf32, #tpu.memory_space<vmem>>, vector<16xf32>,
    %swap3A_17 = vector.shape_cast %swap3A_16 : vector<16xf32> to vector<16xf32>
    %swap3A_18 = vector.shape_cast %broadcast_in_dim3A_14 : vector<16xf32> to vector<16xf32>
    tpu.vector_store %arg8[%swap3A_15], %swap3A_18 {strides = array<i32>} : memref<80xf32, #tpu.memory_space<vmem>>, vector<16xf32>,
    %broadcast_in_dim3A_19 = arith.constant 1.000000e+00 : f32
    %broadcast_in_dim3A_20 = vector.broadcast %broadcast_in_dim3A_19 : f32 to vector<16xf32>
    %swap3A_21 = arith.constant 48 : index
    %swap3A_22 = tpu.vector_load %arg8[%swap3A_21] {strides = array<i32>} : memref<80xf32, #tpu.memory_space<vmem>>, vector<16xf32>,
    %swap3A_23 = vector.shape_cast %swap3A_22 : vector<16xf32> to vector<16xf32>
    %swap3A_24 = vector.shape_cast %broadcast_in_dim3A_20 : vector<16xf32> to vector<16xf32>
    tpu.vector_store %arg8[%swap3A_21], %swap3A_24 {strides = array<i32>} : memref<80xf32, #tpu.memory_space<vmem>>, vector<16xf32>,
    %broadcast_in_dim3A_25 = arith.constant 1.000000e+00 : f32
    %broadcast_in_dim3A_26 = vector.broadcast %broadcast_in_dim3A_25 : f32 to vector<16xf32>
    %swap3A_27 = arith.constant 64 : index
    %swap3A_28 = tpu.vector_load %arg8[%swap3A_27] {strides = array<i32>} : memref<80xf32, #tpu.memory_space<vmem>>, vector<16xf32>,
    %swap3A_29 = vector.shape_cast %swap3A_28 : vector<16xf32> to vector<16xf32>
    %swap3A_30 = vector.shape_cast %broadcast_in_dim3A_26 : vector<16xf32> to vector<16xf32>
    tpu.vector_store %arg8[%swap3A_27], %swap3A_30 {strides = array<i32>} : memref<80xf32, #tpu.memory_space<vmem>>, vector<16xf32>,
    %broadcast_in_dim3A_31 = arith.constant 0.000000e+00 : f32
    %broadcast_in_dim3A_32 = vector.broadcast %broadcast_in_dim3A_31 : f32 to vector<16xf32>
    %swap3A_33 = arith.constant 0 : index
    %swap3A_34 = tpu.vector_load %arg9[%swap3A_33] {strides = array<i32>} : memref<640xf32, #tpu.memory_space<vmem>>, vector<16xf32>,
    %swap3A_35 = vector.shape_cast %swap3A_34 : vector<16xf32> to vector<16xf32>
    %swap3A_36 = vector.shape_cast %broadcast_in_dim3A_32 : vector<16xf32> to vector<16xf32>
    tpu.vector_store %arg9[%swap3A_33], %swap3A_36 {strides = array<i32>} : memref<640xf32, #tpu.memory_space<vmem>>, vector<16xf32>,
    %broadcast_in_dim3A_37 = arith.constant 0.000000e+00 : f32
    %broadcast_in_dim3A_38 = vector.broadcast %broadcast_in_dim3A_37 : f32 to vector<16xf32>
    %swap3A_39 = arith.constant 16 : index
    %swap3A_40 = tpu.vector_load %arg9[%swap3A_39] {strides = array<i32>} : memref<640xf32, #tpu.memory_space<vmem>>, vector<16xf32>,
    %swap3A_41 = vector.shape_cast %swap3A_40 : vector<16xf32> to vector<16xf32>
    %swap3A_42 = vector.shape_cast %broadcast_in_dim3A_38 : vector<16xf32> to vector<16xf32>
    tpu.vector_store %arg9[%swap3A_39], %swap3A_42 {strides = array<i32>} : memref<640xf32, #tpu.memory_space<vmem>>, vector<16xf32>,
    %broadcast_in_dim3A_43 = arith.constant 0.000000e+00 : f32
    %broadcast_in_dim3A_44 = vector.broadcast %broadcast_in_dim3A_43 : f32 to vector<16xf32>
    %swap3A_45 = arith.constant 32 : index
    %swap3A_46 = tpu.vector_load %arg9[%swap3A_45] {strides = array<i32>} : memref<640xf32, #tpu.memory_space<vmem>>, vector<16xf32>,
    %swap3A_47 = vector.shape_cast %swap3A_46 : vector<16xf32> to vector<16xf32>
    %swap3A_48 = vector.shape_cast %broadcast_in_dim3A_44 : vector<16xf32> to vector<16xf32>
    tpu.vector_store %arg9[%swap3A_45], %swap3A_48 {strides = array<i32>} : memref<640xf32, #tpu.memory_space<vmem>>, vector<16xf32>,
    %broadcast_in_dim3A_49 = arith.constant 0.000000e+00 : f32
    %broadcast_in_dim3A_50 = vector.broadcast %broadcast_in_dim3A_49 : f32 to vector<16xf32>
    %swap3A_51 = arith.constant 48 : index
    %swap3A_52 = tpu.vector_load %arg9[%swap3A_51] {strides = array<i32>} : memref<640xf32, #tpu.memory_space<vmem>>, vector<16xf32>,
    %swap3A_53 = vector.shape_cast %swap3A_52 : vector<16xf32> to vector<16xf32>
    %swap3A_54 = vector.shape_cast %broadcast_in_dim3A_50 : vector<16xf32> to vector<16xf32>
    tpu.vector_store %arg9[%swap3A_51], %swap3A_54 {strides = array<i32>} : memref<640xf32, #tpu.memory_space<vmem>>, vector<16xf32>,
    %broadcast_in_dim3A_55 = arith.constant 0.000000e+00 : f32
    %broadcast_in_dim3A_56 = vector.broadcast %broadcast_in_dim3A_55 : f32 to vector<16xf32>
    %swap3A_57 = arith.constant 64 : index
    %swap3A_58 = tpu.vector_load %arg9[%swap3A_57] {strides = array<i32>} : memref<640xf32, #tpu.memory_space<vmem>>, vector<16xf32>,
    %swap3A_59 = vector.shape_cast %swap3A_58 : vector<16xf32> to vector<16xf32>
    %swap3A_60 = vector.shape_cast %broadcast_in_dim3A_56 : vector<16xf32> to vector<16xf32>
    tpu.vector_store %arg9[%swap3A_57], %swap3A_60 {strides = array<i32>} : memref<640xf32, #tpu.memory_space<vmem>>, vector<16xf32>,
    %broadcast_in_dim3A_61 = arith.constant 0.000000e+00 : f32
    %broadcast_in_dim3A_62 = vector.broadcast %broadcast_in_dim3A_61 : f32 to vector<16xf32>
    %swap3A_63 = arith.constant 80 : index
    %swap3A_64 = tpu.vector_load %arg9[%swap3A_63] {strides = array<i32>} : memref<640xf32, #tpu.memory_space<vmem>>, vector<16xf32>,
    %swap3A_65 = vector.shape_cast %swap3A_64 : vector<16xf32> to vector<16xf32>
    %swap3A_66 = vector.shape_cast %broadcast_in_dim3A_62 : vector<16xf32> to vector<16xf32>
    tpu.vector_store %arg9[%swap3A_63], %swap3A_66 {strides = array<i32>} : memref<640xf32, #tpu.memory_space<vmem>>, vector<16xf32>,
    %broadcast_in_dim3A_67 = arith.constant 0.000000e+00 : f32
    %broadcast_in_dim3A_68 = vector.broadcast %broadcast_in_dim3A_67 : f32 to vector<16xf32>
    %swap3A_69 = arith.constant 96 : index
    %swap3A_70 = tpu.vector_load %arg9[%swap3A_69] {strides = array<i32>} : memref<640xf32, #tpu.memory_space<vmem>>, vector<16xf32>,
    %swap3A_71 = vector.shape_cast %swap3A_70 : vector<16xf32> to vector<16xf32>
    %swap3A_72 = vector.shape_cast %broadcast_in_dim3A_68 : vector<16xf32> to vector<16xf32>
    tpu.vector_store %arg9[%swap3A_69], %swap3A_72 {strides = array<i32>} : memref<640xf32, #tpu.memory_space<vmem>>, vector<16xf32>,
    %broadcast_in_dim3A_73 = arith.constant 0.000000e+00 : f32
    %broadcast_in_dim3A_74 = vector.broadcast %broadcast_in_dim3A_73 : f32 to vector<16xf32>
    %swap3A_75 = arith.constant 112 : index
    %swap3A_76 = tpu.vector_load %arg9[%swap3A_75] {strides = array<i32>} : memref<640xf32, #tpu.memory_space<vmem>>, vector<16xf32>,
    %swap3A_77 = vector.shape_cast %swap3A_76 : vector<16xf32> to vector<16xf32>
    %swap3A_78 = vector.shape_cast %broadcast_in_dim3A_74 : vector<16xf32> to vector<16xf32>
    tpu.vector_store %arg9[%swap3A_75], %swap3A_78 {strides = array<i32>} : memref<640xf32, #tpu.memory_space<vmem>>, vector<16xf32>,
    %broadcast_in_dim3A_79 = arith.constant 0.000000e+00 : f32
    %broadcast_in_dim3A_80 = vector.broadcast %broadcast_in_dim3A_79 : f32 to vector<16xf32>
    %swap3A_81 = arith.constant 128 : index
    %swap3A_82 = tpu.vector_load %arg9[%swap3A_81] {strides = array<i32>} : memref<640xf32, #tpu.memory_space<vmem>>, vector<16xf32>,
    %swap3A_83 = vector.shape_cast %swap3A_82 : vector<16xf32> to vector<16xf32>
    %swap3A_84 = vector.shape_cast %broadcast_in_dim3A_80 : vector<16xf32> to vector<16xf32>
    tpu.vector_store %arg9[%swap3A_81], %swap3A_84 {strides = array<i32>} : memref<640xf32, #tpu.memory_space<vmem>>, vector<16xf32>,
    %broadcast_in_dim3A_85 = arith.constant 0.000000e+00 : f32
    %broadcast_in_dim3A_86 = vector.broadcast %broadcast_in_dim3A_85 : f32 to vector<16xf32>
    %swap3A_87 = arith.constant 144 : index
    %swap3A_88 = tpu.vector_load %arg9[%swap3A_87] {strides = array<i32>} : memref<640xf32, #tpu.memory_space<vmem>>, vector<16xf32>,
    %swap3A_89 = vector.shape_cast %swap3A_88 : vector<16xf32> to vector<16xf32>
    %swap3A_90 = vector.shape_cast %broadcast_in_dim3A_86 : vector<16xf32> to vector<16xf32>
    tpu.vector_store %arg9[%swap3A_87], %swap3A_90 {strides = array<i32>} : memref<640xf32, #tpu.memory_space<vmem>>, vector<16xf32>,
    %broadcast_in_dim3A_91 = arith.constant 0.000000e+00 : f32
    %broadcast_in_dim3A_92 = vector.broadcast %broadcast_in_dim3A_91 : f32 to vector<16xf32>
    %swap3A_93 = arith.constant 160 : index
    %swap3A_94 = tpu.vector_load %arg9[%swap3A_93] {strides = array<i32>} : memref<640xf32, #tpu.memory_space<vmem>>, vector<16xf32>,
    %swap3A_95 = vector.shape_cast %swap3A_94 : vector<16xf32> to vector<16xf32>
    %swap3A_96 = vector.shape_cast %broadcast_in_dim3A_92 : vector<16xf32> to vector<16xf32>
    tpu.vector_store %arg9[%swap3A_93], %swap3A_96 {strides = array<i32>} : memref<640xf32, #tpu.memory_space<vmem>>, vector<16xf32>,
    %broadcast_in_dim3A_97 = arith.constant 0.000000e+00 : f32
    %broadcast_in_dim3A_98 = vector.broadcast %broadcast_in_dim3A_97 : f32 to vector<16xf32>
    %swap3A_99 = arith.constant 176 : index
    %swap3A_100 = tpu.vector_load %arg9[%swap3A_99] {strides = array<i32>} : memref<640xf32, #tpu.memory_space<vmem>>, vector<16xf32>,
    %swap3A_101 = vector.shape_cast %swap3A_100 : vector<16xf32> to vector<16xf32>
    %swap3A_102 = vector.shape_cast %broadcast_in_dim3A_98 : vector<16xf32> to vector<16xf32>
    tpu.vector_store %arg9[%swap3A_99], %swap3A_102 {strides = array<i32>} : memref<640xf32, #tpu.memory_space<vmem>>, vector<16xf32>,
    %broadcast_in_dim3A_103 = arith.constant 0.000000e+00 : f32
    %broadcast_in_dim3A_104 = vector.broadcast %broadcast_in_dim3A_103 : f32 to vector<16xf32>
    %swap3A_105 = arith.constant 192 : index
    %swap3A_106 = tpu.vector_load %arg9[%swap3A_105] {strides = array<i32>} : memref<640xf32, #tpu.memory_space<vmem>>, vector<16xf32>,
    %swap3A_107 = vector.shape_cast %swap3A_106 : vector<16xf32> to vector<16xf32>
    %swap3A_108 = vector.shape_cast %broadcast_in_dim3A_104 : vector<16xf32> to vector<16xf32>
    tpu.vector_store %arg9[%swap3A_105], %swap3A_108 {strides = array<i32>} : memref<640xf32, #tpu.memory_space<vmem>>, vector<16xf32>,
    %broadcast_in_dim3A_109 = arith.constant 0.000000e+00 : f32
    %broadcast_in_dim3A_110 = vector.broadcast %broadcast_in_dim3A_109 : f32 to vector<16xf32>
    %swap3A_111 = arith.constant 208 : index
    %swap3A_112 = tpu.vector_load %arg9[%swap3A_111] {strides = array<i32>} : memref<640xf32, #tpu.memory_space<vmem>>, vector<16xf32>,
    %swap3A_113 = vector.shape_cast %swap3A_112 : vector<16xf32> to vector<16xf32>
    %swap3A_114 = vector.shape_cast %broadcast_in_dim3A_110 : vector<16xf32> to vector<16xf32>
    tpu.vector_store %arg9[%swap3A_111], %swap3A_114 {strides = array<i32>} : memref<640xf32, #tpu.memory_space<vmem>>, vector<16xf32>,
    %broadcast_in_dim3A_115 = arith.constant 0.000000e+00 : f32
    %broadcast_in_dim3A_116 = vector.broadcast %broadcast_in_dim3A_115 : f32 to vector<16xf32>
    %swap3A_117 = arith.constant 224 : index
    %swap3A_118 = tpu.vector_load %arg9[%swap3A_117] {strides = array<i32>} : memref<640xf32, #tpu.memory_space<vmem>>, vector<16xf32>,
    %swap3A_119 = vector.shape_cast %swap3A_118 : vector<16xf32> to vector<16xf32>
    %swap3A_120 = vector.shape_cast %broadcast_in_dim3A_116 : vector<16xf32> to vector<16xf32>
    tpu.vector_store %arg9[%swap3A_117], %swap3A_120 {strides = array<i32>} : memref<640xf32, #tpu.memory_space<vmem>>, vector<16xf32>,
    %broadcast_in_dim3A_121 = arith.constant 0.000000e+00 : f32
    %broadcast_in_dim3A_122 = vector.broadcast %broadcast_in_dim3A_121 : f32 to vector<16xf32>
    %swap3A_123 = arith.constant 240 : index
    %swap3A_124 = tpu.vector_load %arg9[%swap3A_123] {strides = array<i32>} : memref<640xf32, #tpu.memory_space<vmem>>, vector<16xf32>,
    %swap3A_125 = vector.shape_cast %swap3A_124 : vector<16xf32> to vector<16xf32>
    %swap3A_126 = vector.shape_cast %broadcast_in_dim3A_122 : vector<16xf32> to vector<16xf32>
    tpu.vector_store %arg9[%swap3A_123], %swap3A_126 {strides = array<i32>} : memref<640xf32, #tpu.memory_space<vmem>>, vector<16xf32>,
    %broadcast_in_dim3A_127 = arith.constant 0.000000e+00 : f32
    %broadcast_in_dim3A_128 = vector.broadcast %broadcast_in_dim3A_127 : f32 to vector<16xf32>
    %swap3A_129 = arith.constant 256 : index
    %swap3A_130 = tpu.vector_load %arg9[%swap3A_129] {strides = array<i32>} : memref<640xf32, #tpu.memory_space<vmem>>, vector<16xf32>,
    %swap3A_131 = vector.shape_cast %swap3A_130 : vector<16xf32> to vector<16xf32>
    %swap3A_132 = vector.shape_cast %broadcast_in_dim3A_128 : vector<16xf32> to vector<16xf32>
    tpu.vector_store %arg9[%swap3A_129], %swap3A_132 {strides = array<i32>} : memref<640xf32, #tpu.memory_space<vmem>>, vector<16xf32>,
    %broadcast_in_dim3A_133 = arith.constant 0.000000e+00 : f32
    %broadcast_in_dim3A_134 = vector.broadcast %broadcast_in_dim3A_133 : f32 to vector<16xf32>
    %swap3A_135 = arith.constant 272 : index
    %swap3A_136 = tpu.vector_load %arg9[%swap3A_135] {strides = array<i32>} : memref<640xf32, #tpu.memory_space<vmem>>, vector<16xf32>,
    %swap3A_137 = vector.shape_cast %swap3A_136 : vector<16xf32> to vector<16xf32>
    %swap3A_138 = vector.shape_cast %broadcast_in_dim3A_134 : vector<16xf32> to vector<16xf32>
    tpu.vector_store %arg9[%swap3A_135], %swap3A_138 {strides = array<i32>} : memref<640xf32, #tpu.memory_space<vmem>>, vector<16xf32>,
    %broadcast_in_dim3A_139 = arith.constant 0.000000e+00 : f32
    %broadcast_in_dim3A_140 = vector.broadcast %broadcast_in_dim3A_139 : f32 to vector<16xf32>
    %swap3A_141 = arith.constant 288 : index
    %swap3A_142 = tpu.vector_load %arg9[%swap3A_141] {strides = array<i32>} : memref<640xf32, #tpu.memory_space<vmem>>, vector<16xf32>,
    %swap3A_143 = vector.shape_cast %swap3A_142 : vector<16xf32> to vector<16xf32>
    %swap3A_144 = vector.shape_cast %broadcast_in_dim3A_140 : vector<16xf32> to vector<16xf32>
    tpu.vector_store %arg9[%swap3A_141], %swap3A_144 {strides = array<i32>} : memref<640xf32, #tpu.memory_space<vmem>>, vector<16xf32>,
    %broadcast_in_dim3A_145 = arith.constant 0.000000e+00 : f32
    %broadcast_in_dim3A_146 = vector.broadcast %broadcast_in_dim3A_145 : f32 to vector<16xf32>
    %swap3A_147 = arith.constant 304 : index
    %swap3A_148 = tpu.vector_load %arg9[%swap3A_147] {strides = array<i32>} : memref<640xf32, #tpu.memory_space<vmem>>, vector<16xf32>,
    %swap3A_149 = vector.shape_cast %swap3A_148 : vector<16xf32> to vector<16xf32>
    %swap3A_150 = vector.shape_cast %broadcast_in_dim3A_146 : vector<16xf32> to vector<16xf32>
    tpu.vector_store %arg9[%swap3A_147], %swap3A_150 {strides = array<i32>} : memref<640xf32, #tpu.memory_space<vmem>>, vector<16xf32>,
    %broadcast_in_dim3A_151 = arith.constant 0.000000e+00 : f32
    %broadcast_in_dim3A_152 = vector.broadcast %broadcast_in_dim3A_151 : f32 to vector<16xf32>
    %swap3A_153 = arith.constant 320 : index
    %swap3A_154 = tpu.vector_load %arg9[%swap3A_153] {strides = array<i32>} : memref<640xf32, #tpu.memory_space<vmem>>, vector<16xf32>,
    %swap3A_155 = vector.shape_cast %swap3A_154 : vector<16xf32> to vector<16xf32>
    %swap3A_156 = vector.shape_cast %broadcast_in_dim3A_152 : vector<16xf32> to vector<16xf32>
    tpu.vector_store %arg9[%swap3A_153], %swap3A_156 {strides = array<i32>} : memref<640xf32, #tpu.memory_space<vmem>>, vector<16xf32>,
    %broadcast_in_dim3A_157 = arith.constant 0.000000e+00 : f32
    %broadcast_in_dim3A_158 = vector.broadcast %broadcast_in_dim3A_157 : f32 to vector<16xf32>
    %swap3A_159 = arith.constant 336 : index
    %swap3A_160 = tpu.vector_load %arg9[%swap3A_159] {strides = array<i32>} : memref<640xf32, #tpu.memory_space<vmem>>, vector<16xf32>,
    %swap3A_161 = vector.shape_cast %swap3A_160 : vector<16xf32> to vector<16xf32>
    %swap3A_162 = vector.shape_cast %broadcast_in_dim3A_158 : vector<16xf32> to vector<16xf32>
    tpu.vector_store %arg9[%swap3A_159], %swap3A_162 {strides = array<i32>} : memref<640xf32, #tpu.memory_space<vmem>>, vector<16xf32>,
    %broadcast_in_dim3A_163 = arith.constant 0.000000e+00 : f32
    %broadcast_in_dim3A_164 = vector.broadcast %broadcast_in_dim3A_163 : f32 to vector<16xf32>
    %swap3A_165 = arith.constant 352 : index
    %swap3A_166 = tpu.vector_load %arg9[%swap3A_165] {strides = array<i32>} : memref<640xf32, #tpu.memory_space<vmem>>, vector<16xf32>,
    %swap3A_167 = vector.shape_cast %swap3A_166 : vector<16xf32> to vector<16xf32>
    %swap3A_168 = vector.shape_cast %broadcast_in_dim3A_164 : vector<16xf32> to vector<16xf32>
    tpu.vector_store %arg9[%swap3A_165], %swap3A_168 {strides = array<i32>} : memref<640xf32, #tpu.memory_space<vmem>>, vector<16xf32>,
    %broadcast_in_dim3A_169 = arith.constant 0.000000e+00 : f32
    %broadcast_in_dim3A_170 = vector.broadcast %broadcast_in_dim3A_169 : f32 to vector<16xf32>
    %swap3A_171 = arith.constant 368 : index
    %swap3A_172 = tpu.vector_load %arg9[%swap3A_171] {strides = array<i32>} : memref<640xf32, #tpu.memory_space<vmem>>, vector<16xf32>,
    %swap3A_173 = vector.shape_cast %swap3A_172 : vector<16xf32> to vector<16xf32>
    %swap3A_174 = vector.shape_cast %broadcast_in_dim3A_170 : vector<16xf32> to vector<16xf32>
    tpu.vector_store %arg9[%swap3A_171], %swap3A_174 {strides = array<i32>} : memref<640xf32, #tpu.memory_space<vmem>>, vector<16xf32>,
    %broadcast_in_dim3A_175 = arith.constant 0.000000e+00 : f32
    %broadcast_in_dim3A_176 = vector.broadcast %broadcast_in_dim3A_175 : f32 to vector<16xf32>
    %swap3A_177 = arith.constant 384 : index
    %swap3A_178 = tpu.vector_load %arg9[%swap3A_177] {strides = array<i32>} : memref<640xf32, #tpu.memory_space<vmem>>, vector<16xf32>,
    %swap3A_179 = vector.shape_cast %swap3A_178 : vector<16xf32> to vector<16xf32>
    %swap3A_180 = vector.shape_cast %broadcast_in_dim3A_176 : vector<16xf32> to vector<16xf32>
    tpu.vector_store %arg9[%swap3A_177], %swap3A_180 {strides = array<i32>} : memref<640xf32, #tpu.memory_space<vmem>>, vector<16xf32>,
    %broadcast_in_dim3A_181 = arith.constant 0.000000e+00 : f32
    %broadcast_in_dim3A_182 = vector.broadcast %broadcast_in_dim3A_181 : f32 to vector<16xf32>
    %swap3A_183 = arith.constant 400 : index
    %swap3A_184 = tpu.vector_load %arg9[%swap3A_183] {strides = array<i32>} : memref<640xf32, #tpu.memory_space<vmem>>, vector<16xf32>,
    %swap3A_185 = vector.shape_cast %swap3A_184 : vector<16xf32> to vector<16xf32>
    %swap3A_186 = vector.shape_cast %broadcast_in_dim3A_182 : vector<16xf32> to vector<16xf32>
    tpu.vector_store %arg9[%swap3A_183], %swap3A_186 {strides = array<i32>} : memref<640xf32, #tpu.memory_space<vmem>>, vector<16xf32>,
    %broadcast_in_dim3A_187 = arith.constant 0.000000e+00 : f32
    %broadcast_in_dim3A_188 = vector.broadcast %broadcast_in_dim3A_187 : f32 to vector<16xf32>
    %swap3A_189 = arith.constant 416 : index
    %swap3A_190 = tpu.vector_load %arg9[%swap3A_189] {strides = array<i32>} : memref<640xf32, #tpu.memory_space<vmem>>, vector<16xf32>,
    %swap3A_191 = vector.shape_cast %swap3A_190 : vector<16xf32> to vector<16xf32>
    %swap3A_192 = vector.shape_cast %broadcast_in_dim3A_188 : vector<16xf32> to vector<16xf32>
    tpu.vector_store %arg9[%swap3A_189], %swap3A_192 {strides = array<i32>} : memref<640xf32, #tpu.memory_space<vmem>>, vector<16xf32>,
    %broadcast_in_dim3A_193 = arith.constant 0.000000e+00 : f32
    %broadcast_in_dim3A_194 = vector.broadcast %broadcast_in_dim3A_193 : f32 to vector<16xf32>
    %swap3A_195 = arith.constant 432 : index
    %swap3A_196 = tpu.vector_load %arg9[%swap3A_195] {strides = array<i32>} : memref<640xf32, #tpu.memory_space<vmem>>, vector<16xf32>,
    %swap3A_197 = vector.shape_cast %swap3A_196 : vector<16xf32> to vector<16xf32>
    %swap3A_198 = vector.shape_cast %broadcast_in_dim3A_194 : vector<16xf32> to vector<16xf32>
    tpu.vector_store %arg9[%swap3A_195], %swap3A_198 {strides = array<i32>} : memref<640xf32, #tpu.memory_space<vmem>>, vector<16xf32>,
    %broadcast_in_dim3A_199 = arith.constant 0.000000e+00 : f32
    %broadcast_in_dim3A_200 = vector.broadcast %broadcast_in_dim3A_199 : f32 to vector<16xf32>
    %swap3A_201 = arith.constant 448 : index
    %swap3A_202 = tpu.vector_load %arg9[%swap3A_201] {strides = array<i32>} : memref<640xf32, #tpu.memory_space<vmem>>, vector<16xf32>,
    %swap3A_203 = vector.shape_cast %swap3A_202 : vector<16xf32> to vector<16xf32>
    %swap3A_204 = vector.shape_cast %broadcast_in_dim3A_200 : vector<16xf32> to vector<16xf32>
    tpu.vector_store %arg9[%swap3A_201], %swap3A_204 {strides = array<i32>} : memref<640xf32, #tpu.memory_space<vmem>>, vector<16xf32>,
    %broadcast_in_dim3A_205 = arith.constant 0.000000e+00 : f32
    %broadcast_in_dim3A_206 = vector.broadcast %broadcast_in_dim3A_205 : f32 to vector<16xf32>
    %swap3A_207 = arith.constant 464 : index
    %swap3A_208 = tpu.vector_load %arg9[%swap3A_207] {strides = array<i32>} : memref<640xf32, #tpu.memory_space<vmem>>, vector<16xf32>,
    %swap3A_209 = vector.shape_cast %swap3A_208 : vector<16xf32> to vector<16xf32>
    %swap3A_210 = vector.shape_cast %broadcast_in_dim3A_206 : vector<16xf32> to vector<16xf32>
    tpu.vector_store %arg9[%swap3A_207], %swap3A_210 {strides = array<i32>} : memref<640xf32, #tpu.memory_space<vmem>>, vector<16xf32>,
    %broadcast_in_dim3A_211 = arith.constant 0.000000e+00 : f32
    %broadcast_in_dim3A_212 = vector.broadcast %broadcast_in_dim3A_211 : f32 to vector<16xf32>
    %swap3A_213 = arith.constant 480 : index
    %swap3A_214 = tpu.vector_load %arg9[%swap3A_213] {strides = array<i32>} : memref<640xf32, #tpu.memory_space<vmem>>, vector<16xf32>,
    %swap3A_215 = vector.shape_cast %swap3A_214 : vector<16xf32> to vector<16xf32>
    %swap3A_216 = vector.shape_cast %broadcast_in_dim3A_212 : vector<16xf32> to vector<16xf32>
    tpu.vector_store %arg9[%swap3A_213], %swap3A_216 {strides = array<i32>} : memref<640xf32, #tpu.memory_space<vmem>>, vector<16xf32>,
    %broadcast_in_dim3A_217 = arith.constant 0.000000e+00 : f32
    %broadcast_in_dim3A_218 = vector.broadcast %broadcast_in_dim3A_217 : f32 to vector<16xf32>
    %swap3A_219 = arith.constant 496 : index
    %swap3A_220 = tpu.vector_load %arg9[%swap3A_219] {strides = array<i32>} : memref<640xf32, #tpu.memory_space<vmem>>, vector<16xf32>,
    %swap3A_221 = vector.shape_cast %swap3A_220 : vector<16xf32> to vector<16xf32>
    %swap3A_222 = vector.shape_cast %broadcast_in_dim3A_218 : vector<16xf32> to vector<16xf32>
    tpu.vector_store %arg9[%swap3A_219], %swap3A_222 {strides = array<i32>} : memref<640xf32, #tpu.memory_space<vmem>>, vector<16xf32>,
    %broadcast_in_dim3A_223 = arith.constant 0.000000e+00 : f32
    %broadcast_in_dim3A_224 = vector.broadcast %broadcast_in_dim3A_223 : f32 to vector<16xf32>
    %swap3A_225 = arith.constant 512 : index
    %swap3A_226 = tpu.vector_load %arg9[%swap3A_225] {strides = array<i32>} : memref<640xf32, #tpu.memory_space<vmem>>, vector<16xf32>,
    %swap3A_227 = vector.shape_cast %swap3A_226 : vector<16xf32> to vector<16xf32>
    %swap3A_228 = vector.shape_cast %broadcast_in_dim3A_224 : vector<16xf32> to vector<16xf32>
    tpu.vector_store %arg9[%swap3A_225], %swap3A_228 {strides = array<i32>} : memref<640xf32, #tpu.memory_space<vmem>>, vector<16xf32>,
    %broadcast_in_dim3A_229 = arith.constant 0.000000e+00 : f32
    %broadcast_in_dim3A_230 = vector.broadcast %broadcast_in_dim3A_229 : f32 to vector<16xf32>
    %swap3A_231 = arith.constant 528 : index
    %swap3A_232 = tpu.vector_load %arg9[%swap3A_231] {strides = array<i32>} : memref<640xf32, #tpu.memory_space<vmem>>, vector<16xf32>,
    %swap3A_233 = vector.shape_cast %swap3A_232 : vector<16xf32> to vector<16xf32>
    %swap3A_234 = vector.shape_cast %broadcast_in_dim3A_230 : vector<16xf32> to vector<16xf32>
    tpu.vector_store %arg9[%swap3A_231], %swap3A_234 {strides = array<i32>} : memref<640xf32, #tpu.memory_space<vmem>>, vector<16xf32>,
    %broadcast_in_dim3A_235 = arith.constant 0.000000e+00 : f32
    %broadcast_in_dim3A_236 = vector.broadcast %broadcast_in_dim3A_235 : f32 to vector<16xf32>
    %swap3A_237 = arith.constant 544 : index
    %swap3A_238 = tpu.vector_load %arg9[%swap3A_237] {strides = array<i32>} : memref<640xf32, #tpu.memory_space<vmem>>, vector<16xf32>,
    %swap3A_239 = vector.shape_cast %swap3A_238 : vector<16xf32> to vector<16xf32>
    %swap3A_240 = vector.shape_cast %broadcast_in_dim3A_236 : vector<16xf32> to vector<16xf32>
    tpu.vector_store %arg9[%swap3A_237], %swap3A_240 {strides = array<i32>} : memref<640xf32, #tpu.memory_space<vmem>>, vector<16xf32>,
    %broadcast_in_dim3A_241 = arith.constant 0.000000e+00 : f32
    %broadcast_in_dim3A_242 = vector.broadcast %broadcast_in_dim3A_241 : f32 to vector<16xf32>
    %swap3A_243 = arith.constant 560 : index
    %swap3A_244 = tpu.vector_load %arg9[%swap3A_243] {strides = array<i32>} : memref<640xf32, #tpu.memory_space<vmem>>, vector<16xf32>,
    %swap3A_245 = vector.shape_cast %swap3A_244 : vector<16xf32> to vector<16xf32>
    %swap3A_246 = vector.shape_cast %broadcast_in_dim3A_242 : vector<16xf32> to vector<16xf32>
    tpu.vector_store %arg9[%swap3A_243], %swap3A_246 {strides = array<i32>} : memref<640xf32, #tpu.memory_space<vmem>>, vector<16xf32>,
    %broadcast_in_dim3A_247 = arith.constant 0.000000e+00 : f32
    %broadcast_in_dim3A_248 = vector.broadcast %broadcast_in_dim3A_247 : f32 to vector<16xf32>
    %swap3A_249 = arith.constant 576 : index
    %swap3A_250 = tpu.vector_load %arg9[%swap3A_249] {strides = array<i32>} : memref<640xf32, #tpu.memory_space<vmem>>, vector<16xf32>,
    %swap3A_251 = vector.shape_cast %swap3A_250 : vector<16xf32> to vector<16xf32>
    %swap3A_252 = vector.shape_cast %broadcast_in_dim3A_248 : vector<16xf32> to vector<16xf32>
    tpu.vector_store %arg9[%swap3A_249], %swap3A_252 {strides = array<i32>} : memref<640xf32, #tpu.memory_space<vmem>>, vector<16xf32>,
    %broadcast_in_dim3A_253 = arith.constant 0.000000e+00 : f32
    %broadcast_in_dim3A_254 = vector.broadcast %broadcast_in_dim3A_253 : f32 to vector<16xf32>
    %swap3A_255 = arith.constant 592 : index
    %swap3A_256 = tpu.vector_load %arg9[%swap3A_255] {strides = array<i32>} : memref<640xf32, #tpu.memory_space<vmem>>, vector<16xf32>,
    %swap3A_257 = vector.shape_cast %swap3A_256 : vector<16xf32> to vector<16xf32>
    %swap3A_258 = vector.shape_cast %broadcast_in_dim3A_254 : vector<16xf32> to vector<16xf32>
    tpu.vector_store %arg9[%swap3A_255], %swap3A_258 {strides = array<i32>} : memref<640xf32, #tpu.memory_space<vmem>>, vector<16xf32>,
    %broadcast_in_dim3A_259 = arith.constant 0.000000e+00 : f32
    %broadcast_in_dim3A_260 = vector.broadcast %broadcast_in_dim3A_259 : f32 to vector<16xf32>
    %swap3A_261 = arith.constant 608 : index
    %swap3A_262 = tpu.vector_load %arg9[%swap3A_261] {strides = array<i32>} : memref<640xf32, #tpu.memory_space<vmem>>, vector<16xf32>,
    %swap3A_263 = vector.shape_cast %swap3A_262 : vector<16xf32> to vector<16xf32>
    %swap3A_264 = vector.shape_cast %broadcast_in_dim3A_260 : vector<16xf32> to vector<16xf32>
    tpu.vector_store %arg9[%swap3A_261], %swap3A_264 {strides = array<i32>} : memref<640xf32, #tpu.memory_space<vmem>>, vector<16xf32>,
    %broadcast_in_dim3A_265 = arith.constant 0.000000e+00 : f32
    %broadcast_in_dim3A_266 = vector.broadcast %broadcast_in_dim3A_265 : f32 to vector<16xf32>
    %swap3A_267 = arith.constant 624 : index
    %swap3A_268 = tpu.vector_load %arg9[%swap3A_267] {strides = array<i32>} : memref<640xf32, #tpu.memory_space<vmem>>, vector<16xf32>,
    %swap3A_269 = vector.shape_cast %swap3A_268 : vector<16xf32> to vector<16xf32>
    %swap3A_270 = vector.shape_cast %broadcast_in_dim3A_266 : vector<16xf32> to vector<16xf32>
    tpu.vector_store %arg9[%swap3A_267], %swap3A_270 {strides = array<i32>} : memref<640xf32, #tpu.memory_space<vmem>>, vector<16xf32>,
    "tpu.region"() ({
      %run_scoped3A = tpu.sem_alloc : memref<!tpu.dma_semaphore, #tpu.memory_space<semaphore_mem>>
      %dma_start3A_344 = tpu.memref_slice %arg10[%multiple_of3A] : memref<10240xf32, #tpu.memory_space<vmem_shared>> -> memref<640xf32, #tpu.memory_space<vmem_shared>>
      %dma_start3A_345 = tpu.memref_slice %arg10[%multiple_of3A] : memref<10240xf32, #tpu.memory_space<vmem_shared>> -> memref<640xf32, #tpu.memory_space<vmem_shared>>
      tpu.enqueue_dma source(%arg9 : memref<640xf32, #tpu.memory_space<vmem>>) target(%dma_start3A_345 : memref<640xf32, #tpu.memory_space<vmem_shared>>) target_semaphore(%run_scoped3A : memref<!tpu.dma_semaphore, #tpu.memory_space<semaphore_mem>>)
      %dma_wait3A_346 = tpu.memref_slice %arg10[%multiple_of3A] : memref<10240xf32, #tpu.memory_space<vmem_shared>> -> memref<640xf32, #tpu.memory_space<vmem_shared>>
      %dma_wait3A_347 = tpu.memref_slice %arg10[%multiple_of3A] : memref<10240xf32, #tpu.memory_space<vmem_shared>> -> memref<640xf32, #tpu.memory_space<vmem_shared>>
      tpu.wait_dma2 semaphore(%run_scoped3A : memref<!tpu.dma_semaphore, #tpu.memory_space<semaphore_mem>>) src(%arg9 : memref<640xf32, #tpu.memory_space<vmem>>) dst(%dma_wait3A_347 : memref<640xf32, #tpu.memory_space<vmem_shared>>)
      tpu.yield
    }) : () -> ()
    %barrier3A = arith.constant 0 : index
    tpu.barrier barrier_id(%barrier3A)
    %mul3A_271 = arith.constant 10000 : i32
    %mul3A_272 = arith.muli %add3A, %mul3A_271 : i32
    %multiple_of3A_273 = tpu.assume_multiple %mul3A_272, 8 : i32
    %add3A_274 = arith.constant 0 : i32
    %add3A_275 = arith.addi %multiple_of3A_273, %add3A_274 : i32
    %multiple_of3A_276 = tpu.assume_multiple %add3A_275, 8 : i32
    %dma_start3A = arith.constant 1 : i32
    %dma_start3A_277 = tpu.memref_slice %arg2[%dma_start3A, %multiple_of3A_276] : memref<2x320000xi32, #tpu.memory_space<hbm>> -> memref<1x80xi32, #tpu.memory_space<hbm>>
    %dma_start3A_278 = tpu.memref_squeeze %dma_start3A_277 : memref<1x80xi32, #tpu.memory_space<hbm>> -> memref<80xi32, #tpu.memory_space<hbm>>
    %dma_start3A_279 = tpu.memref_slice %arg2[%dma_start3A, %multiple_of3A_276] : memref<2x320000xi32, #tpu.memory_space<hbm>> -> memref<1x80xi32, #tpu.memory_space<hbm>>
    %dma_start3A_280 = tpu.memref_squeeze %dma_start3A_279 : memref<1x80xi32, #tpu.memory_space<hbm>> -> memref<80xi32, #tpu.memory_space<hbm>>
    tpu.enqueue_dma source(%dma_start3A_280 : memref<80xi32, #tpu.memory_space<hbm>>) target(%arg4 : memref<80xi32, #tpu.memory_space<vmem>>) target_semaphore(%arg11 : memref<!tpu.dma_semaphore, #tpu.memory_space<semaphore_mem>>)
    %add3A_281 = arith.constant 80 : i32
    %add3A_282 = arith.addi %multiple_of3A_273, %add3A_281 : i32
    %multiple_of3A_283 = tpu.assume_multiple %add3A_282, 8 : i32
    %dma_start3A_284 = arith.constant 1 : i32
    %dma_start3A_285 = tpu.memref_slice %arg2[%dma_start3A_284, %multiple_of3A_283] : memref<2x320000xi32, #tpu.memory_space<hbm>> -> memref<1x80xi32, #tpu.memory_space<hbm>>
    %dma_start3A_286 = tpu.memref_squeeze %dma_start3A_285 : memref<1x80xi32, #tpu.memory_space<hbm>> -> memref<80xi32, #tpu.memory_space<hbm>>
    %dma_start3A_287 = tpu.memref_slice %arg2[%dma_start3A_284, %multiple_of3A_283] : memref<2x320000xi32, #tpu.memory_space<hbm>> -> memref<1x80xi32, #tpu.memory_space<hbm>>
    %dma_start3A_288 = tpu.memref_squeeze %dma_start3A_287 : memref<1x80xi32, #tpu.memory_space<hbm>> -> memref<80xi32, #tpu.memory_space<hbm>>
    tpu.enqueue_dma source(%dma_start3A_288 : memref<80xi32, #tpu.memory_space<hbm>>) target(%arg5 : memref<80xi32, #tpu.memory_space<vmem>>) target_semaphore(%arg12 : memref<!tpu.dma_semaphore, #tpu.memory_space<semaphore_mem>>)
    %scan3A = arith.constant 0 : i32
    %scan3A_289 = arith.constant 0 : i32
    %scan3A_290 = arith.constant 62 : i32
    %scan3A_291 = arith.addi %scan3A_289, %scan3A_290 : i32
    %scan3A_292 = arith.constant 1 : i32
    scf.for %scan3A_344 = %scan3A_289 to %scan3A_291 step %scan3A_292  : i32 {
      %mul3A_345 = arith.constant 2 : i32
      %mul3A_346 = arith.muli %scan3A_344, %mul3A_345 : i32
      %add3A_347 = arith.constant 0 : i32
      %add3A_348 = arith.addi %mul3A_346, %add3A_347 : i32
      %mul3A_349 = arith.constant 80 : i32
      %mul3A_350 = arith.muli %add3A_348, %mul3A_349 : i32
      %add3A_351 = arith.addi %multiple_of3A_273, %mul3A_350 : i32
      %multiple_of3A_352 = tpu.assume_multiple %add3A_351, 8 : i32
      %dma_wait3A_353 = arith.constant 1 : i32
      %dma_wait3A_354 = tpu.memref_slice %arg2[%dma_wait3A_353, %multiple_of3A_352] : memref<2x320000xi32, #tpu.memory_space<hbm>> -> memref<1x80xi32, #tpu.memory_space<hbm>>
      %dma_wait3A_355 = tpu.memref_squeeze %dma_wait3A_354 : memref<1x80xi32, #tpu.memory_space<hbm>> -> memref<80xi32, #tpu.memory_space<hbm>>
      %dma_wait3A_356 = tpu.memref_slice %arg2[%dma_wait3A_353, %multiple_of3A_352] : memref<2x320000xi32, #tpu.memory_space<hbm>> -> memref<1x80xi32, #tpu.memory_space<hbm>>
      %dma_wait3A_357 = tpu.memref_squeeze %dma_wait3A_356 : memref<1x80xi32, #tpu.memory_space<hbm>> -> memref<80xi32, #tpu.memory_space<hbm>>
      tpu.wait_dma2 semaphore(%arg11 : memref<!tpu.dma_semaphore, #tpu.memory_space<semaphore_mem>>) src(%dma_wait3A_357 : memref<80xi32, #tpu.memory_space<hbm>>) dst(%arg4 : memref<80xi32, #tpu.memory_space<vmem>>)
      %gt3A = arith.constant 0 : i32
      %gt3A_358 = arith.cmpi sgt, %scan3A_344, %gt3A : i32
      %convert_element_type3A = arith.extui %gt3A_358 : i1 to i32
      %cond3A = arith.constant 0 : i32
      %cond3A_359 = arith.cmpi ne, %convert_element_type3A, %cond3A : i32
      scf.if %cond3A_359 {
        %dma_wait3A_467 = arith.constant 0 : i32
        %dma_wait3A_468 = tpu.memref_slice %arg10[%dma_wait3A_467] : memref<10240xf32, #tpu.memory_space<vmem_shared>> -> memref<10240xf32, #tpu.memory_space<vmem_shared>>
        tpu.wait_indirect_dma semaphore(%arg13 : memref<!tpu.dma_semaphore, #tpu.memory_space<semaphore_mem>>) src(%arg8 : memref<80xf32, #tpu.memory_space<vmem>>) dst(%dma_wait3A_468 : memref<10240xf32, #tpu.memory_space<vmem_shared>>)
      } else {
      }
      %get3A_360 = arith.constant 0 : index
      %get3A_361 = tpu.vector_load %arg4[%get3A_360] {strides = array<i32>} : memref<80xi32, #tpu.memory_space<vmem>>, vector<16xi32>,
      %get3A_362 = vector.shape_cast %get3A_361 : vector<16xi32> to vector<16xi32>
      %swap3A_363 = arith.constant 0 : index
      %swap3A_364 = tpu.vector_load %arg6[%swap3A_363] {strides = array<i32>} : memref<80xi32, #tpu.memory_space<vmem>>, vector<16xi32>,
      %swap3A_365 = vector.shape_cast %swap3A_364 : vector<16xi32> to vector<16xi32>
      %swap3A_366 = vector.shape_cast %get3A_362 : vector<16xi32> to vector<16xi32>
      tpu.vector_store %arg6[%swap3A_363], %swap3A_366 {strides = array<i32>} : memref<80xi32, #tpu.memory_space<vmem>>, vector<16xi32>,
      %get3A_367 = arith.constant 16 : index
      %get3A_368 = tpu.vector_load %arg4[%get3A_367] {strides = array<i32>} : memref<80xi32, #tpu.memory_space<vmem>>, vector<16xi32>,
      %get3A_369 = vector.shape_cast %get3A_368 : vector<16xi32> to vector<16xi32>
      %swap3A_370 = arith.constant 16 : index
      %swap3A_371 = tpu.vector_load %arg6[%swap3A_370] {strides = array<i32>} : memref<80xi32, #tpu.memory_space<vmem>>, vector<16xi32>,
      %swap3A_372 = vector.shape_cast %swap3A_371 : vector<16xi32> to vector<16xi32>
      %swap3A_373 = vector.shape_cast %get3A_369 : vector<16xi32> to vector<16xi32>
      tpu.vector_store %arg6[%swap3A_370], %swap3A_373 {strides = array<i32>} : memref<80xi32, #tpu.memory_space<vmem>>, vector<16xi32>,
      %get3A_374 = arith.constant 32 : index
      %get3A_375 = tpu.vector_load %arg4[%get3A_374] {strides = array<i32>} : memref<80xi32, #tpu.memory_space<vmem>>, vector<16xi32>,
      %get3A_376 = vector.shape_cast %get3A_375 : vector<16xi32> to vector<16xi32>
      %swap3A_377 = arith.constant 32 : index
      %swap3A_378 = tpu.vector_load %arg6[%swap3A_377] {strides = array<i32>} : memref<80xi32, #tpu.memory_space<vmem>>, vector<16xi32>,
      %swap3A_379 = vector.shape_cast %swap3A_378 : vector<16xi32> to vector<16xi32>
      %swap3A_380 = vector.shape_cast %get3A_376 : vector<16xi32> to vector<16xi32>
      tpu.vector_store %arg6[%swap3A_377], %swap3A_380 {strides = array<i32>} : memref<80xi32, #tpu.memory_space<vmem>>, vector<16xi32>,
      %get3A_381 = arith.constant 48 : index
      %get3A_382 = tpu.vector_load %arg4[%get3A_381] {strides = array<i32>} : memref<80xi32, #tpu.memory_space<vmem>>, vector<16xi32>,
      %get3A_383 = vector.shape_cast %get3A_382 : vector<16xi32> to vector<16xi32>
      %swap3A_384 = arith.constant 48 : index
      %swap3A_385 = tpu.vector_load %arg6[%swap3A_384] {strides = array<i32>} : memref<80xi32, #tpu.memory_space<vmem>>, vector<16xi32>,
      %swap3A_386 = vector.shape_cast %swap3A_385 : vector<16xi32> to vector<16xi32>
      %swap3A_387 = vector.shape_cast %get3A_383 : vector<16xi32> to vector<16xi32>
      tpu.vector_store %arg6[%swap3A_384], %swap3A_387 {strides = array<i32>} : memref<80xi32, #tpu.memory_space<vmem>>, vector<16xi32>,
      %get3A_388 = arith.constant 64 : index
      %get3A_389 = tpu.vector_load %arg4[%get3A_388] {strides = array<i32>} : memref<80xi32, #tpu.memory_space<vmem>>, vector<16xi32>,
      %get3A_390 = vector.shape_cast %get3A_389 : vector<16xi32> to vector<16xi32>
      %swap3A_391 = arith.constant 64 : index
      %swap3A_392 = tpu.vector_load %arg6[%swap3A_391] {strides = array<i32>} : memref<80xi32, #tpu.memory_space<vmem>>, vector<16xi32>,
      %swap3A_393 = vector.shape_cast %swap3A_392 : vector<16xi32> to vector<16xi32>
      %swap3A_394 = vector.shape_cast %get3A_390 : vector<16xi32> to vector<16xi32>
      tpu.vector_store %arg6[%swap3A_391], %swap3A_394 {strides = array<i32>} : memref<80xi32, #tpu.memory_space<vmem>>, vector<16xi32>,
      %add3A_395 = arith.constant 2 : i32
      %add3A_396 = arith.addi %add3A_348, %add3A_395 : i32
      %mul3A_397 = arith.constant 80 : i32
      %mul3A_398 = arith.muli %add3A_396, %mul3A_397 : i32
      %add3A_399 = arith.addi %multiple_of3A_273, %mul3A_398 : i32
      %multiple_of3A_400 = tpu.assume_multiple %add3A_399, 8 : i32
      %dma_start3A_401 = arith.constant 1 : i32
      %dma_start3A_402 = tpu.memref_slice %arg2[%dma_start3A_401, %multiple_of3A_400] : memref<2x320000xi32, #tpu.memory_space<hbm>> -> memref<1x80xi32, #tpu.memory_space<hbm>>
      %dma_start3A_403 = tpu.memref_squeeze %dma_start3A_402 : memref<1x80xi32, #tpu.memory_space<hbm>> -> memref<80xi32, #tpu.memory_space<hbm>>
      %dma_start3A_404 = tpu.memref_slice %arg2[%dma_start3A_401, %multiple_of3A_400] : memref<2x320000xi32, #tpu.memory_space<hbm>> -> memref<1x80xi32, #tpu.memory_space<hbm>>
      %dma_start3A_405 = tpu.memref_squeeze %dma_start3A_404 : memref<1x80xi32, #tpu.memory_space<hbm>> -> memref<80xi32, #tpu.memory_space<hbm>>
      tpu.enqueue_dma source(%dma_start3A_405 : memref<80xi32, #tpu.memory_space<hbm>>) target(%arg4 : memref<80xi32, #tpu.memory_space<vmem>>) target_semaphore(%arg11 : memref<!tpu.dma_semaphore, #tpu.memory_space<semaphore_mem>>)
      %dma_start3A_406 = arith.constant 0 : i32
      %dma_start3A_407 = tpu.memref_slice %arg10[%dma_start3A_406] : memref<10240xf32, #tpu.memory_space<vmem_shared>> -> memref<10240xf32, #tpu.memory_space<vmem_shared>>
      tpu.enqueue_indirect_dma source(%arg8 : memref<80xf32, #tpu.memory_space<vmem>>) target(%dma_start3A_407 : memref<10240xf32, #tpu.memory_space<vmem_shared>>) offsets(%arg6 : memref<80xi32, #tpu.memory_space<vmem>>) semaphore(%arg13 : memref<!tpu.dma_semaphore, #tpu.memory_space<semaphore_mem>>) {add = true}
      %mul3A_408 = arith.constant 2 : i32
      %mul3A_409 = arith.muli %scan3A_344, %mul3A_408 : i32
      %add3A_410 = arith.constant 1 : i32
      %add3A_411 = arith.addi %mul3A_409, %add3A_410 : i32
      %mul3A_412 = arith.constant 80 : i32
      %mul3A_413 = arith.muli %add3A_411, %mul3A_412 : i32
      %add3A_414 = arith.addi %multiple_of3A_273, %mul3A_413 : i32
      %multiple_of3A_415 = tpu.assume_multiple %add3A_414, 8 : i32
      %dma_wait3A_416 = arith.constant 1 : i32
      %dma_wait3A_417 = tpu.memref_slice %arg2[%dma_wait3A_416, %multiple_of3A_415] : memref<2x320000xi32, #tpu.memory_space<hbm>> -> memref<1x80xi32, #tpu.memory_space<hbm>>
      %dma_wait3A_418 = tpu.memref_squeeze %dma_wait3A_417 : memref<1x80xi32, #tpu.memory_space<hbm>> -> memref<80xi32, #tpu.memory_space<hbm>>
      %dma_wait3A_419 = tpu.memref_slice %arg2[%dma_wait3A_416, %multiple_of3A_415] : memref<2x320000xi32, #tpu.memory_space<hbm>> -> memref<1x80xi32, #tpu.memory_space<hbm>>
      %dma_wait3A_420 = tpu.memref_squeeze %dma_wait3A_419 : memref<1x80xi32, #tpu.memory_space<hbm>> -> memref<80xi32, #tpu.memory_space<hbm>>
      tpu.wait_dma2 semaphore(%arg12 : memref<!tpu.dma_semaphore, #tpu.memory_space<semaphore_mem>>) src(%dma_wait3A_420 : memref<80xi32, #tpu.memory_space<hbm>>) dst(%arg5 : memref<80xi32, #tpu.memory_space<vmem>>)
      %gt3A_421 = arith.constant 0 : i32
      %gt3A_422 = arith.cmpi sgt, %scan3A_344, %gt3A_421 : i32
      %convert_element_type3A_423 = arith.extui %gt3A_422 : i1 to i32
      %cond3A_424 = arith.constant 0 : i32
      %cond3A_425 = arith.cmpi ne, %convert_element_type3A_423, %cond3A_424 : i32
      scf.if %cond3A_425 {
        %dma_wait3A_467 = arith.constant 0 : i32
        %dma_wait3A_468 = tpu.memref_slice %arg10[%dma_wait3A_467] : memref<10240xf32, #tpu.memory_space<vmem_shared>> -> memref<10240xf32, #tpu.memory_space<vmem_shared>>
        tpu.wait_indirect_dma semaphore(%arg14 : memref<!tpu.dma_semaphore, #tpu.memory_space<semaphore_mem>>) src(%arg8 : memref<80xf32, #tpu.memory_space<vmem>>) dst(%dma_wait3A_468 : memref<10240xf32, #tpu.memory_space<vmem_shared>>)
      } else {
      }
      %get3A_426 = arith.constant 0 : index
      %get3A_427 = tpu.vector_load %arg5[%get3A_426] {strides = array<i32>} : memref<80xi32, #tpu.memory_space<vmem>>, vector<16xi32>,
      %get3A_428 = vector.shape_cast %get3A_427 : vector<16xi32> to vector<16xi32>
      %swap3A_429 = arith.constant 0 : index
      %swap3A_430 = tpu.vector_load %arg7[%swap3A_429] {strides = array<i32>} : memref<80xi32, #tpu.memory_space<vmem>>, vector<16xi32>,
      %swap3A_431 = vector.shape_cast %swap3A_430 : vector<16xi32> to vector<16xi32>
      %swap3A_432 = vector.shape_cast %get3A_428 : vector<16xi32> to vector<16xi32>
      tpu.vector_store %arg7[%swap3A_429], %swap3A_432 {strides = array<i32>} : memref<80xi32, #tpu.memory_space<vmem>>, vector<16xi32>,
      %get3A_433 = arith.constant 16 : index
      %get3A_434 = tpu.vector_load %arg5[%get3A_433] {strides = array<i32>} : memref<80xi32, #tpu.memory_space<vmem>>, vector<16xi32>,
      %get3A_435 = vector.shape_cast %get3A_434 : vector<16xi32> to vector<16xi32>
      %swap3A_436 = arith.constant 16 : index
      %swap3A_437 = tpu.vector_load %arg7[%swap3A_436] {strides = array<i32>} : memref<80xi32, #tpu.memory_space<vmem>>, vector<16xi32>,
      %swap3A_438 = vector.shape_cast %swap3A_437 : vector<16xi32> to vector<16xi32>
      %swap3A_439 = vector.shape_cast %get3A_435 : vector<16xi32> to vector<16xi32>
      tpu.vector_store %arg7[%swap3A_436], %swap3A_439 {strides = array<i32>} : memref<80xi32, #tpu.memory_space<vmem>>, vector<16xi32>,
      %get3A_440 = arith.constant 32 : index
      %get3A_441 = tpu.vector_load %arg5[%get3A_440] {strides = array<i32>} : memref<80xi32, #tpu.memory_space<vmem>>, vector<16xi32>,
      %get3A_442 = vector.shape_cast %get3A_441 : vector<16xi32> to vector<16xi32>
      %swap3A_443 = arith.constant 32 : index
      %swap3A_444 = tpu.vector_load %arg7[%swap3A_443] {strides = array<i32>} : memref<80xi32, #tpu.memory_space<vmem>>, vector<16xi32>,
      %swap3A_445 = vector.shape_cast %swap3A_444 : vector<16xi32> to vector<16xi32>
      %swap3A_446 = vector.shape_cast %get3A_442 : vector<16xi32> to vector<16xi32>
      tpu.vector_store %arg7[%swap3A_443], %swap3A_446 {strides = array<i32>} : memref<80xi32, #tpu.memory_space<vmem>>, vector<16xi32>,
      %get3A_447 = arith.constant 48 : index
      %get3A_448 = tpu.vector_load %arg5[%get3A_447] {strides = array<i32>} : memref<80xi32, #tpu.memory_space<vmem>>, vector<16xi32>,
      %get3A_449 = vector.shape_cast %get3A_448 : vector<16xi32> to vector<16xi32>
      %swap3A_450 = arith.constant 48 : index
      %swap3A_451 = tpu.vector_load %arg7[%swap3A_450] {strides = array<i32>} : memref<80xi32, #tpu.memory_space<vmem>>, vector<16xi32>,
      %swap3A_452 = vector.shape_cast %swap3A_451 : vector<16xi32> to vector<16xi32>
      %swap3A_453 = vector.shape_cast %get3A_449 : vector<16xi32> to vector<16xi32>
      tpu.vector_store %arg7[%swap3A_450], %swap3A_453 {strides = array<i32>} : memref<80xi32, #tpu.memory_space<vmem>>, vector<16xi32>,
      %get3A_454 = arith.constant 64 : index
      %get3A_455 = tpu.vector_load %arg5[%get3A_454] {strides = array<i32>} : memref<80xi32, #tpu.memory_space<vmem>>, vector<16xi32>,
      %get3A_456 = vector.shape_cast %get3A_455 : vector<16xi32> to vector<16xi32>
      %swap3A_457 = arith.constant 64 : index
      %swap3A_458 = tpu.vector_load %arg7[%swap3A_457] {strides = array<i32>} : memref<80xi32, #tpu.memory_space<vmem>>, vector<16xi32>,
      %swap3A_459 = vector.shape_cast %swap3A_458 : vector<16xi32> to vector<16xi32>
      %swap3A_460 = vector.shape_cast %get3A_456 : vector<16xi32> to vector<16xi32>
      tpu.vector_store %arg7[%swap3A_457], %swap3A_460 {strides = array<i32>} : memref<80xi32, #tpu.memory_space<vmem>>, vector<16xi32>,
      %lt3A = arith.constant 61 : i32
      %lt3A_461 = arith.cmpi slt, %scan3A_344, %lt3A : i32
      %convert_element_type3A_462 = arith.extui %lt3A_461 : i1 to i32
      %cond3A_463 = arith.constant 0 : i32
      %cond3A_464 = arith.cmpi ne, %convert_element_type3A_462, %cond3A_463 : i32
      scf.if %cond3A_464 {
        %add3A_467 = arith.constant 2 : i32
        %add3A_468 = arith.addi %add3A_411, %add3A_467 : i32
        %mul3A_469 = arith.constant 80 : i32
        %mul3A_470 = arith.muli %add3A_468, %mul3A_469 : i32
        %add3A_471 = arith.addi %multiple_of3A_273, %mul3A_470 : i32
        %multiple_of3A_472 = tpu.assume_multiple %add3A_471, 8 : i32
        %dma_start3A_473 = arith.constant 1 : i32
        %dma_start3A_474 = tpu.memref_slice %arg2[%dma_start3A_473, %multiple_of3A_472] : memref<2x320000xi32, #tpu.memory_space<hbm>> -> memref<1x80xi32, #tpu.memory_space<hbm>>
        %dma_start3A_475 = tpu.memref_squeeze %dma_start3A_474 : memref<1x80xi32, #tpu.memory_space<hbm>> -> memref<80xi32, #tpu.memory_space<hbm>>
        %dma_start3A_476 = tpu.memref_slice %arg2[%dma_start3A_473, %multiple_of3A_472] : memref<2x320000xi32, #tpu.memory_space<hbm>> -> memref<1x80xi32, #tpu.memory_space<hbm>>
        %dma_start3A_477 = tpu.memref_squeeze %dma_start3A_476 : memref<1x80xi32, #tpu.memory_space<hbm>> -> memref<80xi32, #tpu.memory_space<hbm>>
        tpu.enqueue_dma source(%dma_start3A_477 : memref<80xi32, #tpu.memory_space<hbm>>) target(%arg5 : memref<80xi32, #tpu.memory_space<vmem>>) target_semaphore(%arg12 : memref<!tpu.dma_semaphore, #tpu.memory_space<semaphore_mem>>)
      } else {
      }
      %dma_start3A_465 = arith.constant 0 : i32
      %dma_start3A_466 = tpu.memref_slice %arg10[%dma_start3A_465] : memref<10240xf32, #tpu.memory_space<vmem_shared>> -> memref<10240xf32, #tpu.memory_space<vmem_shared>>
      tpu.enqueue_indirect_dma source(%arg8 : memref<80xf32, #tpu.memory_space<vmem>>) target(%dma_start3A_466 : memref<10240xf32, #tpu.memory_space<vmem_shared>>) offsets(%arg7 : memref<80xi32, #tpu.memory_space<vmem>>) semaphore(%arg14 : memref<!tpu.dma_semaphore, #tpu.memory_space<semaphore_mem>>) {add = true}
    }
    %scan3A_293 = arith.constant 62 : i32
    %add3A_294 = arith.constant 9920 : i32
    %add3A_295 = arith.addi %multiple_of3A_273, %add3A_294 : i32
    %multiple_of3A_296 = tpu.assume_multiple %add3A_295, 8 : i32
    %dma_wait3A = arith.constant 1 : i32
    %dma_wait3A_297 = tpu.memref_slice %arg2[%dma_wait3A, %multiple_of3A_296] : memref<2x320000xi32, #tpu.memory_space<hbm>> -> memref<1x80xi32, #tpu.memory_space<hbm>>
    %dma_wait3A_298 = tpu.memref_squeeze %dma_wait3A_297 : memref<1x80xi32, #tpu.memory_space<hbm>> -> memref<80xi32, #tpu.memory_space<hbm>>
    %dma_wait3A_299 = tpu.memref_slice %arg2[%dma_wait3A, %multiple_of3A_296] : memref<2x320000xi32, #tpu.memory_space<hbm>> -> memref<1x80xi32, #tpu.memory_space<hbm>>
    %dma_wait3A_300 = tpu.memref_squeeze %dma_wait3A_299 : memref<1x80xi32, #tpu.memory_space<hbm>> -> memref<80xi32, #tpu.memory_space<hbm>>
    tpu.wait_dma2 semaphore(%arg11 : memref<!tpu.dma_semaphore, #tpu.memory_space<semaphore_mem>>) src(%dma_wait3A_300 : memref<80xi32, #tpu.memory_space<hbm>>) dst(%arg4 : memref<80xi32, #tpu.memory_space<vmem>>)
    %dma_wait3A_301 = arith.constant 0 : i32
    %dma_wait3A_302 = tpu.memref_slice %arg10[%dma_wait3A_301] : memref<10240xf32, #tpu.memory_space<vmem_shared>> -> memref<10240xf32, #tpu.memory_space<vmem_shared>>
    tpu.wait_indirect_dma semaphore(%arg13 : memref<!tpu.dma_semaphore, #tpu.memory_space<semaphore_mem>>) src(%arg8 : memref<80xf32, #tpu.memory_space<vmem>>) dst(%dma_wait3A_302 : memref<10240xf32, #tpu.memory_space<vmem_shared>>)
    %get3A = arith.constant 0 : index
    %get3A_303 = tpu.vector_load %arg4[%get3A] {strides = array<i32>} : memref<80xi32, #tpu.memory_space<vmem>>, vector<16xi32>,
    %get3A_304 = vector.shape_cast %get3A_303 : vector<16xi32> to vector<16xi32>
    %swap3A_305 = arith.constant 0 : index
    %swap3A_306 = tpu.vector_load %arg6[%swap3A_305] {strides = array<i32>} : memref<80xi32, #tpu.memory_space<vmem>>, vector<16xi32>,
    %swap3A_307 = vector.shape_cast %swap3A_306 : vector<16xi32> to vector<16xi32>
    %swap3A_308 = vector.shape_cast %get3A_304 : vector<16xi32> to vector<16xi32>
    tpu.vector_store %arg6[%swap3A_305], %swap3A_308 {strides = array<i32>} : memref<80xi32, #tpu.memory_space<vmem>>, vector<16xi32>,
    %get3A_309 = arith.constant 16 : index
    %get3A_310 = tpu.vector_load %arg4[%get3A_309] {strides = array<i32>} : memref<80xi32, #tpu.memory_space<vmem>>, vector<16xi32>,
    %get3A_311 = vector.shape_cast %get3A_310 : vector<16xi32> to vector<16xi32>
    %swap3A_312 = arith.constant 16 : index
    %swap3A_313 = tpu.vector_load %arg6[%swap3A_312] {strides = array<i32>} : memref<80xi32, #tpu.memory_space<vmem>>, vector<16xi32>,
    %swap3A_314 = vector.shape_cast %swap3A_313 : vector<16xi32> to vector<16xi32>
    %swap3A_315 = vector.shape_cast %get3A_311 : vector<16xi32> to vector<16xi32>
    tpu.vector_store %arg6[%swap3A_312], %swap3A_315 {strides = array<i32>} : memref<80xi32, #tpu.memory_space<vmem>>, vector<16xi32>,
    %get3A_316 = arith.constant 32 : index
    %get3A_317 = tpu.vector_load %arg4[%get3A_316] {strides = array<i32>} : memref<80xi32, #tpu.memory_space<vmem>>, vector<16xi32>,
    %get3A_318 = vector.shape_cast %get3A_317 : vector<16xi32> to vector<16xi32>
    %swap3A_319 = arith.constant 32 : index
    %swap3A_320 = tpu.vector_load %arg6[%swap3A_319] {strides = array<i32>} : memref<80xi32, #tpu.memory_space<vmem>>, vector<16xi32>,
    %swap3A_321 = vector.shape_cast %swap3A_320 : vector<16xi32> to vector<16xi32>
    %swap3A_322 = vector.shape_cast %get3A_318 : vector<16xi32> to vector<16xi32>
    tpu.vector_store %arg6[%swap3A_319], %swap3A_322 {strides = array<i32>} : memref<80xi32, #tpu.memory_space<vmem>>, vector<16xi32>,
    %get3A_323 = arith.constant 48 : index
    %get3A_324 = tpu.vector_load %arg4[%get3A_323] {strides = array<i32>} : memref<80xi32, #tpu.memory_space<vmem>>, vector<16xi32>,
    %get3A_325 = vector.shape_cast %get3A_324 : vector<16xi32> to vector<16xi32>
    %swap3A_326 = arith.constant 48 : index
    %swap3A_327 = tpu.vector_load %arg6[%swap3A_326] {strides = array<i32>} : memref<80xi32, #tpu.memory_space<vmem>>, vector<16xi32>,
    %swap3A_328 = vector.shape_cast %swap3A_327 : vector<16xi32> to vector<16xi32>
    %swap3A_329 = vector.shape_cast %get3A_325 : vector<16xi32> to vector<16xi32>
    tpu.vector_store %arg6[%swap3A_326], %swap3A_329 {strides = array<i32>} : memref<80xi32, #tpu.memory_space<vmem>>, vector<16xi32>,
    %get3A_330 = arith.constant 64 : index
    %get3A_331 = tpu.vector_load %arg4[%get3A_330] {strides = array<i32>} : memref<80xi32, #tpu.memory_space<vmem>>, vector<16xi32>,
    %get3A_332 = vector.shape_cast %get3A_331 : vector<16xi32> to vector<16xi32>
    %swap3A_333 = arith.constant 64 : index
    %swap3A_334 = tpu.vector_load %arg6[%swap3A_333] {strides = array<i32>} : memref<80xi32, #tpu.memory_space<vmem>>, vector<16xi32>,
    %swap3A_335 = vector.shape_cast %swap3A_334 : vector<16xi32> to vector<16xi32>
    %swap3A_336 = vector.shape_cast %get3A_332 : vector<16xi32> to vector<16xi32>
    tpu.vector_store %arg6[%swap3A_333], %swap3A_336 {strides = array<i32>} : memref<80xi32, #tpu.memory_space<vmem>>, vector<16xi32>,
    %dma_start3A_337 = arith.constant 0 : i32
    %dma_start3A_338 = tpu.memref_slice %arg10[%dma_start3A_337] : memref<10240xf32, #tpu.memory_space<vmem_shared>> -> memref<10240xf32, #tpu.memory_space<vmem_shared>>
    tpu.enqueue_indirect_dma source(%arg8 : memref<80xf32, #tpu.memory_space<vmem>>) target(%dma_start3A_338 : memref<10240xf32, #tpu.memory_space<vmem_shared>>) offsets(%arg6 : memref<80xi32, #tpu.memory_space<vmem>>) semaphore(%arg13 : memref<!tpu.dma_semaphore, #tpu.memory_space<semaphore_mem>>) {add = true}
    %dma_wait3A_339 = arith.constant 0 : i32
    %dma_wait3A_340 = tpu.memref_slice %arg10[%dma_wait3A_339] : memref<10240xf32, #tpu.memory_space<vmem_shared>> -> memref<10240xf32, #tpu.memory_space<vmem_shared>>
    tpu.wait_indirect_dma semaphore(%arg13 : memref<!tpu.dma_semaphore, #tpu.memory_space<semaphore_mem>>) src(%arg8 : memref<80xf32, #tpu.memory_space<vmem>>) dst(%dma_wait3A_340 : memref<10240xf32, #tpu.memory_space<vmem_shared>>)
    %dma_wait3A_341 = arith.constant 0 : i32
    %dma_wait3A_342 = tpu.memref_slice %arg10[%dma_wait3A_341] : memref<10240xf32, #tpu.memory_space<vmem_shared>> -> memref<10240xf32, #tpu.memory_space<vmem_shared>>
    tpu.wait_indirect_dma semaphore(%arg14 : memref<!tpu.dma_semaphore, #tpu.memory_space<semaphore_mem>>) src(%arg8 : memref<80xf32, #tpu.memory_space<vmem>>) dst(%dma_wait3A_342 : memref<10240xf32, #tpu.memory_space<vmem_shared>>)
    %barrier3A_343 = arith.constant 0 : index
    tpu.barrier barrier_id(%barrier3A_343)
    "tpu.region"() ({
      %run_scoped3A = tpu.sem_alloc : memref<!tpu.dma_semaphore, #tpu.memory_space<semaphore_mem>>
      %dma_start3A_344 = tpu.memref_slice %arg10[%multiple_of3A] : memref<10240xf32, #tpu.memory_space<vmem_shared>> -> memref<640xf32, #tpu.memory_space<vmem_shared>>
      %dma_start3A_345 = tpu.memref_slice %arg10[%multiple_of3A] : memref<10240xf32, #tpu.memory_space<vmem_shared>> -> memref<640xf32, #tpu.memory_space<vmem_shared>>
      tpu.enqueue_dma source(%dma_start3A_345 : memref<640xf32, #tpu.memory_space<vmem_shared>>) target(%arg9 : memref<640xf32, #tpu.memory_space<vmem>>) target_semaphore(%run_scoped3A : memref<!tpu.dma_semaphore, #tpu.memory_space<semaphore_mem>>)
      %dma_wait3A_346 = tpu.memref_slice %arg10[%multiple_of3A] : memref<10240xf32, #tpu.memory_space<vmem_shared>> -> memref<640xf32, #tpu.memory_space<vmem_shared>>
      %dma_wait3A_347 = tpu.memref_slice %arg10[%multiple_of3A] : memref<10240xf32, #tpu.memory_space<vmem_shared>> -> memref<640xf32, #tpu.memory_space<vmem_shared>>
      tpu.wait_dma2 semaphore(%run_scoped3A : memref<!tpu.dma_semaphore, #tpu.memory_space<semaphore_mem>>) src(%dma_wait3A_347 : memref<640xf32, #tpu.memory_space<vmem_shared>>) dst(%arg9 : memref<640xf32, #tpu.memory_space<vmem>>)
      tpu.yield
    }) : () -> ()
    "tpu.region"() ({
      %run_scoped3A = tpu.sem_alloc : memref<!tpu.dma_semaphore, #tpu.memory_space<semaphore_mem>>
      %dma_start3A_344 = tpu.memref_slice %arg3[%arg0, %multiple_of3A] : memref<2x10240xf32, #tpu.memory_space<hbm>> -> memref<1x640xf32, #tpu.memory_space<hbm>>
      %dma_start3A_345 = tpu.memref_squeeze %dma_start3A_344 : memref<1x640xf32, #tpu.memory_space<hbm>> -> memref<640xf32, #tpu.memory_space<hbm>>
      %dma_start3A_346 = tpu.memref_slice %arg3[%arg0, %multiple_of3A] : memref<2x10240xf32, #tpu.memory_space<hbm>> -> memref<1x640xf32, #tpu.memory_space<hbm>>
      %dma_start3A_347 = tpu.memref_squeeze %dma_start3A_346 : memref<1x640xf32, #tpu.memory_space<hbm>> -> memref<640xf32, #tpu.memory_space<hbm>>
      tpu.enqueue_dma source(%arg9 : memref<640xf32, #tpu.memory_space<vmem>>) target(%dma_start3A_347 : memref<640xf32, #tpu.memory_space<hbm>>) target_semaphore(%run_scoped3A : memref<!tpu.dma_semaphore, #tpu.memory_space<semaphore_mem>>)
      %dma_wait3A_348 = tpu.memref_slice %arg3[%arg0, %multiple_of3A] : memref<2x10240xf32, #tpu.memory_space<hbm>> -> memref<1x640xf32, #tpu.memory_space<hbm>>
      %dma_wait3A_349 = tpu.memref_squeeze %dma_wait3A_348 : memref<1x640xf32, #tpu.memory_space<hbm>> -> memref<640xf32, #tpu.memory_space<hbm>>
      %dma_wait3A_350 = tpu.memref_slice %arg3[%arg0, %multiple_of3A] : memref<2x10240xf32, #tpu.memory_space<hbm>> -> memref<1x640xf32, #tpu.memory_space<hbm>>
      %dma_wait3A_351 = tpu.memref_squeeze %dma_wait3A_350 : memref<1x640xf32, #tpu.memory_space<hbm>> -> memref<640xf32, #tpu.memory_space<hbm>>
      tpu.wait_dma2 semaphore(%run_scoped3A : memref<!tpu.dma_semaphore, #tpu.memory_space<semaphore_mem>>) src(%arg9 : memref<640xf32, #tpu.memory_space<vmem>>) dst(%dma_wait3A_351 : memref<640xf32, #tpu.memory_space<hbm>>)
      tpu.yield
    }) : () -> ()
    return
  }
}

module attributes {stable_mosaic.version = 14 : i64} {
  func.func @_tc_scale_body(%arg0: i32, %arg1: memref<1000x128xf32, #tpu.memory_space<vmem>>, %arg2: memref<128x128xf32, #tpu.memory_space<vmem>>, %arg3: memref<1x1000x1xf32, #tpu.memory_space<vmem>>, %arg4: memref<1x1000x1xf32, #tpu.memory_space<vmem>>, %arg5: memref<2x1000x64xf32, #tpu.memory_space<vmem>>, %arg6: memref<1000x1xf32, #tpu.memory_space<vmem>>) attributes {dimension_semantics = [#tpu.dimension_semantics<arbitrary>], iteration_bounds = array<i64: 10>, scalar_prefetch = 0 : i64, scratch_operands = 0 : i64, tpu.core_type = #tpu.core_type<tc>, window_params = [{transform_indices = @transform_0, window_bounds = array<i64: 1000, 128>}, {pipeline_mode = #tpu.pipeline_mode<synchronous>, transform_indices = @transform_1, window_bounds = array<i64: 128, 128>}, {transform_indices = @transform_2, window_bounds = array<i64: 1, 1000, 1>}, {transform_indices = @transform_3, window_bounds = array<i64: 1, 1000, 1>}, {transform_indices = @transform_4, window_bounds = array<i64: 2, 1000, 64>}, {transform_indices = @transform_5, window_bounds = array<i64: 1000, 1>}]} {
    %get3A = arith.constant 0 : index
    %get3A_0 = arith.constant 0 : index
    %get3A_1 = vector.load %arg1[%get3A, %get3A_0] : memref<1000x128xf32, #tpu.memory_space<vmem>>, vector<1000x128xf32>
    %get3A_2 = arith.constant 0 : index
    %get3A_3 = arith.constant 0 : index
    %get3A_4 = vector.load %arg2[%get3A_2, %get3A_3] : memref<128x128xf32, #tpu.memory_space<vmem>>, vector<128x128xf32>
    %dot_general3A = arith.constant dense<0.000000e+00> : vector<1000x128xf32>
    %dot_general3A_5 = tpu.matmul %get3A_1, %get3A_4, %dot_general3A {dimension_numbers = #tpu.dot_dimension_numbers<[1], [0], [0], [1], [0, 0, 1, 1], [], []>, transpose_lhs_hint = false} : vector<1000x128xf32>, vector<128x128xf32>, vector<1000x128xf32> -> vector<1000x128xf32>
    %get3A_6 = arith.constant 0 : index
    %get3A_7 = arith.constant 0 : index
    %get3A_8 = arith.constant 0 : index
    %get3A_9 = vector.load %arg3[%get3A_6, %get3A_7, %get3A_8] : memref<1x1000x1xf32, #tpu.memory_space<vmem>>, vector<1x1000x1xf32>
    %get3A_10 = vector.shape_cast %get3A_9 : vector<1x1000x1xf32> to vector<1000x1xf32>
    %get3A_11 = arith.constant 0 : index
    %get3A_12 = arith.constant 0 : index
    %get3A_13 = arith.constant 0 : index
    %get3A_14 = vector.load %arg4[%get3A_11, %get3A_12, %get3A_13] : memref<1x1000x1xf32, #tpu.memory_space<vmem>>, vector<1x1000x1xf32>
    %get3A_15 = vector.shape_cast %get3A_14 : vector<1x1000x1xf32> to vector<1000x1xf32>
    %add3A = arith.addf %get3A_10, %get3A_15 : vector<1000x1xf32>
    %add3A_16 = arith.constant 1.000000e+00 : f32
    %add3A_17 = vector.broadcast %add3A_16 : f32 to vector<1000x1xf32>
    %add3A_18 = arith.addf %add3A, %add3A_17 : vector<1000x1xf32>
    %rsqrt3A = math.rsqrt %add3A_18 : vector<1000x1xf32>
    %mul3A = vector.broadcast %rsqrt3A : vector<1000x1xf32> to vector<1000x128xf32>
    %mul3A_19 = arith.mulf %dot_general3A_5, %mul3A : vector<1000x128xf32>
    %slice3A = vector.extract_strided_slice %mul3A_19 {offsets = [0, 0], sizes = [1000, 64], strides = [1, 1]} : vector<1000x128xf32> to vector<1000x64xf32>
    %swap3A = arith.constant 0 : index
    %swap3A_20 = arith.constant 0 : index
    %swap3A_21 = arith.constant 0 : index
    %swap3A_22 = vector.load %arg5[%swap3A, %swap3A_20, %swap3A_21] : memref<2x1000x64xf32, #tpu.memory_space<vmem>>, vector<1x1000x64xf32>
    %swap3A_23 = vector.shape_cast %swap3A_22 : vector<1x1000x64xf32> to vector<1000x64xf32>
    %swap3A_24 = vector.shape_cast %slice3A : vector<1000x64xf32> to vector<1x1000x64xf32>
    tpu.vector_store %arg5[%swap3A, %swap3A_20, %swap3A_21], %swap3A_24 {strides = array<i32>} : memref<2x1000x64xf32, #tpu.memory_space<vmem>>, vector<1x1000x64xf32>,
    %slice3A_25 = vector.extract_strided_slice %mul3A_19 {offsets = [0, 64], sizes = [1000, 64], strides = [1, 1]} : vector<1000x128xf32> to vector<1000x64xf32>
    %swap3A_26 = arith.constant 1 : index
    %swap3A_27 = arith.constant 0 : index
    %swap3A_28 = arith.constant 0 : index
    %swap3A_29 = vector.load %arg5[%swap3A_26, %swap3A_27, %swap3A_28] : memref<2x1000x64xf32, #tpu.memory_space<vmem>>, vector<1x1000x64xf32>
    %swap3A_30 = vector.shape_cast %swap3A_29 : vector<1x1000x64xf32> to vector<1000x64xf32>
    %swap3A_31 = vector.shape_cast %slice3A_25 : vector<1000x64xf32> to vector<1x1000x64xf32>
    tpu.vector_store %arg5[%swap3A_26, %swap3A_27, %swap3A_28], %swap3A_31 {strides = array<i32>} : memref<2x1000x64xf32, #tpu.memory_space<vmem>>, vector<1x1000x64xf32>,
    %swap3A_32 = arith.constant 0 : index
    %swap3A_33 = arith.constant 0 : index
    %swap3A_34 = vector.load %arg6[%swap3A_32, %swap3A_33] : memref<1000x1xf32, #tpu.memory_space<vmem>>, vector<1000x1xf32>
    tpu.vector_store %arg6[%swap3A_32, %swap3A_33], %rsqrt3A {strides = array<i32>} : memref<1000x1xf32, #tpu.memory_space<vmem>>, vector<1000x1xf32>,
    return
  }
  func.func @transform_0(%arg0: i32) -> (i32, i32) {
    %c0_i32 = arith.constant 0 : i32
    %c0_i32_0 = arith.constant 0 : i32
    return %arg0, %c0_i32 : i32, i32
  }
  func.func @transform_1(%arg0: i32) -> (i32, i32) {
    %c0_i32 = arith.constant 0 : i32
    %c0_i32_0 = arith.constant 0 : i32
    %c0_i32_1 = arith.constant 0 : i32
    return %c0_i32, %c0_i32_0 : i32, i32
  }
  func.func @transform_2(%arg0: i32) -> (i32, i32, i32) {
    %c0_i32 = arith.constant 0 : i32
    %c0_i32_0 = arith.constant 0 : i32
    %c0_i32_1 = arith.constant 0 : i32
    return %c0_i32, %arg0, %c0_i32_0 : i32, i32, i32
  }
  func.func @transform_3(%arg0: i32) -> (i32, i32, i32) {
    %c1_i32 = arith.constant 1 : i32
    %c0_i32 = arith.constant 0 : i32
    %c0_i32_0 = arith.constant 0 : i32
    return %c1_i32, %arg0, %c0_i32 : i32, i32, i32
  }
  func.func @transform_4(%arg0: i32) -> (i32, i32, i32) {
    %c0_i32 = arith.constant 0 : i32
    %c0_i32_0 = arith.constant 0 : i32
    %c0_i32_1 = arith.constant 0 : i32
    return %c0_i32, %arg0, %c0_i32_0 : i32, i32, i32
  }
  func.func @transform_5(%arg0: i32) -> (i32, i32) {
    %c0_i32 = arith.constant 0 : i32
    %c0_i32_0 = arith.constant 0 : i32
    return %arg0, %c0_i32 : i32, i32
  }
}

module attributes {stable_mosaic.version = 14 : i64} {
  func.func @_tc_final_body(%arg0: memref<2x16x64xf32, #tpu.memory_space<vmem>>, %arg1: memref<128x64xf32, #tpu.memory_space<vmem>>, %arg2: memref<1x64xf32, #tpu.memory_space<vmem>>, %arg3: memref<128x64xf32, #tpu.memory_space<vmem>>, %arg4: memref<1x64xf32, #tpu.memory_space<vmem>>, %arg5: memref<1x64xf32, #tpu.memory_space<vmem>>, %arg6: memref<1x64xf32, #tpu.memory_space<vmem>>) attributes {dimension_semantics = [], scalar_prefetch = 0 : i64, scratch_operands = 0 : i64, tpu.core_type = #tpu.core_type<tc>} {
    %get3A = arith.constant 0 : index
    %get3A_0 = arith.constant 0 : index
    %get3A_1 = arith.constant 0 : index
    %get3A_2 = vector.load %arg0[%get3A, %get3A_0, %get3A_1] : memref<2x16x64xf32, #tpu.memory_space<vmem>>, vector<1x16x64xf32>
    %get3A_3 = vector.shape_cast %get3A_2 : vector<1x16x64xf32> to vector<16x64xf32>
    %reduce_sum3A = arith.constant dense<0.000000e+00> : vector<64xf32>
    %reduce_sum3A_4 = vector.multi_reduction <add>, %get3A_3, %reduce_sum3A [0] : vector<16x64xf32> to vector<64xf32>
    %broadcast_in_dim3A = vector.shape_cast %reduce_sum3A_4 : vector<64xf32> to vector<1x64xf32>
    %get3A_5 = arith.constant 1 : index
    %get3A_6 = arith.constant 0 : index
    %get3A_7 = arith.constant 0 : index
    %get3A_8 = vector.load %arg0[%get3A_5, %get3A_6, %get3A_7] : memref<2x16x64xf32, #tpu.memory_space<vmem>>, vector<1x16x64xf32>
    %get3A_9 = vector.shape_cast %get3A_8 : vector<1x16x64xf32> to vector<16x64xf32>
    %reduce_sum3A_10 = arith.constant dense<0.000000e+00> : vector<64xf32>
    %reduce_sum3A_11 = vector.multi_reduction <add>, %get3A_9, %reduce_sum3A_10 [0] : vector<16x64xf32> to vector<64xf32>
    %broadcast_in_dim3A_12 = vector.shape_cast %reduce_sum3A_11 : vector<64xf32> to vector<1x64xf32>
    %concatenate3A = tpu.concatenate %broadcast_in_dim3A, %broadcast_in_dim3A_12 in 1 : vector<1x64xf32>, vector<1x64xf32> -> vector<1x128xf32>
    %get3A_13 = arith.constant 0 : index
    %get3A_14 = arith.constant 0 : index
    %get3A_15 = vector.load %arg1[%get3A_13, %get3A_14] : memref<128x64xf32, #tpu.memory_space<vmem>>, vector<128x64xf32>
    %dot_general3A = arith.constant dense<0.000000e+00> : vector<1x64xf32>
    %dot_general3A_16 = tpu.matmul %concatenate3A, %get3A_15, %dot_general3A {dimension_numbers = #tpu.dot_dimension_numbers<[1], [0], [0], [1], [0, 0, 1, 1], [], []>, transpose_lhs_hint = false} : vector<1x128xf32>, vector<128x64xf32>, vector<1x64xf32> -> vector<1x64xf32>
    %get3A_17 = arith.constant 0 : index
    %get3A_18 = arith.constant 0 : index
    %get3A_19 = vector.load %arg2[%get3A_17, %get3A_18] : memref<1x64xf32, #tpu.memory_space<vmem>>, vector<1x64xf32>
    %mul3A = arith.constant 1.000000e+04 : f32
    %mul3A_20 = vector.broadcast %mul3A : f32 to vector<1x64xf32>
    %mul3A_21 = arith.mulf %mul3A_20, %get3A_19 : vector<1x64xf32>
    %add3A = arith.addf %dot_general3A_16, %mul3A_21 : vector<1x64xf32>
    %swap3A = arith.constant 0 : index
    %swap3A_22 = arith.constant 0 : index
    %swap3A_23 = vector.load %arg5[%swap3A, %swap3A_22] : memref<1x64xf32, #tpu.memory_space<vmem>>, vector<1x64xf32>
    tpu.vector_store %arg5[%swap3A, %swap3A_22], %add3A {strides = array<i32>} : memref<1x64xf32, #tpu.memory_space<vmem>>, vector<1x64xf32>,
    %get3A_24 = arith.constant 0 : index
    %get3A_25 = arith.constant 0 : index
    %get3A_26 = vector.load %arg3[%get3A_24, %get3A_25] : memref<128x64xf32, #tpu.memory_space<vmem>>, vector<128x64xf32>
    %dot_general3A_27 = arith.constant dense<0.000000e+00> : vector<1x64xf32>
    %dot_general3A_28 = tpu.matmul %concatenate3A, %get3A_26, %dot_general3A_27 {dimension_numbers = #tpu.dot_dimension_numbers<[1], [0], [0], [1], [0, 0, 1, 1], [], []>, transpose_lhs_hint = false} : vector<1x128xf32>, vector<128x64xf32>, vector<1x64xf32> -> vector<1x64xf32>
    %get3A_29 = arith.constant 0 : index
    %get3A_30 = arith.constant 0 : index
    %get3A_31 = vector.load %arg4[%get3A_29, %get3A_30] : memref<1x64xf32, #tpu.memory_space<vmem>>, vector<1x64xf32>
    %mul3A_32 = arith.constant 1.000000e+04 : f32
    %mul3A_33 = vector.broadcast %mul3A_32 : f32 to vector<1x64xf32>
    %mul3A_34 = arith.mulf %mul3A_33, %get3A_31 : vector<1x64xf32>
    %add3A_35 = arith.addf %dot_general3A_28, %mul3A_34 : vector<1x64xf32>
    %swap3A_36 = arith.constant 0 : index
    %swap3A_37 = arith.constant 0 : index
    %swap3A_38 = vector.load %arg6[%swap3A_36, %swap3A_37] : memref<1x64xf32, #tpu.memory_space<vmem>>, vector<1x64xf32>
    tpu.vector_store %arg6[%swap3A_36, %swap3A_37], %add3A_35 {strides = array<i32>} : memref<1x64xf32, #tpu.memory_space<vmem>>, vector<1x64xf32>,
    return
  }
}

</mosaic_0001>

<sc_bundles>
// kernel: kernel.10.cloned.1.call-start
scs
__scs_entry_jumppad:
0x0: {  	(pc) =	sbr.rel $0x88, $3  }
0x1: {  	(tag) =	ssettag $0x0;
	lr =	simm.s32 $0x1  }
0x2: {  	[smem:$0x3F99] =	sst lr;
	_ =	strace $0xD0000000  }
0x3: {  	_ = 	snop  }
0x4: {  	_ = 	snop  }
0x5: {  	_ = 	snop  }
0x6: {  	_ = 	snop  }
0x7: {  	_ = 	snop  }
__scs_overlays_trampoline_lowered:
0x8: {  	[smem:$0x3FA8] =	sst s0  }
0x9: {  	[smem:$0x3FA9] =	sst s1  }
0xa: {  	[smem:$0x3FAA] =	sst s2  }
0xb: {  	[smem:$0x3FAB] =	sst s3  }
0xc: {  	[smem:$0x3FAC] =	sst s4  }
0xd: {  	[smem:$0x3FAD] =	sst s5  }
0xe: {  	[smem:$0x3FAE] =	sst s6  }
0xf: {  	[smem:$0x3FAF] =	sst s7  }
0x10: {  	[smem:$0x3FB0] =	sst s8  }
0x11: {  	[smem:$0x3FB1] =	sst s9;
	s0 =	simm.s32 @!p0 $0x0  }
0x12: {  	s1 =	sld [smem:$0x3F97];
	s0 =	simm.s32 @p0 $0x1  }
0x13: {  	[smem:$0x3FB2] =	sst s0;
	s0 =	simm.s32 @!p1 $0x0  }
0x14: {  	s2 =	sld [smem:$0x3F96];
	s0 =	simm.s32 @p1 $0x1  }
0x15: {  	[smem:$0x3FB3] =	sst s0;
	s0 =	simm.s32 @!p2 $0x0  }
0x16: {  	s3 =	sld [smem:$0x3FDB];
	s0 =	simm.s32 @p2 $0x1  }
0x17: {  	s4 =	simm.s32 $0x1BF5;
	[smem:$0x3FB5] =	sst s0  }
0x18: {  	s0 =	sld [smem:$0x3F98];
	_ =	swait.ge [sflag:s4], $0x0  }
0x19: {  	s7 =	sld [smem:$0x3F99]  }
0x1a: {  	s8 =	sadd.s32 $0xFFFFE003, lr  }
0x1b: {  	s9 =	sadd.s32 $0xFFFFFEF7, lr;
	s5 =	simm.s32 $0xFFFFFFFF;
	p2 =	slt.u32 s8, $0xFFFFF086  }
0x1c: {  	p1 =	slt.u32 s9, $0xF7A;
	s5 =	simm.s32 @!p2 $0x0  }
0x1d: {  	s5 =	simm.s32 @p1 $0x1;
	p0 =	seq.s32 s7, s2  }
0x1e: {  	s7 =	smul.u32 @!p0 $0xF7A, s2;
	p2 =	seq.s32 @!p0 s5, $0x0  }
0x1f: {  	s9 =	smul.u32 $0xF7A, s1;
	s8 =	simm.s32 @!p0 $0x1BF5;
	p2 =	por !p2, p0  }
0x20: {  	[sflag:s8] =	ssyncset.s32 @!p0 $0xFFFFF086;
	s6 =	sadd.s32 @!p0 s3, s7;
	s7 =	simm.s32 @!p0 $0x108  }
0x21: {  	s3 =	sadd.s32 s3, s9;
	s6 =	sadd.s32 @!p0 $0x88, s6;
	s7 =	simm.s32 @p2 $0x1082  }
0x22: {  	[simem:s7], [sflag:s8] =	dma.local @!p0 [hbm:s6], $0xF7A  }
0x23: {  	s9 =	sor.u32 $0xD0000000, s2;
	s6 =	simm.s32 $0x108;
	_ =	swait.ge @!p0 [sflag:s8], $0x0  }
0x24: {  	s3 =	sadd.s32 $0x88, s3;
	s6 =	simm.s32 @!p1 $0x1082;
	[sflag:s4] =	ssyncset.s32 $0xFFFFF086  }
0x25: {  	[simem:s6], [sflag:s4] =	dma.local [hbm:s3], $0xF7A  }
0x26: {  	[smem:$0x3F99] =	sst s1;
	(tag) =	ssettag s2;
	_ =	strace s9  }
0x27: {  	s1 =	sld [smem:$0x3FA9]  }
0x28: {  	s2 =	sld [smem:$0x3FAA]  }
0x29: {  	s4 =	sld [smem:$0x3FAC]  }
0x2a: {  	p0 =	seq.s32 s5, $0x0;
	s5 =	sld [smem:$0x3FAD]  }
0x2b: {  	s6 =	sld [smem:$0x3FAE]  }
0x2c: {  	s7 =	sld [smem:$0x3FAF]  }
0x2d: {  	s3 =	simm.s32 $0x108;
	s8 =	sld [smem:$0x3FB0]  }
0x2e: {  	s3 =	simm.s32 @!p0 $0x1082;
	s9 =	sld [smem:$0x3FB1]  }
0x2f: {  	lr =	sadd.s32 s0, s3;
	s0 =	sld [smem:$0x3FA8]  }
0x30: {  	s3 =	sld [smem:$0x3FAB]  }
0x31: {  	[smem:$0x3FB4] =	sst s10  }
0x32: {  	s10 =	sld [smem:$0x3FB2];
	_ =	sdelay $0x3  }
0x33: {  	p0 =	seq.s32 s10, $0x1;
	s10 =	sld [smem:$0x3FB4];
	_ =	sdelay $0x3  }
0x34: {  	[smem:$0x3FB4] =	sst s10  }
0x35: {  	s10 =	sld [smem:$0x3FB3];
	_ =	sdelay $0x3  }
0x36: {  	p1 =	seq.s32 s10, $0x1;
	s10 =	sld [smem:$0x3FB4];
	_ =	sdelay $0x3  }
0x37: {  	[smem:$0x3FB4] =	sst s10  }
0x38: {  	s10 =	sld [smem:$0x3FB5]  }
0x39: {  	_ = 	snop;
	(pc) =	sbr.ind lr, $3  }
0x3a: {  	_ = 	snop  }
0x3b: {  	_ = 	snop  }
0x3c: {  	p2 =	seq.s32 s10, $0x1;
	s10 =	sld [smem:$0x3FB4]  }
0x3d: {  	_ =	shalt  }
0x3e: {  	_ =	shalt  }
0x3f: {  	_ =	shalt  }
0x40: {  	_ =	shalt  }
0x41: {  	_ =	shalt  }
0x42: {  	_ =	shalt  }
0x43: {  	_ =	shalt  }
0x44: {  	_ =	shalt  }
0x45: {  	_ =	shalt  }
0x46: {  	_ =	shalt  }
0x47: {  	_ =	shalt  }
0x48: {  	_ =	shalt  }
0x49: {  	_ =	shalt  }
0x4a: {  	_ =	shalt  }
0x4b: {  	_ =	shalt  }
0x4c: {  	_ =	shalt  }
0x4d: {  	_ =	shalt  }
0x4e: {  	_ =	shalt  }
0x4f: {  	_ =	shalt  }
0x50: {  	_ =	shalt  }
0x51: {  	_ =	shalt  }
0x52: {  	_ =	shalt  }
0x53: {  	_ =	shalt  }
0x54: {  	_ =	shalt  }
0x55: {  	_ =	shalt  }
0x56: {  	_ =	shalt  }
0x57: {  	_ =	shalt  }
0x58: {  	_ =	shalt  }
0x59: {  	_ =	shalt  }
0x5a: {  	_ =	shalt  }
0x5b: {  	_ =	shalt  }
0x5c: {  	_ =	shalt  }
0x5d: {  	_ =	shalt  }
0x5e: {  	_ =	shalt  }
0x5f: {  	_ =	shalt  }
0x60: {  	_ =	shalt  }
0x61: {  	_ =	shalt  }
0x62: {  	_ =	shalt  }
0x63: {  	_ =	shalt  }
0x64: {  	_ =	shalt  }
0x65: {  	_ =	shalt  }
0x66: {  	_ =	shalt  }
0x67: {  	_ =	shalt  }
0x68: {  	_ =	shalt  }
0x69: {  	_ =	shalt  }
0x6a: {  	_ =	shalt  }
0x6b: {  	_ =	shalt  }
0x6c: {  	_ =	shalt  }
0x6d: {  	_ =	shalt  }
0x6e: {  	_ =	shalt  }
0x6f: {  	_ =	shalt  }
0x70: {  	_ =	shalt  }
0x71: {  	_ =	shalt  }
0x72: {  	_ =	shalt  }
0x73: {  	_ =	shalt  }
0x74: {  	_ =	shalt  }
0x75: {  	_ =	shalt  }
0x76: {  	_ =	shalt  }
0x77: {  	_ =	shalt  }
0x78: {  	_ =	shalt  }
0x79: {  	_ =	shalt  }
0x7a: {  	_ =	shalt  }
0x7b: {  	_ =	shalt  }
0x7c: {  	_ =	shalt  }
0x7d: {  	_ =	shalt  }
0x7e: {  	_ =	shalt  }
0x7f: {  	_ =	shalt  }
0x80: {  	_ =	shalt  }
0x81: {  	_ =	shalt  }
0x82: {  	_ =	shalt  }
0x83: {  	_ =	shalt  }
0x84: {  	_ =	shalt  }
0x85: {  	_ =	shalt  }
0x86: {  	_ =	shalt  }
0x87: {  	_ =	shalt  }
.Lfunc_end0:
.L_simem_size_0:
called_computation.1_lowered:
.L_overlay_start_0:
0x88: {  	s2 =	sld [smem:$0x3FD9]  }
0x89: {  	s3 =	sld [smem:$0x3FFE];
	_ =	sdelay $0x1  }
0x8a: {  	s1 =	srdreg.scid  }
0x8b: {  	s0 =	sand.u32 $0x1, s1  }
0x8c: {  	s16 =	sshll.u32 s0, $0xA;
	s2 =	sadd.s32 s3, s2  }
0x8d: {  	s2 =	sadd.s32 s2, s16  }
0x8e: {  	[smem:$0x3FC0] =	sst s2  }
0x8f: {  	_ = 	snop  }
0x90: {  	(tm) =	ssettm $0x1  }
0x91: {  	s17 =	sld [smem:$0x3FFB];
	_ =	sdelay $0x3  }
0x92: {  	_ =	strace s17  }
0x93: {  	s2 =	sld [smem:$0x3FFC];
	_ =	sdelay $0x3  }
0x94: {  	_ =	strace s2  }
0x95: {  	s2 =	sld [smem:$0x3FFD];
	_ =	sdelay $0x3  }
0x96: {  	_ =	strace s2  }
0x97: {  	_ =	strace $0x8FFFFFFF  }
0x98: {  	s18 =	sld [smem:$0x3FDB];
	_ =	sdelay $0x1  }
0x99: {  	s19 =	simm.s32 $_scs_section_size  }
0x9a: {  	s4 =	simm.s32 $_size__tile_overlayer_lowered;
	s5 =	simm.s32 $_tile_overlayer_lowered  }
0x9b: {  	s22 =	simm.s32 $0x1BFF;
	s21 =	sshll.u32 s5, $0x1;
	s2 =	sadd.s32 s19, s18  }
0x9c: {  	s6 =	simm.s32 $0x0;
	s20 =	sshll.u32 s4, $0x1;
	s4 =	sadd.s32 s21, s2  }
0x9d: {  	[timem:s6], [sflag:s22] =	dma.local [hbm:s4], s20  }
0x9e: {  	_ =	swait.ge [sflag:s22], s20  }
0x9f: {  	s3 =	ssub.s32 $0x0, s20;
	[sflag:s22] =	ssyncset.done $0x0  }
0xa0: {  	[sflag:s22] =	ssyncadd.s32 s3;
	_ =	sdelay $0x1  }
0xa1: {  	s23 =	simm.s32 $0x1B8B  }
0xa2: {  	_ =	swait.ge [sflag:s23], $0x1  }
0xa3: {  	[sflag:s23] =	ssyncset.done $0x0  }
0xa4: {  	s25 =	simm.s32 $0x1B8E;
	s24 =	sld [smem:$0x3FFE];
	[sflag:s23] =	ssyncadd.s32 $0xFFFFFFFF  }
0xa5: {  	s26 =	simm.s32 $execute0_lowered;
	[smem:$0x3FD2] =	sst s25  }
0xa6: {  	s4 =	sshll.u32 s26, $0x1;
	_ =	strace $0x80000049;
	[dreg:$0x1] =	wrdreg $0xFFFFFFFF  }
0xa7: {  	s28 =	simm.s32 $_size_execute0_lowered;
	s2 =	sadd.s32 s2, s4;
	[dreg:$0x0] =	wrdreg $0x0  }
0xa8: {  	s4 =	sshll.u32 s28, $0x1;
	[dreg:$0x2] =	wrdreg s2  }
0xa9: {  	[dreg:$0x3] =	wrdreg s4  }
0xaa: {  	[dreg:$0x4] =	wrdreg $0xC0  }
0xab: {  	_ =	task [dreg:s6], $0x5FFFF  }
0xac: {  	[dreg:$0x1] =	wrdreg $0xFFFFFFFF  }
0xad: {  	[dreg:$0x0] =	wrdreg $0x60  }
0xae: {  	[dreg:$0x2] =	wrdreg s24  }
0xaf: {  	[dreg:$0x3] =	wrdreg $0xCE400  }
0xb0: {  	[dreg:$0x4] =	wrdreg $0x16E400  }
0xb1: {  	[dreg:$0x5] =	wrdreg $0x9  }
0xb2: {  	_ =	task.clear_ibuf [dreg:s6], $0x6FFFF;
	_ =	strace $0x90000049  }
0xb3: {  	s29 =	simm.s32 $0x9;
	_ =	strace $0x8000004B  }
0xb4: {  	_ =	swait.ge [sflag:s29], $0x1  }
0xb5: {  	[sflag:s29] =	ssyncadd.s32 $0xFFFFFFFF  }
0xb6: {  	_ =	strace $0x9000004B  }
0xb7: {  	_ =	sfence  }
0xb8: {  	s30 =	sld [smem:$0x0];
	_ =	sdelay $0x2  }
0xb9: {  	s31 =	sshll.u32 s1, $0xD;
	s1 =	sshrl.u32 s1, $0x2  }
0xba: {  	s3 =	sand.u32 $0x4000, s31;
	s1 =	sadd.s32 s1, s30  }
0xbb: {  	s0 =	sor.u32 s3, s0;
	s1 =	sshll.u32 s1, $0x11  }
0xbc: {  	s0 =	sor.u32 s1, s0  }
0xbd: {  	s0 =	sadd.s32 $0x8F2B, s0  }
0xbe: {  	[sflag:s0] =	ssyncadd.remote.s32 $0x1  }
0xbf: {  	_ =	sfence.sel $0xFFFF  }
0xc0: {  	[dreg:$0x0] =	wrdreg $0xFFFFFFFF;
	(pc) =	sbr.abs _section_cstart, $3  }
0xc1: {  	[dreg:$0x1] =	wrdreg $0xFFFFFFFF  }
0xc2: {  	_ =	task.clear_ibuf [dreg:s6], $0x2FFFF;
	_ =	strace $0x9FFFFFFF  }
0xc3: {  	(tm) =	ssettm $0x7FFFFFFF  }
tec
execute0_lowered:
.L_overlay_start_1:
0x0: {  	(tag) =	ssettag $0x1  }
0x1: {  	s0 =	rddreg [dreg:$0x0]  }
0x2: {  	s2 =	rddreg [dreg:$0x1]  }
0x3: {  	s3 =	rddreg [dreg:$0x2]  }
0x4: {  	s1 =	srdreg.scid;
	s14 =	stileid.u32;
	s5 =	simm.s32 $0x0  }
0x5: {  	s23 =	simm.s32 $0x140;
	s24 =	simm.s32 $0x190;
	s25 =	simm.s32 $0x280  }
0x6: {  	s26 =	simm.s32 $0x2D0;
	s28 =	simm.s32 $0x2;
	s29 =	simm.s32 $0x4  }
0x7: {  	s30 =	simm.s32 $0x1720;
	s31 =	simm.s32 $0x230;
	s4 =	smul.u32 $0xA000, s14  }
0x8: {  	s1 =	sand.u32 $0x1, s1;
	[smem:$0x7FF] =	sst s5;
	s8 =	smul.u32 $0x280, s14  }
0x9: {  	s10 =	sadd.s32 $0x2000, s0;
	s5 =	sadd.s32 $0x15A00, s0;
	s11 =	smul.u32 $0x4E20, s14  }
0xa: {  	s17 =	smul.u32 $0x9C4, s14;
	_ =	strace $0x8000004A;
	[dreg:$0x5] =	wrdreg s23  }
0xb: {  	s6 =	sadd.s32 $0x3DA00, s0;
	s7 =	smul.u32 $0xA0000, s1;
	[dreg:$0x6] =	wrdreg s24  }
0xc: {  	s14 =	simm.s32 $0x0;
	s12 =	smul.u32 $0x2800, s1;
	[dreg:$0x7] =	wrdreg s25  }
0xd: {  	s1 =	ssub.s32 $0x2, s1;
	s23 =	simm.s32 $0x3;
	[dreg:$0x8] =	wrdreg s26  }
0xe: {  	s24 =	simm.s32 $0x320;
	s25 =	simm.s32 $0x1E0;
	s26 =	simm.s32 $0x2B20  }
0xf: {  	s15 =	sshrl.u32 s1, $0x1;
	s16 =	sshrl.u32 s11, $0x3;
	s7 =	sadd.s32 s4, s7  }
0x10: {  	s9 =	sadd.s32 s8, s12;
	s1 =	ssub.s32 s1, s15;
	s11 =	sadd.s32 s10, s16  }
0x11: {  	v0 =	vmov s12;
	s12 =	simm.s32 $0xA;
	s7 =	sshrl.u32 s7, $0x3;
	s9 =	sshrl.u32 s9, $0x3  }
0x12: {  	s18 =	sadd.s32 $0x9C40, s11;
	s19 =	sadd.s32 $0xA, s11;
	[dreg:$0x9] =	wrdreg s11  }
0x13: {  	s20 =	sadd.s32 $0x9C4A, s11;
	s22 =	smax.u32 s1, $0x1;
	s11 =	simm.s32 $0x2BC0  }
0x14: {  	s1 =	simm.s32 $0x5;
	s13 =	sadd.s32 s7, s0;
	[dreg:$0xa] =	wrdreg s18  }
0x15: {  	s0 =	sadd.s32 s9, s0;
	s7 =	sadd.s32 s4, s2;
	[dreg:$0xb] =	wrdreg s19  }
0x16: {  	s9 =	sadd.s32 s8, s3;
	[dreg:$0xc] =	wrdreg s20;
	s4 =	sadd.s32 s17, s10  }
0x17: {  	[dreg:$0xf] =	wrdreg s22;
	s17 =	simm.s32 $0xD;
	s18 =	simm.s32 $0xCBC0  }
0x18: {  	s20 =	simm.s32 $0x50;
	s22 =	simm.s32 $0x1;
	s19 =	simm.s32 $0x7  }
0x19: {  	s21 =	sadd.s32 $0x3E000, s13;
	s0 =	sadd.s32 $0x66000, s0;
	[dreg:$0x4] =	wrdreg s4  }
0x1a: {  	s4 =	simm.s32 $0x8;
	s13 =	simm.s32 $0xC;
	[dreg:$0xd] =	wrdreg s21  }
0x1b: {  	v1 =	vimm.f32 $0.0e+00;
	[dreg:$0xe] =	wrdreg s0;
	s0 =	simm.s32 $0x2B70;
	s21 =	simm.s32 $0x6  }
.LBB2_1:
0x1c: {  	s15 =	simm.s32 $0x100;
	s8 =	simm.s32 $0x0  }
.LBB2_2:
0x1d: {  	p0 =	sne.s32 s15, $0x27F00;
	[tilespmem:s8+$0x2BF0] =	vst v1;
	s16 =	smov.u32 s15;
	s15 =	sadd.s32 $0x100, s15  }
.Ltmp0:
0x1e: {  	[tilespmem:s8+$0x2BE0] =	vst v1;
	(pc) =	sbr.rel @p0 .LBB2_2-.Ltmp0, $3  }
0x1f: {  	[tilespmem:s8+$0x2BC0] =	vst v1  }
0x20: {  	[tilespmem:s8+$0x2BD0] =	vst v1;
	_ =	sdelay $0x1  }
0x21: {  	s8 =	sshra.s32 s16, $0x2  }
0x22: {  	[tilespmem:s8+$0x2BF0] =	vst v1  }
0x23: {  	[tilespmem:s8+$0x2BE0] =	vst v1  }
0x24: {  	[tilespmem:s8+$0x2BC0] =	vst v1  }
0x25: {  	[tilespmem:s8+$0x2BD0] =	vst v1  }
0x26: {  	[tilespmem:$0xCBC0] =	vst v1  }
0x27: {  	[tilespmem:$0xCBD0] =	vst v1  }
0x28: {  	[tilespmem:$0xCBE0] =	vst v1  }
0x29: {  	[tilespmem:$0xCBF0] =	vst v1  }
0x2a: {  	[tilespmem:$0xCC00] =	vst v1  }
0x2b: {  	[tilespmem:$0xCC10] =	vst v1  }
0x2c: {  	[tilespmem:$0xCC20] =	vst v1  }
0x2d: {  	[tilespmem:$0xCC30] =	vst v1  }
0x2e: {  	[tilespmem:$0xCC40] =	vst v1  }
0x2f: {  	[tilespmem:$0xCC50] =	vst v1  }
0x30: {  	[tilespmem:$0xCC60] =	vst v1  }
0x31: {  	[tilespmem:$0xCC70] =	vst v1  }
0x32: {  	[tilespmem:$0xCC80] =	vst v1  }
0x33: {  	[tilespmem:$0xCC90] =	vst v1  }
0x34: {  	[tilespmem:$0xCCA0] =	vst v1  }
0x35: {  	[tilespmem:$0xCCB0] =	vst v1  }
0x36: {  	[tilespmem:$0xCCC0] =	vst v1  }
0x37: {  	[tilespmem:$0xCCD0] =	vst v1  }
0x38: {  	[tilespmem:$0xCCE0] =	vst v1  }
0x39: {  	[tilespmem:$0xCCF0] =	vst v1  }
0x3a: {  	[tilespmem:$0xCD00] =	vst v1  }
0x3b: {  	[tilespmem:$0xCD10] =	vst v1  }
0x3c: {  	[tilespmem:$0xCD20] =	vst v1  }
0x3d: {  	[tilespmem:$0xCD30] =	vst v1  }
0x3e: {  	[tilespmem:$0xCD40] =	vst v1  }
0x3f: {  	[tilespmem:$0xCD50] =	vst v1  }
0x40: {  	[tilespmem:$0xCD60] =	vst v1  }
0x41: {  	[tilespmem:$0xCD70] =	vst v1  }
0x42: {  	[tilespmem:$0xCD80] =	vst v1  }
0x43: {  	[tilespmem:$0xCD90] =	vst v1  }
0x44: {  	[tilespmem:$0xCDA0] =	vst v1  }
0x45: {  	[tilespmem:$0xCDB0] =	vst v1  }
0x46: {  	[tilespmem:$0xCDC0] =	vst v1  }
0x47: {  	[tilespmem:$0xCDD0] =	vst v1  }
0x48: {  	[tilespmem:$0xCDE0] =	vst v1  }
0x49: {  	[tilespmem:$0xCDF0] =	vst v1  }
0x4a: {  	[tilespmem:$0xCE00] =	vst v1  }
0x4b: {  	[tilespmem:$0xCE10] =	vst v1  }
0x4c: {  	[tilespmem:$0xCE20] =	vst v1  }
0x4d: {  	[tilespmem:$0xCE30] =	vst v1  }
0x4e: {  	[spmem:s7] =	stream.linear.scatter [tilespmem:s11], [sflag:$0xD], $0xA000, $0x38;
	[tilespmem:$0x170C0] =	vst v63  }
0x4f: {  	_ =	swait.ge [sflag:s17], $0xA000  }
0x50: {  	[sflag:s17] =	ssyncset.done $0x0  }
0x51: {  	[sflag:s17] =	ssyncadd.s32 $0xFFFF6000  }
0x52: {  	[spmem:s9] =	stream.linear.scatter [tilespmem:s18], [sflag:$0xD], $0x280, $0x38;
	[tilespmem:$0x170C0] =	vst v63  }
0x53: {  	_ =	swait.ge [sflag:s17], $0x280  }
0x54: {  	[sflag:s17] =	ssyncset.done $0x0  }
0x55: {  	[sflag:s17] =	ssyncadd.s32 $0xFFFFFD80  }
0x56: {  	[bflag:$0x0] =	sbarrier.arrive $0xFFFF  }
0x57: {  	s8 =	simm.s32 $0x0;
	s10 =	rddreg [dreg:$0x9]  }
0x58: {  	[tilespmem:s8], [sflag:$0x1] =	stream.linear.gather [hbm4b:s10+s8], $0x50, $0x38;
	[tilespmem:$0x170C0] =	vst v63  }
0x59: {  	s18 =	simm.s32 $0xA0;
	s16 =	rddreg [dreg:$0xa]  }
0x5a: {  	[tilespmem:s18], [sflag:$0x3] =	stream.linear.gather [hbm4b:s16+s8], $0x50, $0x38;
	[tilespmem:$0x170C0] =	vst v63  }
0x5b: {  	s15 =	rddreg [dreg:$0xb]  }
0x5c: {  	[tilespmem:s20], [sflag:$0x2] =	stream.linear.gather [hbm4b:s15+s8], $0x50, $0x38;
	[tilespmem:$0x170C0] =	vst v63  }
0x5d: {  	s16 =	rddreg [dreg:$0xc];
	s18 =	simm.s32 $0xF0  }
0x5e: {  	[tilespmem:s18], [sflag:$0x4] =	stream.linear.gather [hbm4b:s16+s8], $0x50, $0x38;
	[tilespmem:$0x170C0] =	vst v63  }
0x5f: {  	_ =	swait.ge [sflag:s22], $0x50  }
0x60: {  	[sflag:s22] =	ssyncset.done $0x0  }
0x61: {  	[sflag:s22] =	ssyncadd.s32 $0xFFFFFFB0  }
0x62: {  	_ =	swait.ge [sflag:s23], $0x50  }
0x63: {  	p0 =	por $0x1, $0x1;
	[sflag:s23] =	ssyncset.done $0x0  }
0x64: {  	s8 =	simm.s32 @!p0 $0x9;
	[sflag:s23] =	ssyncadd.s32 $0xFFFFFFB0  }
0x65: {  	_ =	swait.ge @!p0 [sflag:s8], $0x1400  }
0x66: {  	[sflag:s8] =	ssyncset.done @!p0 $0x0  }
0x67: {  	[sflag:s8] =	ssyncadd.s32 @!p0 $0xFFFFEC00;
	s8 =	simm.s32 @!p0 $0xB  }
0x68: {  	_ =	swait.ge @!p0 [sflag:s8], $0x50  }
0x69: {  	[sflag:s8] =	ssyncset.done @!p0 $0x0  }
0x6a: {  	[sflag:s8] =	ssyncadd.s32 @!p0 $0xFFFFFFB0  }
0x6b: {  	v2 =	vld [tilespmem:$0x10]  }
0x6c: {  	v4 =	vld [tilespmem:$0x30]  }
0x6d: {  	v5 =	vld [tilespmem:$0x20]  }
0x6e: {  	v3 =	vld [tilespmem:$0x0];
	_ =	sdelay $0x1  }
0x6f: {  	v7 =	vld [tilespmem:$0xC0];
	[tilespmem:$0x290] =	vst v2  }
0x70: {  	[tilespmem:$0x2B0] =	vst v4  }
0x71: {  	[tilespmem:$0x2A0] =	vst v5  }
0x72: {  	v6 =	vadd.s32 v0, v3;
	[tilespmem:$0x280] =	vst v3  }
0x73: {  	[tilespmem:$0x140] =	vst v6;
	v6 =	vld [tilespmem:$0xB0]  }
0x74: {  	v4 =	vadd.s32 v0, v4;
	[tilespmem:$0x200] =	vst v7;
	v3 =	vld [tilespmem:$0x40]  }
0x75: {  	v5 =	vadd.s32 v0, v5;
	v7 =	vld [tilespmem:$0xE0];
	[tilespmem:$0x170] =	vst v4  }
0x76: {  	v2 =	vadd.s32 v0, v2;
	v4 =	vld [tilespmem:$0xD0];
	[tilespmem:$0x160] =	vst v5  }
0x77: {  	[tilespmem:$0x150] =	vst v2  }
0x78: {  	[tilespmem:$0x1F0] =	vst v6;
	v6 =	vld [tilespmem:$0xA0]  }
0x79: {  	[tilespmem:$0x2C0] =	vst v3  }
0x7a: {  	[tilespmem:$0x220] =	vst v7  }
0x7b: {  	p1 =	por $0x0, $0x0;
	s8 =	rddreg [dreg:$0x4];
	v2 =	vadd.s32 v0, v3;
	[tilespmem:$0x210] =	vst v4  }
0x7c: {  	s8 =	sadd.s32 @!p1 $0x0, s8;
	[tilespmem:$0x180] =	vst v2  }
0x7d: {  	s16 =	simm.s32 @!p1 $0x0;
	s15 =	sadd.s32 @!p1 $0x14, s8;
	[tilespmem:$0x1E0] =	vst v6  }
0x7e: {  	[tilespmem:s16], [sflag:$0x1] =	stream.linear.gather @!p1 [hbm4b:s15+s16], $0x50, $0x38;
	[tilespmem:$0x170C0] =	vst v63  }
0x7f: {  	s18 =	simm.s32 @!p1 $0xA0;
	s15 =	sadd.s32 @!p1 $0x9C54, s8  }
0x80: {  	[tilespmem:s18], [sflag:$0x3] =	stream.linear.gather @!p1 [hbm4b:s15+s16], $0x50, $0x38;
	[tilespmem:$0x170C0] =	vst v63  }
0x81: {  	s11 =	rddreg [dreg:$0x5]  }
0x82: {  	[tilespmem:s24], [sflag:$0x5] =	stream.indirect.gather [hbm4b:s5+s20], $0x40, s11, s20, $0xb8;
	[tilespmem:$0x170C0] =	vst v63  }
0x83: {  	_ = 	snop  }
0x84: {  	[tilespmem:s26], [sflag:$0x7] =	stream.indirect.gather [hbm4b:s6+s20], $0x1, s25, s20, $0xb8;
	[tilespmem:$0x170C0] =	vst v63  }
0x85: {  	_ =	swait.ge [sflag:s28], $0x50  }
0x86: {  	[sflag:s28] =	ssyncset.done $0x0  }
0x87: {  	[sflag:s28] =	ssyncadd.s32 $0xFFFFFFB0  }
0x88: {  	_ =	swait.ge [sflag:s29], $0x50  }
0x89: {  	[sflag:s29] =	ssyncset.done $0x0  }
0x8a: {  	s10 =	simm.s32 @!p0 $0xA;
	[sflag:s29] =	ssyncadd.s32 $0xFFFFFFB0  }
0x8b: {  	_ =	swait.ge @!p0 [sflag:s10], $0x1400  }
0x8c: {  	[sflag:s10] =	ssyncset.done @!p0 $0x0  }
0x8d: {  	[sflag:s10] =	ssyncadd.s32 @!p0 $0xFFFFEC00;
	s10 =	simm.s32 @!p0 $0xC  }
0x8e: {  	_ =	swait.ge @!p0 [sflag:s10], $0x50  }
0x8f: {  	[sflag:s10] =	ssyncset.done @!p0 $0x0  }
0x90: {  	[sflag:s10] =	ssyncadd.s32 @!p0 $0xFFFFFFB0  }
0x91: {  	v2 =	vld [tilespmem:$0x60]  }
0x92: {  	v3 =	vld [tilespmem:$0x80]  }
0x93: {  	v4 =	vld [tilespmem:$0x70]  }
0x94: {  	v5 =	vld [tilespmem:$0x50]  }
0x95: {  	v7 =	vld [tilespmem:$0x90]  }
0x96: {  	[tilespmem:$0x2E0] =	vst v2  }
0x97: {  	[tilespmem:$0x300] =	vst v3  }
0x98: {  	[tilespmem:$0x2F0] =	vst v4  }
0x99: {  	[tilespmem:$0x2D0] =	vst v5  }
0x9a: {  	v6 =	vadd.s32 v0, v4;
	v4 =	vadd.s32 v0, v5;
	v5 =	vadd.s32 v0, v7;
	[tilespmem:$0x310] =	vst v7;
	v7 =	vld [tilespmem:$0x130]  }
0x9b: {  	[tilespmem:$0x190] =	vst v4;
	v4 =	vld [tilespmem:$0x120]  }
0x9c: {  	[tilespmem:$0x1B0] =	vst v6;
	v6 =	vadd.s32 v0, v2;
	v2 =	vld [tilespmem:$0x110]  }
0x9d: {  	v3 =	vadd.s32 v0, v3;
	[tilespmem:$0x1A0] =	vst v6;
	v6 =	vld [tilespmem:$0x100]  }
0x9e: {  	s15 =	simm.s32 $0x14;
	[tilespmem:$0x1C0] =	vst v3;
	v3 =	vld [tilespmem:$0xF0]  }
.LBB2_4:
0x9f: {  	[tilespmem:$0x1D0] =	vst v5  }
0xa0: {  	[tilespmem:$0x260] =	vst v4  }
0xa1: {  	[tilespmem:$0x250] =	vst v2  }
0xa2: {  	[tilespmem:$0x240] =	vst v6  }
0xa3: {  	[tilespmem:$0x270] =	vst v7  }
0xa4: {  	s10 =	sadd.s32 @!p1 $0x1E, s8;
	s11 =	simm.s32 @!p1 $0x50;
	[tilespmem:$0x230] =	vst v3  }
0xa5: {  	[tilespmem:s11], [sflag:$0x2] =	stream.linear.gather @!p1 [hbm4b:s10+s16], $0x50, $0x38;
	[tilespmem:$0x170C0] =	vst v63  }
0xa6: {  	s8 =	sadd.s32 @!p1 $0x9C5E, s8;
	s10 =	simm.s32 @!p1 $0xF0  }
0xa7: {  	[tilespmem:s10], [sflag:$0x4] =	stream.linear.gather @!p1 [hbm4b:s8+s16], $0x50, $0x38;
	[tilespmem:$0x170C0] =	vst v63  }
0xa8: {  	s11 =	rddreg [dreg:$0x6]  }
0xa9: {  	[tilespmem:s30], [sflag:$0x6] =	stream.indirect.gather [hbm4b:s5+s20], $0x40, s11, s20, $0xb8;
	[tilespmem:$0x170C0] =	vst v63  }
0xaa: {  	_ = 	snop  }
0xab: {  	[tilespmem:s0], [sflag:$0x8] =	stream.indirect.gather [hbm4b:s6+s20], $0x1, s31, s20, $0xb8;
	[tilespmem:$0x170C0] =	vst v63  }
0xac: {  	_ =	swait.ge [sflag:s1], $0x1400  }
0xad: {  	[sflag:s1] =	ssyncset.done $0x0  }
0xae: {  	[sflag:s1] =	ssyncadd.s32 $0xFFFFEC00  }
0xaf: {  	[spmem:s2] =	stream.indirect.scatter.add.f32 [tilespmem:s24], [sflag:$0x9], $0x40, s25, s20, $0xb8;
	[tilespmem:$0x170C0] =	vst v63  }
0xb0: {  	_ =	swait.ge [sflag:s19], $0x50  }
0xb1: {  	[sflag:s19] =	ssyncset.done $0x0  }
0xb2: {  	s11 =	rddreg [dreg:$0x7];
	[sflag:s19] =	ssyncadd.s32 $0xFFFFFFB0  }
0xb3: {  	[spmem:s3] =	stream.indirect.scatter.add.f32 [tilespmem:s26], [sflag:$0xB], $0x1, s11, s20, $0xb8;
	[tilespmem:$0x170C0] =	vst v63  }
0xb4: {  	_ =	swait.ge [sflag:s21], $0x1400  }
0xb5: {  	[sflag:s21] =	ssyncset.done $0x0  }
0xb6: {  	[sflag:s21] =	ssyncadd.s32 $0xFFFFEC00  }
0xb7: {  	[spmem:s2] =	stream.indirect.scatter.add.f32 [tilespmem:s30], [sflag:$0xA], $0x40, s31, s20, $0xb8;
	[tilespmem:$0x170C0] =	vst v63  }
0xb8: {  	_ =	swait.ge [sflag:s4], $0x50  }
0xb9: {  	[sflag:s4] =	ssyncset.done $0x0  }
0xba: {  	s16 =	rddreg [dreg:$0x8];
	[sflag:s4] =	ssyncadd.s32 $0xFFFFFFB0  }
0xbb: {  	[spmem:s3] =	stream.indirect.scatter.add.f32 [tilespmem:s0], [sflag:$0xC], $0x1, s16, s20, $0xb8;
	[tilespmem:$0x170C0] =	vst v63  }
0xbc: {  	_ =	swait.ge [sflag:s22], $0x50  }
0xbd: {  	[sflag:s22] =	ssyncset.done $0x0  }
0xbe: {  	[sflag:s22] =	ssyncadd.s32 $0xFFFFFFB0  }
0xbf: {  	s18 =	smov.u32 s15;
	_ =	swait.ge [sflag:s23], $0x50  }
0xc0: {  	p2 =	seq.s32 s18, $0x0;
	[sflag:s23] =	ssyncset.done $0x0  }
0xc1: {  	s8 =	simm.s32 @!p2 $0x9;
	[sflag:s23] =	ssyncadd.s32 $0xFFFFFFB0  }
0xc2: {  	_ =	swait.ge @!p2 [sflag:s8], $0x1400  }
0xc3: {  	[sflag:s8] =	ssyncset.done @!p2 $0x0  }
0xc4: {  	[sflag:s8] =	ssyncadd.s32 @!p2 $0xFFFFEC00;
	s8 =	simm.s32 @!p2 $0xB  }
0xc5: {  	_ =	swait.ge @!p2 [sflag:s8], $0x50  }
0xc6: {  	[sflag:s8] =	ssyncset.done @!p2 $0x0  }
0xc7: {  	[sflag:s8] =	ssyncadd.s32 @!p2 $0xFFFFFFB0  }
0xc8: {  	v2 =	vld [tilespmem:$0x10]  }
0xc9: {  	v5 =	vld [tilespmem:$0x30]  }
0xca: {  	v4 =	vld [tilespmem:$0x20]  }
0xcb: {  	v3 =	vld [tilespmem:$0x0]  }
0xcc: {  	v6 =	vld [tilespmem:$0xC0]  }
0xcd: {  	v8 =	vld [tilespmem:$0xB0];
	[tilespmem:$0x290] =	vst v2  }
0xce: {  	v10 =	vld [tilespmem:$0xA0];
	[tilespmem:$0x2B0] =	vst v5  }
0xcf: {  	[tilespmem:$0x2A0] =	vst v4  }
0xd0: {  	[tilespmem:$0x280] =	vst v3  }
0xd1: {  	[tilespmem:$0x200] =	vst v6  }
0xd2: {  	[tilespmem:$0x1F0] =	vst v8  }
0xd3: {  	v7 =	vadd.s32 v0, v2;
	v9 =	vadd.s32 v0, v3;
	v2 =	vadd.s32 v0, v4;
	v4 =	vld [tilespmem:$0xD0];
	[tilespmem:$0x1E0] =	vst v10  }
0xd4: {  	v63 =	vadd.s32 v0, v5;
	v3 =	vld [tilespmem:$0x40];
	[tilespmem:$0x140] =	vst v9  }
0xd5: {  	v5 =	vld [tilespmem:$0xE0];
	[tilespmem:$0x170] =	vst v63  }
0xd6: {  	[tilespmem:$0x160] =	vst v2  }
0xd7: {  	[tilespmem:$0x150] =	vst v7  }
0xd8: {  	[tilespmem:$0x210] =	vst v4  }
0xd9: {  	p1 =	seq.s32 s18, $0x9B0;
	s8 =	rddreg [dreg:$0x4];
	[tilespmem:$0x2C0] =	vst v3  }
0xda: {  	s8 =	sadd.s32 @!p1 s18, s8;
	v2 =	vadd.s32 v0, v3;
	[tilespmem:$0x220] =	vst v5  }
0xdb: {  	s16 =	simm.s32 @!p1 $0x0;
	s10 =	sadd.s32 @!p1 $0x14, s8;
	[tilespmem:$0x180] =	vst v2  }
0xdc: {  	[tilespmem:s16], [sflag:$0x1] =	stream.linear.gather @!p1 [hbm4b:s10+s16], $0x50, $0x38;
	[tilespmem:$0x170C0] =	vst v63  }
0xdd: {  	s11 =	simm.s32 @!p1 $0xA0;
	s10 =	sadd.s32 @!p1 $0x9C54, s8  }
0xde: {  	[tilespmem:s11], [sflag:$0x3] =	stream.linear.gather @!p1 [hbm4b:s10+s16], $0x50, $0x38;
	[tilespmem:$0x170C0] =	vst v63  }
0xdf: {  	s18 =	rddreg [dreg:$0x5]  }
0xe0: {  	[tilespmem:s24], [sflag:$0x5] =	stream.indirect.gather [hbm4b:s5+s20], $0x40, s18, s20, $0xb8;
	[tilespmem:$0x170C0] =	vst v63  }
0xe1: {  	_ = 	snop  }
0xe2: {  	[tilespmem:s26], [sflag:$0x7] =	stream.indirect.gather [hbm4b:s6+s20], $0x1, s25, s20, $0xb8;
	[tilespmem:$0x170C0] =	vst v63  }
0xe3: {  	_ =	swait.ge [sflag:s28], $0x50  }
0xe4: {  	[sflag:s28] =	ssyncset.done $0x0  }
0xe5: {  	[sflag:s28] =	ssyncadd.s32 $0xFFFFFFB0  }
0xe6: {  	_ =	swait.ge [sflag:s29], $0x50  }
0xe7: {  	[sflag:s29] =	ssyncset.done $0x0  }
0xe8: {  	s10 =	simm.s32 @!p2 $0xA;
	[sflag:s29] =	ssyncadd.s32 $0xFFFFFFB0  }
0xe9: {  	_ =	swait.ge @!p2 [sflag:s10], $0x1400  }
0xea: {  	[sflag:s10] =	ssyncset.done @!p2 $0x0  }
0xeb: {  	[sflag:s10] =	ssyncadd.s32 @!p2 $0xFFFFEC00;
	s10 =	simm.s32 @!p2 $0xC  }
0xec: {  	_ =	swait.ge @!p2 [sflag:s10], $0x50  }
0xed: {  	[sflag:s10] =	ssyncset.done @!p2 $0x0  }
0xee: {  	[sflag:s10] =	ssyncadd.s32 @!p2 $0xFFFFFFB0  }
0xef: {  	v2 =	vld [tilespmem:$0x60]  }
0xf0: {  	v3 =	vld [tilespmem:$0x80]  }
0xf1: {  	v4 =	vld [tilespmem:$0x70]  }
0xf2: {  	v7 =	vld [tilespmem:$0x50]  }
0xf3: {  	v8 =	vld [tilespmem:$0x90]  }
0xf4: {  	[tilespmem:$0x2E0] =	vst v2  }
0xf5: {  	[tilespmem:$0x300] =	vst v3  }
0xf6: {  	s15 =	sadd.s32 $0x14, s15;
	[tilespmem:$0x2F0] =	vst v4  }
0xf7: {  	p0 =	sne.s32 s15, $0x9C4;
	[tilespmem:$0x2D0] =	vst v7  }
.Ltmp1:
0xf8: {  	v6 =	vadd.s32 v0, v2;
	v2 =	vadd.s32 v0, v4;
	v4 =	vld [tilespmem:$0x120];
	[tilespmem:$0x310] =	vst v8;
	(pc) =	sbr.rel @p0 .LBB2_4-.Ltmp1, $4  }
0xf9: {  	v5 =	vadd.s32 v0, v3;
	v3 =	vadd.s32 v0, v7;
	v7 =	vld [tilespmem:$0x130];
	[tilespmem:$0x1B0] =	vst v2  }
0xfa: {  	[tilespmem:$0x190] =	vst v3;
	v2 =	vld [tilespmem:$0x110]  }
0xfb: {  	[tilespmem:$0x1A0] =	vst v6;
	v6 =	vld [tilespmem:$0x100]  }
0xfc: {  	[tilespmem:$0x1C0] =	vst v5;
	v5 =	vadd.s32 v0, v8;
	v3 =	vld [tilespmem:$0xF0]  }
0xfd: {  	[tilespmem:$0x260] =	vst v4  }
0xfe: {  	[tilespmem:$0x1D0] =	vst v5  }
0xff: {  	[tilespmem:$0x270] =	vst v7  }
0x100: {  	[tilespmem:$0x250] =	vst v2  }
0x101: {  	[tilespmem:$0x240] =	vst v6  }
0x102: {  	s10 =	sadd.s32 @!p1 $0x1E, s8;
	s11 =	simm.s32 @!p1 $0x50;
	[tilespmem:$0x230] =	vst v3  }
0x103: {  	[tilespmem:s11], [sflag:$0x2] =	stream.linear.gather @!p1 [hbm4b:s10+s16], $0x50, $0x38;
	[tilespmem:$0x170C0] =	vst v63  }
0x104: {  	s8 =	sadd.s32 @!p1 $0x9C5E, s8;
	s10 =	simm.s32 @!p1 $0xF0  }
0x105: {  	[tilespmem:s10], [sflag:$0x4] =	stream.linear.gather @!p1 [hbm4b:s8+s16], $0x50, $0x38;
	[tilespmem:$0x170C0] =	vst v63  }
0x106: {  	s15 =	rddreg [dreg:$0x6]  }
0x107: {  	[tilespmem:s30], [sflag:$0x6] =	stream.indirect.gather [hbm4b:s5+s20], $0x40, s15, s20, $0xb8;
	[tilespmem:$0x170C0] =	vst v63  }
0x108: {  	_ = 	snop  }
0x109: {  	[tilespmem:s0], [sflag:$0x8] =	stream.indirect.gather [hbm4b:s6+s20], $0x1, s31, s20, $0xb8;
	[tilespmem:$0x170C0] =	vst v63  }
0x10a: {  	_ =	swait.ge [sflag:s1], $0x1400  }
0x10b: {  	[sflag:s1] =	ssyncset.done $0x0  }
0x10c: {  	[sflag:s1] =	ssyncadd.s32 $0xFFFFEC00  }
0x10d: {  	[spmem:s2] =	stream.indirect.scatter.add.f32 [tilespmem:s24], [sflag:$0x9], $0x40, s25, s20, $0xb8;
	[tilespmem:$0x170C0] =	vst v63  }
0x10e: {  	_ =	swait.ge [sflag:s19], $0x50  }
0x10f: {  	[sflag:s19] =	ssyncset.done $0x0  }
0x110: {  	s18 =	rddreg [dreg:$0x7];
	[sflag:s19] =	ssyncadd.s32 $0xFFFFFFB0  }
0x111: {  	[spmem:s3] =	stream.indirect.scatter.add.f32 [tilespmem:s26], [sflag:$0xB], $0x1, s18, s20, $0xb8;
	[tilespmem:$0x170C0] =	vst v63  }
0x112: {  	_ =	swait.ge [sflag:s21], $0x1400  }
0x113: {  	[sflag:s21] =	ssyncset.done $0x0  }
0x114: {  	[sflag:s21] =	ssyncadd.s32 $0xFFFFEC00  }
0x115: {  	[spmem:s2] =	stream.indirect.scatter.add.f32 [tilespmem:s30], [sflag:$0xA], $0x40, s31, s20, $0xb8;
	[tilespmem:$0x170C0] =	vst v63  }
0x116: {  	_ =	swait.ge [sflag:s4], $0x50  }
0x117: {  	[sflag:s4] =	ssyncset.done $0x0  }
0x118: {  	s11 =	simm.s32 $0x9;
	s10 =	rddreg [dreg:$0x8];
	[sflag:s4] =	ssyncadd.s32 $0xFFFFFFB0  }
0x119: {  	[spmem:s3] =	stream.indirect.scatter.add.f32 [tilespmem:s0], [sflag:$0xC], $0x1, s10, s20, $0xb8;
	[tilespmem:$0x170C0] =	vst v63  }
0x11a: {  	_ =	swait.ge [sflag:s11], $0x1400  }
0x11b: {  	[sflag:s11] =	ssyncset.done $0x0  }
0x11c: {  	s15 =	simm.s32 $0xB;
	[sflag:s11] =	ssyncadd.s32 $0xFFFFEC00  }
0x11d: {  	_ =	swait.ge [sflag:s15], $0x50  }
0x11e: {  	[sflag:s15] =	ssyncset.done $0x0  }
0x11f: {  	[sflag:s15] =	ssyncadd.s32 $0xFFFFFFB0  }
0x120: {  	_ =	swait.ge [sflag:s12], $0x1400  }
0x121: {  	[sflag:s12] =	ssyncset.done $0x0  }
0x122: {  	[sflag:s12] =	ssyncadd.s32 $0xFFFFEC00  }
0x123: {  	_ =	swait.ge [sflag:s13], $0x50  }
0x124: {  	[sflag:s13] =	ssyncset.done $0x0  }
0x125: {  	[sflag:s13] =	ssyncadd.s32 $0xFFFFFFB0  }
0x126: {  	s11 =	simm.s32 $0x2BC0;
	[bflag:$0x0] =	sbarrier.arrive $0xFFFF  }
0x127: {  	[tilespmem:s11], [sflag:$0xD] =	stream.linear.gather [spmem:s7], $0xA000, $0x38;
	[tilespmem:$0x170C0] =	vst v63  }
0x128: {  	_ =	swait.ge [sflag:s17], $0xA000  }
0x129: {  	[sflag:s17] =	ssyncset.done $0x0  }
0x12a: {  	s16 =	simm.s32 $0x0;
	s18 =	rddreg [dreg:$0xd];
	[sflag:s17] =	ssyncadd.s32 $0xFFFF6000  }
0x12b: {  	[hbm4b:s18+s16] =	stream.linear.scatter [tilespmem:s11], [sflag:$0xD], $0xA000, $0x38;
	[tilespmem:$0x170C0] =	vst v63  }
0x12c: {  	_ =	swait.ge [sflag:s17], $0xA000  }
0x12d: {  	[sflag:s17] =	ssyncset.done $0x0  }
0x12e: {  	s18 =	simm.s32 $0xCBC0;
	[sflag:s17] =	ssyncadd.s32 $0xFFFF6000  }
0x12f: {  	[tilespmem:s18], [sflag:$0xD] =	stream.linear.gather [spmem:s9], $0x280, $0x38;
	[tilespmem:$0x170C0] =	vst v63  }
0x130: {  	_ =	swait.ge [sflag:s17], $0x280  }
0x131: {  	[sflag:s17] =	ssyncset.done $0x0  }
0x132: {  	s15 =	rddreg [dreg:$0xe];
	[sflag:s17] =	ssyncadd.s32 $0xFFFFFD80  }
0x133: {  	[hbm4b:s15+s16] =	stream.linear.scatter [tilespmem:s18], [sflag:$0xD], $0x280, $0x38;
	[tilespmem:$0x170C0] =	vst v63  }
0x134: {  	_ =	swait.ge [sflag:s17], $0x280  }
0x135: {  	s14 =	sadd.s32 $0x1, s14;
	s16 =	rddreg [dreg:$0xf]  }
0x136: {  	p0 =	sne.s32 s14, s16  }
.Ltmp2:
0x137: {  	_ = 	snop;
	(pc) =	sbr.rel @p0 .LBB2_1-.Ltmp2, $3  }
0x138: {  	_ =	sdelay $0x1  }
0x139: {  	[sflag:s17] =	ssyncset.done $0x0  }
0x13a: {  	[sflag:s17] =	ssyncadd.s32 $0xFFFFFD80  }
0x13b: {  	_ =	sfence.sel $0x180000  }
0x13c: {  	[bflag:$0x0] =	sbarrier.arrive $0xFFFF  }
0x13d: {  	_ =	strace $0x9000004A  }
0x13e: {  	s0 =	stileid.u32;
	[bflag:$0x2] =	sbarrier.arrive $0xFFFF  }
0x13f: {  	p0 =	sne.s32 s0, $0x0;
	s0 =	rddreg [dreg:$0x3]  }
0x140: {  	s0 =	sadd.s32 @!p0 $0x100000, s0  }
0x141: {  	[sflag:s0] =	ssyncadd.tile.s32 @!p0 $0x1;
	_ =	shalt  }
.Lfunc_end2:
_tile_overlayer_lowered:
.L_overlay_start_2:
0x142: {  	(tag) =	ssettag $0x2  }
0x143: {  	s0 =	rddreg [dreg:$0x0];
	s2 =	stileid.u32  }
0x144: {  	s1 =	rddreg [dreg:$0x1];
	p0 =	sne.s32 s2, $0x0  }
0x145: {  	s3 =	rddreg [dreg:$0x2];
	[bflag:$0x3] =	sbarrier.arrive $0xFFFF;
	s2 =	simm.s32 @!p0 $0x1C0D  }
0x146: {  	[timem:s3], [sflag:s2] =	dma.local @!p0 [hbm:s0], s1  }
0x147: {  	s0 =	simm.s32 @!p0 $0xD  }
0x148: {  	_ =	swait.ge @!p0 [sflag:s0], s1  }
0x149: {  	s1 =	ssub.s32 @!p0 $0x0, s1;
	[sflag:s0] =	ssyncset.done @!p0 $0x0  }
0x14a: {  	[sflag:s0] =	ssyncadd.s32 @!p0 s1  }
0x14b: {  	[bflag:$0x3] =	sbarrier.arrive $0xFFFF  }
0x14c: {  	_ =	shalt  }

// kernel: kernel.13.cloned.1.call-start
scs
__scs_entry_jumppad:
0x0: {  	(pc) =	sbr.rel $0x88, $3  }
0x1: {  	(tag) =	ssettag $0x0;
	lr =	simm.s32 $0x1  }
0x2: {  	[smem:$0x3F99] =	sst lr;
	_ =	strace $0xD0000000  }
0x3: {  	_ = 	snop  }
0x4: {  	_ = 	snop  }
0x5: {  	_ = 	snop  }
0x6: {  	_ = 	snop  }
0x7: {  	_ = 	snop  }
__scs_overlays_trampoline_lowered:
0x8: {  	[smem:$0x3FA8] =	sst s0  }
0x9: {  	[smem:$0x3FA9] =	sst s1  }
0xa: {  	[smem:$0x3FAA] =	sst s2  }
0xb: {  	[smem:$0x3FAB] =	sst s3  }
0xc: {  	[smem:$0x3FAC] =	sst s4  }
0xd: {  	[smem:$0x3FAD] =	sst s5  }
0xe: {  	[smem:$0x3FAE] =	sst s6  }
0xf: {  	[smem:$0x3FAF] =	sst s7  }
0x10: {  	[smem:$0x3FB0] =	sst s8  }
0x11: {  	[smem:$0x3FB1] =	sst s9;
	s0 =	simm.s32 @!p0 $0x0  }
0x12: {  	s1 =	sld [smem:$0x3F97];
	s0 =	simm.s32 @p0 $0x1  }
0x13: {  	[smem:$0x3FB2] =	sst s0;
	s0 =	simm.s32 @!p1 $0x0  }
0x14: {  	s2 =	sld [smem:$0x3F96];
	s0 =	simm.s32 @p1 $0x1  }
0x15: {  	[smem:$0x3FB3] =	sst s0;
	s0 =	simm.s32 @!p2 $0x0  }
0x16: {  	s3 =	sld [smem:$0x3FDB];
	s0 =	simm.s32 @p2 $0x1  }
0x17: {  	s4 =	simm.s32 $0x1BF5;
	[smem:$0x3FB5] =	sst s0  }
0x18: {  	s0 =	sld [smem:$0x3F98];
	_ =	swait.ge [sflag:s4], $0x0  }
0x19: {  	s7 =	sld [smem:$0x3F99]  }
0x1a: {  	s8 =	sadd.s32 $0xFFFFE003, lr  }
0x1b: {  	s9 =	sadd.s32 $0xFFFFFEF7, lr;
	s5 =	simm.s32 $0xFFFFFFFF;
	p2 =	slt.u32 s8, $0xFFFFF086  }
0x1c: {  	p1 =	slt.u32 s9, $0xF7A;
	s5 =	simm.s32 @!p2 $0x0  }
0x1d: {  	s5 =	simm.s32 @p1 $0x1;
	p0 =	seq.s32 s7, s2  }
0x1e: {  	s7 =	smul.u32 @!p0 $0xF7A, s2;
	p2 =	seq.s32 @!p0 s5, $0x0  }
0x1f: {  	s9 =	smul.u32 $0xF7A, s1;
	s8 =	simm.s32 @!p0 $0x1BF5;
	p2 =	por !p2, p0  }
0x20: {  	[sflag:s8] =	ssyncset.s32 @!p0 $0xFFFFF086;
	s6 =	sadd.s32 @!p0 s3, s7;
	s7 =	simm.s32 @!p0 $0x108  }
0x21: {  	s3 =	sadd.s32 s3, s9;
	s6 =	sadd.s32 @!p0 $0x88, s6;
	s7 =	simm.s32 @p2 $0x1082  }
0x22: {  	[simem:s7], [sflag:s8] =	dma.local @!p0 [hbm:s6], $0xF7A  }
0x23: {  	s9 =	sor.u32 $0xD0000000, s2;
	s6 =	simm.s32 $0x108;
	_ =	swait.ge @!p0 [sflag:s8], $0x0  }
0x24: {  	s3 =	sadd.s32 $0x88, s3;
	s6 =	simm.s32 @!p1 $0x1082;
	[sflag:s4] =	ssyncset.s32 $0xFFFFF086  }
0x25: {  	[simem:s6], [sflag:s4] =	dma.local [hbm:s3], $0xF7A  }
0x26: {  	[smem:$0x3F99] =	sst s1;
	(tag) =	ssettag s2;
	_ =	strace s9  }
0x27: {  	s1 =	sld [smem:$0x3FA9]  }
0x28: {  	s2 =	sld [smem:$0x3FAA]  }
0x29: {  	s4 =	sld [smem:$0x3FAC]  }
0x2a: {  	p0 =	seq.s32 s5, $0x0;
	s5 =	sld [smem:$0x3FAD]  }
0x2b: {  	s6 =	sld [smem:$0x3FAE]  }
0x2c: {  	s7 =	sld [smem:$0x3FAF]  }
0x2d: {  	s3 =	simm.s32 $0x108;
	s8 =	sld [smem:$0x3FB0]  }
0x2e: {  	s3 =	simm.s32 @!p0 $0x1082;
	s9 =	sld [smem:$0x3FB1]  }
0x2f: {  	lr =	sadd.s32 s0, s3;
	s0 =	sld [smem:$0x3FA8]  }
0x30: {  	s3 =	sld [smem:$0x3FAB]  }
0x31: {  	[smem:$0x3FB4] =	sst s10  }
0x32: {  	s10 =	sld [smem:$0x3FB2];
	_ =	sdelay $0x3  }
0x33: {  	p0 =	seq.s32 s10, $0x1;
	s10 =	sld [smem:$0x3FB4];
	_ =	sdelay $0x3  }
0x34: {  	[smem:$0x3FB4] =	sst s10  }
0x35: {  	s10 =	sld [smem:$0x3FB3];
	_ =	sdelay $0x3  }
0x36: {  	p1 =	seq.s32 s10, $0x1;
	s10 =	sld [smem:$0x3FB4];
	_ =	sdelay $0x3  }
0x37: {  	[smem:$0x3FB4] =	sst s10  }
0x38: {  	s10 =	sld [smem:$0x3FB5]  }
0x39: {  	_ = 	snop;
	(pc) =	sbr.ind lr, $3  }
0x3a: {  	_ = 	snop  }
0x3b: {  	_ = 	snop  }
0x3c: {  	p2 =	seq.s32 s10, $0x1;
	s10 =	sld [smem:$0x3FB4]  }
0x3d: {  	_ =	shalt  }
0x3e: {  	_ =	shalt  }
0x3f: {  	_ =	shalt  }
0x40: {  	_ =	shalt  }
0x41: {  	_ =	shalt  }
0x42: {  	_ =	shalt  }
0x43: {  	_ =	shalt  }
0x44: {  	_ =	shalt  }
0x45: {  	_ =	shalt  }
0x46: {  	_ =	shalt  }
0x47: {  	_ =	shalt  }
0x48: {  	_ =	shalt  }
0x49: {  	_ =	shalt  }
0x4a: {  	_ =	shalt  }
0x4b: {  	_ =	shalt  }
0x4c: {  	_ =	shalt  }
0x4d: {  	_ =	shalt  }
0x4e: {  	_ =	shalt  }
0x4f: {  	_ =	shalt  }
0x50: {  	_ =	shalt  }
0x51: {  	_ =	shalt  }
0x52: {  	_ =	shalt  }
0x53: {  	_ =	shalt  }
0x54: {  	_ =	shalt  }
0x55: {  	_ =	shalt  }
0x56: {  	_ =	shalt  }
0x57: {  	_ =	shalt  }
0x58: {  	_ =	shalt  }
0x59: {  	_ =	shalt  }
0x5a: {  	_ =	shalt  }
0x5b: {  	_ =	shalt  }
0x5c: {  	_ =	shalt  }
0x5d: {  	_ =	shalt  }
0x5e: {  	_ =	shalt  }
0x5f: {  	_ =	shalt  }
0x60: {  	_ =	shalt  }
0x61: {  	_ =	shalt  }
0x62: {  	_ =	shalt  }
0x63: {  	_ =	shalt  }
0x64: {  	_ =	shalt  }
0x65: {  	_ =	shalt  }
0x66: {  	_ =	shalt  }
0x67: {  	_ =	shalt  }
0x68: {  	_ =	shalt  }
0x69: {  	_ =	shalt  }
0x6a: {  	_ =	shalt  }
0x6b: {  	_ =	shalt  }
0x6c: {  	_ =	shalt  }
0x6d: {  	_ =	shalt  }
0x6e: {  	_ =	shalt  }
0x6f: {  	_ =	shalt  }
0x70: {  	_ =	shalt  }
0x71: {  	_ =	shalt  }
0x72: {  	_ =	shalt  }
0x73: {  	_ =	shalt  }
0x74: {  	_ =	shalt  }
0x75: {  	_ =	shalt  }
0x76: {  	_ =	shalt  }
0x77: {  	_ =	shalt  }
0x78: {  	_ =	shalt  }
0x79: {  	_ =	shalt  }
0x7a: {  	_ =	shalt  }
0x7b: {  	_ =	shalt  }
0x7c: {  	_ =	shalt  }
0x7d: {  	_ =	shalt  }
0x7e: {  	_ =	shalt  }
0x7f: {  	_ =	shalt  }
0x80: {  	_ =	shalt  }
0x81: {  	_ =	shalt  }
0x82: {  	_ =	shalt  }
0x83: {  	_ =	shalt  }
0x84: {  	_ =	shalt  }
0x85: {  	_ =	shalt  }
0x86: {  	_ =	shalt  }
0x87: {  	_ =	shalt  }
.Lfunc_end0:
.L_simem_size_0:
called_computation.2_lowered:
.L_overlay_start_0:
0x88: {  	s2 =	sld [smem:$0x3FD9]  }
0x89: {  	s3 =	sld [smem:$0x3FFE];
	_ =	sdelay $0x1  }
0x8a: {  	s1 =	srdreg.scid  }
0x8b: {  	s0 =	sand.u32 $0x1, s1  }
0x8c: {  	s17 =	sshll.u32 s0, $0xA;
	s2 =	sadd.s32 s3, s2  }
0x8d: {  	s2 =	sadd.s32 s2, s17  }
0x8e: {  	[smem:$0x3FC0] =	sst s2  }
0x8f: {  	_ = 	snop  }
0x90: {  	s2 =	sld [smem:$0x3FC6];
	(tm) =	ssettm $0x1  }
0x91: {  	s18 =	sld [smem:$0x3FFB];
	_ =	sdelay $0x3  }
0x92: {  	_ =	strace s18  }
0x93: {  	s3 =	sld [smem:$0x3FFC];
	_ =	sdelay $0x3  }
0x94: {  	_ =	strace s3  }
0x95: {  	s3 =	sld [smem:$0x3FFD];
	_ =	sdelay $0x3  }
0x96: {  	_ =	strace s3  }
0x97: {  	_ =	strace $0x8FFFFFFF  }
0x98: {  	s19 =	sld [smem:$0x3FDB];
	_ =	sdelay $0x1  }
0x99: {  	s4 =	simm.s32 $_scs_section_size  }
0x9a: {  	s5 =	simm.s32 $_size__tile_overlayer_lowered;
	s6 =	simm.s32 $_tile_overlayer_lowered  }
0x9b: {  	s22 =	simm.s32 $0x1BFF;
	s21 =	sshll.u32 s6, $0x1;
	s3 =	sadd.s32 s4, s19  }
0x9c: {  	s7 =	simm.s32 $0x0;
	s20 =	sshll.u32 s5, $0x1;
	s5 =	sadd.s32 s21, s3  }
0x9d: {  	[timem:s7], [sflag:s22] =	dma.local [hbm:s5], s20  }
0x9e: {  	_ =	swait.ge [sflag:s22], s20  }
0x9f: {  	s4 =	ssub.s32 $0x0, s20;
	[sflag:s22] =	ssyncset.done $0x0  }
0xa0: {  	[sflag:s22] =	ssyncadd.s32 s4;
	_ =	sdelay $0x1  }
0xa1: {  	s23 =	simm.s32 $0x1B8B  }
0xa2: {  	_ =	swait.ge [sflag:s23], $0x1  }
0xa3: {  	[sflag:s23] =	ssyncset.done $0x0  }
0xa4: {  	s25 =	simm.s32 $0x1B8E;
	s24 =	sld [smem:$0x3FFE];
	[sflag:s23] =	ssyncadd.s32 $0xFFFFFFFF  }
0xa5: {  	s26 =	simm.s32 $execute0_lowered;
	[smem:$0x3FD2] =	sst s25  }
0xa6: {  	s5 =	sshll.u32 s26, $0x1;
	_ =	strace $0x8000004C;
	[dreg:$0x1] =	wrdreg $0xFFFFFFFF  }
0xa7: {  	s28 =	simm.s32 $_size_execute0_lowered;
	s3 =	sadd.s32 s3, s5;
	[dreg:$0x0] =	wrdreg $0x0  }
0xa8: {  	s5 =	sshll.u32 s28, $0x1;
	[dreg:$0x2] =	wrdreg s3  }
0xa9: {  	[dreg:$0x3] =	wrdreg s5  }
0xaa: {  	[dreg:$0x4] =	wrdreg $0xC0  }
0xab: {  	_ =	task [dreg:s7], $0x5FFFF  }
0xac: {  	[dreg:$0x1] =	wrdreg $0xFFFFFFFF  }
0xad: {  	[dreg:$0x0] =	wrdreg $0x60  }
0xae: {  	[dreg:$0x2] =	wrdreg s24  }
0xaf: {  	[dreg:$0x3] =	wrdreg s2  }
0xb0: {  	[dreg:$0x4] =	wrdreg $0x9  }
0xb1: {  	_ =	task.clear_ibuf [dreg:s7], $0x5FFFF;
	_ =	strace $0x9000004C  }
0xb2: {  	s29 =	simm.s32 $0x9;
	_ =	strace $0x8000004E  }
0xb3: {  	_ =	swait.ge [sflag:s29], $0x1  }
0xb4: {  	[sflag:s29] =	ssyncadd.s32 $0xFFFFFFFF  }
0xb5: {  	_ =	strace $0x9000004E  }
0xb6: {  	_ =	sfence  }
0xb7: {  	s30 =	sld [smem:$0x0];
	_ =	sdelay $0x2  }
0xb8: {  	s31 =	sshll.u32 s1, $0xD;
	s1 =	sshrl.u32 s1, $0x2  }
0xb9: {  	s3 =	sand.u32 $0x4000, s31;
	s1 =	sadd.s32 s1, s30  }
0xba: {  	s0 =	sor.u32 s3, s0;
	s1 =	sshll.u32 s1, $0x11  }
0xbb: {  	s0 =	sor.u32 s1, s0  }
0xbc: {  	s0 =	sadd.s32 $0x8F2B, s0  }
0xbd: {  	[sflag:s0] =	ssyncadd.remote.s32 $0x1  }
0xbe: {  	_ =	sfence.sel $0xFFFF  }
0xbf: {  	[dreg:$0x0] =	wrdreg $0xFFFFFFFF;
	(pc) =	sbr.abs _section_cstart, $3  }
0xc0: {  	[dreg:$0x1] =	wrdreg $0xFFFFFFFF  }
0xc1: {  	_ =	task.clear_ibuf [dreg:s7], $0x2FFFF;
	_ =	strace $0x9FFFFFFF  }
0xc2: {  	(tm) =	ssettm $0x7FFFFFFF  }
0xc3: {  	_ =	shalt  }
tec
execute0_lowered:
.L_overlay_start_1:
0x0: {  	(tag) =	ssettag $0x1  }
0x1: {  	s5 =	rddreg [dreg:$0x0]  }
0x2: {  	s8 =	rddreg [dreg:$0x1]  }
0x3: {  	s0 =	srdreg.scid;
	s1 =	rddreg [dreg:$0x2];
	s2 =	simm.s32 $0x0  }
0x4: {  	s12 =	simm.s32 $0x190;
	s13 =	simm.s32 $0x1;
	s7 =	sand.u32 $0x1, s0  }
0x5: {  	s14 =	simm.s32 $0x2;
	s0 =	stileid.u32;
	s3 =	smul.u32 $0xA0000, s7  }
0x6: {  	s15 =	simm.s32 $0x3;
	s16 =	simm.s32 $0x4;
	s4 =	smul.u32 $0xA000, s0  }
0x7: {  	s17 =	simm.s32 $0x14540;
	[smem:$0x7FF] =	sst s2;
	s6 =	smul.u32 $0x280, s0  }
0x8: {  	s18 =	simm.s32 $0x0;
	s9 =	smul.u32 $0x2800, s7;
	_ =	strace $0x8000004D  }
0x9: {  	s10 =	sshll.u32 s0, $0x3;
	s30 =	ssub.s32 $0x2, s7;
	p0 =	seq.s32 s0, $0xF  }
0xa: {  	v0 =	vlaneseq.u32;
	s31 =	sshll.u32 s7, $0x7;
	s7 =	sshll.u32 s7, $0x3;
	s10 =	sadd.s32 s10, s5  }
0xb: {  	v0 =	vmul.u32 $0xFFFFFFFF, v0;
	s11 =	sshrl.u32 s30, $0x1;
	s12 =	simm.s32 @!p0 $0x280;
	s7 =	sadd.s32 s8, s7  }
0xc: {  	s3 =	sadd.s32 s4, s3;
	s29 =	sadd.s32 s6, s9;
	s6 =	sshrl.u32 s6, $0x3  }
0xd: {  	s11 =	ssub.s32 s30, s11;
	v0 =	vadd.s32 s12, v0;
	s12 =	simm.s32 $0x5;
	s3 =	sshrl.u32 s3, $0x3  }
0xe: {  	s9 =	sshrl.u32 s29, $0x3;
	s4 =	sshll.u32 s29, $0x3;
	s6 =	sadd.s32 s6, s5  }
0xf: {  	s3 =	sadd.s32 s3, s5;
	s9 =	sadd.s32 s9, s5;
	s4 =	sadd.s32 s4, s5  }
0x10: {  	s6 =	sadd.s32 $0x3DA00, s6;
	s3 =	sadd.s32 $0x3E000, s3;
	s4 =	sadd.s32 $0x15A00, s4  }
0x11: {  	s5 =	sadd.s32 $0x66000, s9;
	s9 =	sadd.s32 s31, s10;
	s10 =	simm.s32 $0xA000  }
0x12: {  	[tilespmem:$0x1FFF0] =	vst v0;
	s8 =	sadd.s32 $0x2000, s9;
	s9 =	smax.u32 s11, $0x1;
	s11 =	simm.s32 $0x14500  }
.LBB2_1:
0x13: {  	[tilespmem:s2], [sflag:$0x1] =	stream.linear.gather [hbm4b:s3+s2], $0xA000, $0x38;
	[tilespmem:$0x14580] =	vst v63  }
0x14: {  	_ = 	snop  }
0x15: {  	[tilespmem:s10], [sflag:$0x2] =	stream.linear.gather [hbm4b:s4+s2], $0xA000, $0x38;
	[tilespmem:$0x14580] =	vst v63  }
0x16: {  	s19 =	simm.s32 $0x14000  }
0x17: {  	[tilespmem:s19], [sflag:$0x3] =	stream.linear.gather [hbm4b:s5+s2], $0x280, $0x38;
	[tilespmem:$0x14580] =	vst v63  }
0x18: {  	s20 =	simm.s32 $0x14280  }
0x19: {  	[tilespmem:s20], [sflag:$0x4] =	stream.linear.gather [hbm4b:s6+s2], $0x280, $0x38;
	[tilespmem:$0x14580] =	vst v63  }
0x1a: {  	_ = 	snop  }
0x1b: {  	[tilespmem:s11], [sflag:$0x5] =	stream.linear.gather [hbm4b:s7+s2], $0x40, $0x38;
	[tilespmem:$0x14580] =	vst v63  }
0x1c: {  	_ =	swait.ge [sflag:s12], $0x40  }
0x1d: {  	[sflag:s12] =	ssyncset.done $0x0  }
0x1e: {  	[sflag:s12] =	ssyncadd.s32 $0xFFFFFFC0  }
0x1f: {  	_ =	swait.ge [sflag:s13], $0xA000  }
0x20: {  	[sflag:s13] =	ssyncset.done $0x0  }
0x21: {  	[sflag:s13] =	ssyncadd.s32 $0xFFFF6000  }
0x22: {  	_ =	swait.ge [sflag:s14], $0xA000  }
0x23: {  	[sflag:s14] =	ssyncset.done $0x0  }
0x24: {  	[sflag:s14] =	ssyncadd.s32 $0xFFFF6000  }
0x25: {  	_ =	swait.ge [sflag:s15], $0x280  }
0x26: {  	[sflag:s15] =	ssyncset.done $0x0  }
0x27: {  	[sflag:s15] =	ssyncadd.s32 $0xFFFFFD80  }
0x28: {  	_ =	swait.ge [sflag:s16], $0x280  }
0x29: {  	[sflag:s16] =	ssyncset.done $0x0  }
0x2a: {  	s22 =	simm.s32 $0x200;
	[sflag:s16] =	ssyncadd.s32 $0xFFFFFD80  }
0x2b: {  	v6 =	vld [tilespmem:s22+$0xC0];
	_ =	sdelay $0x3  }
0x2c: {  	s21 =	simm.s32 $0xA200  }
0x2d: {  	[tilespmem:$0x1F8B0] =	vst v6;
	v6 =	vld [tilespmem:s21+$0xC0];
	_ =	sdelay $0x4  }
0x2e: {  	[tilespmem:$0x1F8C0] =	vst v6;
	v6 =	vld [tilespmem:s22+$0xD0];
	_ =	sdelay $0x4  }
0x2f: {  	[tilespmem:$0x1F8D0] =	vst v6;
	v6 =	vld [tilespmem:s21+$0xD0];
	_ =	sdelay $0x4  }
0x30: {  	[tilespmem:$0x1F8E0] =	vst v6;
	v6 =	vld [tilespmem:s22+$0xE0];
	_ =	sdelay $0x4  }
0x31: {  	[tilespmem:$0x1F8F0] =	vst v6;
	v6 =	vld [tilespmem:s21+$0xE0];
	_ =	sdelay $0x4  }
0x32: {  	[tilespmem:$0x1F900] =	vst v6;
	v6 =	vld [tilespmem:s22+$0xF0];
	_ =	sdelay $0x4  }
0x33: {  	[tilespmem:$0x1F910] =	vst v6;
	v6 =	vld [tilespmem:s21+$0xF0];
	_ =	sdelay $0x4  }
0x34: {  	[tilespmem:$0x1F920] =	vst v6;
	v6 =	vld [tilespmem:s22+$0x80];
	_ =	sdelay $0x4  }
0x35: {  	[tilespmem:$0x1F930] =	vst v6;
	v6 =	vld [tilespmem:s21+$0x80];
	_ =	sdelay $0x4  }
0x36: {  	[tilespmem:$0x1F940] =	vst v6;
	v6 =	vld [tilespmem:s22+$0x90];
	_ =	sdelay $0x4  }
0x37: {  	[tilespmem:$0x1F950] =	vst v6;
	v6 =	vld [tilespmem:s21+$0x90];
	_ =	sdelay $0x4  }
0x38: {  	[tilespmem:$0x1F960] =	vst v6;
	v6 =	vld [tilespmem:s22+$0xA0];
	_ =	sdelay $0x4  }
0x39: {  	[tilespmem:$0x1F970] =	vst v6;
	v6 =	vld [tilespmem:s21+$0xA0];
	_ =	sdelay $0x2  }
0x3a: {  	v1 =	vld [tilespmem:s21+$0x140];
	_ =	sdelay $0x1  }
0x3b: {  	[tilespmem:$0x1F980] =	vst v6;
	v6 =	vld [tilespmem:s22+$0xB0];
	_ =	sdelay $0x2  }
0x3c: {  	[tilespmem:$0x1F7D0] =	vst v1;
	v1 =	vld [tilespmem:s22+$0x150];
	_ =	sdelay $0x1  }
0x3d: {  	[tilespmem:$0x1F990] =	vst v6;
	v6 =	vld [tilespmem:s21+$0xB0];
	_ =	sdelay $0x2  }
0x3e: {  	[tilespmem:$0x1F7E0] =	vst v1;
	v1 =	vld [tilespmem:s21+$0x150];
	_ =	sdelay $0x1  }
0x3f: {  	[tilespmem:$0x1F9A0] =	vst v6;
	v6 =	vld [tilespmem:s22+$0x40];
	_ =	sdelay $0x2  }
0x40: {  	[tilespmem:$0x1F7F0] =	vst v1;
	v1 =	vld [tilespmem:s22+$0x160];
	_ =	sdelay $0x1  }
0x41: {  	[tilespmem:$0x1F9B0] =	vst v6;
	v6 =	vld [tilespmem:s21+$0x40];
	_ =	sdelay $0x2  }
0x42: {  	[tilespmem:$0x1F800] =	vst v1;
	v1 =	vld [tilespmem:s21+$0x160];
	_ =	sdelay $0x1  }
0x43: {  	[tilespmem:$0x1F9C0] =	vst v6;
	v6 =	vld [tilespmem:s22+$0x50];
	_ =	sdelay $0x2  }
0x44: {  	[tilespmem:$0x1F810] =	vst v1;
	v1 =	vld [tilespmem:s22+$0x170];
	_ =	sdelay $0x1  }
0x45: {  	[tilespmem:$0x1F9D0] =	vst v6;
	v6 =	vld [tilespmem:s22+$0x60];
	_ =	sdelay $0x1  }
0x46: {  	v2 =	vld [tilespmem:s22+$0x1C0]  }
0x47: {  	[tilespmem:$0x1F820] =	vst v1;
	v1 =	vld [tilespmem:s21+$0x170]  }
0x48: {  	v3 =	vld [tilespmem:s21+$0x1C0]  }
0x49: {  	[tilespmem:$0x1F9E0] =	vst v6;
	v6 =	vld [tilespmem:s22+$0xFFFFFF10]  }
0x4a: {  	v32 =	vld [tilespmem:s22+$0x1A0]  }
0x4b: {  	v47 =	vld [tilespmem:s21+$0x1A0]  }
0x4c: {  	[tilespmem:$0x1F830] =	vst v1;
	v1 =	vld [tilespmem:s22+$0x100]  }
0x4d: {  	v51 =	vld [tilespmem:s22+$0x140]  }
0x4e: {  	[tilespmem:$0x1F9F0] =	vst v6;
	v6 =	vadd.f32 v3, v2;
	v2 =	vld [tilespmem:$0x1F7D0];
	_ =	sdelay $0x2  }
0x4f: {  	[tilespmem:$0x1F840] =	vst v1;
	v1 =	vld [tilespmem:s21+$0x100]  }
0x50: {  	v3 =	vld [tilespmem:$0x1F7F0]  }
0x51: {  	v32 =	vadd.f32 v47, v32;
	v47 =	vadd.f32 v2, v51;
	v2 =	vld [tilespmem:$0x1F7E0];
	_ =	sdelay $0x4  }
0x52: {  	[tilespmem:$0x1F850] =	vst v1;
	v1 =	vld [tilespmem:s22+$0x110];
	v2 =	vadd.f32 v3, v2  }
0x53: {  	v3 =	vld [tilespmem:$0x1F810]  }
0x54: {  	[tilespmem:$0x1FA00] =	vst v2;
	v2 =	vld [tilespmem:$0x1F800];
	_ =	sdelay $0x4  }
0x55: {  	[tilespmem:$0x1F860] =	vst v1;
	v1 =	vld [tilespmem:s21+$0x110];
	v2 =	vadd.f32 v3, v2  }
0x56: {  	v3 =	vld [tilespmem:$0x1F830]  }
0x57: {  	[tilespmem:$0x1FA10] =	vst v2;
	v2 =	vld [tilespmem:$0x1F820];
	_ =	sdelay $0x4  }
0x58: {  	[tilespmem:$0x1F870] =	vst v1;
	v1 =	vld [tilespmem:s22+$0x120];
	v2 =	vadd.f32 v3, v2  }
0x59: {  	v3 =	vld [tilespmem:$0x1F850]  }
0x5a: {  	[tilespmem:$0x1FA20] =	vst v2;
	v2 =	vld [tilespmem:$0x1F840];
	_ =	sdelay $0x4  }
0x5b: {  	[tilespmem:$0x1F880] =	vst v1;
	v1 =	vld [tilespmem:s21+$0x120];
	v2 =	vadd.f32 v3, v2  }
0x5c: {  	v3 =	vld [tilespmem:$0x1F870]  }
0x5d: {  	[tilespmem:$0x1FA30] =	vst v2;
	v2 =	vld [tilespmem:$0x1F860];
	_ =	sdelay $0x4  }
0x5e: {  	[tilespmem:$0x1F890] =	vst v1;
	v2 =	vadd.f32 v3, v2  }
0x5f: {  	v3 =	vld [tilespmem:$0x1F890]  }
0x60: {  	[tilespmem:$0x1FA40] =	vst v2;
	v2 =	vld [tilespmem:$0x1F880]  }
0x61: {  	v1 =	vld [tilespmem:s22+$0x130];
	_ =	sdelay $0x2  }
0x62: {  	v4 =	vld [tilespmem:s22+$0x1D0]  }
0x63: {  	v7 =	vld [tilespmem:s21+$0x1D0];
	v2 =	vadd.f32 v3, v2  }
0x64: {  	[tilespmem:$0x1F8A0] =	vst v1;
	v1 =	vld [tilespmem:s21+$0x130]  }
0x65: {  	[tilespmem:$0x1FA50] =	vst v2;
	v2 =	vld [tilespmem:$0x1F8A0]  }
0x66: {  	v5 =	vld [tilespmem:s22+$0x1E0]  }
0x67: {  	v10 =	vld [tilespmem:s21+$0x1E0]  }
0x68: {  	v11 =	vld [tilespmem:s22+$0x1F0]  }
0x69: {  	v14 =	vld [tilespmem:s21+$0x1F0]  }
0x6a: {  	v12 =	vld [tilespmem:s22+$0x180];
	v1 =	vadd.f32 v1, v2  }
0x6b: {  	v2 =	vld [tilespmem:$0x1F8C0]  }
0x6c: {  	[tilespmem:$0x1FA60] =	vst v1;
	v1 =	vld [tilespmem:$0x1F8B0]  }
0x6d: {  	v21 =	vld [tilespmem:s21+$0x180]  }
0x6e: {  	v23 =	vld [tilespmem:s22+$0x190]  }
0x6f: {  	v33 =	vld [tilespmem:s21+$0x190]  }
0x70: {  	v60 =	vld [tilespmem:s22+$0x10]  }
0x71: {  	v61 =	vld [tilespmem:s21+$0x10];
	v1 =	vadd.f32 v2, v1  }
0x72: {  	v2 =	vld [tilespmem:$0x1F8E0]  }
0x73: {  	[tilespmem:$0x1FA70] =	vst v1;
	v1 =	vld [tilespmem:$0x1F8D0]  }
0x74: {  	v62 =	vld [tilespmem:s22+$0x20]  }
0x75: {  	v63 =	vld [tilespmem:s21+$0x20]  }
0x76: {  	v17 =	vld [tilespmem:s22+$0xFFFFFFA0]  }
0x77: {  	v9 =	vld [tilespmem:s21+$0xFFFFFFA0]  }
0x78: {  	v46 =	vld [tilespmem:s22+$0xFFFFFFB0];
	v1 =	vadd.f32 v2, v1  }
0x79: {  	v2 =	vld [tilespmem:$0x1F900]  }
0x7a: {  	[tilespmem:$0x1FA80] =	vst v1;
	v1 =	vld [tilespmem:$0x1F8F0]  }
0x7b: {  	v35 =	vld [tilespmem:s21+$0xFFFFFFB0]  }
0x7c: {  	v36 =	vld [tilespmem:s22+$0xFFFFFF40]  }
0x7d: {  	v30 =	vld [tilespmem:s21+$0xFFFFFF40]  }
0x7e: {  	v34 =	vld [tilespmem:s22+$0xFFFFFF70]  }
0x7f: {  	v26 =	vld [tilespmem:s21+$0xFFFFFF70];
	v1 =	vadd.f32 v2, v1  }
0x80: {  	v9 =	vadd.f32 v9, v17;
	v17 =	vmov s2;
	v2 =	vld [tilespmem:$0x1F920]  }
0x81: {  	vm0 =	vlt.u32 v17, v0;
	v0 =	vadd.f32 v35, v46;
	[tilespmem:$0x1FA90] =	vst v1;
	v1 =	vld [tilespmem:$0x1F910]  }
0x82: {  	v48 =	vld [tilespmem:s22+$0xFFFFFF00]  }
0x83: {  	v41 =	vld [tilespmem:s21+$0xFFFFFF00];
	[tilespmem:$0x1FB70] =	vst v0;
	v0 =	vadd.f32 v30, v36  }
0x84: {  	v10 =	vadd.f32 v10, v5;
	v5 =	vld [tilespmem:s20+$0x0]  }
0x85: {  	v42 =	vld [tilespmem:s22+$0xFFFFFFC0];
	[tilespmem:$0x1FB80] =	vst v0;
	v0 =	vadd.f32 v26, v34  }
0x86: {  	v31 =	vld [tilespmem:s21+$0xFFFFFFC0];
	v1 =	vadd.f32 v2, v1  }
0x87: {  	[tilespmem:$0x1FB90] =	vst v0;
	v3 =	vld [tilespmem:$0x1F940]  }
0x88: {  	v61 =	vadd.f32 v61, v60;
	v0 =	vimm.s32 $0xE;
	[tilespmem:$0x1FAA0] =	vst v1;
	v1 =	vld [tilespmem:$0x1F930]  }
0x89: {  	v45 =	vld [tilespmem:s21+$0xFFFFFF10];
	v60 =	vadd.f32 v63, v62;
	v63 =	vperm.xlane v5, v0;
	v0 =	vadd.f32 v41, v48  }
0x8a: {  	v49 =	vld [tilespmem:s22+$0xFFFFFF20]  }
0x8b: {  	[tilespmem:$0x1FBA0] =	vst v0;
	v0 =	vld [tilespmem:$0x1F9F0]  }
0x8c: {  	v43 =	vadd.f32 v33, v23;
	v23 =	vld [tilespmem:s21+$0xFFFFFF20]  }
0x8d: {  	v33 =	vld [tilespmem:s22+$0xFFFFFF30];
	v1 =	vadd.f32 v3, v1  }
0x8e: {  	v3 =	vld [tilespmem:$0x1F960]  }
0x8f: {  	[tilespmem:$0x1FAB0] =	vst v1;
	v1 =	vld [tilespmem:$0x1F950]  }
0x90: {  	v21 =	vadd.f32 v21, v12;
	v12 =	vld [tilespmem:s21+$0xFFFFFF30];
	v0 =	vadd.f32 v45, v0  }
0x91: {  	v11 =	vadd.f32 v14, v11;
	v14 =	vld [tilespmem:s22+$0xFFFFFEC0]  }
0x92: {  	v8 =	vadd.f32 v7, v4;
	v7 =	vld [tilespmem:s21+$0xFFFFFEC0];
	v31 =	vadd.f32 v31, v42;
	[tilespmem:$0x1FBB0] =	vst v0;
	v0 =	vimm.s32 $0xD  }
0x93: {  	v42 =	vmul.f32 v21, v63;
	v21 =	vperm.xlane v5, v0;
	v0 =	vadd.f32 v23, v49  }
0x94: {  	v1 =	vadd.f32 v3, v1  }
0x95: {  	v51 =	vld [tilespmem:$0x1F980];
	[tilespmem:$0x1FBC0] =	vst v0;
	v0 =	vadd.f32 v12, v33  }
0x96: {  	[tilespmem:$0x1FAC0] =	vst v1;
	v1 =	vld [tilespmem:$0x1F970]  }
0x97: {  	v50 =	vld [tilespmem:s22+$0x1B0];
	[tilespmem:$0x1FBD0] =	vst v0;
	v0 =	vadd.f32 v7, v14  }
0x98: {  	v4 =	vld [tilespmem:s22+$0xFFFFFED0]  }
0x99: {  	[tilespmem:$0x1FBE0] =	vst v0;
	v0 =	vld [tilespmem:$0x1FA00]  }
0x9a: {  	v2 =	vld [tilespmem:s21+$0xFFFFFED0]  }
0x9b: {  	v54 =	vld [tilespmem:s21+$0x1B0];
	v1 =	vadd.f32 v51, v1  }
0x9c: {  	v51 =	vld [tilespmem:$0x1F9A0]  }
0x9d: {  	[tilespmem:$0x1FAD0] =	vst v1;
	v1 =	vld [tilespmem:$0x1F990]  }
0x9e: {  	v53 =	vld [tilespmem:s21+$0x50];
	v26 =	vmul.f32 v0, v21;
	v0 =	vimm.s32 $0xC  }
0x9f: {  	v56 =	vld [tilespmem:s22+$0x70];
	v41 =	vperm.xlane v5, v0;
	v0 =	vadd.f32 v2, v4  }
0xa0: {  	v50 =	vadd.f32 v54, v50;
	v54 =	vld [tilespmem:$0x1F9B0]  }
0xa1: {  	[tilespmem:$0x1FBF0] =	vst v0;
	v0 =	vld [tilespmem:$0x1FA10]  }
0xa2: {  	v1 =	vadd.f32 v51, v1;
	v51 =	vld [tilespmem:$0x1F9C0]  }
0xa3: {  	v57 =	vld [tilespmem:s21+$0x70]  }
0xa4: {  	v38 =	vld [tilespmem:s22+$0xFFFFFF50]  }
0xa5: {  	v22 =	vld [tilespmem:s21+$0xFFFFFF50]  }
0xa6: {  	v23 =	vmul.f32 v0, v21;
	v0 =	vld [tilespmem:$0x1FA20]  }
0xa7: {  	v3 =	vld [tilespmem:s22+$0xFFFFFEE0];
	v54 =	vadd.f32 v51, v54  }
0xa8: {  	[tilespmem:$0x1FAE0] =	vst v1;
	v1 =	vld [tilespmem:s21+$0xFFFFFEE0]  }
0xa9: {  	[tilespmem:$0x1FAF0] =	vst v54;
	v54 =	vld [tilespmem:$0x1F9D0];
	_ =	sdelay $0x2  }
0xaa: {  	v15 =	vld [tilespmem:s22+$0xFFFFFF90];
	v62 =	vadd.f32 v22, v38  }
0xab: {  	v13 =	vld [tilespmem:s21+$0xFFFFFF90];
	v38 =	vmul.f32 v50, v63;
	v50 =	vmul.f32 v0, v21;
	v0 =	vadd.f32 v1, v3  }
0xac: {  	v57 =	vadd.f32 v57, v56;
	v56 =	vld [tilespmem:s21+$0xFFFFFEF0];
	v53 =	vadd.f32 v53, v54  }
0xad: {  	[tilespmem:$0x1FC00] =	vst v0;
	v0 =	vld [tilespmem:$0x1FA30]  }
0xae: {  	[tilespmem:$0x1FB00] =	vst v53;
	v53 =	vld [tilespmem:s22+$0xFFFFFEF0];
	_ =	sdelay $0x1  }
0xaf: {  	v58 =	vld [tilespmem:s22+$0x0];
	v13 =	vadd.f32 v13, v15  }
0xb0: {  	v59 =	vld [tilespmem:s21+$0x0]  }
0xb1: {  	v44 =	vld [tilespmem:s22+$0x30];
	[tilespmem:$0x1FB50] =	vst v13;
	v13 =	vmul.f32 v0, v41;
	v0 =	vimm.s32 $0xB  }
0xb2: {  	v39 =	vld [tilespmem:s21+$0x30];
	v51 =	vperm.xlane v5, v0;
	v0 =	vadd.f32 v56, v53  }
0xb3: {  	v37 =	vld [tilespmem:s22+$0xFFFFFFD0]  }
0xb4: {  	[tilespmem:$0x1FC10] =	vst v0;
	v0 =	vld [tilespmem:$0x1FA40]  }
0xb5: {  	v27 =	vld [tilespmem:s21+$0xFFFFFFD0]  }
0xb6: {  	v40 =	vld [tilespmem:s22+$0xFFFFFFE0]  }
0xb7: {  	v58 =	vadd.f32 v59, v58;
	v59 =	vld [tilespmem:s22+$0xFFFFFE80]  }
0xb8: {  	v39 =	vadd.f32 v39, v44;
	v44 =	vld [tilespmem:s21+$0xFFFFFE80]  }
0xb9: {  	v56 =	vmul.f32 v0, v41;
	v0 =	vld [tilespmem:$0x1FA50]  }
0xba: {  	v29 =	vld [tilespmem:s21+$0xFFFFFFE0]  }
0xbb: {  	v25 =	vld [tilespmem:s22+$0xFFFFFFF0]  }
0xbc: {  	v16 =	vld [tilespmem:s21+$0xFFFFFFF0]  }
0xbd: {  	v28 =	vld [tilespmem:s22+$0xFFFFFF80]  }
0xbe: {  	v20 =	vld [tilespmem:s21+$0xFFFFFF80];
	v33 =	vmul.f32 v0, v41;
	v0 =	vadd.f32 v44, v59  }
0xbf: {  	v24 =	vld [tilespmem:s22+$0xFFFFFF60]  }
0xc0: {  	[tilespmem:$0x1FC20] =	vst v0;
	v0 =	vld [tilespmem:$0x1FA60]  }
0xc1: {  	v18 =	vld [tilespmem:s21+$0xFFFFFF60]  }
0xc2: {  	v27 =	vadd.f32 v27, v37;
	v37 =	vld [tilespmem:s22+$0xFFFFFE90]  }
0xc3: {  	v16 =	vadd.f32 v16, v25;
	v25 =	vld [tilespmem:s21+$0xFFFFFE90]  }
0xc4: {  	v15 =	vld [tilespmem:s22+$0xFFFFFEA0];
	[tilespmem:$0x1FB60] =	vst v9;
	v9 =	vimm.s32 $0xF  }
0xc5: {  	[tilespmem:$0x1FB30] =	vst v16;
	v16 =	vadd.f32 v20, v28;
	v20 =	vperm.xlane v5, v9;
	v48 =	vmul.f32 v0, v41;
	v0 =	vld [tilespmem:$0x1FA70]  }
0xc6: {  	v29 =	vadd.f32 v29, v40;
	v40 =	vld [tilespmem:s21+$0xFFFFFEA0]  }
0xc7: {  	[tilespmem:$0x1FB20] =	vst v27;
	v36 =	vld [tilespmem:s22+$0xFFFFFE40];
	v22 =	vmul.f32 v8, v20;
	v27 =	vmul.f32 v10, v20  }
0xc8: {  	[tilespmem:$0x1FB40] =	vst v16;
	v16 =	vmul.f32 v11, v20;
	v28 =	vmul.f32 v6, v20;
	v20 =	vld [tilespmem:s21+$0xFFFFFE40];
	_ =	sdelay $0x1  }
0xc9: {  	v41 =	vmul.f32 v0, v51;
	v0 =	vadd.f32 v25, v37;
	_ =	sdelay $0x1  }
0xca: {  	v1 =	vadd.f32 v40, v15;
	[tilespmem:$0x1FC30] =	vst v0;
	v0 =	vld [tilespmem:$0x1FA80]  }
0xcb: {  	v18 =	vadd.f32 v18, v24;
	v24 =	vld [tilespmem:s21+$0xFFFFFEB0];
	v2 =	vadd.f32 v20, v36  }
0xcc: {  	[tilespmem:$0x1FC40] =	vst v1;
	v1 =	vld [tilespmem:$0x1FA90]  }
0xcd: {  	[tilespmem:$0x1FC60] =	vst v2;
	v2 =	vld [tilespmem:$0x1FAC0]  }
0xce: {  	v35 =	vld [tilespmem:s22+$0xFFFFFEB0]  }
0xcf: {  	v46 =	vld [tilespmem:s21+$0xFFFFFE50];
	v37 =	vmul.f32 v0, v51;
	v0 =	vimm.s32 $0xA  }
0xd0: {  	v45 =	vld [tilespmem:s22+$0xFFFFFE50];
	v0 =	vperm.xlane v5, v0  }
0xd1: {  	v40 =	vmul.f32 v1, v51;
	v1 =	vld [tilespmem:$0x1FAA0]  }
0xd2: {  	v20 =	vmul.f32 v2, v0;
	v2 =	vld [tilespmem:$0x1FAD0];
	_ =	sdelay $0x3  }
0xd3: {  	v51 =	vmul.f32 v1, v51;
	v1 =	vadd.f32 v24, v35  }
0xd4: {  	v14 =	vmul.f32 v2, v0;
	v2 =	vadd.f32 v46, v45  }
0xd5: {  	[tilespmem:$0x1FC50] =	vst v1;
	v1 =	vld [tilespmem:$0x1FAB0]  }
0xd6: {  	[tilespmem:$0x1FC70] =	vst v2;
	v2 =	vld [tilespmem:$0x1FAE0];
	_ =	sdelay $0x2  }
0xd7: {  	v49 =	vld [tilespmem:s21+$0xFFFFFE60]  }
0xd8: {  	v34 =	vmul.f32 v47, v21;
	v47 =	vld [tilespmem:s22+$0xFFFFFE60]  }
0xd9: {  	v17 =	vmul.f32 v1, v0;
	v15 =	vmul.f32 v2, v0;
	v0 =	vld [tilespmem:$0x1FAF0];
	_ =	sdelay $0x1  }
0xda: {  	v1 =	vimm.s32 $0x9  }
0xdb: {  	v1 =	vperm.xlane v5, v1;
	_ =	sdelay $0x1  }
0xdc: {  	v46 =	vmul.f32 v0, v1;
	v0 =	vadd.f32 v49, v47  }
0xdd: {  	v52 =	vld [tilespmem:s21+$0x60]  }
0xde: {  	[tilespmem:$0x1FC80] =	vst v0;
	v0 =	vld [tilespmem:$0x1FB00]  }
0xdf: {  	v54 =	vld [tilespmem:$0x1F9E0];
	_ =	sdelay $0x1  }
0xe0: {  	v8 =	vld [tilespmem:s21+$0xFFFFFE00]  }
0xe1: {  	v43 =	vmul.f32 v43, v63;
	v32 =	vmul.f32 v32, v63;
	v63 =	vld [tilespmem:s22+$0xFFFFFE00]  }
0xe2: {  	v2 =	vld [tilespmem:s22+$0xFFFFFE30];
	v49 =	vmul.f32 v0, v1;
	v0 =	vimm.s32 $0x8  }
0xe3: {  	v54 =	vadd.f32 v52, v54;
	v52 =	vperm.xlane v5, v0;
	v0 =	vld [tilespmem:s21+$0xFFFFFE30];
	_ =	sdelay $0x1  }
0xe4: {  	v7 =	vld [tilespmem:s22+$0xFFFFFE10]  }
0xe5: {  	v4 =	vld [tilespmem:s21+$0xFFFFFE10];
	_ =	sdelay $0x1  }
0xe6: {  	v8 =	vadd.f32 v8, v63;
	v44 =	vadd.f32 v0, v2;
	v0 =	vld [tilespmem:$0x1FB20];
	_ =	sdelay $0x1  }
0xe7: {  	v55 =	vld [tilespmem:$0x14500];
	[tilespmem:$0x1FCA0] =	vst v8;
	v8 =	vimm.s32 $0x7  }
0xe8: {  	[tilespmem:$0x1FB10] =	vst v61;
	v61 =	vld [tilespmem:s21+$0xFFFFFE70];
	v4 =	vadd.f32 v4, v7;
	v35 =	vperm.xlane v5, v8  }
0xe9: {  	v21 =	vld [tilespmem:s22+$0xFFFFFE70]  }
0xea: {  	[tilespmem:$0x1FCC0] =	vst v4;
	v4 =	vld [tilespmem:$0x1FB10];
	v10 =	vmul.f32 v0, v35;
	v0 =	vimm.s32 $0x6  }
0xeb: {  	v45 =	vperm.xlane v5, v0;
	v0 =	vld [tilespmem:$0x1FB30];
	_ =	sdelay $0x1  }
0xec: {  	v19 =	vld [tilespmem:$0x14510]  }
0xed: {  	v9 =	vadd.f32 v61, v21;
	v11 =	vmul.f32 v57, v1;
	v57 =	vmul.f32 v58, v52  }
0xee: {  	v30 =	vmul.f32 v4, v52;
	v58 =	vmul.f32 v60, v52  }
0xef: {  	[tilespmem:$0x1FC90] =	vst v9;
	v9 =	vmul.f32 v39, v52;
	v52 =	vmul.f32 v0, v35;
	v0 =	vadd.f32 v28, v55;
	_ =	sdelay $0x1  }
0xf0: {  	[tilespmem:$0x1FD60] =	vst v0;
	v0 =	vadd.f32 v22, v19  }
0xf1: {  	v47 =	vld [tilespmem:$0x14520]  }
0xf2: {  	[tilespmem:$0x1FD70] =	vst v0;
	v0 =	vld [tilespmem:$0x1FB40];
	_ =	sdelay $0x1  }
0xf3: {  	v36 =	vld [tilespmem:$0x14530];
	_ =	sdelay $0x2  }
0xf4: {  	v22 =	vmul.f32 v0, v45;
	v0 =	vadd.f32 v27, v47;
	_ =	sdelay $0x1  }
0xf5: {  	[tilespmem:$0x1FD80] =	vst v0;
	v0 =	vadd.f32 v16, v36;
	_ =	sdelay $0x1  }
0xf6: {  	[tilespmem:$0x1FDB0] =	vst v0;
	v0 =	vld [tilespmem:$0x1FB50]  }
0xf7: {  	v54 =	vmul.f32 v54, v1;
	v1 =	vld [tilespmem:s19+$0x0];
	_ =	sdelay $0x3  }
0xf8: {  	v16 =	vmul.f32 v0, v45;
	v0 =	vadd.f32 v42, v55  }
0xf9: {  	v12 =	vadd.f32 v1, v5;
	v1 =	vld [tilespmem:$0x1FB70]  }
0xfa: {  	[tilespmem:$0x1FDA0] =	vst v0;
	v0 =	vadd.f32 v43, v19;
	_ =	sdelay $0x1  }
0xfb: {  	[tilespmem:$0x1FDD0] =	vst v0;
	v0 =	vld [tilespmem:$0x1FB60];
	_ =	sdelay $0x1  }
0xfc: {  	v39 =	vmul.f32 v1, v45;
	v1 =	vadd.f32 v34, v55;
	_ =	sdelay $0x1  }
0xfd: {  	[tilespmem:$0x1FE20] =	vst v1;
	v1 =	vadd.f32 v26, v19  }
0xfe: {  	v63 =	vmul.f32 v0, v45;
	v0 =	vadd.f32 v32, v47  }
0xff: {  	[tilespmem:$0x1FE30] =	vst v1  }
0x100: {  	v1 =	vld [tilespmem:$0x1FB80];
	[tilespmem:$0x1FDE0] =	vst v0;
	v0 =	vadd.f32 v38, v36;
	_ =	sdelay $0x1  }
0x101: {  	v6 =	vld [tilespmem:s22+$0xFFFFFE20];
	[tilespmem:$0x1FE00] =	vst v0;
	v0 =	vimm.s32 $0x5  }
0x102: {  	v3 =	vld [tilespmem:s21+$0xFFFFFE20];
	v0 =	vperm.xlane v5, v0  }
0x103: {  	v2 =	vld [tilespmem:$0x1FB90]  }
0x104: {  	v8 =	vmul.f32 v1, v0;
	v1 =	vadd.f32 v23, v47;
	_ =	sdelay $0x1  }
0x105: {  	[tilespmem:$0x1FE40] =	vst v1;
	v1 =	vadd.f32 v50, v36  }
0x106: {  	v3 =	vadd.f32 v3, v6;
	v7 =	vmul.f32 v62, v0  }
0x107: {  	v6 =	vmul.f32 v2, v0;
	[tilespmem:$0x1FE60] =	vst v1;
	v1 =	vadd.f32 v13, v55;
	v13 =	vmul.f32 v18, v0;
	v0 =	vld [tilespmem:$0x1FBA0];
	_ =	sdelay $0x1  }
0x108: {  	[tilespmem:$0x1FE80] =	vst v1;
	v1 =	vimm.s32 $0x4  }
0x109: {  	v1 =	vperm.xlane v5, v1;
	_ =	sdelay $0x1  }
0x10a: {  	v4 =	vmul.f32 v0, v1;
	v0 =	vld [tilespmem:$0x1FBB0];
	_ =	sdelay $0x4  }
0x10b: {  	v2 =	vmul.f32 v0, v1;
	v0 =	vld [tilespmem:$0x1FBC0]  }
0x10c: {  	v31 =	vmul.f32 v31, v35  }
0x10d: {  	v29 =	vmul.f32 v29, v35;
	v35 =	vadd.f32 v41, v55;
	v41 =	vadd.f32 v11, v36;
	v11 =	vld [tilespmem:$0x1FBF0]  }
0x10e: {  	v38 =	vadd.f32 v14, v47;
	v14 =	vld [tilespmem:$0x1FBE0];
	_ =	sdelay $0x1  }
0x10f: {  	[tilespmem:$0x1FCE0] =	vst v3;
	v3 =	vmul.f32 v0, v1;
	v0 =	vimm.s32 $0x3  }
0x110: {  	v0 =	vperm.xlane v5, v0;
	_ =	sdelay $0x1  }
0x111: {  	v42 =	vadd.f32 v20, v19;
	v20 =	vmul.f32 v14, v0;
	v14 =	vmul.f32 v11, v0;
	v11 =	vld [tilespmem:$0x1FC00];
	_ =	sdelay $0x4  }
0x112: {  	v50 =	vmul.f32 v11, v0;
	v11 =	vld [tilespmem:$0x1FC10];
	_ =	sdelay $0x1  }
0x113: {  	v43 =	vadd.f32 v17, v55;
	v17 =	vld [tilespmem:$0x1FBD0];
	_ =	sdelay $0x2  }
0x114: {  	v0 =	vmul.f32 v11, v0;
	v11 =	vld [tilespmem:$0x1FC30]  }
0x115: {  	v53 =	vadd.f32 v37, v19  }
0x116: {  	v37 =	vadd.f32 v9, v36;
	v9 =	vimm.s32 $0x2;
	v1 =	vmul.f32 v17, v1  }
0x117: {  	v9 =	vperm.xlane v5, v9  }
0x118: {  	v1 =	vadd.f32 v1, v36  }
0x119: {  	v62 =	vadd.f32 v56, v19;
	v56 =	vadd.f32 v29, v47;
	v29 =	vmul.f32 v11, v9;
	v11 =	vld [tilespmem:$0x1FC40]  }
0x11a: {  	[tilespmem:$0x1FF60] =	vst v1;
	v1 =	vadd.f32 v20, v55  }
0x11b: {  	v45 =	vadd.f32 v46, v55  }
0x11c: {  	v46 =	vadd.f32 v4, v55;
	v4 =	vld [tilespmem:$0x1FC80];
	[tilespmem:$0x1FF70] =	vst v1;
	v1 =	vadd.f32 v14, v19  }
0x11d: {  	v0 =	vadd.f32 v0, v36  }
0x11e: {  	v23 =	vadd.f32 v16, v19;
	[tilespmem:$0x1FF80] =	vst v1;
	v1 =	vld [tilespmem:$0x1FCA0];
	v16 =	vmul.f32 v11, v9;
	v11 =	vimm.s32 $0x1  }
0x11f: {  	v24 =	vadd.f32 v15, v36;
	v15 =	vadd.f32 v22, v55;
	[tilespmem:$0x1FCB0] =	vst v0;
	v0 =	vld [tilespmem:$0x1FCC0];
	v22 =	vperm.xlane v5, v11  }
0x120: {  	v61 =	vadd.f32 v63, v47;
	v63 =	vimm.s32 $0x0  }
0x121: {  	v59 =	vadd.f32 v58, v47;
	v58 =	vmul.f32 v4, v22;
	v4 =	vperm.xlane v5, v63;
	_ =	sdelay $0x1  }
0x122: {  	v20 =	vmul.f32 v1, v4;
	v1 =	vadd.f32 v50, v47  }
0x123: {  	v17 =	vadd.f32 v10, v19;
	v10 =	vld [tilespmem:$0x1FC20];
	v0 =	vmul.f32 v0, v4  }
0x124: {  	[tilespmem:$0x1FFA0] =	vst v1;
	v1 =	vadd.f32 v29, v19  }
0x125: {  	v27 =	vadd.f32 v57, v55;
	v57 =	vadd.f32 v0, v19;
	v0 =	vld [tilespmem:$0x1FD60]  }
0x126: {  	[tilespmem:$0x1FCD0] =	vst v1;
	v1 =	vld [tilespmem:$0x1FCE0];
	_ =	sdelay $0x1  }
0x127: {  	v10 =	vmul.f32 v10, v9;
	_ =	sdelay $0x1  }
0x128: {  	v18 =	vadd.f32 v10, v55  }
0x129: {  	v14 =	vmul.f32 v44, v4;
	v10 =	vmul.f32 v1, v4;
	v4 =	vmax.f32 v0, $0.0e+00;
	v0 =	vld [tilespmem:$0x1FD70];
	_ =	sdelay $0x4  }
0x12a: {  	v50 =	vmax.f32 v0, $0.0e+00;
	v0 =	vld [tilespmem:$0x1FD80];
	_ =	sdelay $0x1  }
0x12b: {  	v60 =	vadd.f32 v48, v36  }
0x12c: {  	v48 =	vadd.f32 v40, v47;
	v40 =	vadd.f32 v6, v36;
	v6 =	vld [tilespmem:$0x1FC70]  }
0x12d: {  	v11 =	vld [tilespmem:$0x1FC50]  }
0x12e: {  	v0 =	vmax.f32 v0, $0.0e+00  }
0x12f: {  	[tilespmem:$0x1FD90] =	vst v0;
	v0 =	vld [tilespmem:$0x1FDA0];
	_ =	sdelay $0x2  }
0x130: {  	v6 =	vmul.f32 v6, v22;
	v9 =	vmul.f32 v11, v9;
	v1 =	vadd.f32 v16, v47;
	_ =	sdelay $0x1  }
0x131: {  	[tilespmem:$0x1FCF0] =	vst v1;
	v1 =	vadd.f32 v9, v36;
	v9 =	vadd.f32 v6, v19;
	v6 =	vmax.f32 v0, $0.0e+00;
	v0 =	vld [tilespmem:$0x1FDB0];
	_ =	sdelay $0x4  }
0x132: {  	v0 =	vmax.f32 v0, $0.0e+00  }
0x133: {  	[tilespmem:$0x1FDC0] =	vst v0;
	v0 =	vld [tilespmem:$0x1FDD0];
	_ =	sdelay $0x4  }
0x134: {  	v25 =	vadd.f32 v54, v47;
	v54 =	vadd.f32 v52, v36;
	v52 =	vmax.f32 v0, $0.0e+00;
	v0 =	vld [tilespmem:$0x1FDE0];
	_ =	sdelay $0x4  }
0x135: {  	v0 =	vmax.f32 v0, $0.0e+00  }
0x136: {  	[tilespmem:$0x1FDF0] =	vst v0;
	v0 =	vld [tilespmem:$0x1FE00];
	_ =	sdelay $0x4  }
0x137: {  	v3 =	vadd.f32 v3, v47;
	v0 =	vmax.f32 v0, $0.0e+00  }
0x138: {  	[tilespmem:$0x1FE10] =	vst v0;
	v0 =	vld [tilespmem:$0x1FE20]  }
0x139: {  	v51 =	vadd.f32 v51, v36;
	[tilespmem:$0x1FF50] =	vst v3;
	v3 =	vmax.f32 v60, $0.0e+00  }
0x13a: {  	[tilespmem:$0x1FEA0] =	vst v3;
	v3 =	vmax.f32 v48, $0.0e+00  }
0x13b: {  	v34 =	vadd.f32 v7, v19;
	v7 =	vld [tilespmem:$0x1FC60];
	[tilespmem:$0x1FEB0] =	vst v3;
	v3 =	vmax.f32 v51, $0.0e+00  }
0x13c: {  	[tilespmem:$0x1FEC0] =	vst v3;
	v3 =	vmax.f32 v38, $0.0e+00;
	v11 =	vld [tilespmem:$0x1FC90]  }
0x13d: {  	v31 =	vadd.f32 v31, v55;
	[tilespmem:$0x1FED0] =	vst v3;
	v3 =	vmax.f32 v24, $0.0e+00;
	v44 =	vmax.f32 v0, $0.0e+00;
	v0 =	vld [tilespmem:$0x1FE30]  }
0x13e: {  	v21 =	vadd.f32 v33, v47;
	v49 =	vadd.f32 v49, v19;
	[tilespmem:$0x1FEE0] =	vst v3;
	v3 =	vmax.f32 v25, $0.0e+00  }
0x13f: {  	v26 =	vadd.f32 v39, v36;
	v28 =	vadd.f32 v30, v19;
	[tilespmem:$0x1FEF0] =	vst v3;
	v3 =	vmax.f32 v41, $0.0e+00  }
0x140: {  	v30 =	vadd.f32 v8, v55;
	v2 =	vadd.f32 v2, v19;
	[tilespmem:$0x1FF00] =	vst v3;
	v3 =	vmax.f32 v59, $0.0e+00  }
0x141: {  	[tilespmem:$0x1FF10] =	vst v3;
	v3 =	vmax.f32 v37, $0.0e+00;
	v8 =	vmul.f32 v7, v22;
	v22 =	vmul.f32 v11, v22  }
0x142: {  	v39 =	vmax.f32 v23, $0.0e+00;
	[tilespmem:$0x1FF20] =	vst v3;
	v11 =	vadd.f32 v58, v47;
	v58 =	vmax.f32 v0, $0.0e+00;
	v0 =	vld [tilespmem:$0x1FE40]  }
0x143: {  	v48 =	vmax.f32 v2, $0.0e+00;
	v3 =	vmax.f32 v56, $0.0e+00;
	[tilespmem:$0x1FD00] =	vst v1;
	v1 =	vadd.f32 v22, v36  }
0x144: {  	v2 =	vimm.s32 $0x3;
	v38 =	vmax.f32 v49, $0.0e+00;
	v24 =	vmax.f32 v45, $0.0e+00;
	[tilespmem:$0x1FF30] =	vst v3  }
0x145: {  	v3 =	vmax.f32 v54, $0.0e+00;
	v5 =	vmul.f32 v12, v5;
	[tilespmem:$0x1FD10] =	vst v1;
	v1 =	vimm.f32 $0.0e+00  }
0x146: {  	[tilespmem:$0x1FF40] =	vst v3;
	v3 =	vimm.s32 $0xF;
	v7 =	vadd.f32 v13, v47;
	v16 =	vsel vm0, $0x3F800000, v1  }
0x147: {  	v33 =	vadd.f32 v14, v36;
	v32 =	vmul.f32 v5, v16;
	v0 =	vmax.f32 v0, $0.0e+00  }
0x148: {  	v29 =	vmax.f32 v17, $0.0e+00;
	v22 =	vadd.f32 v20, v55;
	v20 =	vmax.f32 v61, $0.0e+00;
	[tilespmem:$0x1FE50] =	vst v0;
	v0 =	vld [tilespmem:$0x1FE60]  }
0x149: {  	[tilespmem:$0x1FD30] =	vst v19;
	v16 =	vadd.f32 v10, v47;
	v54 =	vperm.xlane v32, v3;
	v3 =	vimm.s32 $0xE  }
0x14a: {  	[tilespmem:$0x1FD50] =	vst v36;
	v36 =	vperm.xlane v32, v2;
	v19 =	vperm.xlane v32, v3;
	v3 =	vimm.s32 $0xD  }
0x14b: {  	v2 =	vimm.s32 $0x1;
	v17 =	vperm.xlane v32, v3;
	v3 =	vimm.s32 $0xC  }
0x14c: {  	[tilespmem:$0x1FD40] =	vst v47;
	v47 =	vperm.xlane v32, v2;
	v2 =	vld [tilespmem:$0x1FF50];
	v61 =	vperm.xlane v32, v3;
	v3 =	vimm.s32 $0xB  }
0x14d: {  	v41 =	vperm.xlane v32, v3;
	v3 =	vimm.s32 $0xA;
	v0 =	vmax.f32 v0, $0.0e+00  }
0x14e: {  	v13 =	vadd.f32 v8, v55;
	v45 =	vperm.xlane v32, v3;
	v3 =	vimm.s32 $0x9;
	[tilespmem:$0x1FE70] =	vst v0;
	v0 =	vld [tilespmem:$0x1FE80]  }
0x14f: {  	[tilespmem:$0x1FD20] =	vst v55;
	v55 =	vmax.f32 v43, $0.0e+00;
	v51 =	vperm.xlane v32, v3;
	v3 =	vimm.s32 $0x8  }
0x150: {  	v43 =	vmax.f32 v34, $0.0e+00;
	v60 =	vperm.xlane v32, v3;
	v3 =	vimm.s32 $0x7  }
0x151: {  	v34 =	vmax.f32 v2, $0.0e+00;
	v2 =	vld [tilespmem:$0x1FF60];
	v5 =	vperm.xlane v32, v3;
	v3 =	vimm.s32 $0x6  }
0x152: {  	v37 =	vmax.f32 v15, $0.0e+00;
	v49 =	vperm.xlane v32, v63;
	v15 =	vperm.xlane v32, v3  }
0x153: {  	v3 =	vimm.s32 $0x4;
	v1 =	vmax.f32 v0, $0.0e+00;
	v0 =	vmax.f32 v21, $0.0e+00  }
0x154: {  	v21 =	vmax.f32 v26, $0.0e+00;
	v26 =	vperm.xlane v32, v3;
	v3 =	vimm.s32 $0x5  }
0x155: {  	[tilespmem:$0x1FE90] =	vst v0;
	v0 =	vmax.f32 v35, $0.0e+00;
	v23 =	vperm.xlane v32, v3;
	v3 =	vimm.s32 $0x2  }
0x156: {  	v35 =	vmax.f32 v40, $0.0e+00;
	v40 =	vperm.xlane v32, v3;
	v32 =	vmax.f32 v2, $0.0e+00;
	v2 =	vld [tilespmem:$0x1FF70];
	_ =	sdelay $0x4  }
0x157: {  	v14 =	vmax.f32 v53, $0.0e+00;
	v53 =	vmul.f32 v50, v54;
	v50 =	vmax.f32 v2, $0.0e+00;
	v2 =	vld [tilespmem:$0x1FF80];
	_ =	sdelay $0x4  }
0x158: {  	v56 =	vmul.f32 v52, v19;
	v52 =	vmax.f32 v2, $0.0e+00;
	v2 =	vmul.f32 v44, v17;
	_ =	sdelay $0x1  }
0x159: {  	v31 =	vmax.f32 v31, $0.0e+00;
	v28 =	vmax.f32 v28, $0.0e+00;
	v1 =	vmul.f32 v1, v61;
	[tilespmem:$0x1FF90] =	vst v2;
	v2 =	vld [tilespmem:$0x1FFA0]  }
0x15a: {  	v27 =	vmax.f32 v27, $0.0e+00;
	v46 =	vmax.f32 v46, $0.0e+00;
	v12 =	vmax.f32 v42, $0.0e+00  }
0x15b: {  	v42 =	vmax.f32 v30, $0.0e+00;
	v30 =	vimm.f32 $0.0e+00;
	[tilespmem:$0x1FFB0] =	vst v1;
	v1 =	vimm.f32 $0.0e+00  }
0x15c: {  	v8 =	vmax.f32 v62, $0.0e+00;
	v59 =	vmax.f32 v7, $0.0e+00;
	[tilespmem:$0x1FFC0] =	vst v1;
	v1 =	vimm.f32 $0.0e+00  }
0x15d: {  	v63 =	vmul.f32 v4, v54;
	v62 =	vmul.f32 v6, v19;
	[tilespmem:$0x1FFD0] =	vst v1;
	v1 =	vimm.f32 $0.0e+00  }
0x15e: {  	s23 =	simm.s32 $0x10;
	s22 =	simm.s32 $0x600;
	v25 =	vmul.f32 v58, v17;
	v58 =	vmul.f32 v8, v61;
	[tilespmem:$0x1FFE0] =	vst v1;
	v44 =	vmax.f32 v2, $0.0e+00  }
.LBB2_2:
0x15f: {  	v0 =	vmul.f32 v0, v41  }
0x160: {  	s21 =	sadd.s32 $0x400, s21  }
0x161: {  	[tilespmem:$0x1F150] =	vst v0;
	v0 =	vld [tilespmem:s21+$0x1C0];
	_ =	sdelay $0x4  }
0x162: {  	[tilespmem:$0x1F1B0] =	vst v0;
	v0 =	vld [tilespmem:s22+$0x1D0];
	_ =	sdelay $0x4  }
0x163: {  	[tilespmem:$0x1F1C0] =	vst v0;
	v0 =	vld [tilespmem:$0x1FCD0];
	_ =	sdelay $0x4  }
0x164: {  	[tilespmem:$0x1F180] =	vst v56;
	v56 =	vmax.f32 v0, $0.0e+00;
	v0 =	vld [tilespmem:s21+$0x1D0];
	_ =	sdelay $0x4  }
0x165: {  	[tilespmem:$0x1F1D0] =	vst v0;
	v0 =	vld [tilespmem:$0x1FCF0];
	_ =	sdelay $0x3  }
0x166: {  	v1 =	vld [tilespmem:s22+$0x1C0]  }
0x167: {  	v2 =	vmul.f32 v24, v51;
	v24 =	vmax.f32 v0, $0.0e+00;
	v0 =	vld [tilespmem:s22+$0x1E0];
	_ =	sdelay $0x3  }
0x168: {  	[tilespmem:$0x1F1A0] =	vst v1;
	v1 =	vld [tilespmem:$0x1FCB0]  }
0x169: {  	[tilespmem:$0x1F1E0] =	vst v0;
	v0 =	vld [tilespmem:$0x1FD00];
	_ =	sdelay $0x4  }
0x16a: {  	[tilespmem:$0x1F190] =	vst v53;
	v53 =	vmax.f32 v1, $0.0e+00;
	v1 =	vmax.f32 v0, $0.0e+00;
	v0 =	vld [tilespmem:s21+$0x1E0];
	_ =	sdelay $0x4  }
0x16b: {  	[tilespmem:$0x1F1F0] =	vst v0;
	v0 =	vld [tilespmem:s22+$0x1F0];
	_ =	sdelay $0x4  }
0x16c: {  	[tilespmem:$0x1F200] =	vst v0;
	v0 =	vld [tilespmem:s21+$0x180];
	_ =	sdelay $0x4  }
0x16d: {  	[tilespmem:$0x1F210] =	vst v0;
	v0 =	vld [tilespmem:s22+$0x190];
	_ =	sdelay $0x4  }
0x16e: {  	[tilespmem:$0x1F220] =	vst v0;
	v0 =	vld [tilespmem:s21+$0x190];
	_ =	sdelay $0x4  }
0x16f: {  	[tilespmem:$0x1F230] =	vst v0;
	v0 =	vld [tilespmem:$0x1FD10];
	_ =	sdelay $0x4  }
0x170: {  	v6 =	vmax.f32 v0, $0.0e+00;
	v0 =	vld [tilespmem:$0x1FFC0]  }
0x171: {  	v4 =	vmul.f32 v27, v60;
	v27 =	vmul.f32 v28, v60;
	v13 =	vmax.f32 v13, $0.0e+00  }
0x172: {  	v22 =	vmax.f32 v22, $0.0e+00;
	v28 =	vmul.f32 v29, v5;
	v29 =	vmul.f32 v37, v15  }
0x173: {  	v37 =	vmax.f32 v57, $0.0e+00;
	v57 =	vmul.f32 v13, v47;
	v13 =	vmul.f32 v22, v49;
	_ =	sdelay $0x1  }
0x174: {  	v22 =	vmul.f32 v37, v49;
	v37 =	vadd.f32 v13, v0;
	v0 =	vld [tilespmem:$0x1FFD0];
	_ =	sdelay $0x4  }
0x175: {  	v22 =	vadd.f32 v22, v0;
	v0 =	vld [tilespmem:$0x1FFE0]  }
0x176: {  	v7 =	vmul.f32 v55, v45;
	v55 =	vmul.f32 v12, v45  }
0x177: {  	v12 =	vmul.f32 v38, v51;
	v9 =	vmax.f32 v9, $0.0e+00;
	v16 =	vmax.f32 v16, $0.0e+00  }
0x178: {  	v8 =	vmax.f32 v11, $0.0e+00;
	[tilespmem:$0x1F170] =	vst v62;
	v62 =	vmul.f32 v14, v41;
	v16 =	vmul.f32 v16, v49  }
0x179: {  	v14 =	vmovc v54;
	v54 =	vmax.f32 v18, $0.0e+00;
	v9 =	vmul.f32 v9, v47;
	v8 =	vmul.f32 v8, v47  }
0x17a: {  	v54 =	vmul.f32 v54, v40;
	v57 =	vadd.f32 v57, v37;
	v0 =	vadd.f32 v16, v0  }
0x17b: {  	v50 =	vmul.f32 v50, v36;
	v38 =	vmul.f32 v31, v5;
	v9 =	vadd.f32 v9, v22  }
0x17c: {  	v22 =	vmul.f32 v24, v40;
	v0 =	vadd.f32 v8, v0;
	v8 =	vadd.f32 v54, v57  }
0x17d: {  	v10 =	vmax.f32 v33, $0.0e+00;
	v31 =	vmul.f32 v39, v15;
	v46 =	vmul.f32 v46, v26  }
0x17e: {  	v24 =	vmul.f32 v44, v36;
	v0 =	vadd.f32 v22, v0;
	v8 =	vadd.f32 v50, v8  }
0x17f: {  	v3 =	vld [tilespmem:$0x1FF30];
	[tilespmem:$0x1F160] =	vst v25;
	v25 =	vmov v58;
	v58 =	vmul.f32 v42, v23;
	v39 =	vmul.f32 v10, v49  }
0x180: {  	v34 =	vmul.f32 v34, v26;
	v0 =	vadd.f32 v24, v0;
	v8 =	vadd.f32 v46, v8  }
0x181: {  	v18 =	vadd.f32 v39, v30;
	v56 =	vmul.f32 v56, v40;
	v6 =	vmul.f32 v6, v47  }
0x182: {  	v24 =	vmul.f32 v59, v23;
	v0 =	vadd.f32 v34, v0;
	v8 =	vadd.f32 v58, v8  }
0x183: {  	v52 =	vmul.f32 v52, v36;
	v6 =	vadd.f32 v6, v18;
	v18 =	vadd.f32 v56, v9  }
0x184: {  	v0 =	vadd.f32 v24, v0;
	v24 =	vadd.f32 v29, v8;
	v29 =	vmul.f32 v3, v5;
	v3 =	vld [tilespmem:$0x1FF40];
	_ =	sdelay $0x1  }
0x185: {  	v48 =	vmul.f32 v48, v26;
	v18 =	vadd.f32 v52, v18  }
0x186: {  	v1 =	vmul.f32 v1, v40  }
0x187: {  	v42 =	vmov v63;
	v63 =	vmul.f32 v43, v23;
	v18 =	vadd.f32 v48, v18  }
0x188: {  	v1 =	vadd.f32 v1, v6;
	v6 =	vmul.f32 v53, v36;
	v5 =	vmul.f32 v3, v5;
	v3 =	vld [tilespmem:$0x1FF10]  }
0x189: {  	v18 =	vadd.f32 v63, v18  }
0x18a: {  	v1 =	vadd.f32 v6, v1;
	v6 =	vmul.f32 v32, v26  }
0x18b: {  	v18 =	vadd.f32 v31, v18  }
0x18c: {  	v1 =	vadd.f32 v6, v1;
	v6 =	vmul.f32 v35, v23  }
0x18d: {  	v18 =	vadd.f32 v28, v18;
	v28 =	vmul.f32 v3, v60;
	v3 =	vld [tilespmem:$0x1FF20]  }
0x18e: {  	v1 =	vadd.f32 v6, v1;
	v6 =	vmul.f32 v21, v15;
	_ =	sdelay $0x1  }
0x18f: {  	v1 =	vadd.f32 v6, v1;
	_ =	sdelay $0x1  }
0x190: {  	v1 =	vadd.f32 v5, v1;
	v5 =	vmul.f32 v3, v60;
	v3 =	vld [tilespmem:$0x1FEF0];
	_ =	sdelay $0x2  }
0x191: {  	v6 =	vadd.f32 v38, v24;
	_ =	sdelay $0x1  }
0x192: {  	v4 =	vadd.f32 v4, v6;
	v6 =	vadd.f32 v27, v18;
	v18 =	vmul.f32 v3, v51;
	v3 =	vld [tilespmem:$0x1FF00];
	_ =	sdelay $0x4  }
0x193: {  	v1 =	vadd.f32 v5, v1;
	v5 =	vmul.f32 v3, v51;
	v3 =	vadd.f32 v2, v4;
	v2 =	vld [tilespmem:$0x1FED0];
	_ =	sdelay $0x4  }
0x194: {  	v4 =	vadd.f32 v12, v6;
	v6 =	vmul.f32 v2, v45;
	v2 =	vld [tilespmem:$0x1FEE0];
	_ =	sdelay $0x4  }
0x195: {  	v1 =	vadd.f32 v5, v1;
	v5 =	vmul.f32 v2, v45;
	v2 =	vld [tilespmem:$0x1FEB0];
	_ =	sdelay $0x1  }
0x196: {  	v26 =	vmul.f32 v20, v15;
	_ =	sdelay $0x1  }
0x197: {  	v0 =	vadd.f32 v26, v0  }
0x198: {  	v3 =	vadd.f32 v7, v3;
	v7 =	vmul.f32 v2, v41;
	v2 =	vld [tilespmem:$0x1FEC0]  }
0x199: {  	v0 =	vadd.f32 v29, v0;
	_ =	sdelay $0x1  }
0x19a: {  	v0 =	vadd.f32 v28, v0;
	_ =	sdelay $0x1  }
0x19b: {  	v0 =	vadd.f32 v18, v0;
	v1 =	vadd.f32 v5, v1;
	v5 =	vmul.f32 v2, v41;
	v2 =	vld [tilespmem:$0x1F150];
	_ =	sdelay $0x1  }
0x19c: {  	v0 =	vadd.f32 v6, v0;
	v6 =	vld [tilespmem:$0x1FFB0];
	_ =	sdelay $0x1  }
0x19d: {  	v4 =	vadd.f32 v55, v4  }
0x19e: {  	v2 =	vadd.f32 v2, v3  }
0x19f: {  	v3 =	vadd.f32 v62, v4;
	v4 =	vld [tilespmem:$0x1FE90]  }
0x1a0: {  	v2 =	vadd.f32 v6, v2;
	v6 =	vld [tilespmem:$0x1FE50]  }
0x1a1: {  	v1 =	vadd.f32 v5, v1;
	v5 =	vld [tilespmem:$0x1FEA0];
	_ =	sdelay $0x3  }
0x1a2: {  	v0 =	vadd.f32 v7, v0;
	v4 =	vmul.f32 v4, v61;
	v7 =	vmul.f32 v6, v17;
	v6 =	vld [tilespmem:s22+$0x80]  }
0x1a3: {  	v5 =	vmul.f32 v5, v61  }
0x1a4: {  	v0 =	vadd.f32 v4, v0;
	v4 =	vld [tilespmem:$0x1FE70]  }
0x1a5: {  	v1 =	vadd.f32 v5, v1;
	v5 =	vld [tilespmem:$0x1FF90];
	_ =	sdelay $0x1  }
0x1a6: {  	[tilespmem:$0x1F240] =	vst v6;
	v6 =	vld [tilespmem:$0x1F170];
	_ =	sdelay $0x1  }
0x1a7: {  	v4 =	vmul.f32 v4, v17  }
0x1a8: {  	v2 =	vadd.f32 v5, v2;
	v5 =	vld [tilespmem:$0x1F160]  }
0x1a9: {  	v1 =	vadd.f32 v4, v1;
	v4 =	vld [tilespmem:$0x1FE10]  }
0x1aa: {  	v2 =	vadd.f32 v6, v2;
	v6 =	vld [tilespmem:$0x1F180]  }
0x1ab: {  	v3 =	vadd.f32 v25, v3;
	_ =	sdelay $0x1  }
0x1ac: {  	v3 =	vadd.f32 v5, v3;
	v5 =	vld [tilespmem:$0x1FDF0];
	_ =	sdelay $0x1  }
0x1ad: {  	v4 =	vmul.f32 v4, v19;
	v3 =	vadd.f32 v6, v3;
	v6 =	vld [tilespmem:$0x1FD90];
	_ =	sdelay $0x1  }
0x1ae: {  	v1 =	vadd.f32 v4, v1;
	v4 =	vld [tilespmem:$0x1FDC0]  }
0x1af: {  	v0 =	vadd.f32 v7, v0;
	v5 =	vmul.f32 v5, v19;
	_ =	sdelay $0x1  }
0x1b0: {  	v0 =	vadd.f32 v5, v0;
	v18 =	vmul.f32 v6, v14;
	_ =	sdelay $0x1  }
0x1b1: {  	v4 =	vmul.f32 v4, v14;
	v0 =	vadd.f32 v18, v0;
	_ =	sdelay $0x1  }
0x1b2: {  	[tilespmem:$0x1FFE0] =	vst v0;
	v0 =	vadd.f32 v4, v1;
	_ =	sdelay $0x1  }
0x1b3: {  	[tilespmem:$0x1F7C0] =	vst v0;
	v0 =	vld [tilespmem:s21+$0xA0];
	_ =	sdelay $0x4  }
0x1b4: {  	[tilespmem:$0x1F250] =	vst v0;
	v0 =	vld [tilespmem:s22+$0xB0];
	_ =	sdelay $0x4  }
0x1b5: {  	[tilespmem:$0x1F260] =	vst v0;
	v0 =	vld [tilespmem:s21+$0xB0];
	_ =	sdelay $0x4  }
0x1b6: {  	[tilespmem:$0x1F270] =	vst v0;
	v0 =	vld [tilespmem:s22+$0x40];
	_ =	sdelay $0x4  }
0x1b7: {  	[tilespmem:$0x1F280] =	vst v0;
	v0 =	vld [tilespmem:s21+$0x40];
	_ =	sdelay $0x4  }
0x1b8: {  	[tilespmem:$0x1F290] =	vst v0;
	v0 =	vld [tilespmem:s22+$0x50];
	_ =	sdelay $0x4  }
0x1b9: {  	[tilespmem:$0x1F2A0] =	vst v0;
	v0 =	vld [tilespmem:s21+$0x50];
	_ =	sdelay $0x4  }
0x1ba: {  	[tilespmem:$0x1F2B0] =	vst v0;
	v0 =	vld [tilespmem:s22+$0x60];
	_ =	sdelay $0x4  }
0x1bb: {  	[tilespmem:$0x1F2C0] =	vst v0;
	v0 =	vld [tilespmem:s21+$0x60];
	_ =	sdelay $0x4  }
0x1bc: {  	[tilespmem:$0x1F2D0] =	vst v0;
	v0 =	vld [tilespmem:s22+$0x70];
	_ =	sdelay $0x4  }
0x1bd: {  	[tilespmem:$0x1F2E0] =	vst v0;
	v0 =	vld [tilespmem:s21+$0x70];
	_ =	sdelay $0x4  }
0x1be: {  	[tilespmem:$0x1F2F0] =	vst v0;
	v0 =	vld [tilespmem:s22+$0x0];
	_ =	sdelay $0x4  }
0x1bf: {  	[tilespmem:$0x1F300] =	vst v0;
	v0 =	vld [tilespmem:s21+$0x0];
	_ =	sdelay $0x4  }
0x1c0: {  	[tilespmem:$0x1F310] =	vst v0;
	v0 =	vld [tilespmem:s22+$0x10];
	_ =	sdelay $0x4  }
0x1c1: {  	[tilespmem:$0x1F320] =	vst v0;
	v0 =	vld [tilespmem:s21+$0x10];
	_ =	sdelay $0x4  }
0x1c2: {  	[tilespmem:$0x1F330] =	vst v0;
	v0 =	vld [tilespmem:s22+$0x20];
	_ =	sdelay $0x4  }
0x1c3: {  	[tilespmem:$0x1F340] =	vst v0;
	v0 =	vld [tilespmem:s21+$0x20];
	_ =	sdelay $0x4  }
0x1c4: {  	[tilespmem:$0x1F350] =	vst v0;
	v0 =	vld [tilespmem:s22+$0x30];
	_ =	sdelay $0x4  }
0x1c5: {  	[tilespmem:$0x1F360] =	vst v0;
	v0 =	vld [tilespmem:s21+$0x30];
	_ =	sdelay $0x4  }
0x1c6: {  	[tilespmem:$0x1F370] =	vst v0;
	v0 =	vld [tilespmem:s22+$0xFFFFFFC0];
	_ =	sdelay $0x4  }
0x1c7: {  	[tilespmem:$0x1F380] =	vst v0;
	v0 =	vld [tilespmem:s21+$0xFFFFFFC0];
	_ =	sdelay $0x4  }
0x1c8: {  	[tilespmem:$0x1F390] =	vst v0;
	v0 =	vld [tilespmem:s22+$0xFFFFFFD0];
	_ =	sdelay $0x4  }
0x1c9: {  	[tilespmem:$0x1F3A0] =	vst v0;
	v0 =	vld [tilespmem:s21+$0xFFFFFFD0];
	_ =	sdelay $0x4  }
0x1ca: {  	[tilespmem:$0x1F3B0] =	vst v0;
	v0 =	vld [tilespmem:s22+$0xFFFFFFE0];
	_ =	sdelay $0x4  }
0x1cb: {  	[tilespmem:$0x1F3C0] =	vst v0;
	v0 =	vld [tilespmem:s21+$0xFFFFFFE0];
	_ =	sdelay $0x4  }
0x1cc: {  	[tilespmem:$0x1F3D0] =	vst v0;
	v0 =	vld [tilespmem:s22+$0xFFFFFFF0];
	_ =	sdelay $0x4  }
0x1cd: {  	[tilespmem:$0x1F3E0] =	vst v0;
	v0 =	vld [tilespmem:s21+$0xFFFFFFF0];
	_ =	sdelay $0x4  }
0x1ce: {  	[tilespmem:$0x1F3F0] =	vst v0;
	v0 =	vld [tilespmem:s22+$0xFFFFFF80];
	_ =	sdelay $0x4  }
0x1cf: {  	[tilespmem:$0x1F400] =	vst v0;
	v0 =	vld [tilespmem:s21+$0xFFFFFF80];
	_ =	sdelay $0x4  }
0x1d0: {  	[tilespmem:$0x1F410] =	vst v0;
	v0 =	vld [tilespmem:s22+$0xFFFFFF90];
	_ =	sdelay $0x4  }
0x1d1: {  	[tilespmem:$0x1F420] =	vst v0;
	v0 =	vld [tilespmem:s22+$0xFFFFFFA0];
	_ =	sdelay $0x4  }
0x1d2: {  	v2 =	vadd.f32 v42, v2;
	[tilespmem:$0x1F430] =	vst v0;
	v0 =	vld [tilespmem:s21+$0xFFFFFFA0];
	_ =	sdelay $0x1  }
0x1d3: {  	[tilespmem:$0x1FFC0] =	vst v2;
	v2 =	vld [tilespmem:$0x1F190];
	_ =	sdelay $0x2  }
0x1d4: {  	[tilespmem:$0x1F440] =	vst v0;
	v0 =	vld [tilespmem:s22+$0xFFFFFF40];
	_ =	sdelay $0x1  }
0x1d5: {  	v2 =	vadd.f32 v2, v3;
	_ =	sdelay $0x1  }
0x1d6: {  	[tilespmem:$0x1FFD0] =	vst v2;
	v2 =	vld [tilespmem:$0x1F1B0]  }
0x1d7: {  	[tilespmem:$0x1F450] =	vst v0;
	v0 =	vld [tilespmem:$0x1F1A0];
	_ =	sdelay $0x4  }
0x1d8: {  	v37 =	vadd.f32 v2, v0;
	v0 =	vld [tilespmem:$0x1F1C0]  }
0x1d9: {  	v2 =	vld [tilespmem:$0x1F1D0];
	_ =	sdelay $0x4  }
0x1da: {  	v44 =	vadd.f32 v2, v0;
	v0 =	vld [tilespmem:$0x1F1E0]  }
0x1db: {  	v2 =	vld [tilespmem:$0x1F1F0];
	_ =	sdelay $0x3  }
0x1dc: {  	v43 =	vld [tilespmem:s21+$0x1F0]  }
0x1dd: {  	v40 =	vadd.f32 v2, v0;
	v0 =	vld [tilespmem:$0x1F200];
	_ =	sdelay $0x3  }
0x1de: {  	v11 =	vld [tilespmem:s22+$0x180]  }
0x1df: {  	v56 =	vadd.f32 v43, v0;
	v0 =	vld [tilespmem:$0x1F210];
	_ =	sdelay $0x1  }
0x1e0: {  	v46 =	vld [tilespmem:s22+$0x170]  }
0x1e1: {  	v23 =	vld [tilespmem:s21+$0x170]  }
0x1e2: {  	v2 =	vld [tilespmem:$0x1F230]  }
0x1e3: {  	v41 =	vadd.f32 v0, v11;
	v0 =	vld [tilespmem:$0x1F220]  }
0x1e4: {  	v35 =	vld [tilespmem:s21+$0x110]  }
0x1e5: {  	v21 =	vld [tilespmem:s22+$0x110]  }
0x1e6: {  	v57 =	vld [tilespmem:s21+$0x120]  }
0x1e7: {  	v38 =	vld [tilespmem:s22+$0x120]  }
0x1e8: {  	v59 =	vld [tilespmem:s21+$0x130];
	v52 =	vadd.f32 v2, v0;
	v2 =	vadd.f32 v23, v46  }
0x1e9: {  	v58 =	vld [tilespmem:s22+$0x130]  }
0x1ea: {  	v60 =	vld [tilespmem:s21+$0xD0];
	[tilespmem:$0x1F480] =	vst v2;
	v2 =	vadd.f32 v35, v21  }
0x1eb: {  	v55 =	vld [tilespmem:s22+$0xD0]  }
0x1ec: {  	v20 =	vld [tilespmem:s22+$0x100];
	[tilespmem:$0x1F490] =	vst v2;
	v2 =	vadd.f32 v57, v38  }
0x1ed: {  	v15 =	vld [tilespmem:s21+$0x100]  }
0x1ee: {  	v54 =	vld [tilespmem:s21+$0x160];
	[tilespmem:$0x1F4A0] =	vst v2;
	v2 =	vadd.f32 v59, v58  }
0x1ef: {  	v50 =	vld [tilespmem:s22+$0x160]  }
0x1f0: {  	v25 =	vld [tilespmem:s22+$0xF0];
	[tilespmem:$0x1F4B0] =	vst v2;
	v2 =	vadd.f32 v60, v55  }
0x1f1: {  	v17 =	vld [tilespmem:s21+$0xF0]  }
0x1f2: {  	[tilespmem:$0x1F4C0] =	vst v2;
	v2 =	vld [tilespmem:$0x1FFF0];
	_ =	sdelay $0x1  }
0x1f3: {  	v13 =	vld [tilespmem:s22+$0x1B0]  }
0x1f4: {  	v16 =	vld [tilespmem:s21+$0x1B0]  }
0x1f5: {  	v53 =	vld [tilespmem:s21+$0x150];
	v50 =	vadd.f32 v54, v50;
	v54 =	vadd.f32 v15, v20;
	v20 =	vmov s23  }
0x1f6: {  	v9 =	vld [tilespmem:s22+$0x150];
	vm0 =	vlt.u32 v20, v2;
	v2 =	vadd.f32 v17, v25  }
0x1f7: {  	v19 =	vld [tilespmem:s21+$0x80]  }
0x1f8: {  	[tilespmem:$0x1F4E0] =	vst v2;
	v2 =	vld [tilespmem:$0x1F240]  }
0x1f9: {  	v6 =	vld [tilespmem:s22+$0x90];
	v0 =	vadd.f32 v16, v13  }
0x1fa: {  	v14 =	vld [tilespmem:s21+$0x90]  }
0x1fb: {  	[tilespmem:$0x1F460] =	vst v0;
	v0 =	vadd.f32 v53, v9  }
0x1fc: {  	s20 =	sadd.s32 $0x10, s20  }
0x1fd: {  	[tilespmem:$0x1F470] =	vst v0;
	v0 =	vld [tilespmem:s20+$0x0];
	v2 =	vadd.f32 v19, v2;
	_ =	sdelay $0x1  }
0x1fe: {  	[tilespmem:$0x1F4D0] =	vst v2;
	v2 =	vadd.f32 v14, v6;
	_ =	sdelay $0x1  }
0x1ff: {  	v3 =	vld [tilespmem:s22+$0xA0];
	[tilespmem:$0x1F4F0] =	vst v2;
	v2 =	vimm.s32 $0xF  }
0x200: {  	v19 =	vperm.xlane v0, v2;
	v2 =	vld [tilespmem:$0x1F250];
	_ =	sdelay $0x4  }
0x201: {  	v2 =	vadd.f32 v2, v3  }
0x202: {  	v3 =	vld [tilespmem:$0x1F270]  }
0x203: {  	[tilespmem:$0x1F500] =	vst v2;
	v2 =	vld [tilespmem:$0x1F260];
	_ =	sdelay $0x4  }
0x204: {  	v2 =	vadd.f32 v3, v2;
	_ =	sdelay $0x1  }
0x205: {  	v3 =	vld [tilespmem:$0x1F290];
	[tilespmem:$0x1F520] =	vst v2;
	v2 =	vimm.s32 $0xE  }
0x206: {  	v14 =	vperm.xlane v0, v2;
	v2 =	vld [tilespmem:$0x1F280];
	_ =	sdelay $0x4  }
0x207: {  	v2 =	vadd.f32 v3, v2  }
0x208: {  	v3 =	vld [tilespmem:$0x1F2B0]  }
0x209: {  	[tilespmem:$0x1F510] =	vst v2;
	v2 =	vld [tilespmem:$0x1F2A0];
	_ =	sdelay $0x4  }
0x20a: {  	v2 =	vadd.f32 v3, v2;
	_ =	sdelay $0x1  }
0x20b: {  	v3 =	vld [tilespmem:$0x1F2D0];
	[tilespmem:$0x1F530] =	vst v2;
	v2 =	vimm.s32 $0xD  }
0x20c: {  	v35 =	vperm.xlane v0, v2;
	v2 =	vld [tilespmem:$0x1F2C0];
	_ =	sdelay $0x4  }
0x20d: {  	v2 =	vadd.f32 v3, v2  }
0x20e: {  	v3 =	vld [tilespmem:$0x1F2F0]  }
0x20f: {  	[tilespmem:$0x1F540] =	vst v2;
	v2 =	vld [tilespmem:$0x1F2E0];
	_ =	sdelay $0x1  }
0x210: {  	v12 =	vld [tilespmem:s22+$0xC0]  }
0x211: {  	v45 =	vld [tilespmem:s21+$0xC0];
	_ =	sdelay $0x1  }
0x212: {  	v2 =	vadd.f32 v3, v2;
	_ =	sdelay $0x1  }
0x213: {  	v3 =	vld [tilespmem:$0x1F310];
	[tilespmem:$0x1F550] =	vst v2;
	v2 =	vimm.s32 $0xC  }
0x214: {  	v57 =	vadd.f32 v45, v12;
	v12 =	vperm.xlane v0, v2;
	v2 =	vld [tilespmem:$0x1F300];
	_ =	sdelay $0x4  }
0x215: {  	v58 =	vadd.f32 v3, v2;
	v2 =	vld [tilespmem:$0x1F320]  }
0x216: {  	v3 =	vld [tilespmem:$0x1F330];
	_ =	sdelay $0x1  }
0x217: {  	v62 =	vld [tilespmem:s22+$0xE0]  }
0x218: {  	v61 =	vld [tilespmem:s21+$0xE0];
	_ =	sdelay $0x1  }
0x219: {  	v2 =	vadd.f32 v3, v2;
	_ =	sdelay $0x1  }
0x21a: {  	v3 =	vld [tilespmem:$0x1F350];
	[tilespmem:$0x1F560] =	vst v2;
	v2 =	vimm.s32 $0xB  }
0x21b: {  	v63 =	vadd.f32 v61, v62;
	v62 =	vperm.xlane v0, v2;
	v2 =	vld [tilespmem:$0x1F340];
	_ =	sdelay $0x4  }
0x21c: {  	v60 =	vadd.f32 v3, v2;
	v2 =	vld [tilespmem:$0x1F360]  }
0x21d: {  	v3 =	vld [tilespmem:$0x1F370];
	_ =	sdelay $0x4  }
0x21e: {  	v2 =	vadd.f32 v3, v2;
	_ =	sdelay $0x1  }
0x21f: {  	v3 =	vld [tilespmem:$0x1F390];
	[tilespmem:$0x1F570] =	vst v2;
	v2 =	vimm.s32 $0xA  }
0x220: {  	v61 =	vperm.xlane v0, v2;
	v2 =	vld [tilespmem:$0x1F380];
	_ =	sdelay $0x4  }
0x221: {  	v45 =	vadd.f32 v3, v2;
	v2 =	vld [tilespmem:$0x1F3A0]  }
0x222: {  	v3 =	vld [tilespmem:$0x1F3B0];
	_ =	sdelay $0x4  }
0x223: {  	v2 =	vadd.f32 v3, v2;
	_ =	sdelay $0x1  }
0x224: {  	v3 =	vld [tilespmem:$0x1F3D0];
	[tilespmem:$0x1F580] =	vst v2;
	v2 =	vimm.s32 $0x9  }
0x225: {  	v25 =	vperm.xlane v0, v2;
	v2 =	vld [tilespmem:$0x1F3C0];
	_ =	sdelay $0x2  }
0x226: {  	v49 =	vld [tilespmem:s21+$0x140]  }
0x227: {  	v30 =	vld [tilespmem:s22+$0x140]  }
0x228: {  	v46 =	vadd.f32 v3, v2;
	v2 =	vld [tilespmem:$0x1F3E0]  }
0x229: {  	v3 =	vld [tilespmem:$0x1F3F0];
	_ =	sdelay $0x3  }
0x22a: {  	v6 =	vld [tilespmem:$0x1F410]  }
0x22b: {  	v47 =	vadd.f32 v49, v30;
	v49 =	vadd.f32 v3, v2;
	v3 =	vld [tilespmem:$0x1F400];
	_ =	sdelay $0x2  }
0x22c: {  	v33 =	vld [tilespmem:s22+$0x1A0]  }
0x22d: {  	v1 =	vld [tilespmem:s21+$0xFFFFFF90]  }
0x22e: {  	v53 =	vadd.f32 v6, v3;
	v3 =	vld [tilespmem:$0x1F420]  }
0x22f: {  	v10 =	vld [tilespmem:s21+$0x1A0]  }
0x230: {  	v39 =	vld [tilespmem:s22+$0xFFFFFF00]  }
0x231: {  	v30 =	vld [tilespmem:s22+$0xFFFFFEF0]  }
0x232: {  	v22 =	vld [tilespmem:s21+$0xFFFFFF30]  }
0x233: {  	v15 =	vld [tilespmem:s22+$0xFFFFFEE0];
	v1 =	vadd.f32 v1, v3  }
0x234: {  	v27 =	vld [tilespmem:s22+$0xFFFFFEC0]  }
0x235: {  	v28 =	vld [tilespmem:s22+$0xFFFFFF30];
	[tilespmem:$0x1F590] =	vst v1;
	v1 =	vimm.s32 $0x7  }
0x236: {  	v43 =	vadd.f32 v10, v33;
	v10 =	vld [tilespmem:$0x1F440];
	v3 =	vperm.xlane v0, v1;
	v1 =	vimm.s32 $0x6  }
0x237: {  	v6 =	vperm.xlane v0, v1;
	v1 =	vld [tilespmem:$0x1F430]  }
0x238: {  	v7 =	vld [tilespmem:s22+$0xFFFFFFB0]  }
0x239: {  	v4 =	vld [tilespmem:s21+$0xFFFFFFB0]  }
0x23a: {  	v51 =	vld [tilespmem:s21+$0xFFFFFF40]  }
0x23b: {  	v42 =	vld [tilespmem:s22+$0xFFFFFF50]  }
0x23c: {  	v18 =	vld [tilespmem:s21+$0xFFFFFEC0];
	v1 =	vadd.f32 v10, v1  }
0x23d: {  	v23 =	vld [tilespmem:s22+$0xFFFFFED0]  }
0x23e: {  	v16 =	vld [tilespmem:s21+$0xFFFFFED0];
	[tilespmem:$0x1F5A0] =	vst v1;
	v1 =	vadd.f32 v4, v7  }
0x23f: {  	v5 =	vld [tilespmem:s21+$0xFFFFFF50];
	v4 =	vadd.f32 v22, v28  }
0x240: {  	v20 =	vld [tilespmem:s21+$0xFFFFFEE0];
	[tilespmem:$0x1F5B0] =	vst v1;
	v1 =	vimm.s32 $0x5  }
0x241: {  	[tilespmem:$0x1F610] =	vst v4;
	v4 =	vadd.f32 v18, v27;
	v7 =	vperm.xlane v0, v1;
	v1 =	vld [tilespmem:$0x1F450]  }
0x242: {  	v48 =	vld [tilespmem:s22+$0xFFFFFF60]  }
0x243: {  	v33 =	vld [tilespmem:s21+$0xFFFFFEF0];
	[tilespmem:$0x1F620] =	vst v4;
	v4 =	vadd.f32 v16, v23  }
0x244: {  	v34 =	vld [tilespmem:s21+$0xFFFFFF60]  }
0x245: {  	v32 =	vld [tilespmem:s22+$0xFFFFFF70];
	[tilespmem:$0x1F630] =	vst v4;
	v4 =	vadd.f32 v20, v15  }
0x246: {  	v8 =	vld [tilespmem:s21+$0xFFFFFF70];
	v51 =	vadd.f32 v51, v1;
	v1 =	vadd.f32 v5, v42  }
0x247: {  	v29 =	vld [tilespmem:s21+$0xFFFFFF00];
	[tilespmem:$0x1F640] =	vst v4  }
0x248: {  	v13 =	vld [tilespmem:s21+$0xFFFFFE80];
	v4 =	vadd.f32 v33, v30;
	[tilespmem:$0x1F5C0] =	vst v1;
	v1 =	vimm.s32 $0x4  }
0x249: {  	v17 =	vld [tilespmem:s22+$0xFFFFFE80];
	v5 =	vperm.xlane v0, v1;
	v1 =	vadd.f32 v34, v48  }
0x24a: {  	[tilespmem:$0x1F650] =	vst v4;
	v4 =	vld [tilespmem:$0x1F460]  }
0x24b: {  	[tilespmem:$0x1F5D0] =	vst v1;
	v1 =	vadd.f32 v8, v32;
	_ =	sdelay $0x1  }
0x24c: {  	v43 =	vmul.f32 v43, v14;
	[tilespmem:$0x1F5E0] =	vst v1;
	v1 =	vimm.s32 $0x3  }
0x24d: {  	v20 =	vmul.f32 v52, v14;
	v34 =	vperm.xlane v0, v1;
	v1 =	vadd.f32 v29, v39  }
0x24e: {  	v59 =	vld [tilespmem:s21+$0xFFFFFE90];
	v39 =	vmul.f32 v41, v14;
	v14 =	vmul.f32 v4, v14;
	v4 =	vadd.f32 v13, v17  }
0x24f: {  	v55 =	vld [tilespmem:s22+$0xFFFFFE90]  }
0x250: {  	[tilespmem:$0x1F660] =	vst v4;
	v4 =	vld [tilespmem:$0x1F470];
	_ =	sdelay $0x3  }
0x251: {  	v11 =	vld [tilespmem:s22+$0xFFFFFEB0]  }
0x252: {  	v21 =	vld [tilespmem:s21+$0xFFFFFEA0];
	v17 =	vmul.f32 v4, v35;
	v4 =	vadd.f32 v59, v55  }
0x253: {  	v38 =	vld [tilespmem:s22+$0xFFFFFEA0]  }
0x254: {  	[tilespmem:$0x1F670] =	vst v4;
	v4 =	vld [tilespmem:$0x1F480]  }
0x255: {  	v9 =	vld [tilespmem:s21+$0xFFFFFEB0];
	_ =	sdelay $0x1  }
0x256: {  	v36 =	vld [tilespmem:s21+$0xFFFFFF10]  }
0x257: {  	v31 =	vld [tilespmem:s22+$0xFFFFFF20];
	v30 =	vmul.f32 v47, v35  }
0x258: {  	v26 =	vld [tilespmem:s22+$0xFFFFFF10];
	v41 =	vmul.f32 v50, v35;
	v35 =	vmul.f32 v4, v35;
	v4 =	vadd.f32 v21, v38  }
0x259: {  	v24 =	vld [tilespmem:s21+$0xFFFFFF20];
	v9 =	vadd.f32 v9, v11  }
0x25a: {  	[tilespmem:$0x1F680] =	vst v4;
	v4 =	vld [tilespmem:$0x1F490]  }
0x25b: {  	[tilespmem:$0x1F690] =	vst v9;
	v9 =	vld [tilespmem:$0x1F4B0];
	v37 =	vmul.f32 v37, v19;
	v44 =	vmul.f32 v44, v19  }
0x25c: {  	v40 =	vmul.f32 v40, v19;
	v19 =	vmul.f32 v56, v19;
	v56 =	vld [tilespmem:s21+$0xFFFFFE70]  }
0x25d: {  	v8 =	vld [tilespmem:s22+$0xFFFFFE50]  }
0x25e: {  	v32 =	vadd.f32 v36, v26;
	v26 =	vld [tilespmem:s21+$0xFFFFFE50]  }
0x25f: {  	v38 =	vmul.f32 v4, v12;
	v4 =	vld [tilespmem:$0x1F4A0]  }
0x260: {  	v10 =	vld [tilespmem:s22+$0xFFFFFE40]  }
0x261: {  	v28 =	vld [tilespmem:s21+$0xFFFFFE20]  }
0x262: {  	v18 =	vld [tilespmem:s22+$0xFFFFFE70]  }
0x263: {  	v42 =	vld [tilespmem:s21+$0xFFFFFE40]  }
0x264: {  	v8 =	vadd.f32 v26, v8;
	v27 =	vmul.f32 v4, v12;
	v4 =	vld [tilespmem:s22+$0xFFFFFE20]  }
0x265: {  	v52 =	vld [tilespmem:s22+$0xFFFFFE00]  }
0x266: {  	[tilespmem:$0x1F6B0] =	vst v8;
	v8 =	vld [tilespmem:$0x1F4D0]  }
0x267: {  	v33 =	vld [tilespmem:s21+$0xFFFFFE00]  }
0x268: {  	v15 =	vmul.f32 v9, v12;
	v48 =	vmul.f32 v54, v12;
	v54 =	vld [tilespmem:$0x1FD20];
	v9 =	vadd.f32 v42, v10  }
0x269: {  	v16 =	vadd.f32 v28, v4;
	v4 =	vld [tilespmem:$0x1F560]  }
0x26a: {  	[tilespmem:$0x1F6A0] =	vst v9;
	v9 =	vld [tilespmem:$0x1F4C0]  }
0x26b: {  	v2 =	vimm.s32 $0x8;
	v26 =	vmul.f32 v8, v61;
	v8 =	vld [tilespmem:$0x1F4E0]  }
0x26c: {  	v2 =	vperm.xlane v0, v2;
	v50 =	vld [tilespmem:s22+$0xFFFFFE10]  }
0x26d: {  	[tilespmem:$0x1F5F0] =	vst v1;
	v1 =	vimm.s32 $0x1;
	v59 =	vld [tilespmem:s21+$0xFFFFFE10]  }
0x26e: {  	v29 =	vperm.xlane v0, v1;
	v1 =	vimm.s32 $0x2;
	v28 =	vmul.f32 v4, v2;
	v4 =	vld [tilespmem:$0x1F570]  }
0x26f: {  	v36 =	vperm.xlane v0, v1;
	v1 =	vadd.f32 v24, v31  }
0x270: {  	v31 =	vmul.f32 v8, v62;
	v8 =	vadd.f32 v56, v18;
	v18 =	vadd.f32 v33, v52;
	v33 =	vld [tilespmem:$0x1FD30];
	_ =	sdelay $0x1  }
0x271: {  	v58 =	vmul.f32 v58, v2;
	v42 =	vmul.f32 v9, v62;
	v50 =	vadd.f32 v59, v50;
	v56 =	vld [tilespmem:$0x1FD40]  }
0x272: {  	v59 =	vmul.f32 v60, v2;
	v9 =	vmul.f32 v4, v2;
	v2 =	vadd.f32 v37, v54  }
0x273: {  	v47 =	vmul.f32 v63, v62;
	v13 =	vmul.f32 v57, v62;
	v62 =	vld [tilespmem:$0x1FD50]  }
0x274: {  	[tilespmem:$0x1F6D0] =	vst v2;
	v2 =	vadd.f32 v44, v33;
	_ =	sdelay $0x1  }
0x275: {  	[tilespmem:$0x1F6E0] =	vst v2;
	v2 =	vadd.f32 v40, v56  }
0x276: {  	[tilespmem:$0x1F600] =	vst v1  }
0x277: {  	v22 =	vld [tilespmem:s21+$0xFFFFFE60];
	v1 =	vimm.s32 $0x0;
	[tilespmem:$0x1F6F0] =	vst v2;
	v2 =	vadd.f32 v19, v62  }
0x278: {  	v24 =	vperm.xlane v0, v1;
	v1 =	vld [tilespmem:s22+$0xFFFFFE60]  }
0x279: {  	[tilespmem:$0x1F710] =	vst v2;
	v2 =	vld [tilespmem:$0x1F590];
	_ =	sdelay $0x3  }
0x27a: {  	v11 =	vmul.f32 v49, v3;
	v49 =	vmul.f32 v53, v6  }
0x27b: {  	v55 =	vadd.f32 v22, v1;
	v1 =	vld [tilespmem:$0x1F4F0];
	v53 =	vmul.f32 v2, v6;
	v2 =	vadd.f32 v39, v54  }
0x27c: {  	[tilespmem:$0x1F6C0] =	vst v8;
	v8 =	vld [tilespmem:$0x1F510]  }
0x27d: {  	[tilespmem:$0x1F700] =	vst v2;
	v2 =	vadd.f32 v20, v33;
	_ =	sdelay $0x1  }
0x27e: {  	[tilespmem:$0x1F720] =	vst v2;
	v2 =	vld [tilespmem:$0x1F5A0]  }
0x27f: {  	v22 =	vmul.f32 v1, v61;
	v1 =	vld [tilespmem:$0x1F500]  }
0x280: {  	v23 =	vmul.f32 v8, v25;
	v8 =	vld [tilespmem:$0x1F520];
	_ =	sdelay $0x2  }
0x281: {  	v20 =	vmul.f32 v2, v6;
	v2 =	vadd.f32 v43, v56;
	_ =	sdelay $0x1  }
0x282: {  	v21 =	vmul.f32 v1, v61;
	v61 =	vmul.f32 v8, v61;
	v8 =	vld [tilespmem:$0x1F530];
	[tilespmem:$0x1F730] =	vst v2;
	v2 =	vadd.f32 v14, v62;
	_ =	sdelay $0x1  }
0x283: {  	[tilespmem:$0x1F740] =	vst v2;
	v2 =	vld [tilespmem:$0x1F5B0];
	_ =	sdelay $0x2  }
0x284: {  	v52 =	vmul.f32 v8, v25;
	v8 =	vld [tilespmem:$0x1F540];
	_ =	sdelay $0x1  }
0x285: {  	v10 =	vmul.f32 v2, v6;
	v2 =	vadd.f32 v41, v56;
	_ =	sdelay $0x1  }
0x286: {  	[tilespmem:$0x1F750] =	vst v2;
	v2 =	vadd.f32 v35, v62  }
0x287: {  	v12 =	vmul.f32 v8, v25;
	v8 =	vld [tilespmem:$0x1F550]  }
0x288: {  	[tilespmem:$0x1F760] =	vst v2;
	v2 =	vld [tilespmem:$0x1F5C0];
	_ =	sdelay $0x4  }
0x289: {  	v25 =	vmul.f32 v8, v25;
	v8 =	vmul.f32 v2, v7;
	v2 =	vadd.f32 v38, v33;
	_ =	sdelay $0x1  }
0x28a: {  	[tilespmem:$0x1F770] =	vst v2;
	v2 =	vld [tilespmem:$0x1F5D0];
	_ =	sdelay $0x4  }
0x28b: {  	v6 =	vmul.f32 v2, v7;
	v2 =	vadd.f32 v15, v62;
	_ =	sdelay $0x1  }
0x28c: {  	[tilespmem:$0x1F780] =	vst v2;
	v2 =	vld [tilespmem:$0x1F5E0];
	_ =	sdelay $0x4  }
0x28d: {  	v51 =	vmul.f32 v51, v7;
	v7 =	vmul.f32 v2, v7;
	v2 =	vld [tilespmem:$0x1F5F0];
	_ =	sdelay $0x2  }
0x28e: {  	s19 =	sadd.s32 $0x10, s19  }
0x28f: {  	v1 =	vld [tilespmem:s19+$0x0]  }
0x290: {  	v4 =	vmul.f32 v2, v5;
	v2 =	vld [tilespmem:$0x1F600];
	_ =	sdelay $0x3  }
0x291: {  	v60 =	vadd.f32 v1, v0;
	v1 =	vld [tilespmem:$0x1F580]  }
0x292: {  	v14 =	vadd.f32 v13, v54;
	v13 =	vmul.f32 v2, v5;
	v2 =	vld [tilespmem:$0x1F610];
	_ =	sdelay $0x2  }
0x293: {  	v45 =	vmul.f32 v45, v3  }
0x294: {  	v46 =	vmul.f32 v46, v3;
	v1 =	vmul.f32 v1, v3  }
0x295: {  	v3 =	vmul.f32 v32, v5;
	v5 =	vmul.f32 v2, v5;
	v2 =	vld [tilespmem:$0x1F620];
	_ =	sdelay $0x3  }
0x296: {  	v15 =	vadd.f32 v1, v33;
	v1 =	vld [tilespmem:$0x1F660]  }
0x297: {  	v37 =	vadd.f32 v22, v33;
	v22 =	vmul.f32 v2, v34;
	v2 =	vld [tilespmem:$0x1F630];
	_ =	sdelay $0x2  }
0x298: {  	v35 =	vadd.f32 v26, v54;
	v26 =	vadd.f32 v9, v62;
	v9 =	vld [tilespmem:$0x1F650]  }
0x299: {  	v43 =	vadd.f32 v27, v56;
	v27 =	vadd.f32 v12, v56;
	v12 =	vmul.f32 v1, v36;
	v1 =	vld [tilespmem:$0x1F670]  }
0x29a: {  	v40 =	vadd.f32 v61, v62;
	v61 =	vmul.f32 v2, v34;
	v2 =	vld [tilespmem:$0x1F640];
	_ =	sdelay $0x3  }
0x29b: {  	v63 =	vld [tilespmem:s21+$0xFFFFFE30];
	v9 =	vmul.f32 v9, v34  }
0x29c: {  	v2 =	vmul.f32 v2, v34;
	v34 =	vadd.f32 v45, v54;
	v45 =	vmul.f32 v1, v36;
	v1 =	vld [tilespmem:$0x1F680]  }
0x29d: {  	v57 =	vld [tilespmem:s22+$0xFFFFFE30]  }
0x29e: {  	v38 =	vadd.f32 v21, v56;
	v21 =	vadd.f32 v10, v62;
	v10 =	vld [tilespmem:$0x1F690]  }
0x29f: {  	v19 =	vadd.f32 v30, v54  }
0x2a0: {  	v30 =	vadd.f32 v48, v54;
	v48 =	vadd.f32 v3, v33;
	v3 =	vld [tilespmem:$0x1F6C0]  }
0x2a1: {  	v1 =	vmul.f32 v1, v36;
	_ =	sdelay $0x1  }
0x2a2: {  	v57 =	vadd.f32 v63, v57;
	v36 =	vmul.f32 v10, v36;
	v1 =	vadd.f32 v1, v56  }
0x2a3: {  	v63 =	vadd.f32 v6, v56;
	v6 =	vadd.f32 v7, v62;
	v7 =	vld [tilespmem:$0x1F6B0]  }
0x2a4: {  	v44 =	vadd.f32 v5, v62;
	v5 =	vmul.f32 v3, v29;
	[tilespmem:$0x1FCF0] =	vst v1;
	v1 =	vadd.f32 v36, v62;
	_ =	sdelay $0x1  }
0x2a5: {  	[tilespmem:$0x1FD00] =	vst v1;
	v1 =	vadd.f32 v5, v62  }
0x2a6: {  	v0 =	vmul.f32 v60, v0;
	v41 =	vadd.f32 v31, v62  }
0x2a7: {  	v7 =	vmul.f32 v7, v29;
	v2 =	vadd.f32 v2, v56;
	[tilespmem:$0x1FD10] =	vst v1;
	v1 =	vimm.f32 $0.0e+00  }
0x2a8: {  	v31 =	vadd.f32 v23, v54;
	v23 =	vadd.f32 v11, v62;
	v11 =	vld [tilespmem:$0x1F6A0];
	v5 =	vsel vm0, $0x3F800000, v1  }
0x2a9: {  	[tilespmem:$0x1F7B0] =	vst v2;
	v2 =	vadd.f32 v9, v62;
	v9 =	vadd.f32 v7, v33;
	v7 =	vmul.f32 v0, v5;
	v0 =	vld [tilespmem:$0x1F6D0];
	_ =	sdelay $0x3  }
0x2aa: {  	v55 =	vmul.f32 v55, v29;
	v10 =	vadd.f32 v51, v54  }
0x2ab: {  	v51 =	vmul.f32 v11, v29;
	v29 =	vmul.f32 v50, v24;
	v50 =	vmax.f32 v0, $0.0e+00;
	v0 =	vld [tilespmem:$0x1F6E0];
	_ =	sdelay $0x4  }
0x2ac: {  	v1 =	vmax.f32 v0, $0.0e+00;
	v0 =	vld [tilespmem:$0x1F6F0];
	_ =	sdelay $0x1  }
0x2ad: {  	v58 =	vadd.f32 v58, v54  }
0x2ae: {  	v49 =	vadd.f32 v49, v54;
	v17 =	vadd.f32 v17, v33  }
0x2af: {  	v42 =	vadd.f32 v42, v33;
	v52 =	vadd.f32 v52, v33  }
0x2b0: {  	v28 =	vadd.f32 v28, v33;
	v39 =	vadd.f32 v25, v62;
	v0 =	vmax.f32 v0, $0.0e+00  }
0x2b1: {  	v53 =	vadd.f32 v53, v33;
	v8 =	vadd.f32 v8, v33;
	[tilespmem:$0x1FD90] =	vst v0;
	v0 =	vld [tilespmem:$0x1F700]  }
0x2b2: {  	v4 =	vadd.f32 v4, v54;
	v3 =	vadd.f32 v22, v54  }
0x2b3: {  	v32 =	vadd.f32 v13, v56;
	v22 =	vmul.f32 v18, v24;
	v18 =	vadd.f32 v12, v54  }
0x2b4: {  	v12 =	vmul.f32 v16, v24;
	[tilespmem:$0x1F790] =	vst v3;
	v3 =	vadd.f32 v61, v33;
	v24 =	vmul.f32 v57, v24  }
0x2b5: {  	[tilespmem:$0x1FCB0] =	vst v2;
	v2 =	vadd.f32 v45, v33;
	v57 =	vadd.f32 v29, v33  }
0x2b6: {  	v33 =	vadd.f32 v24, v62;
	v62 =	vmax.f32 v0, $0.0e+00;
	v0 =	vimm.s32 $0xF  }
0x2b7: {  	v22 =	vadd.f32 v22, v54;
	v13 =	vadd.f32 v51, v54;
	v54 =	vperm.xlane v7, v0;
	v0 =	vld [tilespmem:$0x1F710];
	_ =	sdelay $0x4  }
0x2b8: {  	v0 =	vmax.f32 v0, $0.0e+00  }
0x2b9: {  	[tilespmem:$0x1FDC0] =	vst v0;
	v0 =	vld [tilespmem:$0x1F720]  }
0x2ba: {  	v5 =	vimm.s32 $0xC  }
0x2bb: {  	v61 =	vperm.xlane v7, v5;
	v5 =	vld [tilespmem:$0x1F780]  }
0x2bc: {  	v47 =	vadd.f32 v47, v56;
	v59 =	vadd.f32 v59, v56  }
0x2bd: {  	v46 =	vadd.f32 v46, v56;
	v20 =	vadd.f32 v20, v56  }
0x2be: {  	v16 =	vadd.f32 v12, v56;
	v11 =	vadd.f32 v55, v56;
	v56 =	vmax.f32 v0, $0.0e+00;
	v0 =	vld [tilespmem:$0x1F730];
	_ =	sdelay $0x1  }
0x2bf: {  	v5 =	vmax.f32 v5, $0.0e+00  }
0x2c0: {  	[tilespmem:$0x1FEA0] =	vst v5;
	v5 =	vmax.f32 v47, $0.0e+00  }
0x2c1: {  	[tilespmem:$0x1FEB0] =	vst v5;
	v5 =	vmax.f32 v41, $0.0e+00  }
0x2c2: {  	[tilespmem:$0x1FEC0] =	vst v5;
	v5 =	vimm.s32 $0xB;
	v0 =	vmax.f32 v0, $0.0e+00  }
0x2c3: {  	v41 =	vperm.xlane v7, v5;
	v5 =	vimm.s32 $0xA;
	[tilespmem:$0x1FDF0] =	vst v0;
	v0 =	vld [tilespmem:$0x1F740]  }
0x2c4: {  	v45 =	vperm.xlane v7, v5;
	v5 =	vmax.f32 v38, $0.0e+00  }
0x2c5: {  	[tilespmem:$0x1FED0] =	vst v5;
	v5 =	vmax.f32 v40, $0.0e+00  }
0x2c6: {  	[tilespmem:$0x1FEE0] =	vst v5;
	v5 =	vmax.f32 v27, $0.0e+00  }
0x2c7: {  	[tilespmem:$0x1FEF0] =	vst v5;
	v5 =	vimm.s32 $0x9  }
0x2c8: {  	[tilespmem:$0x1FCD0] =	vst v2;
	v2 =	vmax.f32 v19, $0.0e+00;
	v51 =	vperm.xlane v7, v5;
	v0 =	vmax.f32 v0, $0.0e+00  }
0x2c9: {  	v5 =	vmax.f32 v39, $0.0e+00;
	v39 =	vmax.f32 v53, $0.0e+00;
	[tilespmem:$0x1FE10] =	vst v0;
	v0 =	vimm.s32 $0xE  }
0x2ca: {  	v53 =	vmul.f32 v1, v54;
	v1 =	vld [tilespmem:$0x1F790];
	v19 =	vperm.xlane v7, v0;
	v0 =	vimm.s32 $0xD  }
0x2cb: {  	v25 =	vmax.f32 v17, $0.0e+00;
	v17 =	vperm.xlane v7, v0;
	v0 =	vld [tilespmem:$0x1F750]  }
0x2cc: {  	v28 =	vmax.f32 v28, $0.0e+00  }
0x2cd: {  	v30 =	vmax.f32 v30, $0.0e+00;
	v48 =	vmax.f32 v48, $0.0e+00;
	v20 =	vmax.f32 v20, $0.0e+00  }
0x2ce: {  	v21 =	vmax.f32 v21, $0.0e+00;
	v12 =	vmax.f32 v37, $0.0e+00;
	v37 =	vmax.f32 v49, $0.0e+00;
	[tilespmem:$0x1F7A0] =	vst v3  }
0x2cf: {  	v55 =	vmax.f32 v35, $0.0e+00;
	[tilespmem:$0x1FF00] =	vst v5;
	v5 =	vmax.f32 v59, $0.0e+00;
	v59 =	vmax.f32 v63, $0.0e+00  }
0x2d0: {  	v63 =	vmul.f32 v50, v54;
	v50 =	vmax.f32 v1, $0.0e+00;
	v1 =	vld [tilespmem:$0x1F7A0];
	v0 =	vmax.f32 v0, $0.0e+00  }
0x2d1: {  	v35 =	vmax.f32 v6, $0.0e+00;
	v6 =	vimm.s32 $0x4;
	v24 =	vmax.f32 v31, $0.0e+00;
	[tilespmem:$0x1FE50] =	vst v0;
	v0 =	vld [tilespmem:$0x1F760]  }
0x2d2: {  	v31 =	vmax.f32 v34, $0.0e+00;
	v29 =	vmax.f32 v15, $0.0e+00;
	v15 =	vmax.f32 v46, $0.0e+00  }
0x2d3: {  	v46 =	vmax.f32 v4, $0.0e+00;
	v4 =	vimm.s32 $0x5;
	[tilespmem:$0x1FF30] =	vst v15;
	v15 =	vmax.f32 v23, $0.0e+00  }
0x2d4: {  	v23 =	vperm.xlane v7, v4;
	v4 =	vimm.s32 $0x2;
	v38 =	vmax.f32 v52, $0.0e+00  }
0x2d5: {  	v40 =	vperm.xlane v7, v4;
	v4 =	vimm.s32 $0x3;
	[tilespmem:$0x1FF10] =	vst v5;
	v5 =	vmax.f32 v26, $0.0e+00  }
0x2d6: {  	[tilespmem:$0x1FF20] =	vst v5;
	v52 =	vmax.f32 v1, $0.0e+00;
	v1 =	vmul.f32 v2, v17;
	v0 =	vmax.f32 v0, $0.0e+00  }
0x2d7: {  	v34 =	vmax.f32 v32, $0.0e+00;
	v36 =	vperm.xlane v7, v4;
	v4 =	vimm.s32 $0x0;
	[tilespmem:$0x1FE70] =	vst v0;
	v0 =	vld [tilespmem:$0x1F770]  }
0x2d8: {  	v49 =	vperm.xlane v7, v4;
	v4 =	vimm.s32 $0x1;
	v5 =	vimm.s32 $0x8;
	[tilespmem:$0x1FF90] =	vst v1;
	v1 =	vld [tilespmem:$0x1F7B0]  }
0x2d9: {  	v47 =	vperm.xlane v7, v4;
	v60 =	vperm.xlane v7, v5;
	v5 =	vimm.s32 $0x7  }
0x2da: {  	p0 =	sne.s32 s23, $0x270;
	v32 =	vmax.f32 v44, $0.0e+00;
	v26 =	vperm.xlane v7, v6;
	v5 =	vperm.xlane v7, v5  }
.Ltmp0:
0x2db: {  	v27 =	vmax.f32 v58, $0.0e+00;
	v62 =	vmul.f32 v62, v19;
	v56 =	vmul.f32 v56, v19;
	(pc) =	sbr.rel @p0 .LBB2_2-.Ltmp0, $4  }
0x2dc: {  	v25 =	vmul.f32 v25, v17;
	v3 =	vmax.f32 v0, $0.0e+00;
	v0 =	vmax.f32 v43, $0.0e+00  }
0x2dd: {  	v44 =	vmax.f32 v1, $0.0e+00;
	v1 =	vmul.f32 v30, v61;
	[tilespmem:$0x1FE90] =	vst v0;
	v0 =	vmax.f32 v14, $0.0e+00  }
0x2de: {  	[tilespmem:$0x1FF40] =	vst v15;
	v14 =	vmax.f32 v42, $0.0e+00;
	v42 =	vmax.f32 v10, $0.0e+00;
	v10 =	vimm.s32 $0x6  }
0x2df: {  	s23 =	sadd.s32 $0x10, s23;
	s22 =	sadd.s32 $0x400, s22;
	v30 =	vld [tilespmem:$0x1F7C0];
	[tilespmem:$0x1FFB0] =	vst v1;
	v43 =	vmax.f32 v8, $0.0e+00;
	v58 =	vmul.f32 v3, v61;
	v15 =	vperm.xlane v7, v10  }
0x2e0: {  	v4 =	vld [tilespmem:$0x1FFC0];
	_ =	sdelay $0x1  }
0x2e1: {  	v1 =	vmax.f32 v22, $0.0e+00  }
0x2e2: {  	v6 =	vld [tilespmem:$0x1FFD0];
	v1 =	vmul.f32 v1, v49  }
0x2e3: {  	v33 =	vmax.f32 v33, $0.0e+00  }
0x2e4: {  	v2 =	vmax.f32 v57, $0.0e+00;
	v10 =	vld [tilespmem:$0x1FCF0];
	v1 =	vadd.f32 v1, v4;
	v4 =	vmul.f32 v33, v49  }
0x2e5: {  	v3 =	vmax.f32 v16, $0.0e+00;
	v16 =	vmax.f32 v18, $0.0e+00;
	v18 =	vld [tilespmem:$0x1FCD0];
	v2 =	vmul.f32 v2, v49  }
0x2e6: {  	v57 =	vmax.f32 v13, $0.0e+00;
	v4 =	vadd.f32 v4, v30;
	v30 =	vld [tilespmem:$0x1FD00]  }
0x2e7: {  	v7 =	vmax.f32 v9, $0.0e+00;
	v2 =	vadd.f32 v2, v6;
	v6 =	vmul.f32 v57, v47  }
0x2e8: {  	v3 =	vmul.f32 v3, v49;
	v7 =	vmul.f32 v7, v47  }
0x2e9: {  	v13 =	vld [tilespmem:$0x1FD10];
	v10 =	vmax.f32 v10, $0.0e+00;
	v1 =	vadd.f32 v6, v1;
	v6 =	vmul.f32 v16, v40  }
0x2ea: {  	v49 =	vld [tilespmem:$0x1FFE0];
	v22 =	vmul.f32 v10, v40;
	v2 =	vadd.f32 v7, v2;
	v7 =	vmax.f32 v18, $0.0e+00  }
0x2eb: {  	v7 =	vmul.f32 v7, v40;
	v1 =	vadd.f32 v6, v1;
	v6 =	vmax.f32 v30, $0.0e+00  }
0x2ec: {  	v6 =	vmul.f32 v6, v40;
	v40 =	vmul.f32 v50, v36  }
0x2ed: {  	v8 =	vmax.f32 v11, $0.0e+00  }
0x2ee: {  	v8 =	vmul.f32 v8, v47;
	v50 =	vmul.f32 v46, v26;
	v1 =	vadd.f32 v40, v1  }
0x2ef: {  	v9 =	vmax.f32 v13, $0.0e+00;
	v57 =	vmul.f32 v34, v26;
	v3 =	vadd.f32 v3, v49  }
0x2f0: {  	v33 =	vld [tilespmem:$0x1FCB0];
	v13 =	vmul.f32 v32, v26;
	v16 =	vmul.f32 v42, v23;
	v1 =	vadd.f32 v50, v1  }
0x2f1: {  	v9 =	vmul.f32 v9, v47;
	v47 =	vmul.f32 v52, v36;
	v3 =	vadd.f32 v8, v3  }
0x2f2: {  	v52 =	vmul.f32 v48, v26;
	v26 =	vmul.f32 v37, v15;
	v1 =	vadd.f32 v16, v1  }
0x2f3: {  	v0 =	vmul.f32 v0, v41;
	v49 =	vmul.f32 v44, v36;
	v3 =	vadd.f32 v22, v3  }
0x2f4: {  	v32 =	vmul.f32 v20, v15;
	v34 =	vmul.f32 v31, v5;
	v1 =	vadd.f32 v26, v1  }
0x2f5: {  	v2 =	vadd.f32 v7, v2;
	v7 =	vmax.f32 v33, $0.0e+00;
	v3 =	vadd.f32 v49, v3  }
0x2f6: {  	v7 =	vmul.f32 v7, v36;
	v36 =	vld [tilespmem:$0x1FF30];
	v40 =	vmul.f32 v27, v60;
	v1 =	vadd.f32 v34, v1  }
0x2f7: {  	v18 =	vmul.f32 v43, v23;
	v43 =	vld [tilespmem:$0x1FF10];
	v22 =	vmul.f32 v59, v23;
	v3 =	vadd.f32 v57, v3  }
0x2f8: {  	v2 =	vadd.f32 v47, v2;
	v37 =	vld [tilespmem:$0x1FF40];
	v46 =	vmul.f32 v24, v51;
	v1 =	vadd.f32 v40, v1  }
0x2f9: {  	v4 =	vadd.f32 v9, v4;
	v30 =	vmul.f32 v39, v15;
	v3 =	vadd.f32 v22, v3  }
0x2fa: {  	v48 =	vld [tilespmem:$0x1FEF0];
	v2 =	vadd.f32 v52, v2;
	v50 =	vmul.f32 v55, v45;
	v1 =	vadd.f32 v46, v1  }
0x2fb: {  	v23 =	vmul.f32 v35, v23;
	v8 =	vmul.f32 v36, v5;
	v3 =	vadd.f32 v32, v3  }
0x2fc: {  	v35 =	vmul.f32 v29, v5;
	v52 =	vld [tilespmem:$0x1FED0];
	v4 =	vadd.f32 v6, v4;
	v1 =	vadd.f32 v50, v1  }
0x2fd: {  	v39 =	vmul.f32 v37, v5;
	v5 =	vmul.f32 v43, v60;
	v3 =	vadd.f32 v8, v3  }
0x2fe: {  	v0 =	vadd.f32 v0, v1;
	v1 =	vld [tilespmem:$0x1FEB0]  }
0x2ff: {  	v4 =	vadd.f32 v7, v4;
	v7 =	vmul.f32 v48, v51;
	v3 =	vadd.f32 v5, v3;
	_ =	sdelay $0x1  }
0x300: {  	v5 =	vmul.f32 v52, v45;
	v3 =	vadd.f32 v7, v3;
	_ =	sdelay $0x1  }
0x301: {  	v3 =	vadd.f32 v5, v3;
	v1 =	vmul.f32 v1, v41;
	_ =	sdelay $0x1  }
0x302: {  	v1 =	vadd.f32 v1, v3;
	v3 =	vld [tilespmem:$0x1FFB0];
	_ =	sdelay $0x4  }
0x303: {  	v0 =	vadd.f32 v3, v0;
	v3 =	vld [tilespmem:$0x1FE90];
	_ =	sdelay $0x4  }
0x304: {  	v3 =	vmul.f32 v3, v61;
	_ =	sdelay $0x1  }
0x305: {  	v4 =	vadd.f32 v13, v4;
	v1 =	vadd.f32 v3, v1;
	v3 =	vld [tilespmem:$0x1FF90]  }
0x306: {  	v44 =	vld [tilespmem:$0x1FF20]  }
0x307: {  	v33 =	vmul.f32 v21, v15;
	v4 =	vadd.f32 v23, v4  }
0x308: {  	v2 =	vadd.f32 v18, v2;
	v49 =	vld [tilespmem:$0x1FF00]  }
0x309: {  	v55 =	vld [tilespmem:$0x1FEE0];
	v4 =	vadd.f32 v33, v4  }
0x30a: {  	v2 =	vadd.f32 v30, v2;
	v0 =	vadd.f32 v3, v0;
	v3 =	vld [tilespmem:$0x1FE50]  }
0x30b: {  	v8 =	vmul.f32 v44, v60;
	v4 =	vadd.f32 v39, v4  }
0x30c: {  	v42 =	vmul.f32 v28, v60;
	v59 =	vld [tilespmem:$0x1FEC0];
	v2 =	vadd.f32 v35, v2  }
0x30d: {  	v4 =	vadd.f32 v8, v4;
	v8 =	vmul.f32 v49, v51  }
0x30e: {  	v47 =	vmul.f32 v38, v51;
	v2 =	vadd.f32 v42, v2;
	v60 =	vld [tilespmem:$0x1FEA0]  }
0x30f: {  	v7 =	vmul.f32 v55, v45;
	v4 =	vadd.f32 v8, v4;
	v3 =	vmul.f32 v3, v17  }
0x310: {  	v2 =	vadd.f32 v47, v2;
	v51 =	vmul.f32 v12, v45  }
0x311: {  	v5 =	vmul.f32 v59, v41;
	v4 =	vadd.f32 v7, v4;
	v1 =	vadd.f32 v3, v1;
	v3 =	vld [tilespmem:$0x1FDF0]  }
0x312: {  	v57 =	vmul.f32 v14, v41  }
0x313: {  	v2 =	vadd.f32 v51, v2;
	v4 =	vadd.f32 v5, v4;
	v5 =	vmul.f32 v60, v61;
	v61 =	vld [tilespmem:$0x1FE70];
	_ =	sdelay $0x1  }
0x314: {  	v2 =	vadd.f32 v57, v2;
	v0 =	vadd.f32 v62, v0;
	v62 =	vld [tilespmem:$0x1FE10]  }
0x315: {  	v3 =	vmul.f32 v3, v19  }
0x316: {  	v2 =	vadd.f32 v58, v2;
	v0 =	vadd.f32 v63, v0;
	v63 =	vld [tilespmem:$0x1FDC0]  }
0x317: {  	v4 =	vadd.f32 v5, v4;
	v5 =	vmul.f32 v61, v17;
	v1 =	vadd.f32 v3, v1;
	v3 =	vld [tilespmem:$0x1FD90]  }
0x318: {  	v2 =	vadd.f32 v25, v2  }
0x319: {  	v4 =	vadd.f32 v5, v4;
	v5 =	vmul.f32 v62, v19  }
0x31a: {  	v2 =	vadd.f32 v56, v2  }
0x31b: {  	v4 =	vadd.f32 v5, v4;
	v5 =	vmul.f32 v63, v54  }
0x31c: {  	v2 =	vadd.f32 v53, v2;
	v3 =	vmul.f32 v3, v54  }
0x31d: {  	[tilespmem:$0x14540] =	vst v0;
	v0 =	vadd.f32 v5, v4  }
0x31e: {  	s18 =	sadd.s32 $0x1, s18;
	[tilespmem:$0x14550] =	vst v2;
	v1 =	vadd.f32 v3, v1  }
0x31f: {  	p0 =	sne.s32 s18, s9;
	[tilespmem:$0x14570] =	vst v0  }
.Ltmp1:
0x320: {  	[tilespmem:$0x14560] =	vst v1;
	(pc) =	sbr.rel @p0 .LBB2_1-.Ltmp1, $4  }
0x321: {  	[hbm4b:s8+s2] =	stream.linear.scatter [tilespmem:s17], [sflag:$0x5], $0x40, $0x38;
	[tilespmem:$0x14580] =	vst v63  }
0x322: {  	_ =	swait.ge [sflag:s12], $0x40  }
0x323: {  	[sflag:s12] =	ssyncset.done $0x0  }
0x324: {  	v0 =	vld [tilespmem:$0x1FFF0];
	[sflag:s12] =	ssyncadd.s32 $0xFFFFFFC0  }
0x325: {  	_ =	sfence.sel $0x180000  }
0x326: {  	[bflag:$0x0] =	sbarrier.arrive $0xFFFF  }
0x327: {  	p0 =	sne.s32 s0, $0x0;
	_ =	strace $0x9000004D  }
0x328: {  	s0 =	sadd.s32 @!p0 $0x100000, s1;
	[bflag:$0x2] =	sbarrier.arrive $0xFFFF  }
0x329: {  	[sflag:s0] =	ssyncadd.tile.s32 @!p0 $0x1;
	_ =	shalt  }
.Lfunc_end2:
_tile_overlayer_lowered:
.L_overlay_start_2:
0x32a: {  	(tag) =	ssettag $0x2  }
0x32b: {  	s0 =	rddreg [dreg:$0x0];
	s2 =	stileid.u32  }
0x32c: {  	s1 =	rddreg [dreg:$0x1];
	p0 =	sne.s32 s2, $0x0  }
0x32d: {  	s3 =	rddreg [dreg:$0x2];
	[bflag:$0x3] =	sbarrier.arrive $0xFFFF;
	s2 =	simm.s32 @!p0 $0x1C05  }
0x32e: {  	[timem:s3], [sflag:s2] =	dma.local @!p0 [hbm:s0], s1  }
0x32f: {  	s0 =	simm.s32 @!p0 $0x5  }
0x330: {  	_ =	swait.ge @!p0 [sflag:s0], s1  }
0x331: {  	s1 =	ssub.s32 @!p0 $0x0, s1;
	[sflag:s0] =	ssyncset.done @!p0 $0x0  }
0x332: {  	[sflag:s0] =	ssyncadd.s32 @!p0 s1  }
0x333: {  	[bflag:$0x3] =	sbarrier.arrive $0xFFFF  }
0x334: {  	_ =	shalt  }

// kernel: kernel.7.cloned.1.call-start
scs
__scs_entry_jumppad:
0x0: {  	(pc) =	sbr.rel $0x88, $3  }
0x1: {  	(tag) =	ssettag $0x0;
	lr =	simm.s32 $0x1  }
0x2: {  	[smem:$0x3F99] =	sst lr;
	_ =	strace $0xD0000000  }
0x3: {  	_ = 	snop  }
0x4: {  	_ = 	snop  }
0x5: {  	_ = 	snop  }
0x6: {  	_ = 	snop  }
0x7: {  	_ = 	snop  }
__scs_overlays_trampoline_lowered:
0x8: {  	[smem:$0x3FA8] =	sst s0  }
0x9: {  	[smem:$0x3FA9] =	sst s1  }
0xa: {  	[smem:$0x3FAA] =	sst s2  }
0xb: {  	[smem:$0x3FAB] =	sst s3  }
0xc: {  	[smem:$0x3FAC] =	sst s4  }
0xd: {  	[smem:$0x3FAD] =	sst s5  }
0xe: {  	[smem:$0x3FAE] =	sst s6  }
0xf: {  	[smem:$0x3FAF] =	sst s7  }
0x10: {  	[smem:$0x3FB0] =	sst s8  }
0x11: {  	[smem:$0x3FB1] =	sst s9;
	s0 =	simm.s32 @!p0 $0x0  }
0x12: {  	s1 =	sld [smem:$0x3F97];
	s0 =	simm.s32 @p0 $0x1  }
0x13: {  	[smem:$0x3FB2] =	sst s0;
	s0 =	simm.s32 @!p1 $0x0  }
0x14: {  	s2 =	sld [smem:$0x3F96];
	s0 =	simm.s32 @p1 $0x1  }
0x15: {  	[smem:$0x3FB3] =	sst s0;
	s0 =	simm.s32 @!p2 $0x0  }
0x16: {  	s3 =	sld [smem:$0x3FDB];
	s0 =	simm.s32 @p2 $0x1  }
0x17: {  	s4 =	simm.s32 $0x1BF5;
	[smem:$0x3FB5] =	sst s0  }
0x18: {  	s0 =	sld [smem:$0x3F98];
	_ =	swait.ge [sflag:s4], $0x0  }
0x19: {  	s7 =	sld [smem:$0x3F99]  }
0x1a: {  	s8 =	sadd.s32 $0xFFFFE003, lr  }
0x1b: {  	s9 =	sadd.s32 $0xFFFFFEF7, lr;
	s5 =	simm.s32 $0xFFFFFFFF;
	p2 =	slt.u32 s8, $0xFFFFF086  }
0x1c: {  	p1 =	slt.u32 s9, $0xF7A;
	s5 =	simm.s32 @!p2 $0x0  }
0x1d: {  	s5 =	simm.s32 @p1 $0x1;
	p0 =	seq.s32 s7, s2  }
0x1e: {  	s7 =	smul.u32 @!p0 $0xF7A, s2;
	p2 =	seq.s32 @!p0 s5, $0x0  }
0x1f: {  	s9 =	smul.u32 $0xF7A, s1;
	s8 =	simm.s32 @!p0 $0x1BF5;
	p2 =	por !p2, p0  }
0x20: {  	[sflag:s8] =	ssyncset.s32 @!p0 $0xFFFFF086;
	s6 =	sadd.s32 @!p0 s3, s7;
	s7 =	simm.s32 @!p0 $0x108  }
0x21: {  	s3 =	sadd.s32 s3, s9;
	s6 =	sadd.s32 @!p0 $0x88, s6;
	s7 =	simm.s32 @p2 $0x1082  }
0x22: {  	[simem:s7], [sflag:s8] =	dma.local @!p0 [hbm:s6], $0xF7A  }
0x23: {  	s9 =	sor.u32 $0xD0000000, s2;
	s6 =	simm.s32 $0x108;
	_ =	swait.ge @!p0 [sflag:s8], $0x0  }
0x24: {  	s3 =	sadd.s32 $0x88, s3;
	s6 =	simm.s32 @!p1 $0x1082;
	[sflag:s4] =	ssyncset.s32 $0xFFFFF086  }
0x25: {  	[simem:s6], [sflag:s4] =	dma.local [hbm:s3], $0xF7A  }
0x26: {  	[smem:$0x3F99] =	sst s1;
	(tag) =	ssettag s2;
	_ =	strace s9  }
0x27: {  	s1 =	sld [smem:$0x3FA9]  }
0x28: {  	s2 =	sld [smem:$0x3FAA]  }
0x29: {  	s4 =	sld [smem:$0x3FAC]  }
0x2a: {  	p0 =	seq.s32 s5, $0x0;
	s5 =	sld [smem:$0x3FAD]  }
0x2b: {  	s6 =	sld [smem:$0x3FAE]  }
0x2c: {  	s7 =	sld [smem:$0x3FAF]  }
0x2d: {  	s3 =	simm.s32 $0x108;
	s8 =	sld [smem:$0x3FB0]  }
0x2e: {  	s3 =	simm.s32 @!p0 $0x1082;
	s9 =	sld [smem:$0x3FB1]  }
0x2f: {  	lr =	sadd.s32 s0, s3;
	s0 =	sld [smem:$0x3FA8]  }
0x30: {  	s3 =	sld [smem:$0x3FAB]  }
0x31: {  	[smem:$0x3FB4] =	sst s10  }
0x32: {  	s10 =	sld [smem:$0x3FB2];
	_ =	sdelay $0x3  }
0x33: {  	p0 =	seq.s32 s10, $0x1;
	s10 =	sld [smem:$0x3FB4];
	_ =	sdelay $0x3  }
0x34: {  	[smem:$0x3FB4] =	sst s10  }
0x35: {  	s10 =	sld [smem:$0x3FB3];
	_ =	sdelay $0x3  }
0x36: {  	p1 =	seq.s32 s10, $0x1;
	s10 =	sld [smem:$0x3FB4];
	_ =	sdelay $0x3  }
0x37: {  	[smem:$0x3FB4] =	sst s10  }
0x38: {  	s10 =	sld [smem:$0x3FB5]  }
0x39: {  	_ = 	snop;
	(pc) =	sbr.ind lr, $3  }
0x3a: {  	_ = 	snop  }
0x3b: {  	_ = 	snop  }
0x3c: {  	p2 =	seq.s32 s10, $0x1;
	s10 =	sld [smem:$0x3FB4]  }
0x3d: {  	_ =	shalt  }
0x3e: {  	_ =	shalt  }
0x3f: {  	_ =	shalt  }
0x40: {  	_ =	shalt  }
0x41: {  	_ =	shalt  }
0x42: {  	_ =	shalt  }
0x43: {  	_ =	shalt  }
0x44: {  	_ =	shalt  }
0x45: {  	_ =	shalt  }
0x46: {  	_ =	shalt  }
0x47: {  	_ =	shalt  }
0x48: {  	_ =	shalt  }
0x49: {  	_ =	shalt  }
0x4a: {  	_ =	shalt  }
0x4b: {  	_ =	shalt  }
0x4c: {  	_ =	shalt  }
0x4d: {  	_ =	shalt  }
0x4e: {  	_ =	shalt  }
0x4f: {  	_ =	shalt  }
0x50: {  	_ =	shalt  }
0x51: {  	_ =	shalt  }
0x52: {  	_ =	shalt  }
0x53: {  	_ =	shalt  }
0x54: {  	_ =	shalt  }
0x55: {  	_ =	shalt  }
0x56: {  	_ =	shalt  }
0x57: {  	_ =	shalt  }
0x58: {  	_ =	shalt  }
0x59: {  	_ =	shalt  }
0x5a: {  	_ =	shalt  }
0x5b: {  	_ =	shalt  }
0x5c: {  	_ =	shalt  }
0x5d: {  	_ =	shalt  }
0x5e: {  	_ =	shalt  }
0x5f: {  	_ =	shalt  }
0x60: {  	_ =	shalt  }
0x61: {  	_ =	shalt  }
0x62: {  	_ =	shalt  }
0x63: {  	_ =	shalt  }
0x64: {  	_ =	shalt  }
0x65: {  	_ =	shalt  }
0x66: {  	_ =	shalt  }
0x67: {  	_ =	shalt  }
0x68: {  	_ =	shalt  }
0x69: {  	_ =	shalt  }
0x6a: {  	_ =	shalt  }
0x6b: {  	_ =	shalt  }
0x6c: {  	_ =	shalt  }
0x6d: {  	_ =	shalt  }
0x6e: {  	_ =	shalt  }
0x6f: {  	_ =	shalt  }
0x70: {  	_ =	shalt  }
0x71: {  	_ =	shalt  }
0x72: {  	_ =	shalt  }
0x73: {  	_ =	shalt  }
0x74: {  	_ =	shalt  }
0x75: {  	_ =	shalt  }
0x76: {  	_ =	shalt  }
0x77: {  	_ =	shalt  }
0x78: {  	_ =	shalt  }
0x79: {  	_ =	shalt  }
0x7a: {  	_ =	shalt  }
0x7b: {  	_ =	shalt  }
0x7c: {  	_ =	shalt  }
0x7d: {  	_ =	shalt  }
0x7e: {  	_ =	shalt  }
0x7f: {  	_ =	shalt  }
0x80: {  	_ =	shalt  }
0x81: {  	_ =	shalt  }
0x82: {  	_ =	shalt  }
0x83: {  	_ =	shalt  }
0x84: {  	_ =	shalt  }
0x85: {  	_ =	shalt  }
0x86: {  	_ =	shalt  }
0x87: {  	_ =	shalt  }
.Lfunc_end0:
.L_simem_size_0:
called_computation_lowered:
.L_overlay_start_0:
0x88: {  	s2 =	sld [smem:$0x3FD9]  }
0x89: {  	s3 =	sld [smem:$0x3FFE];
	_ =	sdelay $0x1  }
0x8a: {  	s1 =	srdreg.scid  }
0x8b: {  	s0 =	sand.u32 $0x1, s1  }
0x8c: {  	s16 =	sshll.u32 s0, $0xA;
	s2 =	sadd.s32 s3, s2  }
0x8d: {  	s2 =	sadd.s32 s2, s16  }
0x8e: {  	[smem:$0x3FC0] =	sst s2  }
0x8f: {  	_ = 	snop  }
0x90: {  	(tm) =	ssettm $0x1  }
0x91: {  	s17 =	sld [smem:$0x3FFB];
	_ =	sdelay $0x3  }
0x92: {  	_ =	strace s17  }
0x93: {  	s2 =	sld [smem:$0x3FFC];
	_ =	sdelay $0x3  }
0x94: {  	_ =	strace s2  }
0x95: {  	s2 =	sld [smem:$0x3FFD];
	_ =	sdelay $0x3  }
0x96: {  	_ =	strace s2  }
0x97: {  	_ =	strace $0x8FFFFFFF  }
0x98: {  	s18 =	sld [smem:$0x3FDB];
	_ =	sdelay $0x1  }
0x99: {  	s19 =	simm.s32 $_scs_section_size  }
0x9a: {  	s4 =	simm.s32 $_size__tile_overlayer_lowered;
	s5 =	simm.s32 $_tile_overlayer_lowered  }
0x9b: {  	s22 =	simm.s32 $0x1BFF;
	s21 =	sshll.u32 s5, $0x1;
	s2 =	sadd.s32 s19, s18  }
0x9c: {  	s6 =	simm.s32 $0x0;
	s20 =	sshll.u32 s4, $0x1;
	s4 =	sadd.s32 s21, s2  }
0x9d: {  	[timem:s6], [sflag:s22] =	dma.local [hbm:s4], s20  }
0x9e: {  	_ =	swait.ge [sflag:s22], s20  }
0x9f: {  	s3 =	ssub.s32 $0x0, s20;
	[sflag:s22] =	ssyncset.done $0x0  }
0xa0: {  	[sflag:s22] =	ssyncadd.s32 s3;
	_ =	sdelay $0x1  }
0xa1: {  	s23 =	simm.s32 $0x1B8B  }
0xa2: {  	_ =	swait.ge [sflag:s23], $0x1  }
0xa3: {  	[sflag:s23] =	ssyncset.done $0x0  }
0xa4: {  	s25 =	simm.s32 $0x1B8E;
	s24 =	sld [smem:$0x3FFE];
	[sflag:s23] =	ssyncadd.s32 $0xFFFFFFFF  }
0xa5: {  	s26 =	simm.s32 $execute0_lowered;
	[smem:$0x3FD2] =	sst s25  }
0xa6: {  	s4 =	sshll.u32 s26, $0x1;
	_ =	strace $0x80000046;
	[dreg:$0x1] =	wrdreg $0xFFFFFFFF  }
0xa7: {  	s28 =	simm.s32 $_size_execute0_lowered;
	s2 =	sadd.s32 s2, s4;
	[dreg:$0x0] =	wrdreg $0x0  }
0xa8: {  	s4 =	sshll.u32 s28, $0x1;
	[dreg:$0x2] =	wrdreg s2  }
0xa9: {  	[dreg:$0x3] =	wrdreg s4  }
0xaa: {  	[dreg:$0x4] =	wrdreg $0xC0  }
0xab: {  	_ =	task [dreg:s6], $0x5FFFF  }
0xac: {  	[dreg:$0x1] =	wrdreg $0xFFFFFFFF  }
0xad: {  	[dreg:$0x0] =	wrdreg $0x60  }
0xae: {  	[dreg:$0x2] =	wrdreg s24  }
0xaf: {  	[dreg:$0x3] =	wrdreg $0x4100  }
0xb0: {  	[dreg:$0x4] =	wrdreg $0x9  }
0xb1: {  	_ =	task.clear_ibuf [dreg:s6], $0x5FFFF;
	_ =	strace $0x90000046  }
0xb2: {  	s29 =	simm.s32 $0x9;
	_ =	strace $0x80000048  }
0xb3: {  	_ =	swait.ge [sflag:s29], $0x1  }
0xb4: {  	[sflag:s29] =	ssyncadd.s32 $0xFFFFFFFF  }
0xb5: {  	_ =	strace $0x90000048  }
0xb6: {  	_ =	sfence  }
0xb7: {  	s30 =	sld [smem:$0x0];
	_ =	sdelay $0x2  }
0xb8: {  	s31 =	sshll.u32 s1, $0xD;
	s1 =	sshrl.u32 s1, $0x2  }
0xb9: {  	s3 =	sand.u32 $0x4000, s31;
	s1 =	sadd.s32 s1, s30  }
0xba: {  	s0 =	sor.u32 s3, s0;
	s1 =	sshll.u32 s1, $0x11  }
0xbb: {  	s0 =	sor.u32 s1, s0  }
0xbc: {  	s0 =	sadd.s32 $0x8F2B, s0  }
0xbd: {  	[sflag:s0] =	ssyncadd.remote.s32 $0x1  }
0xbe: {  	_ =	sfence.sel $0xFFFF  }
0xbf: {  	[dreg:$0x0] =	wrdreg $0xFFFFFFFF;
	(pc) =	sbr.abs _section_cstart, $3  }
0xc0: {  	[dreg:$0x1] =	wrdreg $0xFFFFFFFF  }
0xc1: {  	_ =	task.clear_ibuf [dreg:s6], $0x2FFFF;
	_ =	strace $0x9FFFFFFF  }
0xc2: {  	(tm) =	ssettm $0x7FFFFFFF  }
0xc3: {  	_ =	shalt  }
tec
execute0_lowered:
.L_overlay_start_1:
0x0: {  	(tag) =	ssettag $0x1  }
0x1: {  	s4 =	rddreg [dreg:$0x0]  }
0x2: {  	s1 =	srdreg.scid;
	s0 =	stileid.u32  }
0x3: {  	s2 =	rddreg [dreg:$0x1];
	s3 =	simm.s32 $0x0;
	s16 =	simm.s32 $0x1  }
0x4: {  	s17 =	simm.s32 $0xA0;
	s18 =	simm.s32 $0x140;
	s19 =	simm.s32 $0x2  }
0x5: {  	s20 =	simm.s32 $0xF0;
	s21 =	simm.s32 $0x3;
	s22 =	simm.s32 $0x4  }
0x6: {  	s5 =	sand.u32 $0x1, s1;
	s6 =	smul.u32 $0x280, s0;
	s1 =	rddreg [dreg:$0x2]  }
0x7: {  	s23 =	simm.s32 $0x0;
	[smem:$0x7FF] =	sst s3;
	s9 =	smul.u32 $0x4E20, s0  }
0x8: {  	s8 =	sshll.u32 s0, $0x1;
	s12 =	sadd.s32 $0x2000, s4;
	s7 =	smul.u32 $0x2800, s5  }
0x9: {  	s8 =	sor.u32 s5, s8;
	s29 =	ssub.s32 $0x2, s5;
	s11 =	smul.u32 $0x2710, s5  }
0xa: {  	_ =	strace $0x80000047;
	s8 =	smul.u32 $0x2710, s8;
	s10 =	sshrl.u32 s29, $0x1  }
0xb: {  	s7 =	sadd.s32 s6, s7;
	s10 =	ssub.s32 s29, s10;
	s11 =	sadd.s32 s11, s9  }
0xc: {  	s7 =	sshrl.u32 s7, $0x3;
	s8 =	sshrl.u32 s8, $0x3;
	s30 =	sadd.s32 $0x4E390, s11  }
0xd: {  	s15 =	sadd.s32 $0x4E340, s11;
	s7 =	sadd.s32 s7, s4;
	s4 =	sadd.s32 s6, s2  }
.Ltmp0:
0xe: {  	s13 =	sadd.s32 s12, s8;
	s8 =	smax.u32 s10, $0x1;
	(pc) =	sbr.rel .LBB2_1-.Ltmp0, $4  }
0xf: {  	s14 =	sshrl.u32 s30, $0x3;
	s31 =	sshrl.u32 s15, $0x3;
	s15 =	simm.s32 $0x50  }
0x10: {  	s5 =	sadd.s32 $0x9C40, s13;
	s6 =	sadd.s32 $0x9C4A, s13;
	s7 =	sadd.s32 $0x15A00, s7  }
0x11: {  	s9 =	sadd.s32 $0x9C54, s13;
	s10 =	sadd.s32 $0x9C5E, s13;
	s11 =	sadd.s32 s14, s12  }
0x12: {  	v0 =	vimm.f32 $1.000000000e+00;
	v1 =	vimm.f32 $0.0e+00;
	s12 =	sadd.s32 s31, s12;
	s13 =	simm.s32 $0x190;
	s14 =	simm.s32 $0x5  }
.LBB2_4:
0x13: {  	[spmem:s2] =	stream.indirect.scatter.add.f32 [tilespmem:s18], [sflag:$0x4], $0x1, s20, s15, $0xb8;
	[tilespmem:$0x690] =	vst v63  }
0x14: {  	_ =	swait.ge [sflag:s16], $0x50  }
0x15: {  	[sflag:s16] =	ssyncset.done $0x0  }
0x16: {  	[sflag:s16] =	ssyncadd.s32 $0xFFFFFFB0  }
0x17: {  	_ =	swait.ge [sflag:s21], $0x50  }
0x18: {  	[sflag:s21] =	ssyncset.done $0x0  }
0x19: {  	[sflag:s21] =	ssyncadd.s32 $0xFFFFFFB0  }
0x1a: {  	v2 =	vld [tilespmem:$0x0]  }
0x1b: {  	v3 =	vld [tilespmem:$0x10]  }
0x1c: {  	v4 =	vld [tilespmem:$0x20]  }
0x1d: {  	v5 =	vld [tilespmem:$0x30]  }
0x1e: {  	v6 =	vld [tilespmem:$0x40]  }
0x1f: {  	[tilespmem:$0xA0] =	vst v2  }
0x20: {  	[tilespmem:$0xB0] =	vst v3  }
0x21: {  	[tilespmem:$0xC0] =	vst v4  }
0x22: {  	[tilespmem:$0xD0] =	vst v5  }
0x23: {  	[tilespmem:$0xE0] =	vst v6  }
0x24: {  	[spmem:s2] =	stream.indirect.scatter.add.f32 [tilespmem:s18], [sflag:$0x3], $0x1, s17, s15, $0xb8;
	[tilespmem:$0x690] =	vst v63  }
0x25: {  	_ =	swait.ge [sflag:s21], $0x50  }
0x26: {  	[sflag:s21] =	ssyncset.done $0x0  }
0x27: {  	[sflag:s21] =	ssyncadd.s32 $0xFFFFFFB0  }
0x28: {  	_ =	swait.ge [sflag:s22], $0x50  }
0x29: {  	[sflag:s22] =	ssyncset.done $0x0  }
0x2a: {  	[sflag:s22] =	ssyncadd.s32 $0xFFFFFFB0  }
0x2b: {  	[bflag:$0x0] =	sbarrier.arrive $0xFFFF  }
0x2c: {  	[tilespmem:s13], [sflag:$0x5] =	stream.linear.gather [spmem:s4], $0x280, $0x38;
	[tilespmem:$0x690] =	vst v63  }
0x2d: {  	s23 =	sadd.s32 $0x1, s23;
	_ =	swait.ge [sflag:s14], $0x280  }
0x2e: {  	p0 =	sne.s32 s23, s8;
	[sflag:s14] =	ssyncset.done $0x0  }
.Ltmp1:
0x2f: {  	[sflag:s14] =	ssyncadd.s32 $0xFFFFFD80;
	(pc) =	sbr.rel @!p0 .LBB2_5-.Ltmp1, $4  }
0x30: {  	[hbm4b:s7+s3] =	stream.linear.scatter [tilespmem:s13], [sflag:$0x5], $0x280, $0x38;
	[tilespmem:$0x690] =	vst v63  }
0x31: {  	_ =	swait.ge [sflag:s14], $0x280  }
0x32: {  	[sflag:s14] =	ssyncset.done $0x0  }
0x33: {  	[sflag:s14] =	ssyncadd.s32 $0xFFFFFD80  }
.LBB2_1:
0x34: {  	[tilespmem:$0x140] =	vst v0  }
0x35: {  	[tilespmem:$0x150] =	vst v0  }
0x36: {  	[tilespmem:$0x160] =	vst v0  }
0x37: {  	[tilespmem:$0x170] =	vst v0  }
0x38: {  	[tilespmem:$0x180] =	vst v0  }
0x39: {  	[tilespmem:$0x190] =	vst v1  }
0x3a: {  	[tilespmem:$0x1A0] =	vst v1  }
0x3b: {  	[tilespmem:$0x1B0] =	vst v1  }
0x3c: {  	[tilespmem:$0x1C0] =	vst v1  }
0x3d: {  	[tilespmem:$0x1D0] =	vst v1  }
0x3e: {  	[tilespmem:$0x1E0] =	vst v1  }
0x3f: {  	[tilespmem:$0x1F0] =	vst v1  }
0x40: {  	[tilespmem:$0x200] =	vst v1  }
0x41: {  	[tilespmem:$0x210] =	vst v1  }
0x42: {  	[tilespmem:$0x220] =	vst v1  }
0x43: {  	[tilespmem:$0x230] =	vst v1  }
0x44: {  	[tilespmem:$0x240] =	vst v1  }
0x45: {  	[tilespmem:$0x250] =	vst v1  }
0x46: {  	[tilespmem:$0x260] =	vst v1  }
0x47: {  	[tilespmem:$0x270] =	vst v1  }
0x48: {  	[tilespmem:$0x280] =	vst v1  }
0x49: {  	[tilespmem:$0x290] =	vst v1  }
0x4a: {  	[tilespmem:$0x2A0] =	vst v1  }
0x4b: {  	[tilespmem:$0x2B0] =	vst v1  }
0x4c: {  	[tilespmem:$0x2C0] =	vst v1  }
0x4d: {  	[tilespmem:$0x2D0] =	vst v1  }
0x4e: {  	[tilespmem:$0x2E0] =	vst v1  }
0x4f: {  	[tilespmem:$0x2F0] =	vst v1  }
0x50: {  	[tilespmem:$0x300] =	vst v1  }
0x51: {  	[tilespmem:$0x310] =	vst v1  }
0x52: {  	[tilespmem:$0x320] =	vst v1  }
0x53: {  	[tilespmem:$0x330] =	vst v1  }
0x54: {  	[tilespmem:$0x340] =	vst v1  }
0x55: {  	[tilespmem:$0x350] =	vst v1  }
0x56: {  	[tilespmem:$0x360] =	vst v1  }
0x57: {  	[tilespmem:$0x370] =	vst v1  }
0x58: {  	[tilespmem:$0x380] =	vst v1  }
0x59: {  	[tilespmem:$0x390] =	vst v1  }
0x5a: {  	[tilespmem:$0x3A0] =	vst v1  }
0x5b: {  	[tilespmem:$0x3B0] =	vst v1  }
0x5c: {  	[tilespmem:$0x3C0] =	vst v1  }
0x5d: {  	[tilespmem:$0x3D0] =	vst v1  }
0x5e: {  	[tilespmem:$0x3E0] =	vst v1  }
0x5f: {  	[tilespmem:$0x3F0] =	vst v1  }
0x60: {  	[tilespmem:$0x400] =	vst v1  }
0x61: {  	[spmem:s4] =	stream.linear.scatter [tilespmem:s13], [sflag:$0x5], $0x280, $0x38;
	[tilespmem:$0x690] =	vst v63  }
0x62: {  	_ =	swait.ge [sflag:s14], $0x280  }
0x63: {  	[sflag:s14] =	ssyncset.done $0x0  }
0x64: {  	[sflag:s14] =	ssyncadd.s32 $0xFFFFFD80  }
0x65: {  	[bflag:$0x0] =	sbarrier.arrive $0xFFFF  }
0x66: {  	[tilespmem:s3], [sflag:$0x1] =	stream.linear.gather [hbm4b:s5+s3], $0x50, $0x38;
	[tilespmem:$0x690] =	vst v63  }
0x67: {  	_ = 	snop  }
0x68: {  	[tilespmem:s15], [sflag:$0x2] =	stream.linear.gather [hbm4b:s6+s3], $0x50, $0x38;
	[tilespmem:$0x690] =	vst v63  }
0x69: {  	_ =	swait.ge [sflag:s16], $0x50  }
0x6a: {  	[sflag:s16] =	ssyncset.done $0x0  }
0x6b: {  	[sflag:s16] =	ssyncadd.s32 $0xFFFFFFB0  }
0x6c: {  	v2 =	vld [tilespmem:$0x0]  }
0x6d: {  	v3 =	vld [tilespmem:$0x10]  }
0x6e: {  	v4 =	vld [tilespmem:$0x20]  }
0x6f: {  	v5 =	vld [tilespmem:$0x30]  }
0x70: {  	v6 =	vld [tilespmem:$0x40]  }
0x71: {  	[tilespmem:$0xA0] =	vst v2  }
0x72: {  	[tilespmem:$0xB0] =	vst v3  }
0x73: {  	[tilespmem:$0xC0] =	vst v4  }
0x74: {  	[tilespmem:$0xD0] =	vst v5  }
0x75: {  	[tilespmem:$0xE0] =	vst v6  }
0x76: {  	[tilespmem:s3], [sflag:$0x1] =	stream.linear.gather [hbm4b:s9+s3], $0x50, $0x38;
	[tilespmem:$0x690] =	vst v63  }
0x77: {  	_ = 	snop  }
0x78: {  	[spmem:s2] =	stream.indirect.scatter.add.f32 [tilespmem:s18], [sflag:$0x3], $0x1, s17, s15, $0xb8;
	[tilespmem:$0x690] =	vst v63  }
0x79: {  	_ =	swait.ge [sflag:s19], $0x50  }
0x7a: {  	[sflag:s19] =	ssyncset.done $0x0  }
0x7b: {  	[sflag:s19] =	ssyncadd.s32 $0xFFFFFFB0  }
0x7c: {  	v2 =	vld [tilespmem:$0x50]  }
0x7d: {  	v3 =	vld [tilespmem:$0x60]  }
0x7e: {  	v61 =	vld [tilespmem:$0x70]  }
0x7f: {  	v62 =	vld [tilespmem:$0x80]  }
0x80: {  	v63 =	vld [tilespmem:$0x90]  }
0x81: {  	[tilespmem:$0xF0] =	vst v2  }
0x82: {  	[tilespmem:$0x100] =	vst v3  }
0x83: {  	[tilespmem:$0x110] =	vst v61  }
0x84: {  	[tilespmem:$0x120] =	vst v62  }
0x85: {  	[tilespmem:$0x130] =	vst v63  }
0x86: {  	[tilespmem:s15], [sflag:$0x2] =	stream.linear.gather [hbm4b:s10+s3], $0x50, $0x38;
	[tilespmem:$0x690] =	vst v63  }
0x87: {  	s24 =	simm.s32 $0x0  }
0x88: {  	[spmem:s2] =	stream.indirect.scatter.add.f32 [tilespmem:s18], [sflag:$0x4], $0x1, s20, s15, $0xb8;
	[tilespmem:$0x690] =	vst v63  }
.LBB2_2:
0x89: {  	_ =	swait.ge [sflag:s16], $0x50  }
0x8a: {  	[sflag:s16] =	ssyncset.done $0x0  }
0x8b: {  	[sflag:s16] =	ssyncadd.s32 $0xFFFFFFB0  }
0x8c: {  	_ =	swait.ge [sflag:s21], $0x50  }
0x8d: {  	[sflag:s21] =	ssyncset.done $0x0  }
0x8e: {  	[sflag:s21] =	ssyncadd.s32 $0xFFFFFFB0  }
0x8f: {  	v2 =	vld [tilespmem:$0x0]  }
0x90: {  	v3 =	vld [tilespmem:$0x10]  }
0x91: {  	v4 =	vld [tilespmem:$0x20]  }
0x92: {  	v5 =	vld [tilespmem:$0x30]  }
0x93: {  	v6 =	vld [tilespmem:$0x40]  }
0x94: {  	[tilespmem:$0xA0] =	vst v2  }
0x95: {  	[tilespmem:$0xB0] =	vst v3  }
0x96: {  	[tilespmem:$0xC0] =	vst v4  }
0x97: {  	[tilespmem:$0xD0] =	vst v5  }
0x98: {  	s25 =	sadd.s32 s24, s12;
	[tilespmem:$0xE0] =	vst v6  }
0x99: {  	[tilespmem:s3], [sflag:$0x1] =	stream.linear.gather [hbm4b:s25+s3], $0x50, $0x38;
	[tilespmem:$0x690] =	vst v63  }
0x9a: {  	_ = 	snop  }
0x9b: {  	[spmem:s2] =	stream.indirect.scatter.add.f32 [tilespmem:s18], [sflag:$0x3], $0x1, s17, s15, $0xb8;
	[tilespmem:$0x690] =	vst v63  }
0x9c: {  	_ =	swait.ge [sflag:s19], $0x50  }
0x9d: {  	[sflag:s19] =	ssyncset.done $0x0  }
0x9e: {  	[sflag:s19] =	ssyncadd.s32 $0xFFFFFFB0  }
0x9f: {  	_ =	swait.ge [sflag:s22], $0x50  }
0xa0: {  	[sflag:s22] =	ssyncset.done $0x0  }
0xa1: {  	[sflag:s22] =	ssyncadd.s32 $0xFFFFFFB0  }
0xa2: {  	v2 =	vld [tilespmem:$0x50]  }
0xa3: {  	v3 =	vld [tilespmem:$0x60]  }
0xa4: {  	v61 =	vld [tilespmem:$0x70]  }
0xa5: {  	v62 =	vld [tilespmem:$0x80]  }
0xa6: {  	p0 =	seq.s32 s24, $0x4B0;
	v63 =	vld [tilespmem:$0x90]  }
.Ltmp2:
0xa7: {  	[tilespmem:$0xF0] =	vst v2;
	(pc) =	sbr.rel @p0 .LBB2_4-.Ltmp2, $4  }
0xa8: {  	[tilespmem:$0x100] =	vst v3  }
0xa9: {  	[tilespmem:$0x110] =	vst v61  }
0xaa: {  	[tilespmem:$0x120] =	vst v62  }
0xab: {  	[tilespmem:$0x130] =	vst v63  }
.Ltmp3:
0xac: {  	(pc) =	sbr.rel .LBB2_2-.Ltmp3, $4  }
0xad: {  	s25 =	sadd.s32 s24, s11  }
0xae: {  	[tilespmem:s15], [sflag:$0x2] =	stream.linear.gather [hbm4b:s25+s3], $0x50, $0x38;
	[tilespmem:$0x690] =	vst v63  }
0xaf: {  	s24 =	sadd.s32 $0x14, s24  }
0xb0: {  	[spmem:s2] =	stream.indirect.scatter.add.f32 [tilespmem:s18], [sflag:$0x4], $0x1, s20, s15, $0xb8;
	[tilespmem:$0x690] =	vst v63  }
.LBB2_5:
0xb1: {  	_ =	sfence.sel $0x180000  }
0xb2: {  	[bflag:$0x0] =	sbarrier.arrive $0xFFFF  }
0xb3: {  	p0 =	sne.s32 s0, $0x0;
	_ =	strace $0x90000047  }
0xb4: {  	s0 =	sadd.s32 @!p0 $0x100000, s1;
	[bflag:$0x2] =	sbarrier.arrive $0xFFFF  }
0xb5: {  	[sflag:s0] =	ssyncadd.tile.s32 @!p0 $0x1;
	_ =	shalt  }
.Lfunc_end2:
_tile_overlayer_lowered:
.L_overlay_start_2:
0xb6: {  	(tag) =	ssettag $0x2  }
0xb7: {  	s0 =	rddreg [dreg:$0x0];
	s2 =	stileid.u32  }
0xb8: {  	s1 =	rddreg [dreg:$0x1];
	p0 =	sne.s32 s2, $0x0  }
0xb9: {  	s3 =	rddreg [dreg:$0x2];
	[bflag:$0x3] =	sbarrier.arrive $0xFFFF;
	s2 =	simm.s32 @!p0 $0x1C05  }
0xba: {  	[timem:s3], [sflag:s2] =	dma.local @!p0 [hbm:s0], s1  }
0xbb: {  	s0 =	simm.s32 @!p0 $0x5  }
0xbc: {  	_ =	swait.ge @!p0 [sflag:s0], s1  }
0xbd: {  	s1 =	ssub.s32 @!p0 $0x0, s1;
	[sflag:s0] =	ssyncset.done @!p0 $0x0  }
0xbe: {  	[sflag:s0] =	ssyncadd.s32 @!p0 s1  }
0xbf: {  	[bflag:$0x3] =	sbarrier.arrive $0xFFFF  }
0xc0: {  	_ =	shalt  }

</sc_bundles>
